<compile_context>
chip_gen: v7x
topology: tpu7x:2x2x1
jax: 0.10.2.dev20260603
libtpu: 0.0.44.dev20260713+nightly
codegen_flags: <defaults>
</compile_context>

<pallas_src>
import jax
import jax.numpy as jnp
from jax import lax
from jax.experimental import pallas as pl
from jax.experimental.pallas import tpu as pltpu
from jax.experimental.pallas import tpu_sc as plsc

N = 50000
N0 = 25000
E = 800000
D_FEAT = 128
HID = 32
NDEG = 64
OUT = 64
T = 8192

NPAD = 50176
NG = NPAD // 4
NSUB = 16
NCORE = 2
E_PER_SUB = E // NSUB
CHUNK = 80
N_CHUNKS = E_PER_SUB // CHUNK
ACC_STRIPE = NG // NSUB
CNT_STRIPE = NPAD // NSUB
CNT_PIECE = 784
T_PER_W = T // (NCORE * NSUB)


def _leaky(x):
    return jnp.where(x > 0, x, 0.7 * x)


BLK_A = 1000


def _table_body(feat, d1, d2, wst, bst, wcst, bcst, out):
    j = pl.program_id(0)
    c = pl.program_id(1)
    blk = feat.shape[0]
    x = (jnp.dot(feat[...], wst[...][0], preferred_element_type=jnp.float32)
         + bst[...][0])
    io = lax.broadcasted_iota(jnp.int32, (blk, NDEG), 1)
    oh1 = (d1[...] == io).astype(jnp.float32)
    oh2 = (d2[...] == io).astype(jnp.float32)
    e = (jnp.dot(oh1, wcst[...][0][:NDEG], preferred_element_type=jnp.float32)
         + jnp.dot(oh2, wcst[...][0][NDEG:], preferred_element_type=jnp.float32)
         + bcst[...][0])
    val = jnp.where(c == 0, _leaky(x), _leaky(e))
    out[...] = jnp.zeros((blk, 4 * HID), jnp.float32)
    for jj in range(4):
        @pl.when(j == jj)
        def _():
            out[:, jj * HID:(jj + 1) * HID] = val


def _build_table(feat, deg1c, deg2c, wst, bst, wcst, bcst):
    nblk = N // BLK_A
    tblk = N0 // BLK_A
    return pl.pallas_call(
        _table_body,
        grid=(4, 2, nblk),
        in_specs=[
            pl.BlockSpec((BLK_A, D_FEAT), lambda j, c, i: (i, 0)),
            pl.BlockSpec((BLK_A, 1), lambda j, c, i: (i, 0)),
            pl.BlockSpec((BLK_A, 1), lambda j, c, i: (i, 0)),
            pl.BlockSpec((1, D_FEAT, HID), lambda j, c, i: (i // tblk, 0, 0)),
            pl.BlockSpec((1, 1, HID), lambda j, c, i: (i // tblk, 0, 0)),
            pl.BlockSpec((1, 2 * NDEG, HID), lambda j, c, i: (i // tblk, 0, 0)),
            pl.BlockSpec((1, 1, HID), lambda j, c, i: (i // tblk, 0, 0)),
        ],
        out_specs=pl.BlockSpec((BLK_A, 4 * HID),
                               lambda j, c, i: (j * 2 * nblk + c * nblk + i, 0)),
        out_shape=jax.ShapeDtypeStruct((8 * N, 4 * HID), jnp.float32),
    )(feat, deg1c, deg2c, wst, bst, wcst, bcst)


def _fill_f32_1d(ref, nwords, value):
    def body(i, _):
        ref[pl.ds(i * 16, 16)] = jnp.full((16,), value, jnp.float32)
        return 0
    lax.fori_loop(0, nwords // 16, body, 0)


def _edge_kernel_body(btable, src0, dst0, src1, dst1, zr,
                      s00, s01, s10, s11, cnt0, cnt1,
                      idxs0, idxd0, gidx0, sidx0, rows0,
                      idxs1, idxd1, gidx1, sidx1, rows1,
                      ones1, cbuf, acc, cacc,
                      si0, sd0, sg0, ss0, sc0, si1, sd1, sg1, ss1, sc1):
    cid = lax.axis_index("c")
    sid = lax.axis_index("s")
    tbase = cid * N
    b = sid * ACC_STRIPE
    cb = sid * CNT_STRIPE

    idxs = (idxs0, idxs1)
    idxd = (idxd0, idxd1)
    gidx = (gidx0, gidx1)
    sidx = (sidx0, sidx1)
    rows = (rows0, rows1)
    si = (si0, si1)
    sd = (sd0, sd1)
    sg = (sg0, sg1)
    ss = (ss0, ss1)
    sc = (sc0, sc1)

    _fill_f32_1d(ones1, CHUNK, 1.0)

    def compute_idx(q):
        def vbody(k, _):
            s = idxs[q][pl.ds(k * 16, 16)]
            d = idxd[q][pl.ds(k * 16, 16)]
            gidx[q][pl.ds(k * 16, 16)] = s + tbase + (d & 3) * (2 * N)
            sidx[q][pl.ds(k * 16, 16)] = lax.shift_right_logical(d, 2)
            return 0
        lax.fori_loop(0, CHUNK // 16, vbody, 0)

    def one_pass(src, dst, s_out, c_out, with_cnt):
        pltpu.sync_copy(zr, acc.at[pl.ds(b, ACC_STRIPE)])
        if with_cnt:
            _fill_f32_1d(cbuf, CNT_PIECE, 0.0)
            for k in range(CNT_STRIPE // CNT_PIECE):
                pltpu.sync_copy(cbuf, cacc.at[pl.ds(cb + k * CNT_PIECE, CNT_PIECE)])
        plsc.subcore_barrier()

        def body(jp, _):
            off = sid * E_PER_SUB + jp * (2 * CHUNK)
            hi = []
            for q in (0, 1):
                hi.append((
                    pltpu.async_copy(src.at[pl.ds(off + q * CHUNK, CHUNK)],
                                     idxs[q], si[q]),
                    pltpu.async_copy(dst.at[pl.ds(off + q * CHUNK, CHUNK)],
                                     idxd[q], sd[q])))
            hg = [None, None]
            for q in (0, 1):
                hi[q][0].wait()
                hi[q][1].wait()
                compute_idx(q)
                hg[q] = pltpu.async_copy(btable.at[gidx[q]], rows[q], sg[q])
            hs = [None, None]
            hc = [None, None]
            for q in (0, 1):
                hg[q].wait()
                hs[q] = pltpu.async_copy(rows[q], acc.at[sidx[q]], ss[q],
                                         add=True)
                if with_cnt:
                    hc[q] = pltpu.async_copy(ones1, cacc.at[idxd[q]], sc[q],
                                             add=True)
            for q in (0, 1):
                hs[q].wait()
                if with_cnt:
                    hc[q].wait()
            return 0
        lax.fori_loop(0, N_CHUNKS // 2, body, 0)

        if N_CHUNKS % 2:
            off = sid * E_PER_SUB + (N_CHUNKS - 1) * CHUNK
            pltpu.sync_copy(src.at[pl.ds(off, CHUNK)], idxs[0])
            pltpu.sync_copy(dst.at[pl.ds(off, CHUNK)], idxd[0])
            compute_idx(0)
            pltpu.async_copy(btable.at[gidx[0]], rows[0], sg[0]).wait()
            pltpu.sync_copy(rows[0], acc.at[sidx[0]], add=True)
            if with_cnt:
                pltpu.sync_copy(ones1, cacc.at[idxd[0]], add=True)
        plsc.subcore_barrier()

        pltpu.sync_copy(acc.at[pl.ds(b, ACC_STRIPE)], s_out.at[pl.ds(b, ACC_STRIPE)])
        if with_cnt:
            for k in range(CNT_STRIPE // CNT_PIECE):
                pltpu.sync_copy(cacc.at[pl.ds(cb + k * CNT_PIECE, CNT_PIECE)], cbuf)
                pltpu.sync_copy(cbuf, c_out.at[pl.ds(cb + k * CNT_PIECE, CNT_PIECE)])

    @pl.when(cid == 0)
    def _():
        one_pass(src0, dst0, s00, cnt0, True)
        one_pass(src1, dst1, s10, cnt0, False)

    @pl.when(cid == 1)
    def _():
        one_pass(src0, dst0, s01, cnt1, False)
        one_pass(src1, dst1, s11, cnt1, True)


def _edge_aggregate(btable, src0, dst0, src1, dst1, zr):
    mesh = plsc.VectorSubcoreMesh(core_axis_name="c", subcore_axis_name="s")
    f = pl.kernel(
        _edge_kernel_body,
        out_type=[
            jax.ShapeDtypeStruct((NG, 4 * HID), jnp.float32),
            jax.ShapeDtypeStruct((NG, 4 * HID), jnp.float32),
            jax.ShapeDtypeStruct((NG, 4 * HID), jnp.float32),
            jax.ShapeDtypeStruct((NG, 4 * HID), jnp.float32),
            jax.ShapeDtypeStruct((NPAD,), jnp.float32),
            jax.ShapeDtypeStruct((NPAD,), jnp.float32),
        ],
        mesh=mesh,
        scratch_types=(
            [pltpu.VMEM((CHUNK,), jnp.int32)] * 4
            + [pltpu.VMEM((CHUNK, 4 * HID), jnp.float32)]
            + [pltpu.VMEM((CHUNK,), jnp.int32)] * 4
            + [pltpu.VMEM((CHUNK, 4 * HID), jnp.float32)]
            + [pltpu.VMEM((CHUNK,), jnp.float32),
               pltpu.VMEM((CNT_PIECE,), jnp.float32),
               pltpu.VMEM_SHARED((NG, 4 * HID), jnp.float32),
               pltpu.VMEM_SHARED((NPAD,), jnp.float32)]
            + [pltpu.SemaphoreType.DMA] * 10
        ),
    )
    return f(btable, src0, dst0, src1, dst1, zr)


def _attn_body(s00, s01, s10, s11, c0, c1, wa, ba, qv, hcat, o0, o1):
    i = pl.program_id(0)
    inv0 = 1.0 / jnp.maximum(c0[...], 1.0)
    inv1 = 1.0 / jnp.maximum(c1[...], 1.0)
    h0 = jnp.concatenate([s00[...], s01[...]], axis=1) * inv0
    h1 = jnp.concatenate([s10[...], s11[...]], axis=1) * inv1
    hcat[...] = jnp.concatenate([h0, h1], axis=1)
    t0 = jnp.tanh(jnp.dot(h0, wa[...], preferred_element_type=jnp.float32) + ba[...])
    t1 = jnp.tanh(jnp.dot(h1, wa[...], preferred_element_type=jnp.float32) + ba[...])
    p0 = jnp.sum(jnp.dot(t0, qv[...], preferred_element_type=jnp.float32))
    p1 = jnp.sum(jnp.dot(t1, qv[...], preferred_element_type=jnp.float32))

    @pl.when(i == 0)
    def _():
        o0[...] = jnp.zeros_like(o0)
        o1[...] = jnp.zeros_like(o1)

    o0[...] += p0
    o1[...] += p1


def _attn_scores(s00, s01, s10, s11, c0col, c1col, wa, ba2, qv):
    blk = 1000
    grid = N // blk
    return pl.pallas_call(
        _attn_body,
        grid=(grid,),
        in_specs=[
            pl.BlockSpec((blk, HID), lambda i: (i, 0)),
            pl.BlockSpec((blk, HID), lambda i: (i, 0)),
            pl.BlockSpec((blk, HID), lambda i: (i, 0)),
            pl.BlockSpec((blk, HID), lambda i: (i, 0)),
            pl.BlockSpec((blk, 1), lambda i: (i, 0)),
            pl.BlockSpec((blk, 1), lambda i: (i, 0)),
            pl.BlockSpec((2 * HID, 2 * HID), lambda i: (0, 0)),
            pl.BlockSpec((1, 2 * HID), lambda i: (0, 0)),
            pl.BlockSpec((2 * HID, 1), lambda i: (0, 0)),
        ],
        out_specs=[
            pl.BlockSpec((blk, 4 * HID), lambda i: (i, 0)),
            pl.BlockSpec((1, 1), lambda i: (0, 0)),
            pl.BlockSpec((1, 1), lambda i: (0, 0)),
        ],
        out_shape=[
            jax.ShapeDtypeStruct((N, 4 * HID), jnp.float32),
            jax.ShapeDtypeStruct((1, 1), jnp.float32),
            jax.ShapeDtypeStruct((1, 1), jnp.float32),
        ],
    )(s00, s01, s10, s11, c0col, c1col, wa, ba2, qv)


def _gather_body(hcat, tgt, g, tix, buf, sem):
    cid = lax.axis_index("c")
    sid = lax.axis_index("s")
    wid = sid * NCORE + cid
    base = wid * T_PER_W
    pltpu.sync_copy(tgt.at[pl.ds(base, T_PER_W)], tix)
    pltpu.async_copy(hcat.at[tix], buf, sem).wait()
    pltpu.sync_copy(buf, g.at[pl.ds(base, T_PER_W)])


def _gather_targets(hcat, tgt):
    mesh = plsc.VectorSubcoreMesh(core_axis_name="c", subcore_axis_name="s")
    f = pl.kernel(
        _gather_body,
        out_type=jax.ShapeDtypeStruct((T, 4 * HID), jnp.float32),
        mesh=mesh,
        scratch_types=[
            pltpu.VMEM((T_PER_W,), jnp.int32),
            pltpu.VMEM((T_PER_W, 4 * HID), jnp.float32),
            pltpu.SemaphoreType.DMA,
        ],
    )
    return f(hcat, tgt)


def _final_body(g, s0, s1, wfc, bfc, lo, ho):
    sv0 = s0[0, 0] / N
    sv1 = s1[0, 0] / N
    m = jnp.maximum(sv0, sv1)
    e0 = jnp.exp(sv0 - m)
    e1 = jnp.exp(sv1 - m)
    b0 = e0 / (e0 + e1)
    b1 = e1 / (e0 + e1)
    h = b0 * g[...][:, : 2 * HID] + b1 * g[...][:, 2 * HID:]
    ho[...] = h
    lo[...] = jnp.dot(h, wfc[...], preferred_element_type=jnp.float32) + bfc[...]


def _final(g, s0, s1, wfc, bfc2):
    blk = 2048
    grid = T // blk
    return pl.pallas_call(
        _final_body,
        grid=(grid,),
        in_specs=[
            pl.BlockSpec((blk, 4 * HID), lambda i: (i, 0)),
            pl.BlockSpec((1, 1), lambda i: (0, 0)),
            pl.BlockSpec((1, 1), lambda i: (0, 0)),
            pl.BlockSpec((2 * HID, OUT), lambda i: (0, 0)),
            pl.BlockSpec((1, OUT), lambda i: (0, 0)),
        ],
        out_specs=[
            pl.BlockSpec((blk, OUT), lambda i: (i, 0)),
            pl.BlockSpec((blk, 2 * HID), lambda i: (i, 0)),
        ],
        out_shape=[
            jax.ShapeDtypeStruct((T, OUT), jnp.float32),
            jax.ShapeDtypeStruct((T, 2 * HID), jnp.float32),
        ],
    )(g, s0, s1, wfc, bfc2)


def kernel(features0, features1, W0, b0, W1, b1, Wc0, bc0, Wc1, bc1,
           Wa, ba, qvec, Wfc, bfc, deg1, deg2, edge_index0, edge_index1,
           target_idx):
    d1c = deg1.reshape(-1, 1).astype(jnp.int32)
    d2c = deg2.reshape(-1, 1).astype(jnp.int32)
    feat = jnp.concatenate([features0, features1], axis=0)
    wst = jnp.stack([W0, W1])
    bst = jnp.stack([b0.reshape(1, -1), b1.reshape(1, -1)])
    wcst = jnp.stack([Wc0, Wc1])
    bcst = jnp.stack([bc0.reshape(1, -1), bc1.reshape(1, -1)])

    btable = _build_table(feat, d1c, d2c, wst, bst, wcst, bcst)

    src0 = edge_index0[0].astype(jnp.int32)
    dst0 = edge_index0[1].astype(jnp.int32)
    src1 = edge_index1[0].astype(jnp.int32)
    dst1 = edge_index1[1].astype(jnp.int32)

    zr = jnp.zeros((ACC_STRIPE, 4 * HID), jnp.float32)
    a00, a01, a10, a11, cnt0, cnt1 = _edge_aggregate(
        btable, src0, dst0, src1, dst1, zr)

    s00 = a00.reshape(NPAD, HID)
    s01 = a01.reshape(NPAD, HID)
    s10 = a10.reshape(NPAD, HID)
    s11 = a11.reshape(NPAD, HID)

    c0col = cnt0[:N].reshape(-1, 1)
    c1col = cnt1[:N].reshape(-1, 1)
    hcat, o0, o1 = _attn_scores(s00[:N], s01[:N], s10[:N], s11[:N],
                                c0col, c1col,
                                Wa, ba.reshape(1, -1), qvec.reshape(-1, 1))

    g = _gather_targets(hcat, target_idx.astype(jnp.int32))

    logits, h = _final(g, o0, o1, Wfc, bfc.reshape(1, -1))
    return logits, h

# --- scband reference (transcript-rebuilt; emitter-appended) ---
"""Pipeline reference for scband-shgnn-nc-mb-81887846466108 (READ-ONLY COPY).

The authoritative reference and input builder live on the scoring server;
editing this copy changes nothing except your own understanding.
"""

import jax, jax.numpy as jnp
import numpy as np

N = 50000
N0 = 25000
E = 800000
D_FEAT = 128
HID = 32
NDEG = 64
OUT = 64
T = 8192

def _xavier(key, shape, gain=1.414):
    std = gain * np.sqrt(2.0 / (shape[0] + shape[1]))
    return jax.random.normal(key, shape, dtype=jnp.float32) * std

def setup_inputs(seed: int = 0):
    key = jax.random.key(seed)
    ks = jax.random.split(key, 20)
    inp = {}
    inp['features0'] = jax.random.normal(ks[0], (N0, D_FEAT), dtype=jnp.float32)
    inp['features1'] = jax.random.normal(ks[1], (N0, D_FEAT), dtype=jnp.float32)
    inp['W0'] = _xavier(ks[2], (D_FEAT, HID)); inp['b0'] = jnp.zeros((HID,), jnp.float32)
    inp['W1'] = _xavier(ks[3], (D_FEAT, HID)); inp['b1'] = jnp.zeros((HID,), jnp.float32)
    inp['Wc0'] = _xavier(ks[4], (2 * NDEG, HID)); inp['bc0'] = jnp.zeros((HID,), jnp.float32)
    inp['Wc1'] = _xavier(ks[5], (2 * NDEG, HID)); inp['bc1'] = jnp.zeros((HID,), jnp.float32)
    inp['Wa'] = _xavier(ks[6], (2 * HID, 2 * HID)); inp['ba'] = jnp.zeros((2 * HID,), jnp.float32)
    inp['qvec'] = jax.random.normal(ks[7], (2 * HID,), dtype=jnp.float32) * 0.1
    inp['Wfc'] = _xavier(ks[8], (2 * HID, OUT)); inp['bfc'] = jnp.zeros((OUT,), jnp.float32)
    inp['deg1'] = jax.random.randint(ks[9], (N,), 0, NDEG)
    inp['deg2'] = jax.random.randint(ks[10], (N,), 0, NDEG)
    inp['edge_index0'] = jax.random.randint(ks[11], (2, E), 0, N)
    inp['edge_index1'] = jax.random.randint(ks[12], (2, E), 0, N)
    inp['target_idx'] = jax.random.randint(ks[13], (T,), 0, N)
    return inp

def reference(features0, features1, W0, b0, W1, b1, Wc0, bc0, Wc1, bc1, Wa, ba, qvec, Wfc, bfc, deg1, deg2, edge_index0, edge_index1, target_idx):
    leaky = lambda x: jnp.where(x > 0, x, 0.7 * x)
    idx0 = jnp.arange(N0)
    idx1 = jnp.arange(N0, N)
    # per-type linear transform scattered into full node feature matrix
    tf = jnp.zeros((N, HID), jnp.float32)
    tf = tf.at[idx0].set(leaky(features0 @ W0 + b0))
    tf = tf.at[idx1].set(leaky(features1 @ W1 + b1))
    # degree one-hot embeddings (degree_embedding[degree_index] in torch code)
    deg_feat = jnp.concatenate([jax.nn.one_hot(deg1, NDEG), jax.nn.one_hot(deg2, NDEG)], axis=1)
    tfc = jnp.zeros((N, HID), jnp.float32)
    tfc = tfc.at[idx0].set(leaky(jnp.take(deg_feat, idx0, axis=0) @ Wc0 + bc0))
    tfc = tfc.at[idx1].set(leaky(jnp.take(deg_feat, idx1, axis=0) @ Wc1 + bc1))
    h_in = jnp.concatenate([tf, tfc], axis=1).astype(jnp.float16)  # .half() in torch code
    def metapath_agg(edge_index):
        src = edge_index[0]
        dst = edge_index[1]
        msg = jnp.take(h_in, src, axis=0)
        agg = jax.ops.segment_sum(msg.astype(jnp.float32), dst, num_segments=N)
        cnt = jax.ops.segment_sum(jnp.ones((E,), jnp.float32), dst, num_segments=N)
        return agg / jnp.maximum(cnt, 1.0)[:, None]
    # SHGNN_ctr_ntype_specific: per-metapath neighbor aggregation + semantic attention
    h0 = metapath_agg(edge_index0)
    h1 = metapath_agg(edge_index1)
    s0 = jnp.mean(jnp.tanh(h0 @ Wa + ba) @ qvec)
    s1 = jnp.mean(jnp.tanh(h1 @ Wa + ba) @ qvec)
    beta = jax.nn.softmax(jnp.stack([s0, s1]))
    h = beta[0] * h0 + beta[1] * h1
    logits = h @ Wfc + bfc
    return jnp.take(logits, target_idx, axis=0), jnp.take(h, target_idx, axis=0)

if __name__ == "__main__":
    import jax
    _d = setup_inputs()
    print(jax.jit(kernel)(*tuple(_d.values())))

</pallas_src>

<mosaic_0001>
#map = affine_map<(d0, d1) -> (0, 0)>
#map1 = affine_map<(d0, d1) -> (0)>
module attributes {stable_mosaic.version = 14 : i64} {
  func.func @_edge_kernel_body(%arg0: i32, %arg1: i32, %arg2: memref<400000x128xf32, #tpu.memory_space<hbm>>, %arg3: memref<800000xi32, #tpu.memory_space<hbm>>, %arg4: memref<800000xi32, #tpu.memory_space<hbm>>, %arg5: memref<800000xi32, #tpu.memory_space<hbm>>, %arg6: memref<800000xi32, #tpu.memory_space<hbm>>, %arg7: memref<784x128xf32, #tpu.memory_space<hbm>>, %arg8: memref<12544x128xf32, #tpu.memory_space<hbm>>, %arg9: memref<12544x128xf32, #tpu.memory_space<hbm>>, %arg10: memref<12544x128xf32, #tpu.memory_space<hbm>>, %arg11: memref<12544x128xf32, #tpu.memory_space<hbm>>, %arg12: memref<50176xf32, #tpu.memory_space<hbm>>, %arg13: memref<50176xf32, #tpu.memory_space<hbm>>, %arg14: memref<80xi32, #tpu.memory_space<vmem>>, %arg15: memref<80xi32, #tpu.memory_space<vmem>>, %arg16: memref<80xi32, #tpu.memory_space<vmem>>, %arg17: memref<80xi32, #tpu.memory_space<vmem>>, %arg18: memref<80x128xf32, #tpu.memory_space<vmem>>, %arg19: memref<80xi32, #tpu.memory_space<vmem>>, %arg20: memref<80xi32, #tpu.memory_space<vmem>>, %arg21: memref<80xi32, #tpu.memory_space<vmem>>, %arg22: memref<80xi32, #tpu.memory_space<vmem>>, %arg23: memref<80x128xf32, #tpu.memory_space<vmem>>, %arg24: memref<80xf32, #tpu.memory_space<vmem>>, %arg25: memref<784xf32, #tpu.memory_space<vmem>>, %arg26: memref<12544x128xf32, #tpu.memory_space<vmem_shared>>, %arg27: memref<50176xf32, #tpu.memory_space<vmem_shared>>, %arg28: memref<!tpu.dma_semaphore, #tpu.memory_space<semaphore_mem>>, %arg29: memref<!tpu.dma_semaphore, #tpu.memory_space<semaphore_mem>>, %arg30: memref<!tpu.dma_semaphore, #tpu.memory_space<semaphore_mem>>, %arg31: memref<!tpu.dma_semaphore, #tpu.memory_space<semaphore_mem>>, %arg32: memref<!tpu.dma_semaphore, #tpu.memory_space<semaphore_mem>>, %arg33: memref<!tpu.dma_semaphore, #tpu.memory_space<semaphore_mem>>, %arg34: memref<!tpu.dma_semaphore, #tpu.memory_space<semaphore_mem>>, %arg35: memref<!tpu.dma_semaphore, #tpu.memory_space<semaphore_mem>>, %arg36: memref<!tpu.dma_semaphore, #tpu.memory_space<semaphore_mem>>, %arg37: memref<!tpu.dma_semaphore, #tpu.memory_space<semaphore_mem>>) attributes {dimension_semantics = [#tpu.dimension_semantics<core_parallel>, #tpu.dimension_semantics<subcore_parallel>], iteration_bounds = array<i64: 2, 16>, scalar_prefetch = 0 : i64, scratch_operands = 24 : i64, tpu.core_type = #tpu.core_type<sc_vector_subcore>, window_params = [{transform_indices = #map}, {transform_indices = #map1}, {transform_indices = #map1}, {transform_indices = #map1}, {transform_indices = #map1}, {transform_indices = #map}, {transform_indices = #map}, {transform_indices = #map}, {transform_indices = #map}, {transform_indices = #map}, {transform_indices = #map1}, {transform_indices = #map1}]} {
    %mul3A = arith.constant 50000 : i32
    %mul3A_0 = arith.muli %arg0, %mul3A : i32
    %mul3A_1 = arith.constant 784 : i32
    %mul3A_2 = arith.muli %arg1, %mul3A_1 : i32
    %mul3A_3 = arith.constant 3136 : i32
    %mul3A_4 = arith.muli %arg1, %mul3A_3 : i32
    %scan3A = arith.constant 0 : i32
    %scan3A_5 = arith.constant 0 : i32
    %scan3A_6 = arith.constant 5 : i32
    %scan3A_7 = arith.addi %scan3A_5, %scan3A_6 : i32
    %scan3A_8 = arith.constant 1 : i32
    %scan3A_9 = scf.for %scan3A_18 = %scan3A_5 to %scan3A_7 step %scan3A_8 iter_args(%scan3A_19 = %scan3A) -> (i32)  : i32 {
      %broadcast_in_dim3A = arith.constant 1.000000e+00 : f32
      %broadcast_in_dim3A_20 = vector.broadcast %broadcast_in_dim3A : f32 to vector<16xf32>
      %mul3A_21 = arith.constant 16 : i32
      %mul3A_22 = arith.muli %scan3A_18, %mul3A_21 : i32
      %swap3A = arith.index_cast %mul3A_22 : i32 to index
      %swap3A_23 = tpu.vector_load %arg24[%swap3A] {strides = array<i32>} : memref<80xf32, #tpu.memory_space<vmem>>, vector<16xf32>,
      %swap3A_24 = vector.shape_cast %swap3A_23 : vector<16xf32> to vector<16xf32>
      %swap3A_25 = vector.shape_cast %broadcast_in_dim3A_20 : vector<16xf32> to vector<16xf32>
      tpu.vector_store %arg24[%swap3A], %swap3A_25 {strides = array<i32>} : memref<80xf32, #tpu.memory_space<vmem>>, vector<16xf32>,
      %scan3A_26 = arith.constant 0 : i32
      scf.yield %scan3A_26 : i32
    }
    %scan3A_10 = arith.constant 5 : i32
    %eq3A = arith.constant 0 : i32
    %eq3A_11 = arith.cmpi eq, %arg0, %eq3A : i32
    %convert_element_type3A = arith.extui %eq3A_11 : i1 to i32
    %cond3A = arith.constant 0 : i32
    %cond3A_12 = arith.cmpi ne, %convert_element_type3A, %cond3A : i32
    scf.if %cond3A_12 {
      "tpu.region"() ({
        %run_scoped3A = tpu.sem_alloc : memref<!tpu.dma_semaphore, #tpu.memory_space<semaphore_mem>>
        %dma_start3A_97 = arith.constant 0 : i32
        %dma_start3A_98 = tpu.memref_slice %arg26[%mul3A_2, %dma_start3A_97] : memref<12544x128xf32, #tpu.memory_space<vmem_shared>> -> memref<784x128xf32, #tpu.memory_space<vmem_shared>>
        tpu.enqueue_dma source(%arg7 : memref<784x128xf32, #tpu.memory_space<hbm>>) target(%dma_start3A_98 : memref<784x128xf32, #tpu.memory_space<vmem_shared>>) target_semaphore(%run_scoped3A : memref<!tpu.dma_semaphore, #tpu.memory_space<semaphore_mem>>)
        %dma_wait3A_99 = arith.constant 0 : i32
        %dma_wait3A_100 = tpu.memref_slice %arg26[%mul3A_2, %dma_wait3A_99] : memref<12544x128xf32, #tpu.memory_space<vmem_shared>> -> memref<784x128xf32, #tpu.memory_space<vmem_shared>>
        tpu.wait_dma2 semaphore(%run_scoped3A : memref<!tpu.dma_semaphore, #tpu.memory_space<semaphore_mem>>) src(%arg7 : memref<784x128xf32, #tpu.memory_space<hbm>>) dst(%dma_wait3A_100 : memref<784x128xf32, #tpu.memory_space<vmem_shared>>)
        tpu.yield
      }) : () -> ()
      %scan3A_18 = arith.constant 0 : i32
      %scan3A_19 = arith.constant 0 : i32
      %scan3A_20 = arith.constant 49 : i32
      %scan3A_21 = arith.addi %scan3A_19, %scan3A_20 : i32
      %scan3A_22 = arith.constant 1 : i32
      %scan3A_23 = scf.for %scan3A_97 = %scan3A_19 to %scan3A_21 step %scan3A_22 iter_args(%scan3A_98 = %scan3A_18) -> (i32)  : i32 {
        %broadcast_in_dim3A = arith.constant 0.000000e+00 : f32
        %broadcast_in_dim3A_99 = vector.broadcast %broadcast_in_dim3A : f32 to vector<16xf32>
        %mul3A_100 = arith.constant 16 : i32
        %mul3A_101 = arith.muli %scan3A_97, %mul3A_100 : i32
        %swap3A = arith.index_cast %mul3A_101 : i32 to index
        %swap3A_102 = tpu.vector_load %arg25[%swap3A] {strides = array<i32>} : memref<784xf32, #tpu.memory_space<vmem>>, vector<16xf32>,
        %swap3A_103 = vector.shape_cast %swap3A_102 : vector<16xf32> to vector<16xf32>
        %swap3A_104 = vector.shape_cast %broadcast_in_dim3A_99 : vector<16xf32> to vector<16xf32>
        tpu.vector_store %arg25[%swap3A], %swap3A_104 {strides = array<i32>} : memref<784xf32, #tpu.memory_space<vmem>>, vector<16xf32>,
        %scan3A_105 = arith.constant 0 : i32
        scf.yield %scan3A_105 : i32
      }
      %scan3A_24 = arith.constant 49 : i32
      %add3A = arith.constant 0 : i32
      %add3A_25 = arith.addi %mul3A_4, %add3A : i32
      "tpu.region"() ({
        %run_scoped3A = tpu.sem_alloc : memref<!tpu.dma_semaphore, #tpu.memory_space<semaphore_mem>>
        %dma_start3A_97 = tpu.memref_slice %arg27[%add3A_25] : memref<50176xf32, #tpu.memory_space<vmem_shared>> -> memref<784xf32, #tpu.memory_space<vmem_shared>>
        %dma_start3A_98 = tpu.memref_slice %arg27[%add3A_25] : memref<50176xf32, #tpu.memory_space<vmem_shared>> -> memref<784xf32, #tpu.memory_space<vmem_shared>>
        tpu.enqueue_dma source(%arg25 : memref<784xf32, #tpu.memory_space<vmem>>) target(%dma_start3A_98 : memref<784xf32, #tpu.memory_space<vmem_shared>>) target_semaphore(%run_scoped3A : memref<!tpu.dma_semaphore, #tpu.memory_space<semaphore_mem>>)
        %dma_wait3A_99 = tpu.memref_slice %arg27[%add3A_25] : memref<50176xf32, #tpu.memory_space<vmem_shared>> -> memref<784xf32, #tpu.memory_space<vmem_shared>>
        %dma_wait3A_100 = tpu.memref_slice %arg27[%add3A_25] : memref<50176xf32, #tpu.memory_space<vmem_shared>> -> memref<784xf32, #tpu.memory_space<vmem_shared>>
        tpu.wait_dma2 semaphore(%run_scoped3A : memref<!tpu.dma_semaphore, #tpu.memory_space<semaphore_mem>>) src(%arg25 : memref<784xf32, #tpu.memory_space<vmem>>) dst(%dma_wait3A_100 : memref<784xf32, #tpu.memory_space<vmem_shared>>)
        tpu.yield
      }) : () -> ()
      %add3A_26 = arith.constant 784 : i32
      %add3A_27 = arith.addi %mul3A_4, %add3A_26 : i32
      "tpu.region"() ({
        %run_scoped3A = tpu.sem_alloc : memref<!tpu.dma_semaphore, #tpu.memory_space<semaphore_mem>>
        %dma_start3A_97 = tpu.memref_slice %arg27[%add3A_27] : memref<50176xf32, #tpu.memory_space<vmem_shared>> -> memref<784xf32, #tpu.memory_space<vmem_shared>>
        %dma_start3A_98 = tpu.memref_slice %arg27[%add3A_27] : memref<50176xf32, #tpu.memory_space<vmem_shared>> -> memref<784xf32, #tpu.memory_space<vmem_shared>>
        tpu.enqueue_dma source(%arg25 : memref<784xf32, #tpu.memory_space<vmem>>) target(%dma_start3A_98 : memref<784xf32, #tpu.memory_space<vmem_shared>>) target_semaphore(%run_scoped3A : memref<!tpu.dma_semaphore, #tpu.memory_space<semaphore_mem>>)
        %dma_wait3A_99 = tpu.memref_slice %arg27[%add3A_27] : memref<50176xf32, #tpu.memory_space<vmem_shared>> -> memref<784xf32, #tpu.memory_space<vmem_shared>>
        %dma_wait3A_100 = tpu.memref_slice %arg27[%add3A_27] : memref<50176xf32, #tpu.memory_space<vmem_shared>> -> memref<784xf32, #tpu.memory_space<vmem_shared>>
        tpu.wait_dma2 semaphore(%run_scoped3A : memref<!tpu.dma_semaphore, #tpu.memory_space<semaphore_mem>>) src(%arg25 : memref<784xf32, #tpu.memory_space<vmem>>) dst(%dma_wait3A_100 : memref<784xf32, #tpu.memory_space<vmem_shared>>)
        tpu.yield
      }) : () -> ()
      %add3A_28 = arith.constant 1568 : i32
      %add3A_29 = arith.addi %mul3A_4, %add3A_28 : i32
      "tpu.region"() ({
        %run_scoped3A = tpu.sem_alloc : memref<!tpu.dma_semaphore, #tpu.memory_space<semaphore_mem>>
        %dma_start3A_97 = tpu.memref_slice %arg27[%add3A_29] : memref<50176xf32, #tpu.memory_space<vmem_shared>> -> memref<784xf32, #tpu.memory_space<vmem_shared>>
        %dma_start3A_98 = tpu.memref_slice %arg27[%add3A_29] : memref<50176xf32, #tpu.memory_space<vmem_shared>> -> memref<784xf32, #tpu.memory_space<vmem_shared>>
        tpu.enqueue_dma source(%arg25 : memref<784xf32, #tpu.memory_space<vmem>>) target(%dma_start3A_98 : memref<784xf32, #tpu.memory_space<vmem_shared>>) target_semaphore(%run_scoped3A : memref<!tpu.dma_semaphore, #tpu.memory_space<semaphore_mem>>)
        %dma_wait3A_99 = tpu.memref_slice %arg27[%add3A_29] : memref<50176xf32, #tpu.memory_space<vmem_shared>> -> memref<784xf32, #tpu.memory_space<vmem_shared>>
        %dma_wait3A_100 = tpu.memref_slice %arg27[%add3A_29] : memref<50176xf32, #tpu.memory_space<vmem_shared>> -> memref<784xf32, #tpu.memory_space<vmem_shared>>
        tpu.wait_dma2 semaphore(%run_scoped3A : memref<!tpu.dma_semaphore, #tpu.memory_space<semaphore_mem>>) src(%arg25 : memref<784xf32, #tpu.memory_space<vmem>>) dst(%dma_wait3A_100 : memref<784xf32, #tpu.memory_space<vmem_shared>>)
        tpu.yield
      }) : () -> ()
      %add3A_30 = arith.constant 2352 : i32
      %add3A_31 = arith.addi %mul3A_4, %add3A_30 : i32
      "tpu.region"() ({
        %run_scoped3A = tpu.sem_alloc : memref<!tpu.dma_semaphore, #tpu.memory_space<semaphore_mem>>
        %dma_start3A_97 = tpu.memref_slice %arg27[%add3A_31] : memref<50176xf32, #tpu.memory_space<vmem_shared>> -> memref<784xf32, #tpu.memory_space<vmem_shared>>
        %dma_start3A_98 = tpu.memref_slice %arg27[%add3A_31] : memref<50176xf32, #tpu.memory_space<vmem_shared>> -> memref<784xf32, #tpu.memory_space<vmem_shared>>
        tpu.enqueue_dma source(%arg25 : memref<784xf32, #tpu.memory_space<vmem>>) target(%dma_start3A_98 : memref<784xf32, #tpu.memory_space<vmem_shared>>) target_semaphore(%run_scoped3A : memref<!tpu.dma_semaphore, #tpu.memory_space<semaphore_mem>>)
        %dma_wait3A_99 = tpu.memref_slice %arg27[%add3A_31] : memref<50176xf32, #tpu.memory_space<vmem_shared>> -> memref<784xf32, #tpu.memory_space<vmem_shared>>
        %dma_wait3A_100 = tpu.memref_slice %arg27[%add3A_31] : memref<50176xf32, #tpu.memory_space<vmem_shared>> -> memref<784xf32, #tpu.memory_space<vmem_shared>>
        tpu.wait_dma2 semaphore(%run_scoped3A : memref<!tpu.dma_semaphore, #tpu.memory_space<semaphore_mem>>) src(%arg25 : memref<784xf32, #tpu.memory_space<vmem>>) dst(%dma_wait3A_100 : memref<784xf32, #tpu.memory_space<vmem_shared>>)
        tpu.yield
      }) : () -> ()
      %barrier3A = arith.constant 0 : index
      tpu.barrier barrier_id(%barrier3A)
      %scan3A_32 = arith.constant 0 : i32
      %scan3A_33 = arith.constant 0 : i32
      %scan3A_34 = arith.constant 312 : i32
      %scan3A_35 = arith.addi %scan3A_33, %scan3A_34 : i32
      %scan3A_36 = arith.constant 1 : i32
      %scan3A_37 = scf.for %scan3A_97 = %scan3A_33 to %scan3A_35 step %scan3A_36 iter_args(%scan3A_98 = %scan3A_32) -> (i32)  : i32 {
        %mul3A_99 = arith.constant 50000 : i32
        %mul3A_100 = arith.muli %arg1, %mul3A_99 : i32
        %mul3A_101 = arith.constant 160 : i32
        %mul3A_102 = arith.muli %scan3A_97, %mul3A_101 : i32
        %add3A_103 = arith.addi %mul3A_100, %mul3A_102 : i32
        %add3A_104 = arith.constant 0 : i32
        %add3A_105 = arith.addi %add3A_103, %add3A_104 : i32
        %dma_start3A_106 = tpu.memref_slice %arg3[%add3A_105] : memref<800000xi32, #tpu.memory_space<hbm>> -> memref<80xi32, #tpu.memory_space<hbm>>
        %dma_start3A_107 = tpu.memref_slice %arg3[%add3A_105] : memref<800000xi32, #tpu.memory_space<hbm>> -> memref<80xi32, #tpu.memory_space<hbm>>
        tpu.enqueue_dma source(%dma_start3A_107 : memref<80xi32, #tpu.memory_space<hbm>>) target(%arg14 : memref<80xi32, #tpu.memory_space<vmem>>) target_semaphore(%arg28 : memref<!tpu.dma_semaphore, #tpu.memory_space<semaphore_mem>>)
        %add3A_108 = arith.constant 0 : i32
        %add3A_109 = arith.addi %add3A_103, %add3A_108 : i32
        %dma_start3A_110 = tpu.memref_slice %arg4[%add3A_109] : memref<800000xi32, #tpu.memory_space<hbm>> -> memref<80xi32, #tpu.memory_space<hbm>>
        %dma_start3A_111 = tpu.memref_slice %arg4[%add3A_109] : memref<800000xi32, #tpu.memory_space<hbm>> -> memref<80xi32, #tpu.memory_space<hbm>>
        tpu.enqueue_dma source(%dma_start3A_111 : memref<80xi32, #tpu.memory_space<hbm>>) target(%arg15 : memref<80xi32, #tpu.memory_space<vmem>>) target_semaphore(%arg29 : memref<!tpu.dma_semaphore, #tpu.memory_space<semaphore_mem>>)
        %add3A_112 = arith.constant 80 : i32
        %add3A_113 = arith.addi %add3A_103, %add3A_112 : i32
        %dma_start3A_114 = tpu.memref_slice %arg3[%add3A_113] : memref<800000xi32, #tpu.memory_space<hbm>> -> memref<80xi32, #tpu.memory_space<hbm>>
        %dma_start3A_115 = tpu.memref_slice %arg3[%add3A_113] : memref<800000xi32, #tpu.memory_space<hbm>> -> memref<80xi32, #tpu.memory_space<hbm>>
        tpu.enqueue_dma source(%dma_start3A_115 : memref<80xi32, #tpu.memory_space<hbm>>) target(%arg19 : memref<80xi32, #tpu.memory_space<vmem>>) target_semaphore(%arg33 : memref<!tpu.dma_semaphore, #tpu.memory_space<semaphore_mem>>)
        %add3A_116 = arith.constant 80 : i32
        %add3A_117 = arith.addi %add3A_103, %add3A_116 : i32
        %dma_start3A_118 = tpu.memref_slice %arg4[%add3A_117] : memref<800000xi32, #tpu.memory_space<hbm>> -> memref<80xi32, #tpu.memory_space<hbm>>
        %dma_start3A_119 = tpu.memref_slice %arg4[%add3A_117] : memref<800000xi32, #tpu.memory_space<hbm>> -> memref<80xi32, #tpu.memory_space<hbm>>
        tpu.enqueue_dma source(%dma_start3A_119 : memref<80xi32, #tpu.memory_space<hbm>>) target(%arg20 : memref<80xi32, #tpu.memory_space<vmem>>) target_semaphore(%arg34 : memref<!tpu.dma_semaphore, #tpu.memory_space<semaphore_mem>>)
        %dma_wait3A_120 = tpu.memref_slice %arg3[%add3A_105] : memref<800000xi32, #tpu.memory_space<hbm>> -> memref<80xi32, #tpu.memory_space<hbm>>
        %dma_wait3A_121 = tpu.memref_slice %arg3[%add3A_105] : memref<800000xi32, #tpu.memory_space<hbm>> -> memref<80xi32, #tpu.memory_space<hbm>>
        tpu.wait_dma2 semaphore(%arg28 : memref<!tpu.dma_semaphore, #tpu.memory_space<semaphore_mem>>) src(%dma_wait3A_121 : memref<80xi32, #tpu.memory_space<hbm>>) dst(%arg14 : memref<80xi32, #tpu.memory_space<vmem>>)
        %dma_wait3A_122 = tpu.memref_slice %arg4[%add3A_109] : memref<800000xi32, #tpu.memory_space<hbm>> -> memref<80xi32, #tpu.memory_space<hbm>>
        %dma_wait3A_123 = tpu.memref_slice %arg4[%add3A_109] : memref<800000xi32, #tpu.memory_space<hbm>> -> memref<80xi32, #tpu.memory_space<hbm>>
        tpu.wait_dma2 semaphore(%arg29 : memref<!tpu.dma_semaphore, #tpu.memory_space<semaphore_mem>>) src(%dma_wait3A_123 : memref<80xi32, #tpu.memory_space<hbm>>) dst(%arg15 : memref<80xi32, #tpu.memory_space<vmem>>)
        %scan3A_124 = arith.constant 0 : i32
        %scan3A_125 = arith.constant 0 : i32
        %scan3A_126 = arith.constant 5 : i32
        %scan3A_127 = arith.addi %scan3A_125, %scan3A_126 : i32
        %scan3A_128 = arith.constant 1 : i32
        %scan3A_129 = scf.for %scan3A_175 = %scan3A_125 to %scan3A_127 step %scan3A_128 iter_args(%scan3A_176 = %scan3A_124) -> (i32)  : i32 {
          %mul3A_177 = arith.constant 16 : i32
          %mul3A_178 = arith.muli %scan3A_175, %mul3A_177 : i32
          %get3A = arith.index_cast %mul3A_178 : i32 to index
          %get3A_179 = tpu.vector_load %arg14[%get3A] {strides = array<i32>} : memref<80xi32, #tpu.memory_space<vmem>>, vector<16xi32>,
          %get3A_180 = vector.shape_cast %get3A_179 : vector<16xi32> to vector<16xi32>
          %mul3A_181 = arith.constant 16 : i32
          %mul3A_182 = arith.muli %scan3A_175, %mul3A_181 : i32
          %get3A_183 = arith.index_cast %mul3A_182 : i32 to index
          %get3A_184 = tpu.vector_load %arg15[%get3A_183] {strides = array<i32>} : memref<80xi32, #tpu.memory_space<vmem>>, vector<16xi32>,
          %get3A_185 = vector.shape_cast %get3A_184 : vector<16xi32> to vector<16xi32>
          %add3A_186 = vector.broadcast %mul3A_0 : i32 to vector<16xi32>
          %add3A_187 = arith.addi %get3A_180, %add3A_186 : vector<16xi32>
          %and3A = arith.constant 3 : i32
          %and3A_188 = vector.broadcast %and3A : i32 to vector<16xi32>
          %and3A_189 = arith.andi %get3A_185, %and3A_188 : vector<16xi32>
          %mul3A_190 = arith.constant 100000 : i32
          %mul3A_191 = vector.broadcast %mul3A_190 : i32 to vector<16xi32>
          %mul3A_192 = arith.muli %and3A_189, %mul3A_191 : vector<16xi32>
          %add3A_193 = arith.addi %add3A_187, %mul3A_192 : vector<16xi32>
          %mul3A_194 = arith.constant 16 : i32
          %mul3A_195 = arith.muli %scan3A_175, %mul3A_194 : i32
          %swap3A = arith.index_cast %mul3A_195 : i32 to index
          %swap3A_196 = tpu.vector_load %arg16[%swap3A] {strides = array<i32>} : memref<80xi32, #tpu.memory_space<vmem>>, vector<16xi32>,
          %swap3A_197 = vector.shape_cast %swap3A_196 : vector<16xi32> to vector<16xi32>
          %swap3A_198 = vector.shape_cast %add3A_193 : vector<16xi32> to vector<16xi32>
          tpu.vector_store %arg16[%swap3A], %swap3A_198 {strides = array<i32>} : memref<80xi32, #tpu.memory_space<vmem>>, vector<16xi32>,
          %shift_right_logical3A = arith.constant 2 : i32
          %shift_right_logical3A_199 = vector.broadcast %shift_right_logical3A : i32 to vector<16xi32>
          %shift_right_logical3A_200 = arith.shrui %get3A_185, %shift_right_logical3A_199 : vector<16xi32>
          %mul3A_201 = arith.constant 16 : i32
          %mul3A_202 = arith.muli %scan3A_175, %mul3A_201 : i32
          %swap3A_203 = arith.index_cast %mul3A_202 : i32 to index
          %swap3A_204 = tpu.vector_load %arg17[%swap3A_203] {strides = array<i32>} : memref<80xi32, #tpu.memory_space<vmem>>, vector<16xi32>,
          %swap3A_205 = vector.shape_cast %swap3A_204 : vector<16xi32> to vector<16xi32>
          %swap3A_206 = vector.shape_cast %shift_right_logical3A_200 : vector<16xi32> to vector<16xi32>
          tpu.vector_store %arg17[%swap3A_203], %swap3A_206 {strides = array<i32>} : memref<80xi32, #tpu.memory_space<vmem>>, vector<16xi32>,
          %scan3A_207 = arith.constant 0 : i32
          scf.yield %scan3A_207 : i32
        }
        %scan3A_130 = arith.constant 5 : i32
        %dma_start3A_131 = arith.constant 0 : i32
        %dma_start3A_132 = arith.constant 0 : i32
        %dma_start3A_133 = tpu.memref_slice %arg2[%dma_start3A_131, %dma_start3A_132] : memref<400000x128xf32, #tpu.memory_space<hbm>> -> memref<400000x128xf32, #tpu.memory_space<hbm>>
        tpu.enqueue_indirect_dma source(%dma_start3A_133 : memref<400000x128xf32, #tpu.memory_space<hbm>>) target(%arg18 : memref<80x128xf32, #tpu.memory_space<vmem>>) offsets(%arg16 : memref<80xi32, #tpu.memory_space<vmem>>) semaphore(%arg30 : memref<!tpu.dma_semaphore, #tpu.memory_space<semaphore_mem>>)
        %dma_wait3A_134 = tpu.memref_slice %arg3[%add3A_113] : memref<800000xi32, #tpu.memory_space<hbm>> -> memref<80xi32, #tpu.memory_space<hbm>>
        %dma_wait3A_135 = tpu.memref_slice %arg3[%add3A_113] : memref<800000xi32, #tpu.memory_space<hbm>> -> memref<80xi32, #tpu.memory_space<hbm>>
        tpu.wait_dma2 semaphore(%arg33 : memref<!tpu.dma_semaphore, #tpu.memory_space<semaphore_mem>>) src(%dma_wait3A_135 : memref<80xi32, #tpu.memory_space<hbm>>) dst(%arg19 : memref<80xi32, #tpu.memory_space<vmem>>)
        %dma_wait3A_136 = tpu.memref_slice %arg4[%add3A_117] : memref<800000xi32, #tpu.memory_space<hbm>> -> memref<80xi32, #tpu.memory_space<hbm>>
        %dma_wait3A_137 = tpu.memref_slice %arg4[%add3A_117] : memref<800000xi32, #tpu.memory_space<hbm>> -> memref<80xi32, #tpu.memory_space<hbm>>
        tpu.wait_dma2 semaphore(%arg34 : memref<!tpu.dma_semaphore, #tpu.memory_space<semaphore_mem>>) src(%dma_wait3A_137 : memref<80xi32, #tpu.memory_space<hbm>>) dst(%arg20 : memref<80xi32, #tpu.memory_space<vmem>>)
        %scan3A_138 = arith.constant 0 : i32
        %scan3A_139 = arith.constant 0 : i32
        %scan3A_140 = arith.constant 5 : i32
        %scan3A_141 = arith.addi %scan3A_139, %scan3A_140 : i32
        %scan3A_142 = arith.constant 1 : i32
        %scan3A_143 = scf.for %scan3A_175 = %scan3A_139 to %scan3A_141 step %scan3A_142 iter_args(%scan3A_176 = %scan3A_138) -> (i32)  : i32 {
          %mul3A_177 = arith.constant 16 : i32
          %mul3A_178 = arith.muli %scan3A_175, %mul3A_177 : i32
          %get3A = arith.index_cast %mul3A_178 : i32 to index
          %get3A_179 = tpu.vector_load %arg19[%get3A] {strides = array<i32>} : memref<80xi32, #tpu.memory_space<vmem>>, vector<16xi32>,
          %get3A_180 = vector.shape_cast %get3A_179 : vector<16xi32> to vector<16xi32>
          %mul3A_181 = arith.constant 16 : i32
          %mul3A_182 = arith.muli %scan3A_175, %mul3A_181 : i32
          %get3A_183 = arith.index_cast %mul3A_182 : i32 to index
          %get3A_184 = tpu.vector_load %arg20[%get3A_183] {strides = array<i32>} : memref<80xi32, #tpu.memory_space<vmem>>, vector<16xi32>,
          %get3A_185 = vector.shape_cast %get3A_184 : vector<16xi32> to vector<16xi32>
          %add3A_186 = vector.broadcast %mul3A_0 : i32 to vector<16xi32>
          %add3A_187 = arith.addi %get3A_180, %add3A_186 : vector<16xi32>
          %and3A = arith.constant 3 : i32
          %and3A_188 = vector.broadcast %and3A : i32 to vector<16xi32>
          %and3A_189 = arith.andi %get3A_185, %and3A_188 : vector<16xi32>
          %mul3A_190 = arith.constant 100000 : i32
          %mul3A_191 = vector.broadcast %mul3A_190 : i32 to vector<16xi32>
          %mul3A_192 = arith.muli %and3A_189, %mul3A_191 : vector<16xi32>
          %add3A_193 = arith.addi %add3A_187, %mul3A_192 : vector<16xi32>
          %mul3A_194 = arith.constant 16 : i32
          %mul3A_195 = arith.muli %scan3A_175, %mul3A_194 : i32
          %swap3A = arith.index_cast %mul3A_195 : i32 to index
          %swap3A_196 = tpu.vector_load %arg21[%swap3A] {strides = array<i32>} : memref<80xi32, #tpu.memory_space<vmem>>, vector<16xi32>,
          %swap3A_197 = vector.shape_cast %swap3A_196 : vector<16xi32> to vector<16xi32>
          %swap3A_198 = vector.shape_cast %add3A_193 : vector<16xi32> to vector<16xi32>
          tpu.vector_store %arg21[%swap3A], %swap3A_198 {strides = array<i32>} : memref<80xi32, #tpu.memory_space<vmem>>, vector<16xi32>,
          %shift_right_logical3A = arith.constant 2 : i32
          %shift_right_logical3A_199 = vector.broadcast %shift_right_logical3A : i32 to vector<16xi32>
          %shift_right_logical3A_200 = arith.shrui %get3A_185, %shift_right_logical3A_199 : vector<16xi32>
          %mul3A_201 = arith.constant 16 : i32
          %mul3A_202 = arith.muli %scan3A_175, %mul3A_201 : i32
          %swap3A_203 = arith.index_cast %mul3A_202 : i32 to index
          %swap3A_204 = tpu.vector_load %arg22[%swap3A_203] {strides = array<i32>} : memref<80xi32, #tpu.memory_space<vmem>>, vector<16xi32>,
          %swap3A_205 = vector.shape_cast %swap3A_204 : vector<16xi32> to vector<16xi32>
          %swap3A_206 = vector.shape_cast %shift_right_logical3A_200 : vector<16xi32> to vector<16xi32>
          tpu.vector_store %arg22[%swap3A_203], %swap3A_206 {strides = array<i32>} : memref<80xi32, #tpu.memory_space<vmem>>, vector<16xi32>,
          %scan3A_207 = arith.constant 0 : i32
          scf.yield %scan3A_207 : i32
        }
        %scan3A_144 = arith.constant 5 : i32
        %dma_start3A_145 = arith.constant 0 : i32
        %dma_start3A_146 = arith.constant 0 : i32
        %dma_start3A_147 = tpu.memref_slice %arg2[%dma_start3A_145, %dma_start3A_146] : memref<400000x128xf32, #tpu.memory_space<hbm>> -> memref<400000x128xf32, #tpu.memory_space<hbm>>
        tpu.enqueue_indirect_dma source(%dma_start3A_147 : memref<400000x128xf32, #tpu.memory_space<hbm>>) target(%arg23 : memref<80x128xf32, #tpu.memory_space<vmem>>) offsets(%arg21 : memref<80xi32, #tpu.memory_space<vmem>>) semaphore(%arg35 : memref<!tpu.dma_semaphore, #tpu.memory_space<semaphore_mem>>)
        %dma_wait3A_148 = arith.constant 0 : i32
        %dma_wait3A_149 = arith.constant 0 : i32
        %dma_wait3A_150 = tpu.memref_slice %arg2[%dma_wait3A_148, %dma_wait3A_149] : memref<400000x128xf32, #tpu.memory_space<hbm>> -> memref<400000x128xf32, #tpu.memory_space<hbm>>
        tpu.wait_indirect_dma semaphore(%arg30 : memref<!tpu.dma_semaphore, #tpu.memory_space<semaphore_mem>>) src(%dma_wait3A_150 : memref<400000x128xf32, #tpu.memory_space<hbm>>) dst(%arg18 : memref<80x128xf32, #tpu.memory_space<vmem>>)
        %dma_start3A_151 = arith.constant 0 : i32
        %dma_start3A_152 = arith.constant 0 : i32
        %dma_start3A_153 = tpu.memref_slice %arg26[%dma_start3A_151, %dma_start3A_152] : memref<12544x128xf32, #tpu.memory_space<vmem_shared>> -> memref<12544x128xf32, #tpu.memory_space<vmem_shared>>
        tpu.enqueue_indirect_dma source(%arg18 : memref<80x128xf32, #tpu.memory_space<vmem>>) target(%dma_start3A_153 : memref<12544x128xf32, #tpu.memory_space<vmem_shared>>) offsets(%arg17 : memref<80xi32, #tpu.memory_space<vmem>>) semaphore(%arg31 : memref<!tpu.dma_semaphore, #tpu.memory_space<semaphore_mem>>) {add = true}
        %dma_start3A_154 = arith.constant 0 : i32
        %dma_start3A_155 = tpu.memref_slice %arg27[%dma_start3A_154] : memref<50176xf32, #tpu.memory_space<vmem_shared>> -> memref<50176xf32, #tpu.memory_space<vmem_shared>>
        tpu.enqueue_indirect_dma source(%arg24 : memref<80xf32, #tpu.memory_space<vmem>>) target(%dma_start3A_155 : memref<50176xf32, #tpu.memory_space<vmem_shared>>) offsets(%arg15 : memref<80xi32, #tpu.memory_space<vmem>>) semaphore(%arg32 : memref<!tpu.dma_semaphore, #tpu.memory_space<semaphore_mem>>) {add = true}
        %dma_wait3A_156 = arith.constant 0 : i32
        %dma_wait3A_157 = arith.constant 0 : i32
        %dma_wait3A_158 = tpu.memref_slice %arg2[%dma_wait3A_156, %dma_wait3A_157] : memref<400000x128xf32, #tpu.memory_space<hbm>> -> memref<400000x128xf32, #tpu.memory_space<hbm>>
        tpu.wait_indirect_dma semaphore(%arg35 : memref<!tpu.dma_semaphore, #tpu.memory_space<semaphore_mem>>) src(%dma_wait3A_158 : memref<400000x128xf32, #tpu.memory_space<hbm>>) dst(%arg23 : memref<80x128xf32, #tpu.memory_space<vmem>>)
        %dma_start3A_159 = arith.constant 0 : i32
        %dma_start3A_160 = arith.constant 0 : i32
        %dma_start3A_161 = tpu.memref_slice %arg26[%dma_start3A_159, %dma_start3A_160] : memref<12544x128xf32, #tpu.memory_space<vmem_shared>> -> memref<12544x128xf32, #tpu.memory_space<vmem_shared>>
        tpu.enqueue_indirect_dma source(%arg23 : memref<80x128xf32, #tpu.memory_space<vmem>>) target(%dma_start3A_161 : memref<12544x128xf32, #tpu.memory_space<vmem_shared>>) offsets(%arg22 : memref<80xi32, #tpu.memory_space<vmem>>) semaphore(%arg36 : memref<!tpu.dma_semaphore, #tpu.memory_space<semaphore_mem>>) {add = true}
        %dma_start3A_162 = arith.constant 0 : i32
        %dma_start3A_163 = tpu.memref_slice %arg27[%dma_start3A_162] : memref<50176xf32, #tpu.memory_space<vmem_shared>> -> memref<50176xf32, #tpu.memory_space<vmem_shared>>
        tpu.enqueue_indirect_dma source(%arg24 : memref<80xf32, #tpu.memory_space<vmem>>) target(%dma_start3A_163 : memref<50176xf32, #tpu.memory_space<vmem_shared>>) offsets(%arg20 : memref<80xi32, #tpu.memory_space<vmem>>) semaphore(%arg37 : memref<!tpu.dma_semaphore, #tpu.memory_space<semaphore_mem>>) {add = true}
        %dma_wait3A_164 = arith.constant 0 : i32
        %dma_wait3A_165 = arith.constant 0 : i32
        %dma_wait3A_166 = tpu.memref_slice %arg26[%dma_wait3A_164, %dma_wait3A_165] : memref<12544x128xf32, #tpu.memory_space<vmem_shared>> -> memref<12544x128xf32, #tpu.memory_space<vmem_shared>>
        tpu.wait_indirect_dma semaphore(%arg31 : memref<!tpu.dma_semaphore, #tpu.memory_space<semaphore_mem>>) src(%arg18 : memref<80x128xf32, #tpu.memory_space<vmem>>) dst(%dma_wait3A_166 : memref<12544x128xf32, #tpu.memory_space<vmem_shared>>)
        %dma_wait3A_167 = arith.constant 0 : i32
        %dma_wait3A_168 = tpu.memref_slice %arg27[%dma_wait3A_167] : memref<50176xf32, #tpu.memory_space<vmem_shared>> -> memref<50176xf32, #tpu.memory_space<vmem_shared>>
        tpu.wait_indirect_dma semaphore(%arg32 : memref<!tpu.dma_semaphore, #tpu.memory_space<semaphore_mem>>) src(%arg24 : memref<80xf32, #tpu.memory_space<vmem>>) dst(%dma_wait3A_168 : memref<50176xf32, #tpu.memory_space<vmem_shared>>)
        %dma_wait3A_169 = arith.constant 0 : i32
        %dma_wait3A_170 = arith.constant 0 : i32
        %dma_wait3A_171 = tpu.memref_slice %arg26[%dma_wait3A_169, %dma_wait3A_170] : memref<12544x128xf32, #tpu.memory_space<vmem_shared>> -> memref<12544x128xf32, #tpu.memory_space<vmem_shared>>
        tpu.wait_indirect_dma semaphore(%arg36 : memref<!tpu.dma_semaphore, #tpu.memory_space<semaphore_mem>>) src(%arg23 : memref<80x128xf32, #tpu.memory_space<vmem>>) dst(%dma_wait3A_171 : memref<12544x128xf32, #tpu.memory_space<vmem_shared>>)
        %dma_wait3A_172 = arith.constant 0 : i32
        %dma_wait3A_173 = tpu.memref_slice %arg27[%dma_wait3A_172] : memref<50176xf32, #tpu.memory_space<vmem_shared>> -> memref<50176xf32, #tpu.memory_space<vmem_shared>>
        tpu.wait_indirect_dma semaphore(%arg37 : memref<!tpu.dma_semaphore, #tpu.memory_space<semaphore_mem>>) src(%arg24 : memref<80xf32, #tpu.memory_space<vmem>>) dst(%dma_wait3A_173 : memref<50176xf32, #tpu.memory_space<vmem_shared>>)
        %scan3A_174 = arith.constant 0 : i32
        scf.yield %scan3A_174 : i32
      }
      %scan3A_38 = arith.constant 312 : i32
      %mul3A_39 = arith.constant 50000 : i32
      %mul3A_40 = arith.muli %arg1, %mul3A_39 : i32
      %add3A_41 = arith.constant 49920 : i32
      %add3A_42 = arith.addi %mul3A_40, %add3A_41 : i32
      "tpu.region"() ({
        %run_scoped3A = tpu.sem_alloc : memref<!tpu.dma_semaphore, #tpu.memory_space<semaphore_mem>>
        %dma_start3A_97 = tpu.memref_slice %arg3[%add3A_42] : memref<800000xi32, #tpu.memory_space<hbm>> -> memref<80xi32, #tpu.memory_space<hbm>>
        %dma_start3A_98 = tpu.memref_slice %arg3[%add3A_42] : memref<800000xi32, #tpu.memory_space<hbm>> -> memref<80xi32, #tpu.memory_space<hbm>>
        tpu.enqueue_dma source(%dma_start3A_98 : memref<80xi32, #tpu.memory_space<hbm>>) target(%arg14 : memref<80xi32, #tpu.memory_space<vmem>>) target_semaphore(%run_scoped3A : memref<!tpu.dma_semaphore, #tpu.memory_space<semaphore_mem>>)
        %dma_wait3A_99 = tpu.memref_slice %arg3[%add3A_42] : memref<800000xi32, #tpu.memory_space<hbm>> -> memref<80xi32, #tpu.memory_space<hbm>>
        %dma_wait3A_100 = tpu.memref_slice %arg3[%add3A_42] : memref<800000xi32, #tpu.memory_space<hbm>> -> memref<80xi32, #tpu.memory_space<hbm>>
        tpu.wait_dma2 semaphore(%run_scoped3A : memref<!tpu.dma_semaphore, #tpu.memory_space<semaphore_mem>>) src(%dma_wait3A_100 : memref<80xi32, #tpu.memory_space<hbm>>) dst(%arg14 : memref<80xi32, #tpu.memory_space<vmem>>)
        tpu.yield
      }) : () -> ()
      "tpu.region"() ({
        %run_scoped3A = tpu.sem_alloc : memref<!tpu.dma_semaphore, #tpu.memory_space<semaphore_mem>>
        %dma_start3A_97 = tpu.memref_slice %arg4[%add3A_42] : memref<800000xi32, #tpu.memory_space<hbm>> -> memref<80xi32, #tpu.memory_space<hbm>>
        %dma_start3A_98 = tpu.memref_slice %arg4[%add3A_42] : memref<800000xi32, #tpu.memory_space<hbm>> -> memref<80xi32, #tpu.memory_space<hbm>>
        tpu.enqueue_dma source(%dma_start3A_98 : memref<80xi32, #tpu.memory_space<hbm>>) target(%arg15 : memref<80xi32, #tpu.memory_space<vmem>>) target_semaphore(%run_scoped3A : memref<!tpu.dma_semaphore, #tpu.memory_space<semaphore_mem>>)
        %dma_wait3A_99 = tpu.memref_slice %arg4[%add3A_42] : memref<800000xi32, #tpu.memory_space<hbm>> -> memref<80xi32, #tpu.memory_space<hbm>>
        %dma_wait3A_100 = tpu.memref_slice %arg4[%add3A_42] : memref<800000xi32, #tpu.memory_space<hbm>> -> memref<80xi32, #tpu.memory_space<hbm>>
        tpu.wait_dma2 semaphore(%run_scoped3A : memref<!tpu.dma_semaphore, #tpu.memory_space<semaphore_mem>>) src(%dma_wait3A_100 : memref<80xi32, #tpu.memory_space<hbm>>) dst(%arg15 : memref<80xi32, #tpu.memory_space<vmem>>)
        tpu.yield
      }) : () -> ()
      %scan3A_43 = arith.constant 0 : i32
      %scan3A_44 = arith.constant 0 : i32
      %scan3A_45 = arith.constant 5 : i32
      %scan3A_46 = arith.addi %scan3A_44, %scan3A_45 : i32
      %scan3A_47 = arith.constant 1 : i32
      %scan3A_48 = scf.for %scan3A_97 = %scan3A_44 to %scan3A_46 step %scan3A_47 iter_args(%scan3A_98 = %scan3A_43) -> (i32)  : i32 {
        %mul3A_99 = arith.constant 16 : i32
        %mul3A_100 = arith.muli %scan3A_97, %mul3A_99 : i32
        %get3A = arith.index_cast %mul3A_100 : i32 to index
        %get3A_101 = tpu.vector_load %arg14[%get3A] {strides = array<i32>} : memref<80xi32, #tpu.memory_space<vmem>>, vector<16xi32>,
        %get3A_102 = vector.shape_cast %get3A_101 : vector<16xi32> to vector<16xi32>
        %mul3A_103 = arith.constant 16 : i32
        %mul3A_104 = arith.muli %scan3A_97, %mul3A_103 : i32
        %get3A_105 = arith.index_cast %mul3A_104 : i32 to index
        %get3A_106 = tpu.vector_load %arg15[%get3A_105] {strides = array<i32>} : memref<80xi32, #tpu.memory_space<vmem>>, vector<16xi32>,
        %get3A_107 = vector.shape_cast %get3A_106 : vector<16xi32> to vector<16xi32>
        %add3A_108 = vector.broadcast %mul3A_0 : i32 to vector<16xi32>
        %add3A_109 = arith.addi %get3A_102, %add3A_108 : vector<16xi32>
        %and3A = arith.constant 3 : i32
        %and3A_110 = vector.broadcast %and3A : i32 to vector<16xi32>
        %and3A_111 = arith.andi %get3A_107, %and3A_110 : vector<16xi32>
        %mul3A_112 = arith.constant 100000 : i32
        %mul3A_113 = vector.broadcast %mul3A_112 : i32 to vector<16xi32>
        %mul3A_114 = arith.muli %and3A_111, %mul3A_113 : vector<16xi32>
        %add3A_115 = arith.addi %add3A_109, %mul3A_114 : vector<16xi32>
        %mul3A_116 = arith.constant 16 : i32
        %mul3A_117 = arith.muli %scan3A_97, %mul3A_116 : i32
        %swap3A = arith.index_cast %mul3A_117 : i32 to index
        %swap3A_118 = tpu.vector_load %arg16[%swap3A] {strides = array<i32>} : memref<80xi32, #tpu.memory_space<vmem>>, vector<16xi32>,
        %swap3A_119 = vector.shape_cast %swap3A_118 : vector<16xi32> to vector<16xi32>
        %swap3A_120 = vector.shape_cast %add3A_115 : vector<16xi32> to vector<16xi32>
        tpu.vector_store %arg16[%swap3A], %swap3A_120 {strides = array<i32>} : memref<80xi32, #tpu.memory_space<vmem>>, vector<16xi32>,
        %shift_right_logical3A = arith.constant 2 : i32
        %shift_right_logical3A_121 = vector.broadcast %shift_right_logical3A : i32 to vector<16xi32>
        %shift_right_logical3A_122 = arith.shrui %get3A_107, %shift_right_logical3A_121 : vector<16xi32>
        %mul3A_123 = arith.constant 16 : i32
        %mul3A_124 = arith.muli %scan3A_97, %mul3A_123 : i32
        %swap3A_125 = arith.index_cast %mul3A_124 : i32 to index
        %swap3A_126 = tpu.vector_load %arg17[%swap3A_125] {strides = array<i32>} : memref<80xi32, #tpu.memory_space<vmem>>, vector<16xi32>,
        %swap3A_127 = vector.shape_cast %swap3A_126 : vector<16xi32> to vector<16xi32>
        %swap3A_128 = vector.shape_cast %shift_right_logical3A_122 : vector<16xi32> to vector<16xi32>
        tpu.vector_store %arg17[%swap3A_125], %swap3A_128 {strides = array<i32>} : memref<80xi32, #tpu.memory_space<vmem>>, vector<16xi32>,
        %scan3A_129 = arith.constant 0 : i32
        scf.yield %scan3A_129 : i32
      }
      %scan3A_49 = arith.constant 5 : i32
      %dma_start3A = arith.constant 0 : i32
      %dma_start3A_50 = arith.constant 0 : i32
      %dma_start3A_51 = tpu.memref_slice %arg2[%dma_start3A, %dma_start3A_50] : memref<400000x128xf32, #tpu.memory_space<hbm>> -> memref<400000x128xf32, #tpu.memory_space<hbm>>
      tpu.enqueue_indirect_dma source(%dma_start3A_51 : memref<400000x128xf32, #tpu.memory_space<hbm>>) target(%arg18 : memref<80x128xf32, #tpu.memory_space<vmem>>) offsets(%arg16 : memref<80xi32, #tpu.memory_space<vmem>>) semaphore(%arg30 : memref<!tpu.dma_semaphore, #tpu.memory_space<semaphore_mem>>)
      %dma_wait3A = arith.constant 0 : i32
      %dma_wait3A_52 = arith.constant 0 : i32
      %dma_wait3A_53 = tpu.memref_slice %arg2[%dma_wait3A, %dma_wait3A_52] : memref<400000x128xf32, #tpu.memory_space<hbm>> -> memref<400000x128xf32, #tpu.memory_space<hbm>>
      tpu.wait_indirect_dma semaphore(%arg30 : memref<!tpu.dma_semaphore, #tpu.memory_space<semaphore_mem>>) src(%dma_wait3A_53 : memref<400000x128xf32, #tpu.memory_space<hbm>>) dst(%arg18 : memref<80x128xf32, #tpu.memory_space<vmem>>)
      "tpu.region"() ({
        %run_scoped3A = tpu.sem_alloc : memref<!tpu.dma_semaphore, #tpu.memory_space<semaphore_mem>>
        %dma_start3A_97 = arith.constant 0 : i32
        %dma_start3A_98 = arith.constant 0 : i32
        %dma_start3A_99 = tpu.memref_slice %arg26[%dma_start3A_97, %dma_start3A_98] : memref<12544x128xf32, #tpu.memory_space<vmem_shared>> -> memref<12544x128xf32, #tpu.memory_space<vmem_shared>>
        tpu.enqueue_indirect_dma source(%arg18 : memref<80x128xf32, #tpu.memory_space<vmem>>) target(%dma_start3A_99 : memref<12544x128xf32, #tpu.memory_space<vmem_shared>>) offsets(%arg17 : memref<80xi32, #tpu.memory_space<vmem>>) semaphore(%run_scoped3A : memref<!tpu.dma_semaphore, #tpu.memory_space<semaphore_mem>>) {add = true}
        %dma_wait3A_100 = arith.constant 0 : i32
        %dma_wait3A_101 = arith.constant 0 : i32
        %dma_wait3A_102 = tpu.memref_slice %arg26[%dma_wait3A_100, %dma_wait3A_101] : memref<12544x128xf32, #tpu.memory_space<vmem_shared>> -> memref<12544x128xf32, #tpu.memory_space<vmem_shared>>
        tpu.wait_indirect_dma semaphore(%run_scoped3A : memref<!tpu.dma_semaphore, #tpu.memory_space<semaphore_mem>>) src(%arg18 : memref<80x128xf32, #tpu.memory_space<vmem>>) dst(%dma_wait3A_102 : memref<12544x128xf32, #tpu.memory_space<vmem_shared>>)
        tpu.yield
      }) : () -> ()
      "tpu.region"() ({
        %run_scoped3A = tpu.sem_alloc : memref<!tpu.dma_semaphore, #tpu.memory_space<semaphore_mem>>
        %dma_start3A_97 = arith.constant 0 : i32
        %dma_start3A_98 = tpu.memref_slice %arg27[%dma_start3A_97] : memref<50176xf32, #tpu.memory_space<vmem_shared>> -> memref<50176xf32, #tpu.memory_space<vmem_shared>>
        tpu.enqueue_indirect_dma source(%arg24 : memref<80xf32, #tpu.memory_space<vmem>>) target(%dma_start3A_98 : memref<50176xf32, #tpu.memory_space<vmem_shared>>) offsets(%arg15 : memref<80xi32, #tpu.memory_space<vmem>>) semaphore(%run_scoped3A : memref<!tpu.dma_semaphore, #tpu.memory_space<semaphore_mem>>) {add = true}
        %dma_wait3A_99 = arith.constant 0 : i32
        %dma_wait3A_100 = tpu.memref_slice %arg27[%dma_wait3A_99] : memref<50176xf32, #tpu.memory_space<vmem_shared>> -> memref<50176xf32, #tpu.memory_space<vmem_shared>>
        tpu.wait_indirect_dma semaphore(%run_scoped3A : memref<!tpu.dma_semaphore, #tpu.memory_space<semaphore_mem>>) src(%arg24 : memref<80xf32, #tpu.memory_space<vmem>>) dst(%dma_wait3A_100 : memref<50176xf32, #tpu.memory_space<vmem_shared>>)
        tpu.yield
      }) : () -> ()
      %barrier3A_54 = arith.constant 0 : index
      tpu.barrier barrier_id(%barrier3A_54)
      "tpu.region"() ({
        %run_scoped3A = tpu.sem_alloc : memref<!tpu.dma_semaphore, #tpu.memory_space<semaphore_mem>>
        %dma_start3A_97 = arith.constant 0 : i32
        %dma_start3A_98 = tpu.memref_slice %arg8[%mul3A_2, %dma_start3A_97] : memref<12544x128xf32, #tpu.memory_space<hbm>> -> memref<784x128xf32, #tpu.memory_space<hbm>>
        %dma_start3A_99 = arith.constant 0 : i32
        %dma_start3A_100 = tpu.memref_slice %arg26[%mul3A_2, %dma_start3A_99] : memref<12544x128xf32, #tpu.memory_space<vmem_shared>> -> memref<784x128xf32, #tpu.memory_space<vmem_shared>>
        tpu.enqueue_dma source(%dma_start3A_100 : memref<784x128xf32, #tpu.memory_space<vmem_shared>>) target(%dma_start3A_98 : memref<784x128xf32, #tpu.memory_space<hbm>>) target_semaphore(%run_scoped3A : memref<!tpu.dma_semaphore, #tpu.memory_space<semaphore_mem>>)
        %dma_wait3A_101 = arith.constant 0 : i32
        %dma_wait3A_102 = tpu.memref_slice %arg8[%mul3A_2, %dma_wait3A_101] : memref<12544x128xf32, #tpu.memory_space<hbm>> -> memref<784x128xf32, #tpu.memory_space<hbm>>
        %dma_wait3A_103 = arith.constant 0 : i32
        %dma_wait3A_104 = tpu.memref_slice %arg26[%mul3A_2, %dma_wait3A_103] : memref<12544x128xf32, #tpu.memory_space<vmem_shared>> -> memref<784x128xf32, #tpu.memory_space<vmem_shared>>
        tpu.wait_dma2 semaphore(%run_scoped3A : memref<!tpu.dma_semaphore, #tpu.memory_space<semaphore_mem>>) src(%dma_wait3A_104 : memref<784x128xf32, #tpu.memory_space<vmem_shared>>) dst(%dma_wait3A_102 : memref<784x128xf32, #tpu.memory_space<hbm>>)
        tpu.yield
      }) : () -> ()
      %add3A_55 = arith.constant 0 : i32
      %add3A_56 = arith.addi %mul3A_4, %add3A_55 : i32
      "tpu.region"() ({
        %run_scoped3A = tpu.sem_alloc : memref<!tpu.dma_semaphore, #tpu.memory_space<semaphore_mem>>
        %dma_start3A_97 = tpu.memref_slice %arg27[%add3A_56] : memref<50176xf32, #tpu.memory_space<vmem_shared>> -> memref<784xf32, #tpu.memory_space<vmem_shared>>
        %dma_start3A_98 = tpu.memref_slice %arg27[%add3A_56] : memref<50176xf32, #tpu.memory_space<vmem_shared>> -> memref<784xf32, #tpu.memory_space<vmem_shared>>
        tpu.enqueue_dma source(%dma_start3A_98 : memref<784xf32, #tpu.memory_space<vmem_shared>>) target(%arg25 : memref<784xf32, #tpu.memory_space<vmem>>) target_semaphore(%run_scoped3A : memref<!tpu.dma_semaphore, #tpu.memory_space<semaphore_mem>>)
        %dma_wait3A_99 = tpu.memref_slice %arg27[%add3A_56] : memref<50176xf32, #tpu.memory_space<vmem_shared>> -> memref<784xf32, #tpu.memory_space<vmem_shared>>
        %dma_wait3A_100 = tpu.memref_slice %arg27[%add3A_56] : memref<50176xf32, #tpu.memory_space<vmem_shared>> -> memref<784xf32, #tpu.memory_space<vmem_shared>>
        tpu.wait_dma2 semaphore(%run_scoped3A : memref<!tpu.dma_semaphore, #tpu.memory_space<semaphore_mem>>) src(%dma_wait3A_100 : memref<784xf32, #tpu.memory_space<vmem_shared>>) dst(%arg25 : memref<784xf32, #tpu.memory_space<vmem>>)
        tpu.yield
      }) : () -> ()
      %add3A_57 = arith.constant 0 : i32
      %add3A_58 = arith.addi %mul3A_4, %add3A_57 : i32
      "tpu.region"() ({
        %run_scoped3A = tpu.sem_alloc : memref<!tpu.dma_semaphore, #tpu.memory_space<semaphore_mem>>
        %dma_start3A_97 = tpu.memref_slice %arg12[%add3A_58] : memref<50176xf32, #tpu.memory_space<hbm>> -> memref<784xf32, #tpu.memory_space<hbm>>
        %dma_start3A_98 = tpu.memref_slice %arg12[%add3A_58] : memref<50176xf32, #tpu.memory_space<hbm>> -> memref<784xf32, #tpu.memory_space<hbm>>
        tpu.enqueue_dma source(%arg25 : memref<784xf32, #tpu.memory_space<vmem>>) target(%dma_start3A_98 : memref<784xf32, #tpu.memory_space<hbm>>) target_semaphore(%run_scoped3A : memref<!tpu.dma_semaphore, #tpu.memory_space<semaphore_mem>>)
        %dma_wait3A_99 = tpu.memref_slice %arg12[%add3A_58] : memref<50176xf32, #tpu.memory_space<hbm>> -> memref<784xf32, #tpu.memory_space<hbm>>
        %dma_wait3A_100 = tpu.memref_slice %arg12[%add3A_58] : memref<50176xf32, #tpu.memory_space<hbm>> -> memref<784xf32, #tpu.memory_space<hbm>>
        tpu.wait_dma2 semaphore(%run_scoped3A : memref<!tpu.dma_semaphore, #tpu.memory_space<semaphore_mem>>) src(%arg25 : memref<784xf32, #tpu.memory_space<vmem>>) dst(%dma_wait3A_100 : memref<784xf32, #tpu.memory_space<hbm>>)
        tpu.yield
      }) : () -> ()
      %add3A_59 = arith.constant 784 : i32
      %add3A_60 = arith.addi %mul3A_4, %add3A_59 : i32
      "tpu.region"() ({
        %run_scoped3A = tpu.sem_alloc : memref<!tpu.dma_semaphore, #tpu.memory_space<semaphore_mem>>
        %dma_start3A_97 = tpu.memref_slice %arg27[%add3A_60] : memref<50176xf32, #tpu.memory_space<vmem_shared>> -> memref<784xf32, #tpu.memory_space<vmem_shared>>
        %dma_start3A_98 = tpu.memref_slice %arg27[%add3A_60] : memref<50176xf32, #tpu.memory_space<vmem_shared>> -> memref<784xf32, #tpu.memory_space<vmem_shared>>
        tpu.enqueue_dma source(%dma_start3A_98 : memref<784xf32, #tpu.memory_space<vmem_shared>>) target(%arg25 : memref<784xf32, #tpu.memory_space<vmem>>) target_semaphore(%run_scoped3A : memref<!tpu.dma_semaphore, #tpu.memory_space<semaphore_mem>>)
        %dma_wait3A_99 = tpu.memref_slice %arg27[%add3A_60] : memref<50176xf32, #tpu.memory_space<vmem_shared>> -> memref<784xf32, #tpu.memory_space<vmem_shared>>
        %dma_wait3A_100 = tpu.memref_slice %arg27[%add3A_60] : memref<50176xf32, #tpu.memory_space<vmem_shared>> -> memref<784xf32, #tpu.memory_space<vmem_shared>>
        tpu.wait_dma2 semaphore(%run_scoped3A : memref<!tpu.dma_semaphore, #tpu.memory_space<semaphore_mem>>) src(%dma_wait3A_100 : memref<784xf32, #tpu.memory_space<vmem_shared>>) dst(%arg25 : memref<784xf32, #tpu.memory_space<vmem>>)
        tpu.yield
      }) : () -> ()
      %add3A_61 = arith.constant 784 : i32
      %add3A_62 = arith.addi %mul3A_4, %add3A_61 : i32
      "tpu.region"() ({
        %run_scoped3A = tpu.sem_alloc : memref<!tpu.dma_semaphore, #tpu.memory_space<semaphore_mem>>
        %dma_start3A_97 = tpu.memref_slice %arg12[%add3A_62] : memref<50176xf32, #tpu.memory_space<hbm>> -> memref<784xf32, #tpu.memory_space<hbm>>
        %dma_start3A_98 = tpu.memref_slice %arg12[%add3A_62] : memref<50176xf32, #tpu.memory_space<hbm>> -> memref<784xf32, #tpu.memory_space<hbm>>
        tpu.enqueue_dma source(%arg25 : memref<784xf32, #tpu.memory_space<vmem>>) target(%dma_start3A_98 : memref<784xf32, #tpu.memory_space<hbm>>) target_semaphore(%run_scoped3A : memref<!tpu.dma_semaphore, #tpu.memory_space<semaphore_mem>>)
        %dma_wait3A_99 = tpu.memref_slice %arg12[%add3A_62] : memref<50176xf32, #tpu.memory_space<hbm>> -> memref<784xf32, #tpu.memory_space<hbm>>
        %dma_wait3A_100 = tpu.memref_slice %arg12[%add3A_62] : memref<50176xf32, #tpu.memory_space<hbm>> -> memref<784xf32, #tpu.memory_space<hbm>>
        tpu.wait_dma2 semaphore(%run_scoped3A : memref<!tpu.dma_semaphore, #tpu.memory_space<semaphore_mem>>) src(%arg25 : memref<784xf32, #tpu.memory_space<vmem>>) dst(%dma_wait3A_100 : memref<784xf32, #tpu.memory_space<hbm>>)
        tpu.yield
      }) : () -> ()
      %add3A_63 = arith.constant 1568 : i32
      %add3A_64 = arith.addi %mul3A_4, %add3A_63 : i32
      "tpu.region"() ({
        %run_scoped3A = tpu.sem_alloc : memref<!tpu.dma_semaphore, #tpu.memory_space<semaphore_mem>>
        %dma_start3A_97 = tpu.memref_slice %arg27[%add3A_64] : memref<50176xf32, #tpu.memory_space<vmem_shared>> -> memref<784xf32, #tpu.memory_space<vmem_shared>>
        %dma_start3A_98 = tpu.memref_slice %arg27[%add3A_64] : memref<50176xf32, #tpu.memory_space<vmem_shared>> -> memref<784xf32, #tpu.memory_space<vmem_shared>>
        tpu.enqueue_dma source(%dma_start3A_98 : memref<784xf32, #tpu.memory_space<vmem_shared>>) target(%arg25 : memref<784xf32, #tpu.memory_space<vmem>>) target_semaphore(%run_scoped3A : memref<!tpu.dma_semaphore, #tpu.memory_space<semaphore_mem>>)
        %dma_wait3A_99 = tpu.memref_slice %arg27[%add3A_64] : memref<50176xf32, #tpu.memory_space<vmem_shared>> -> memref<784xf32, #tpu.memory_space<vmem_shared>>
        %dma_wait3A_100 = tpu.memref_slice %arg27[%add3A_64] : memref<50176xf32, #tpu.memory_space<vmem_shared>> -> memref<784xf32, #tpu.memory_space<vmem_shared>>
        tpu.wait_dma2 semaphore(%run_scoped3A : memref<!tpu.dma_semaphore, #tpu.memory_space<semaphore_mem>>) src(%dma_wait3A_100 : memref<784xf32, #tpu.memory_space<vmem_shared>>) dst(%arg25 : memref<784xf32, #tpu.memory_space<vmem>>)
        tpu.yield
      }) : () -> ()
      %add3A_65 = arith.constant 1568 : i32
      %add3A_66 = arith.addi %mul3A_4, %add3A_65 : i32
      "tpu.region"() ({
        %run_scoped3A = tpu.sem_alloc : memref<!tpu.dma_semaphore, #tpu.memory_space<semaphore_mem>>
        %dma_start3A_97 = tpu.memref_slice %arg12[%add3A_66] : memref<50176xf32, #tpu.memory_space<hbm>> -> memref<784xf32, #tpu.memory_space<hbm>>
        %dma_start3A_98 = tpu.memref_slice %arg12[%add3A_66] : memref<50176xf32, #tpu.memory_space<hbm>> -> memref<784xf32, #tpu.memory_space<hbm>>
        tpu.enqueue_dma source(%arg25 : memref<784xf32, #tpu.memory_space<vmem>>) target(%dma_start3A_98 : memref<784xf32, #tpu.memory_space<hbm>>) target_semaphore(%run_scoped3A : memref<!tpu.dma_semaphore, #tpu.memory_space<semaphore_mem>>)
        %dma_wait3A_99 = tpu.memref_slice %arg12[%add3A_66] : memref<50176xf32, #tpu.memory_space<hbm>> -> memref<784xf32, #tpu.memory_space<hbm>>
        %dma_wait3A_100 = tpu.memref_slice %arg12[%add3A_66] : memref<50176xf32, #tpu.memory_space<hbm>> -> memref<784xf32, #tpu.memory_space<hbm>>
        tpu.wait_dma2 semaphore(%run_scoped3A : memref<!tpu.dma_semaphore, #tpu.memory_space<semaphore_mem>>) src(%arg25 : memref<784xf32, #tpu.memory_space<vmem>>) dst(%dma_wait3A_100 : memref<784xf32, #tpu.memory_space<hbm>>)
        tpu.yield
      }) : () -> ()
      %add3A_67 = arith.constant 2352 : i32
      %add3A_68 = arith.addi %mul3A_4, %add3A_67 : i32
      "tpu.region"() ({
        %run_scoped3A = tpu.sem_alloc : memref<!tpu.dma_semaphore, #tpu.memory_space<semaphore_mem>>
        %dma_start3A_97 = tpu.memref_slice %arg27[%add3A_68] : memref<50176xf32, #tpu.memory_space<vmem_shared>> -> memref<784xf32, #tpu.memory_space<vmem_shared>>
        %dma_start3A_98 = tpu.memref_slice %arg27[%add3A_68] : memref<50176xf32, #tpu.memory_space<vmem_shared>> -> memref<784xf32, #tpu.memory_space<vmem_shared>>
        tpu.enqueue_dma source(%dma_start3A_98 : memref<784xf32, #tpu.memory_space<vmem_shared>>) target(%arg25 : memref<784xf32, #tpu.memory_space<vmem>>) target_semaphore(%run_scoped3A : memref<!tpu.dma_semaphore, #tpu.memory_space<semaphore_mem>>)
        %dma_wait3A_99 = tpu.memref_slice %arg27[%add3A_68] : memref<50176xf32, #tpu.memory_space<vmem_shared>> -> memref<784xf32, #tpu.memory_space<vmem_shared>>
        %dma_wait3A_100 = tpu.memref_slice %arg27[%add3A_68] : memref<50176xf32, #tpu.memory_space<vmem_shared>> -> memref<784xf32, #tpu.memory_space<vmem_shared>>
        tpu.wait_dma2 semaphore(%run_scoped3A : memref<!tpu.dma_semaphore, #tpu.memory_space<semaphore_mem>>) src(%dma_wait3A_100 : memref<784xf32, #tpu.memory_space<vmem_shared>>) dst(%arg25 : memref<784xf32, #tpu.memory_space<vmem>>)
        tpu.yield
      }) : () -> ()
      %add3A_69 = arith.constant 2352 : i32
      %add3A_70 = arith.addi %mul3A_4, %add3A_69 : i32
      "tpu.region"() ({
        %run_scoped3A = tpu.sem_alloc : memref<!tpu.dma_semaphore, #tpu.memory_space<semaphore_mem>>
        %dma_start3A_97 = tpu.memref_slice %arg12[%add3A_70] : memref<50176xf32, #tpu.memory_space<hbm>> -> memref<784xf32, #tpu.memory_space<hbm>>
        %dma_start3A_98 = tpu.memref_slice %arg12[%add3A_70] : memref<50176xf32, #tpu.memory_space<hbm>> -> memref<784xf32, #tpu.memory_space<hbm>>
        tpu.enqueue_dma source(%arg25 : memref<784xf32, #tpu.memory_space<vmem>>) target(%dma_start3A_98 : memref<784xf32, #tpu.memory_space<hbm>>) target_semaphore(%run_scoped3A : memref<!tpu.dma_semaphore, #tpu.memory_space<semaphore_mem>>)
        %dma_wait3A_99 = tpu.memref_slice %arg12[%add3A_70] : memref<50176xf32, #tpu.memory_space<hbm>> -> memref<784xf32, #tpu.memory_space<hbm>>
        %dma_wait3A_100 = tpu.memref_slice %arg12[%add3A_70] : memref<50176xf32, #tpu.memory_space<hbm>> -> memref<784xf32, #tpu.memory_space<hbm>>
        tpu.wait_dma2 semaphore(%run_scoped3A : memref<!tpu.dma_semaphore, #tpu.memory_space<semaphore_mem>>) src(%arg25 : memref<784xf32, #tpu.memory_space<vmem>>) dst(%dma_wait3A_100 : memref<784xf32, #tpu.memory_space<hbm>>)
        tpu.yield
      }) : () -> ()
      "tpu.region"() ({
        %run_scoped3A = tpu.sem_alloc : memref<!tpu.dma_semaphore, #tpu.memory_space<semaphore_mem>>
        %dma_start3A_97 = arith.constant 0 : i32
        %dma_start3A_98 = tpu.memref_slice %arg26[%mul3A_2, %dma_start3A_97] : memref<12544x128xf32, #tpu.memory_space<vmem_shared>> -> memref<784x128xf32, #tpu.memory_space<vmem_shared>>
        tpu.enqueue_dma source(%arg7 : memref<784x128xf32, #tpu.memory_space<hbm>>) target(%dma_start3A_98 : memref<784x128xf32, #tpu.memory_space<vmem_shared>>) target_semaphore(%run_scoped3A : memref<!tpu.dma_semaphore, #tpu.memory_space<semaphore_mem>>)
        %dma_wait3A_99 = arith.constant 0 : i32
        %dma_wait3A_100 = tpu.memref_slice %arg26[%mul3A_2, %dma_wait3A_99] : memref<12544x128xf32, #tpu.memory_space<vmem_shared>> -> memref<784x128xf32, #tpu.memory_space<vmem_shared>>
        tpu.wait_dma2 semaphore(%run_scoped3A : memref<!tpu.dma_semaphore, #tpu.memory_space<semaphore_mem>>) src(%arg7 : memref<784x128xf32, #tpu.memory_space<hbm>>) dst(%dma_wait3A_100 : memref<784x128xf32, #tpu.memory_space<vmem_shared>>)
        tpu.yield
      }) : () -> ()
      %barrier3A_71 = arith.constant 0 : index
      tpu.barrier barrier_id(%barrier3A_71)
      %scan3A_72 = arith.constant 0 : i32
      %scan3A_73 = arith.constant 0 : i32
      %scan3A_74 = arith.constant 312 : i32
      %scan3A_75 = arith.addi %scan3A_73, %scan3A_74 : i32
      %scan3A_76 = arith.constant 1 : i32
      %scan3A_77 = scf.for %scan3A_97 = %scan3A_73 to %scan3A_75 step %scan3A_76 iter_args(%scan3A_98 = %scan3A_72) -> (i32)  : i32 {
        %mul3A_99 = arith.constant 50000 : i32
        %mul3A_100 = arith.muli %arg1, %mul3A_99 : i32
        %mul3A_101 = arith.constant 160 : i32
        %mul3A_102 = arith.muli %scan3A_97, %mul3A_101 : i32
        %add3A_103 = arith.addi %mul3A_100, %mul3A_102 : i32
        %add3A_104 = arith.constant 0 : i32
        %add3A_105 = arith.addi %add3A_103, %add3A_104 : i32
        %dma_start3A_106 = tpu.memref_slice %arg5[%add3A_105] : memref<800000xi32, #tpu.memory_space<hbm>> -> memref<80xi32, #tpu.memory_space<hbm>>
        %dma_start3A_107 = tpu.memref_slice %arg5[%add3A_105] : memref<800000xi32, #tpu.memory_space<hbm>> -> memref<80xi32, #tpu.memory_space<hbm>>
        tpu.enqueue_dma source(%dma_start3A_107 : memref<80xi32, #tpu.memory_space<hbm>>) target(%arg14 : memref<80xi32, #tpu.memory_space<vmem>>) target_semaphore(%arg28 : memref<!tpu.dma_semaphore, #tpu.memory_space<semaphore_mem>>)
        %add3A_108 = arith.constant 0 : i32
        %add3A_109 = arith.addi %add3A_103, %add3A_108 : i32
        %dma_start3A_110 = tpu.memref_slice %arg6[%add3A_109] : memref<800000xi32, #tpu.memory_space<hbm>> -> memref<80xi32, #tpu.memory_space<hbm>>
        %dma_start3A_111 = tpu.memref_slice %arg6[%add3A_109] : memref<800000xi32, #tpu.memory_space<hbm>> -> memref<80xi32, #tpu.memory_space<hbm>>
        tpu.enqueue_dma source(%dma_start3A_111 : memref<80xi32, #tpu.memory_space<hbm>>) target(%arg15 : memref<80xi32, #tpu.memory_space<vmem>>) target_semaphore(%arg29 : memref<!tpu.dma_semaphore, #tpu.memory_space<semaphore_mem>>)
        %add3A_112 = arith.constant 80 : i32
        %add3A_113 = arith.addi %add3A_103, %add3A_112 : i32
        %dma_start3A_114 = tpu.memref_slice %arg5[%add3A_113] : memref<800000xi32, #tpu.memory_space<hbm>> -> memref<80xi32, #tpu.memory_space<hbm>>
        %dma_start3A_115 = tpu.memref_slice %arg5[%add3A_113] : memref<800000xi32, #tpu.memory_space<hbm>> -> memref<80xi32, #tpu.memory_space<hbm>>
        tpu.enqueue_dma source(%dma_start3A_115 : memref<80xi32, #tpu.memory_space<hbm>>) target(%arg19 : memref<80xi32, #tpu.memory_space<vmem>>) target_semaphore(%arg33 : memref<!tpu.dma_semaphore, #tpu.memory_space<semaphore_mem>>)
        %add3A_116 = arith.constant 80 : i32
        %add3A_117 = arith.addi %add3A_103, %add3A_116 : i32
        %dma_start3A_118 = tpu.memref_slice %arg6[%add3A_117] : memref<800000xi32, #tpu.memory_space<hbm>> -> memref<80xi32, #tpu.memory_space<hbm>>
        %dma_start3A_119 = tpu.memref_slice %arg6[%add3A_117] : memref<800000xi32, #tpu.memory_space<hbm>> -> memref<80xi32, #tpu.memory_space<hbm>>
        tpu.enqueue_dma source(%dma_start3A_119 : memref<80xi32, #tpu.memory_space<hbm>>) target(%arg20 : memref<80xi32, #tpu.memory_space<vmem>>) target_semaphore(%arg34 : memref<!tpu.dma_semaphore, #tpu.memory_space<semaphore_mem>>)
        %dma_wait3A_120 = tpu.memref_slice %arg5[%add3A_105] : memref<800000xi32, #tpu.memory_space<hbm>> -> memref<80xi32, #tpu.memory_space<hbm>>
        %dma_wait3A_121 = tpu.memref_slice %arg5[%add3A_105] : memref<800000xi32, #tpu.memory_space<hbm>> -> memref<80xi32, #tpu.memory_space<hbm>>
        tpu.wait_dma2 semaphore(%arg28 : memref<!tpu.dma_semaphore, #tpu.memory_space<semaphore_mem>>) src(%dma_wait3A_121 : memref<80xi32, #tpu.memory_space<hbm>>) dst(%arg14 : memref<80xi32, #tpu.memory_space<vmem>>)
        %dma_wait3A_122 = tpu.memref_slice %arg6[%add3A_109] : memref<800000xi32, #tpu.memory_space<hbm>> -> memref<80xi32, #tpu.memory_space<hbm>>
        %dma_wait3A_123 = tpu.memref_slice %arg6[%add3A_109] : memref<800000xi32, #tpu.memory_space<hbm>> -> memref<80xi32, #tpu.memory_space<hbm>>
        tpu.wait_dma2 semaphore(%arg29 : memref<!tpu.dma_semaphore, #tpu.memory_space<semaphore_mem>>) src(%dma_wait3A_123 : memref<80xi32, #tpu.memory_space<hbm>>) dst(%arg15 : memref<80xi32, #tpu.memory_space<vmem>>)
        %scan3A_124 = arith.constant 0 : i32
        %scan3A_125 = arith.constant 0 : i32
        %scan3A_126 = arith.constant 5 : i32
        %scan3A_127 = arith.addi %scan3A_125, %scan3A_126 : i32
        %scan3A_128 = arith.constant 1 : i32
        %scan3A_129 = scf.for %scan3A_167 = %scan3A_125 to %scan3A_127 step %scan3A_128 iter_args(%scan3A_168 = %scan3A_124) -> (i32)  : i32 {
          %mul3A_169 = arith.constant 16 : i32
          %mul3A_170 = arith.muli %scan3A_167, %mul3A_169 : i32
          %get3A = arith.index_cast %mul3A_170 : i32 to index
          %get3A_171 = tpu.vector_load %arg14[%get3A] {strides = array<i32>} : memref<80xi32, #tpu.memory_space<vmem>>, vector<16xi32>,
          %get3A_172 = vector.shape_cast %get3A_171 : vector<16xi32> to vector<16xi32>
          %mul3A_173 = arith.constant 16 : i32
          %mul3A_174 = arith.muli %scan3A_167, %mul3A_173 : i32
          %get3A_175 = arith.index_cast %mul3A_174 : i32 to index
          %get3A_176 = tpu.vector_load %arg15[%get3A_175] {strides = array<i32>} : memref<80xi32, #tpu.memory_space<vmem>>, vector<16xi32>,
          %get3A_177 = vector.shape_cast %get3A_176 : vector<16xi32> to vector<16xi32>
          %add3A_178 = vector.broadcast %mul3A_0 : i32 to vector<16xi32>
          %add3A_179 = arith.addi %get3A_172, %add3A_178 : vector<16xi32>
          %and3A = arith.constant 3 : i32
          %and3A_180 = vector.broadcast %and3A : i32 to vector<16xi32>
          %and3A_181 = arith.andi %get3A_177, %and3A_180 : vector<16xi32>
          %mul3A_182 = arith.constant 100000 : i32
          %mul3A_183 = vector.broadcast %mul3A_182 : i32 to vector<16xi32>
          %mul3A_184 = arith.muli %and3A_181, %mul3A_183 : vector<16xi32>
          %add3A_185 = arith.addi %add3A_179, %mul3A_184 : vector<16xi32>
          %mul3A_186 = arith.constant 16 : i32
          %mul3A_187 = arith.muli %scan3A_167, %mul3A_186 : i32
          %swap3A = arith.index_cast %mul3A_187 : i32 to index
          %swap3A_188 = tpu.vector_load %arg16[%swap3A] {strides = array<i32>} : memref<80xi32, #tpu.memory_space<vmem>>, vector<16xi32>,
          %swap3A_189 = vector.shape_cast %swap3A_188 : vector<16xi32> to vector<16xi32>
          %swap3A_190 = vector.shape_cast %add3A_185 : vector<16xi32> to vector<16xi32>
          tpu.vector_store %arg16[%swap3A], %swap3A_190 {strides = array<i32>} : memref<80xi32, #tpu.memory_space<vmem>>, vector<16xi32>,
          %shift_right_logical3A = arith.constant 2 : i32
          %shift_right_logical3A_191 = vector.broadcast %shift_right_logical3A : i32 to vector<16xi32>
          %shift_right_logical3A_192 = arith.shrui %get3A_177, %shift_right_logical3A_191 : vector<16xi32>
          %mul3A_193 = arith.constant 16 : i32
          %mul3A_194 = arith.muli %scan3A_167, %mul3A_193 : i32
          %swap3A_195 = arith.index_cast %mul3A_194 : i32 to index
          %swap3A_196 = tpu.vector_load %arg17[%swap3A_195] {strides = array<i32>} : memref<80xi32, #tpu.memory_space<vmem>>, vector<16xi32>,
          %swap3A_197 = vector.shape_cast %swap3A_196 : vector<16xi32> to vector<16xi32>
          %swap3A_198 = vector.shape_cast %shift_right_logical3A_192 : vector<16xi32> to vector<16xi32>
          tpu.vector_store %arg17[%swap3A_195], %swap3A_198 {strides = array<i32>} : memref<80xi32, #tpu.memory_space<vmem>>, vector<16xi32>,
          %scan3A_199 = arith.constant 0 : i32
          scf.yield %scan3A_199 : i32
        }
        %scan3A_130 = arith.constant 5 : i32
        %dma_start3A_131 = arith.constant 0 : i32
        %dma_start3A_132 = arith.constant 0 : i32
        %dma_start3A_133 = tpu.memref_slice %arg2[%dma_start3A_131, %dma_start3A_132] : memref<400000x128xf32, #tpu.memory_space<hbm>> -> memref<400000x128xf32, #tpu.memory_space<hbm>>
        tpu.enqueue_indirect_dma source(%dma_start3A_133 : memref<400000x128xf32, #tpu.memory_space<hbm>>) target(%arg18 : memref<80x128xf32, #tpu.memory_space<vmem>>) offsets(%arg16 : memref<80xi32, #tpu.memory_space<vmem>>) semaphore(%arg30 : memref<!tpu.dma_semaphore, #tpu.memory_space<semaphore_mem>>)
        %dma_wait3A_134 = tpu.memref_slice %arg5[%add3A_113] : memref<800000xi32, #tpu.memory_space<hbm>> -> memref<80xi32, #tpu.memory_space<hbm>>
        %dma_wait3A_135 = tpu.memref_slice %arg5[%add3A_113] : memref<800000xi32, #tpu.memory_space<hbm>> -> memref<80xi32, #tpu.memory_space<hbm>>
        tpu.wait_dma2 semaphore(%arg33 : memref<!tpu.dma_semaphore, #tpu.memory_space<semaphore_mem>>) src(%dma_wait3A_135 : memref<80xi32, #tpu.memory_space<hbm>>) dst(%arg19 : memref<80xi32, #tpu.memory_space<vmem>>)
        %dma_wait3A_136 = tpu.memref_slice %arg6[%add3A_117] : memref<800000xi32, #tpu.memory_space<hbm>> -> memref<80xi32, #tpu.memory_space<hbm>>
        %dma_wait3A_137 = tpu.memref_slice %arg6[%add3A_117] : memref<800000xi32, #tpu.memory_space<hbm>> -> memref<80xi32, #tpu.memory_space<hbm>>
        tpu.wait_dma2 semaphore(%arg34 : memref<!tpu.dma_semaphore, #tpu.memory_space<semaphore_mem>>) src(%dma_wait3A_137 : memref<80xi32, #tpu.memory_space<hbm>>) dst(%arg20 : memref<80xi32, #tpu.memory_space<vmem>>)
        %scan3A_138 = arith.constant 0 : i32
        %scan3A_139 = arith.constant 0 : i32
        %scan3A_140 = arith.constant 5 : i32
        %scan3A_141 = arith.addi %scan3A_139, %scan3A_140 : i32
        %scan3A_142 = arith.constant 1 : i32
        %scan3A_143 = scf.for %scan3A_167 = %scan3A_139 to %scan3A_141 step %scan3A_142 iter_args(%scan3A_168 = %scan3A_138) -> (i32)  : i32 {
          %mul3A_169 = arith.constant 16 : i32
          %mul3A_170 = arith.muli %scan3A_167, %mul3A_169 : i32
          %get3A = arith.index_cast %mul3A_170 : i32 to index
          %get3A_171 = tpu.vector_load %arg19[%get3A] {strides = array<i32>} : memref<80xi32, #tpu.memory_space<vmem>>, vector<16xi32>,
          %get3A_172 = vector.shape_cast %get3A_171 : vector<16xi32> to vector<16xi32>
          %mul3A_173 = arith.constant 16 : i32
          %mul3A_174 = arith.muli %scan3A_167, %mul3A_173 : i32
          %get3A_175 = arith.index_cast %mul3A_174 : i32 to index
          %get3A_176 = tpu.vector_load %arg20[%get3A_175] {strides = array<i32>} : memref<80xi32, #tpu.memory_space<vmem>>, vector<16xi32>,
          %get3A_177 = vector.shape_cast %get3A_176 : vector<16xi32> to vector<16xi32>
          %add3A_178 = vector.broadcast %mul3A_0 : i32 to vector<16xi32>
          %add3A_179 = arith.addi %get3A_172, %add3A_178 : vector<16xi32>
          %and3A = arith.constant 3 : i32
          %and3A_180 = vector.broadcast %and3A : i32 to vector<16xi32>
          %and3A_181 = arith.andi %get3A_177, %and3A_180 : vector<16xi32>
          %mul3A_182 = arith.constant 100000 : i32
          %mul3A_183 = vector.broadcast %mul3A_182 : i32 to vector<16xi32>
          %mul3A_184 = arith.muli %and3A_181, %mul3A_183 : vector<16xi32>
          %add3A_185 = arith.addi %add3A_179, %mul3A_184 : vector<16xi32>
          %mul3A_186 = arith.constant 16 : i32
          %mul3A_187 = arith.muli %scan3A_167, %mul3A_186 : i32
          %swap3A = arith.index_cast %mul3A_187 : i32 to index
          %swap3A_188 = tpu.vector_load %arg21[%swap3A] {strides = array<i32>} : memref<80xi32, #tpu.memory_space<vmem>>, vector<16xi32>,
          %swap3A_189 = vector.shape_cast %swap3A_188 : vector<16xi32> to vector<16xi32>
          %swap3A_190 = vector.shape_cast %add3A_185 : vector<16xi32> to vector<16xi32>
          tpu.vector_store %arg21[%swap3A], %swap3A_190 {strides = array<i32>} : memref<80xi32, #tpu.memory_space<vmem>>, vector<16xi32>,
          %shift_right_logical3A = arith.constant 2 : i32
          %shift_right_logical3A_191 = vector.broadcast %shift_right_logical3A : i32 to vector<16xi32>
          %shift_right_logical3A_192 = arith.shrui %get3A_177, %shift_right_logical3A_191 : vector<16xi32>
          %mul3A_193 = arith.constant 16 : i32
          %mul3A_194 = arith.muli %scan3A_167, %mul3A_193 : i32
          %swap3A_195 = arith.index_cast %mul3A_194 : i32 to index
          %swap3A_196 = tpu.vector_load %arg22[%swap3A_195] {strides = array<i32>} : memref<80xi32, #tpu.memory_space<vmem>>, vector<16xi32>,
          %swap3A_197 = vector.shape_cast %swap3A_196 : vector<16xi32> to vector<16xi32>
          %swap3A_198 = vector.shape_cast %shift_right_logical3A_192 : vector<16xi32> to vector<16xi32>
          tpu.vector_store %arg22[%swap3A_195], %swap3A_198 {strides = array<i32>} : memref<80xi32, #tpu.memory_space<vmem>>, vector<16xi32>,
          %scan3A_199 = arith.constant 0 : i32
          scf.yield %scan3A_199 : i32
        }
        %scan3A_144 = arith.constant 5 : i32
        %dma_start3A_145 = arith.constant 0 : i32
        %dma_start3A_146 = arith.constant 0 : i32
        %dma_start3A_147 = tpu.memref_slice %arg2[%dma_start3A_145, %dma_start3A_146] : memref<400000x128xf32, #tpu.memory_space<hbm>> -> memref<400000x128xf32, #tpu.memory_space<hbm>>
        tpu.enqueue_indirect_dma source(%dma_start3A_147 : memref<400000x128xf32, #tpu.memory_space<hbm>>) target(%arg23 : memref<80x128xf32, #tpu.memory_space<vmem>>) offsets(%arg21 : memref<80xi32, #tpu.memory_space<vmem>>) semaphore(%arg35 : memref<!tpu.dma_semaphore, #tpu.memory_space<semaphore_mem>>)
        %dma_wait3A_148 = arith.constant 0 : i32
        %dma_wait3A_149 = arith.constant 0 : i32
        %dma_wait3A_150 = tpu.memref_slice %arg2[%dma_wait3A_148, %dma_wait3A_149] : memref<400000x128xf32, #tpu.memory_space<hbm>> -> memref<400000x128xf32, #tpu.memory_space<hbm>>
        tpu.wait_indirect_dma semaphore(%arg30 : memref<!tpu.dma_semaphore, #tpu.memory_space<semaphore_mem>>) src(%dma_wait3A_150 : memref<400000x128xf32, #tpu.memory_space<hbm>>) dst(%arg18 : memref<80x128xf32, #tpu.memory_space<vmem>>)
        %dma_start3A_151 = arith.constant 0 : i32
        %dma_start3A_152 = arith.constant 0 : i32
        %dma_start3A_153 = tpu.memref_slice %arg26[%dma_start3A_151, %dma_start3A_152] : memref<12544x128xf32, #tpu.memory_space<vmem_shared>> -> memref<12544x128xf32, #tpu.memory_space<vmem_shared>>
        tpu.enqueue_indirect_dma source(%arg18 : memref<80x128xf32, #tpu.memory_space<vmem>>) target(%dma_start3A_153 : memref<12544x128xf32, #tpu.memory_space<vmem_shared>>) offsets(%arg17 : memref<80xi32, #tpu.memory_space<vmem>>) semaphore(%arg31 : memref<!tpu.dma_semaphore, #tpu.memory_space<semaphore_mem>>) {add = true}
        %dma_wait3A_154 = arith.constant 0 : i32
        %dma_wait3A_155 = arith.constant 0 : i32
        %dma_wait3A_156 = tpu.memref_slice %arg2[%dma_wait3A_154, %dma_wait3A_155] : memref<400000x128xf32, #tpu.memory_space<hbm>> -> memref<400000x128xf32, #tpu.memory_space<hbm>>
        tpu.wait_indirect_dma semaphore(%arg35 : memref<!tpu.dma_semaphore, #tpu.memory_space<semaphore_mem>>) src(%dma_wait3A_156 : memref<400000x128xf32, #tpu.memory_space<hbm>>) dst(%arg23 : memref<80x128xf32, #tpu.memory_space<vmem>>)
        %dma_start3A_157 = arith.constant 0 : i32
        %dma_start3A_158 = arith.constant 0 : i32
        %dma_start3A_159 = tpu.memref_slice %arg26[%dma_start3A_157, %dma_start3A_158] : memref<12544x128xf32, #tpu.memory_space<vmem_shared>> -> memref<12544x128xf32, #tpu.memory_space<vmem_shared>>
        tpu.enqueue_indirect_dma source(%arg23 : memref<80x128xf32, #tpu.memory_space<vmem>>) target(%dma_start3A_159 : memref<12544x128xf32, #tpu.memory_space<vmem_shared>>) offsets(%arg22 : memref<80xi32, #tpu.memory_space<vmem>>) semaphore(%arg36 : memref<!tpu.dma_semaphore, #tpu.memory_space<semaphore_mem>>) {add = true}
        %dma_wait3A_160 = arith.constant 0 : i32
        %dma_wait3A_161 = arith.constant 0 : i32
        %dma_wait3A_162 = tpu.memref_slice %arg26[%dma_wait3A_160, %dma_wait3A_161] : memref<12544x128xf32, #tpu.memory_space<vmem_shared>> -> memref<12544x128xf32, #tpu.memory_space<vmem_shared>>
        tpu.wait_indirect_dma semaphore(%arg31 : memref<!tpu.dma_semaphore, #tpu.memory_space<semaphore_mem>>) src(%arg18 : memref<80x128xf32, #tpu.memory_space<vmem>>) dst(%dma_wait3A_162 : memref<12544x128xf32, #tpu.memory_space<vmem_shared>>)
        %dma_wait3A_163 = arith.constant 0 : i32
        %dma_wait3A_164 = arith.constant 0 : i32
        %dma_wait3A_165 = tpu.memref_slice %arg26[%dma_wait3A_163, %dma_wait3A_164] : memref<12544x128xf32, #tpu.memory_space<vmem_shared>> -> memref<12544x128xf32, #tpu.memory_space<vmem_shared>>
        tpu.wait_indirect_dma semaphore(%arg36 : memref<!tpu.dma_semaphore, #tpu.memory_space<semaphore_mem>>) src(%arg23 : memref<80x128xf32, #tpu.memory_space<vmem>>) dst(%dma_wait3A_165 : memref<12544x128xf32, #tpu.memory_space<vmem_shared>>)
        %scan3A_166 = arith.constant 0 : i32
        scf.yield %scan3A_166 : i32
      }
      %scan3A_78 = arith.constant 312 : i32
      %mul3A_79 = arith.constant 50000 : i32
      %mul3A_80 = arith.muli %arg1, %mul3A_79 : i32
      %add3A_81 = arith.constant 49920 : i32
      %add3A_82 = arith.addi %mul3A_80, %add3A_81 : i32
      "tpu.region"() ({
        %run_scoped3A = tpu.sem_alloc : memref<!tpu.dma_semaphore, #tpu.memory_space<semaphore_mem>>
        %dma_start3A_97 = tpu.memref_slice %arg5[%add3A_82] : memref<800000xi32, #tpu.memory_space<hbm>> -> memref<80xi32, #tpu.memory_space<hbm>>
        %dma_start3A_98 = tpu.memref_slice %arg5[%add3A_82] : memref<800000xi32, #tpu.memory_space<hbm>> -> memref<80xi32, #tpu.memory_space<hbm>>
        tpu.enqueue_dma source(%dma_start3A_98 : memref<80xi32, #tpu.memory_space<hbm>>) target(%arg14 : memref<80xi32, #tpu.memory_space<vmem>>) target_semaphore(%run_scoped3A : memref<!tpu.dma_semaphore, #tpu.memory_space<semaphore_mem>>)
        %dma_wait3A_99 = tpu.memref_slice %arg5[%add3A_82] : memref<800000xi32, #tpu.memory_space<hbm>> -> memref<80xi32, #tpu.memory_space<hbm>>
        %dma_wait3A_100 = tpu.memref_slice %arg5[%add3A_82] : memref<800000xi32, #tpu.memory_space<hbm>> -> memref<80xi32, #tpu.memory_space<hbm>>
        tpu.wait_dma2 semaphore(%run_scoped3A : memref<!tpu.dma_semaphore, #tpu.memory_space<semaphore_mem>>) src(%dma_wait3A_100 : memref<80xi32, #tpu.memory_space<hbm>>) dst(%arg14 : memref<80xi32, #tpu.memory_space<vmem>>)
        tpu.yield
      }) : () -> ()
      "tpu.region"() ({
        %run_scoped3A = tpu.sem_alloc : memref<!tpu.dma_semaphore, #tpu.memory_space<semaphore_mem>>
        %dma_start3A_97 = tpu.memref_slice %arg6[%add3A_82] : memref<800000xi32, #tpu.memory_space<hbm>> -> memref<80xi32, #tpu.memory_space<hbm>>
        %dma_start3A_98 = tpu.memref_slice %arg6[%add3A_82] : memref<800000xi32, #tpu.memory_space<hbm>> -> memref<80xi32, #tpu.memory_space<hbm>>
        tpu.enqueue_dma source(%dma_start3A_98 : memref<80xi32, #tpu.memory_space<hbm>>) target(%arg15 : memref<80xi32, #tpu.memory_space<vmem>>) target_semaphore(%run_scoped3A : memref<!tpu.dma_semaphore, #tpu.memory_space<semaphore_mem>>)
        %dma_wait3A_99 = tpu.memref_slice %arg6[%add3A_82] : memref<800000xi32, #tpu.memory_space<hbm>> -> memref<80xi32, #tpu.memory_space<hbm>>
        %dma_wait3A_100 = tpu.memref_slice %arg6[%add3A_82] : memref<800000xi32, #tpu.memory_space<hbm>> -> memref<80xi32, #tpu.memory_space<hbm>>
        tpu.wait_dma2 semaphore(%run_scoped3A : memref<!tpu.dma_semaphore, #tpu.memory_space<semaphore_mem>>) src(%dma_wait3A_100 : memref<80xi32, #tpu.memory_space<hbm>>) dst(%arg15 : memref<80xi32, #tpu.memory_space<vmem>>)
        tpu.yield
      }) : () -> ()
      %scan3A_83 = arith.constant 0 : i32
      %scan3A_84 = arith.constant 0 : i32
      %scan3A_85 = arith.constant 5 : i32
      %scan3A_86 = arith.addi %scan3A_84, %scan3A_85 : i32
      %scan3A_87 = arith.constant 1 : i32
      %scan3A_88 = scf.for %scan3A_97 = %scan3A_84 to %scan3A_86 step %scan3A_87 iter_args(%scan3A_98 = %scan3A_83) -> (i32)  : i32 {
        %mul3A_99 = arith.constant 16 : i32
        %mul3A_100 = arith.muli %scan3A_97, %mul3A_99 : i32
        %get3A = arith.index_cast %mul3A_100 : i32 to index
        %get3A_101 = tpu.vector_load %arg14[%get3A] {strides = array<i32>} : memref<80xi32, #tpu.memory_space<vmem>>, vector<16xi32>,
        %get3A_102 = vector.shape_cast %get3A_101 : vector<16xi32> to vector<16xi32>
        %mul3A_103 = arith.constant 16 : i32
        %mul3A_104 = arith.muli %scan3A_97, %mul3A_103 : i32
        %get3A_105 = arith.index_cast %mul3A_104 : i32 to index
        %get3A_106 = tpu.vector_load %arg15[%get3A_105] {strides = array<i32>} : memref<80xi32, #tpu.memory_space<vmem>>, vector<16xi32>,
        %get3A_107 = vector.shape_cast %get3A_106 : vector<16xi32> to vector<16xi32>
        %add3A_108 = vector.broadcast %mul3A_0 : i32 to vector<16xi32>
        %add3A_109 = arith.addi %get3A_102, %add3A_108 : vector<16xi32>
        %and3A = arith.constant 3 : i32
        %and3A_110 = vector.broadcast %and3A : i32 to vector<16xi32>
        %and3A_111 = arith.andi %get3A_107, %and3A_110 : vector<16xi32>
        %mul3A_112 = arith.constant 100000 : i32
        %mul3A_113 = vector.broadcast %mul3A_112 : i32 to vector<16xi32>
        %mul3A_114 = arith.muli %and3A_111, %mul3A_113 : vector<16xi32>
        %add3A_115 = arith.addi %add3A_109, %mul3A_114 : vector<16xi32>
        %mul3A_116 = arith.constant 16 : i32
        %mul3A_117 = arith.muli %scan3A_97, %mul3A_116 : i32
        %swap3A = arith.index_cast %mul3A_117 : i32 to index
        %swap3A_118 = tpu.vector_load %arg16[%swap3A] {strides = array<i32>} : memref<80xi32, #tpu.memory_space<vmem>>, vector<16xi32>,
        %swap3A_119 = vector.shape_cast %swap3A_118 : vector<16xi32> to vector<16xi32>
        %swap3A_120 = vector.shape_cast %add3A_115 : vector<16xi32> to vector<16xi32>
        tpu.vector_store %arg16[%swap3A], %swap3A_120 {strides = array<i32>} : memref<80xi32, #tpu.memory_space<vmem>>, vector<16xi32>,
        %shift_right_logical3A = arith.constant 2 : i32
        %shift_right_logical3A_121 = vector.broadcast %shift_right_logical3A : i32 to vector<16xi32>
        %shift_right_logical3A_122 = arith.shrui %get3A_107, %shift_right_logical3A_121 : vector<16xi32>
        %mul3A_123 = arith.constant 16 : i32
        %mul3A_124 = arith.muli %scan3A_97, %mul3A_123 : i32
        %swap3A_125 = arith.index_cast %mul3A_124 : i32 to index
        %swap3A_126 = tpu.vector_load %arg17[%swap3A_125] {strides = array<i32>} : memref<80xi32, #tpu.memory_space<vmem>>, vector<16xi32>,
        %swap3A_127 = vector.shape_cast %swap3A_126 : vector<16xi32> to vector<16xi32>
        %swap3A_128 = vector.shape_cast %shift_right_logical3A_122 : vector<16xi32> to vector<16xi32>
        tpu.vector_store %arg17[%swap3A_125], %swap3A_128 {strides = array<i32>} : memref<80xi32, #tpu.memory_space<vmem>>, vector<16xi32>,
        %scan3A_129 = arith.constant 0 : i32
        scf.yield %scan3A_129 : i32
      }
      %scan3A_89 = arith.constant 5 : i32
      %dma_start3A_90 = arith.constant 0 : i32
      %dma_start3A_91 = arith.constant 0 : i32
      %dma_start3A_92 = tpu.memref_slice %arg2[%dma_start3A_90, %dma_start3A_91] : memref<400000x128xf32, #tpu.memory_space<hbm>> -> memref<400000x128xf32, #tpu.memory_space<hbm>>
      tpu.enqueue_indirect_dma source(%dma_start3A_92 : memref<400000x128xf32, #tpu.memory_space<hbm>>) target(%arg18 : memref<80x128xf32, #tpu.memory_space<vmem>>) offsets(%arg16 : memref<80xi32, #tpu.memory_space<vmem>>) semaphore(%arg30 : memref<!tpu.dma_semaphore, #tpu.memory_space<semaphore_mem>>)
      %dma_wait3A_93 = arith.constant 0 : i32
      %dma_wait3A_94 = arith.constant 0 : i32
      %dma_wait3A_95 = tpu.memref_slice %arg2[%dma_wait3A_93, %dma_wait3A_94] : memref<400000x128xf32, #tpu.memory_space<hbm>> -> memref<400000x128xf32, #tpu.memory_space<hbm>>
      tpu.wait_indirect_dma semaphore(%arg30 : memref<!tpu.dma_semaphore, #tpu.memory_space<semaphore_mem>>) src(%dma_wait3A_95 : memref<400000x128xf32, #tpu.memory_space<hbm>>) dst(%arg18 : memref<80x128xf32, #tpu.memory_space<vmem>>)
      "tpu.region"() ({
        %run_scoped3A = tpu.sem_alloc : memref<!tpu.dma_semaphore, #tpu.memory_space<semaphore_mem>>
        %dma_start3A_97 = arith.constant 0 : i32
        %dma_start3A_98 = arith.constant 0 : i32
        %dma_start3A_99 = tpu.memref_slice %arg26[%dma_start3A_97, %dma_start3A_98] : memref<12544x128xf32, #tpu.memory_space<vmem_shared>> -> memref<12544x128xf32, #tpu.memory_space<vmem_shared>>
        tpu.enqueue_indirect_dma source(%arg18 : memref<80x128xf32, #tpu.memory_space<vmem>>) target(%dma_start3A_99 : memref<12544x128xf32, #tpu.memory_space<vmem_shared>>) offsets(%arg17 : memref<80xi32, #tpu.memory_space<vmem>>) semaphore(%run_scoped3A : memref<!tpu.dma_semaphore, #tpu.memory_space<semaphore_mem>>) {add = true}
        %dma_wait3A_100 = arith.constant 0 : i32
        %dma_wait3A_101 = arith.constant 0 : i32
        %dma_wait3A_102 = tpu.memref_slice %arg26[%dma_wait3A_100, %dma_wait3A_101] : memref<12544x128xf32, #tpu.memory_space<vmem_shared>> -> memref<12544x128xf32, #tpu.memory_space<vmem_shared>>
        tpu.wait_indirect_dma semaphore(%run_scoped3A : memref<!tpu.dma_semaphore, #tpu.memory_space<semaphore_mem>>) src(%arg18 : memref<80x128xf32, #tpu.memory_space<vmem>>) dst(%dma_wait3A_102 : memref<12544x128xf32, #tpu.memory_space<vmem_shared>>)
        tpu.yield
      }) : () -> ()
      %barrier3A_96 = arith.constant 0 : index
      tpu.barrier barrier_id(%barrier3A_96)
      "tpu.region"() ({
        %run_scoped3A = tpu.sem_alloc : memref<!tpu.dma_semaphore, #tpu.memory_space<semaphore_mem>>
        %dma_start3A_97 = arith.constant 0 : i32
        %dma_start3A_98 = tpu.memref_slice %arg10[%mul3A_2, %dma_start3A_97] : memref<12544x128xf32, #tpu.memory_space<hbm>> -> memref<784x128xf32, #tpu.memory_space<hbm>>
        %dma_start3A_99 = arith.constant 0 : i32
        %dma_start3A_100 = tpu.memref_slice %arg26[%mul3A_2, %dma_start3A_99] : memref<12544x128xf32, #tpu.memory_space<vmem_shared>> -> memref<784x128xf32, #tpu.memory_space<vmem_shared>>
        tpu.enqueue_dma source(%dma_start3A_100 : memref<784x128xf32, #tpu.memory_space<vmem_shared>>) target(%dma_start3A_98 : memref<784x128xf32, #tpu.memory_space<hbm>>) target_semaphore(%run_scoped3A : memref<!tpu.dma_semaphore, #tpu.memory_space<semaphore_mem>>)
        %dma_wait3A_101 = arith.constant 0 : i32
        %dma_wait3A_102 = tpu.memref_slice %arg10[%mul3A_2, %dma_wait3A_101] : memref<12544x128xf32, #tpu.memory_space<hbm>> -> memref<784x128xf32, #tpu.memory_space<hbm>>
        %dma_wait3A_103 = arith.constant 0 : i32
        %dma_wait3A_104 = tpu.memref_slice %arg26[%mul3A_2, %dma_wait3A_103] : memref<12544x128xf32, #tpu.memory_space<vmem_shared>> -> memref<784x128xf32, #tpu.memory_space<vmem_shared>>
        tpu.wait_dma2 semaphore(%run_scoped3A : memref<!tpu.dma_semaphore, #tpu.memory_space<semaphore_mem>>) src(%dma_wait3A_104 : memref<784x128xf32, #tpu.memory_space<vmem_shared>>) dst(%dma_wait3A_102 : memref<784x128xf32, #tpu.memory_space<hbm>>)
        tpu.yield
      }) : () -> ()
    } else {
    }
    %eq3A_13 = arith.constant 1 : i32
    %eq3A_14 = arith.cmpi eq, %arg0, %eq3A_13 : i32
    %convert_element_type3A_15 = arith.extui %eq3A_14 : i1 to i32
    %cond3A_16 = arith.constant 0 : i32
    %cond3A_17 = arith.cmpi ne, %convert_element_type3A_15, %cond3A_16 : i32
    scf.if %cond3A_17 {
      "tpu.region"() ({
        %run_scoped3A = tpu.sem_alloc : memref<!tpu.dma_semaphore, #tpu.memory_space<semaphore_mem>>
        %dma_start3A_97 = arith.constant 0 : i32
        %dma_start3A_98 = tpu.memref_slice %arg26[%mul3A_2, %dma_start3A_97] : memref<12544x128xf32, #tpu.memory_space<vmem_shared>> -> memref<784x128xf32, #tpu.memory_space<vmem_shared>>
        tpu.enqueue_dma source(%arg7 : memref<784x128xf32, #tpu.memory_space<hbm>>) target(%dma_start3A_98 : memref<784x128xf32, #tpu.memory_space<vmem_shared>>) target_semaphore(%run_scoped3A : memref<!tpu.dma_semaphore, #tpu.memory_space<semaphore_mem>>)
        %dma_wait3A_99 = arith.constant 0 : i32
        %dma_wait3A_100 = tpu.memref_slice %arg26[%mul3A_2, %dma_wait3A_99] : memref<12544x128xf32, #tpu.memory_space<vmem_shared>> -> memref<784x128xf32, #tpu.memory_space<vmem_shared>>
        tpu.wait_dma2 semaphore(%run_scoped3A : memref<!tpu.dma_semaphore, #tpu.memory_space<semaphore_mem>>) src(%arg7 : memref<784x128xf32, #tpu.memory_space<hbm>>) dst(%dma_wait3A_100 : memref<784x128xf32, #tpu.memory_space<vmem_shared>>)
        tpu.yield
      }) : () -> ()
      %barrier3A = arith.constant 0 : index
      tpu.barrier barrier_id(%barrier3A)
      %scan3A_18 = arith.constant 0 : i32
      %scan3A_19 = arith.constant 0 : i32
      %scan3A_20 = arith.constant 312 : i32
      %scan3A_21 = arith.addi %scan3A_19, %scan3A_20 : i32
      %scan3A_22 = arith.constant 1 : i32
      %scan3A_23 = scf.for %scan3A_97 = %scan3A_19 to %scan3A_21 step %scan3A_22 iter_args(%scan3A_98 = %scan3A_18) -> (i32)  : i32 {
        %mul3A_99 = arith.constant 50000 : i32
        %mul3A_100 = arith.muli %arg1, %mul3A_99 : i32
        %mul3A_101 = arith.constant 160 : i32
        %mul3A_102 = arith.muli %scan3A_97, %mul3A_101 : i32
        %add3A_103 = arith.addi %mul3A_100, %mul3A_102 : i32
        %add3A_104 = arith.constant 0 : i32
        %add3A_105 = arith.addi %add3A_103, %add3A_104 : i32
        %dma_start3A_106 = tpu.memref_slice %arg3[%add3A_105] : memref<800000xi32, #tpu.memory_space<hbm>> -> memref<80xi32, #tpu.memory_space<hbm>>
        %dma_start3A_107 = tpu.memref_slice %arg3[%add3A_105] : memref<800000xi32, #tpu.memory_space<hbm>> -> memref<80xi32, #tpu.memory_space<hbm>>
        tpu.enqueue_dma source(%dma_start3A_107 : memref<80xi32, #tpu.memory_space<hbm>>) target(%arg14 : memref<80xi32, #tpu.memory_space<vmem>>) target_semaphore(%arg28 : memref<!tpu.dma_semaphore, #tpu.memory_space<semaphore_mem>>)
        %add3A_108 = arith.constant 0 : i32
        %add3A_109 = arith.addi %add3A_103, %add3A_108 : i32
        %dma_start3A_110 = tpu.memref_slice %arg4[%add3A_109] : memref<800000xi32, #tpu.memory_space<hbm>> -> memref<80xi32, #tpu.memory_space<hbm>>
        %dma_start3A_111 = tpu.memref_slice %arg4[%add3A_109] : memref<800000xi32, #tpu.memory_space<hbm>> -> memref<80xi32, #tpu.memory_space<hbm>>
        tpu.enqueue_dma source(%dma_start3A_111 : memref<80xi32, #tpu.memory_space<hbm>>) target(%arg15 : memref<80xi32, #tpu.memory_space<vmem>>) target_semaphore(%arg29 : memref<!tpu.dma_semaphore, #tpu.memory_space<semaphore_mem>>)
        %add3A_112 = arith.constant 80 : i32
        %add3A_113 = arith.addi %add3A_103, %add3A_112 : i32
        %dma_start3A_114 = tpu.memref_slice %arg3[%add3A_113] : memref<800000xi32, #tpu.memory_space<hbm>> -> memref<80xi32, #tpu.memory_space<hbm>>
        %dma_start3A_115 = tpu.memref_slice %arg3[%add3A_113] : memref<800000xi32, #tpu.memory_space<hbm>> -> memref<80xi32, #tpu.memory_space<hbm>>
        tpu.enqueue_dma source(%dma_start3A_115 : memref<80xi32, #tpu.memory_space<hbm>>) target(%arg19 : memref<80xi32, #tpu.memory_space<vmem>>) target_semaphore(%arg33 : memref<!tpu.dma_semaphore, #tpu.memory_space<semaphore_mem>>)
        %add3A_116 = arith.constant 80 : i32
        %add3A_117 = arith.addi %add3A_103, %add3A_116 : i32
        %dma_start3A_118 = tpu.memref_slice %arg4[%add3A_117] : memref<800000xi32, #tpu.memory_space<hbm>> -> memref<80xi32, #tpu.memory_space<hbm>>
        %dma_start3A_119 = tpu.memref_slice %arg4[%add3A_117] : memref<800000xi32, #tpu.memory_space<hbm>> -> memref<80xi32, #tpu.memory_space<hbm>>
        tpu.enqueue_dma source(%dma_start3A_119 : memref<80xi32, #tpu.memory_space<hbm>>) target(%arg20 : memref<80xi32, #tpu.memory_space<vmem>>) target_semaphore(%arg34 : memref<!tpu.dma_semaphore, #tpu.memory_space<semaphore_mem>>)
        %dma_wait3A_120 = tpu.memref_slice %arg3[%add3A_105] : memref<800000xi32, #tpu.memory_space<hbm>> -> memref<80xi32, #tpu.memory_space<hbm>>
        %dma_wait3A_121 = tpu.memref_slice %arg3[%add3A_105] : memref<800000xi32, #tpu.memory_space<hbm>> -> memref<80xi32, #tpu.memory_space<hbm>>
        tpu.wait_dma2 semaphore(%arg28 : memref<!tpu.dma_semaphore, #tpu.memory_space<semaphore_mem>>) src(%dma_wait3A_121 : memref<80xi32, #tpu.memory_space<hbm>>) dst(%arg14 : memref<80xi32, #tpu.memory_space<vmem>>)
        %dma_wait3A_122 = tpu.memref_slice %arg4[%add3A_109] : memref<800000xi32, #tpu.memory_space<hbm>> -> memref<80xi32, #tpu.memory_space<hbm>>
        %dma_wait3A_123 = tpu.memref_slice %arg4[%add3A_109] : memref<800000xi32, #tpu.memory_space<hbm>> -> memref<80xi32, #tpu.memory_space<hbm>>
        tpu.wait_dma2 semaphore(%arg29 : memref<!tpu.dma_semaphore, #tpu.memory_space<semaphore_mem>>) src(%dma_wait3A_123 : memref<80xi32, #tpu.memory_space<hbm>>) dst(%arg15 : memref<80xi32, #tpu.memory_space<vmem>>)
        %scan3A_124 = arith.constant 0 : i32
        %scan3A_125 = arith.constant 0 : i32
        %scan3A_126 = arith.constant 5 : i32
        %scan3A_127 = arith.addi %scan3A_125, %scan3A_126 : i32
        %scan3A_128 = arith.constant 1 : i32
        %scan3A_129 = scf.for %scan3A_167 = %scan3A_125 to %scan3A_127 step %scan3A_128 iter_args(%scan3A_168 = %scan3A_124) -> (i32)  : i32 {
          %mul3A_169 = arith.constant 16 : i32
          %mul3A_170 = arith.muli %scan3A_167, %mul3A_169 : i32
          %get3A = arith.index_cast %mul3A_170 : i32 to index
          %get3A_171 = tpu.vector_load %arg14[%get3A] {strides = array<i32>} : memref<80xi32, #tpu.memory_space<vmem>>, vector<16xi32>,
          %get3A_172 = vector.shape_cast %get3A_171 : vector<16xi32> to vector<16xi32>
          %mul3A_173 = arith.constant 16 : i32
          %mul3A_174 = arith.muli %scan3A_167, %mul3A_173 : i32
          %get3A_175 = arith.index_cast %mul3A_174 : i32 to index
          %get3A_176 = tpu.vector_load %arg15[%get3A_175] {strides = array<i32>} : memref<80xi32, #tpu.memory_space<vmem>>, vector<16xi32>,
          %get3A_177 = vector.shape_cast %get3A_176 : vector<16xi32> to vector<16xi32>
          %add3A_178 = vector.broadcast %mul3A_0 : i32 to vector<16xi32>
          %add3A_179 = arith.addi %get3A_172, %add3A_178 : vector<16xi32>
          %and3A = arith.constant 3 : i32
          %and3A_180 = vector.broadcast %and3A : i32 to vector<16xi32>
          %and3A_181 = arith.andi %get3A_177, %and3A_180 : vector<16xi32>
          %mul3A_182 = arith.constant 100000 : i32
          %mul3A_183 = vector.broadcast %mul3A_182 : i32 to vector<16xi32>
          %mul3A_184 = arith.muli %and3A_181, %mul3A_183 : vector<16xi32>
          %add3A_185 = arith.addi %add3A_179, %mul3A_184 : vector<16xi32>
          %mul3A_186 = arith.constant 16 : i32
          %mul3A_187 = arith.muli %scan3A_167, %mul3A_186 : i32
          %swap3A = arith.index_cast %mul3A_187 : i32 to index
          %swap3A_188 = tpu.vector_load %arg16[%swap3A] {strides = array<i32>} : memref<80xi32, #tpu.memory_space<vmem>>, vector<16xi32>,
          %swap3A_189 = vector.shape_cast %swap3A_188 : vector<16xi32> to vector<16xi32>
          %swap3A_190 = vector.shape_cast %add3A_185 : vector<16xi32> to vector<16xi32>
          tpu.vector_store %arg16[%swap3A], %swap3A_190 {strides = array<i32>} : memref<80xi32, #tpu.memory_space<vmem>>, vector<16xi32>,
          %shift_right_logical3A = arith.constant 2 : i32
          %shift_right_logical3A_191 = vector.broadcast %shift_right_logical3A : i32 to vector<16xi32>
          %shift_right_logical3A_192 = arith.shrui %get3A_177, %shift_right_logical3A_191 : vector<16xi32>
          %mul3A_193 = arith.constant 16 : i32
          %mul3A_194 = arith.muli %scan3A_167, %mul3A_193 : i32
          %swap3A_195 = arith.index_cast %mul3A_194 : i32 to index
          %swap3A_196 = tpu.vector_load %arg17[%swap3A_195] {strides = array<i32>} : memref<80xi32, #tpu.memory_space<vmem>>, vector<16xi32>,
          %swap3A_197 = vector.shape_cast %swap3A_196 : vector<16xi32> to vector<16xi32>
          %swap3A_198 = vector.shape_cast %shift_right_logical3A_192 : vector<16xi32> to vector<16xi32>
          tpu.vector_store %arg17[%swap3A_195], %swap3A_198 {strides = array<i32>} : memref<80xi32, #tpu.memory_space<vmem>>, vector<16xi32>,
          %scan3A_199 = arith.constant 0 : i32
          scf.yield %scan3A_199 : i32
        }
        %scan3A_130 = arith.constant 5 : i32
        %dma_start3A_131 = arith.constant 0 : i32
        %dma_start3A_132 = arith.constant 0 : i32
        %dma_start3A_133 = tpu.memref_slice %arg2[%dma_start3A_131, %dma_start3A_132] : memref<400000x128xf32, #tpu.memory_space<hbm>> -> memref<400000x128xf32, #tpu.memory_space<hbm>>
        tpu.enqueue_indirect_dma source(%dma_start3A_133 : memref<400000x128xf32, #tpu.memory_space<hbm>>) target(%arg18 : memref<80x128xf32, #tpu.memory_space<vmem>>) offsets(%arg16 : memref<80xi32, #tpu.memory_space<vmem>>) semaphore(%arg30 : memref<!tpu.dma_semaphore, #tpu.memory_space<semaphore_mem>>)
        %dma_wait3A_134 = tpu.memref_slice %arg3[%add3A_113] : memref<800000xi32, #tpu.memory_space<hbm>> -> memref<80xi32, #tpu.memory_space<hbm>>
        %dma_wait3A_135 = tpu.memref_slice %arg3[%add3A_113] : memref<800000xi32, #tpu.memory_space<hbm>> -> memref<80xi32, #tpu.memory_space<hbm>>
        tpu.wait_dma2 semaphore(%arg33 : memref<!tpu.dma_semaphore, #tpu.memory_space<semaphore_mem>>) src(%dma_wait3A_135 : memref<80xi32, #tpu.memory_space<hbm>>) dst(%arg19 : memref<80xi32, #tpu.memory_space<vmem>>)
        %dma_wait3A_136 = tpu.memref_slice %arg4[%add3A_117] : memref<800000xi32, #tpu.memory_space<hbm>> -> memref<80xi32, #tpu.memory_space<hbm>>
        %dma_wait3A_137 = tpu.memref_slice %arg4[%add3A_117] : memref<800000xi32, #tpu.memory_space<hbm>> -> memref<80xi32, #tpu.memory_space<hbm>>
        tpu.wait_dma2 semaphore(%arg34 : memref<!tpu.dma_semaphore, #tpu.memory_space<semaphore_mem>>) src(%dma_wait3A_137 : memref<80xi32, #tpu.memory_space<hbm>>) dst(%arg20 : memref<80xi32, #tpu.memory_space<vmem>>)
        %scan3A_138 = arith.constant 0 : i32
        %scan3A_139 = arith.constant 0 : i32
        %scan3A_140 = arith.constant 5 : i32
        %scan3A_141 = arith.addi %scan3A_139, %scan3A_140 : i32
        %scan3A_142 = arith.constant 1 : i32
        %scan3A_143 = scf.for %scan3A_167 = %scan3A_139 to %scan3A_141 step %scan3A_142 iter_args(%scan3A_168 = %scan3A_138) -> (i32)  : i32 {
          %mul3A_169 = arith.constant 16 : i32
          %mul3A_170 = arith.muli %scan3A_167, %mul3A_169 : i32
          %get3A = arith.index_cast %mul3A_170 : i32 to index
          %get3A_171 = tpu.vector_load %arg19[%get3A] {strides = array<i32>} : memref<80xi32, #tpu.memory_space<vmem>>, vector<16xi32>,
          %get3A_172 = vector.shape_cast %get3A_171 : vector<16xi32> to vector<16xi32>
          %mul3A_173 = arith.constant 16 : i32
          %mul3A_174 = arith.muli %scan3A_167, %mul3A_173 : i32
          %get3A_175 = arith.index_cast %mul3A_174 : i32 to index
          %get3A_176 = tpu.vector_load %arg20[%get3A_175] {strides = array<i32>} : memref<80xi32, #tpu.memory_space<vmem>>, vector<16xi32>,
          %get3A_177 = vector.shape_cast %get3A_176 : vector<16xi32> to vector<16xi32>
          %add3A_178 = vector.broadcast %mul3A_0 : i32 to vector<16xi32>
          %add3A_179 = arith.addi %get3A_172, %add3A_178 : vector<16xi32>
          %and3A = arith.constant 3 : i32
          %and3A_180 = vector.broadcast %and3A : i32 to vector<16xi32>
          %and3A_181 = arith.andi %get3A_177, %and3A_180 : vector<16xi32>
          %mul3A_182 = arith.constant 100000 : i32
          %mul3A_183 = vector.broadcast %mul3A_182 : i32 to vector<16xi32>
          %mul3A_184 = arith.muli %and3A_181, %mul3A_183 : vector<16xi32>
          %add3A_185 = arith.addi %add3A_179, %mul3A_184 : vector<16xi32>
          %mul3A_186 = arith.constant 16 : i32
          %mul3A_187 = arith.muli %scan3A_167, %mul3A_186 : i32
          %swap3A = arith.index_cast %mul3A_187 : i32 to index
          %swap3A_188 = tpu.vector_load %arg21[%swap3A] {strides = array<i32>} : memref<80xi32, #tpu.memory_space<vmem>>, vector<16xi32>,
          %swap3A_189 = vector.shape_cast %swap3A_188 : vector<16xi32> to vector<16xi32>
          %swap3A_190 = vector.shape_cast %add3A_185 : vector<16xi32> to vector<16xi32>
          tpu.vector_store %arg21[%swap3A], %swap3A_190 {strides = array<i32>} : memref<80xi32, #tpu.memory_space<vmem>>, vector<16xi32>,
          %shift_right_logical3A = arith.constant 2 : i32
          %shift_right_logical3A_191 = vector.broadcast %shift_right_logical3A : i32 to vector<16xi32>
          %shift_right_logical3A_192 = arith.shrui %get3A_177, %shift_right_logical3A_191 : vector<16xi32>
          %mul3A_193 = arith.constant 16 : i32
          %mul3A_194 = arith.muli %scan3A_167, %mul3A_193 : i32
          %swap3A_195 = arith.index_cast %mul3A_194 : i32 to index
          %swap3A_196 = tpu.vector_load %arg22[%swap3A_195] {strides = array<i32>} : memref<80xi32, #tpu.memory_space<vmem>>, vector<16xi32>,
          %swap3A_197 = vector.shape_cast %swap3A_196 : vector<16xi32> to vector<16xi32>
          %swap3A_198 = vector.shape_cast %shift_right_logical3A_192 : vector<16xi32> to vector<16xi32>
          tpu.vector_store %arg22[%swap3A_195], %swap3A_198 {strides = array<i32>} : memref<80xi32, #tpu.memory_space<vmem>>, vector<16xi32>,
          %scan3A_199 = arith.constant 0 : i32
          scf.yield %scan3A_199 : i32
        }
        %scan3A_144 = arith.constant 5 : i32
        %dma_start3A_145 = arith.constant 0 : i32
        %dma_start3A_146 = arith.constant 0 : i32
        %dma_start3A_147 = tpu.memref_slice %arg2[%dma_start3A_145, %dma_start3A_146] : memref<400000x128xf32, #tpu.memory_space<hbm>> -> memref<400000x128xf32, #tpu.memory_space<hbm>>
        tpu.enqueue_indirect_dma source(%dma_start3A_147 : memref<400000x128xf32, #tpu.memory_space<hbm>>) target(%arg23 : memref<80x128xf32, #tpu.memory_space<vmem>>) offsets(%arg21 : memref<80xi32, #tpu.memory_space<vmem>>) semaphore(%arg35 : memref<!tpu.dma_semaphore, #tpu.memory_space<semaphore_mem>>)
        %dma_wait3A_148 = arith.constant 0 : i32
        %dma_wait3A_149 = arith.constant 0 : i32
        %dma_wait3A_150 = tpu.memref_slice %arg2[%dma_wait3A_148, %dma_wait3A_149] : memref<400000x128xf32, #tpu.memory_space<hbm>> -> memref<400000x128xf32, #tpu.memory_space<hbm>>
        tpu.wait_indirect_dma semaphore(%arg30 : memref<!tpu.dma_semaphore, #tpu.memory_space<semaphore_mem>>) src(%dma_wait3A_150 : memref<400000x128xf32, #tpu.memory_space<hbm>>) dst(%arg18 : memref<80x128xf32, #tpu.memory_space<vmem>>)
        %dma_start3A_151 = arith.constant 0 : i32
        %dma_start3A_152 = arith.constant 0 : i32
        %dma_start3A_153 = tpu.memref_slice %arg26[%dma_start3A_151, %dma_start3A_152] : memref<12544x128xf32, #tpu.memory_space<vmem_shared>> -> memref<12544x128xf32, #tpu.memory_space<vmem_shared>>
        tpu.enqueue_indirect_dma source(%arg18 : memref<80x128xf32, #tpu.memory_space<vmem>>) target(%dma_start3A_153 : memref<12544x128xf32, #tpu.memory_space<vmem_shared>>) offsets(%arg17 : memref<80xi32, #tpu.memory_space<vmem>>) semaphore(%arg31 : memref<!tpu.dma_semaphore, #tpu.memory_space<semaphore_mem>>) {add = true}
        %dma_wait3A_154 = arith.constant 0 : i32
        %dma_wait3A_155 = arith.constant 0 : i32
        %dma_wait3A_156 = tpu.memref_slice %arg2[%dma_wait3A_154, %dma_wait3A_155] : memref<400000x128xf32, #tpu.memory_space<hbm>> -> memref<400000x128xf32, #tpu.memory_space<hbm>>
        tpu.wait_indirect_dma semaphore(%arg35 : memref<!tpu.dma_semaphore, #tpu.memory_space<semaphore_mem>>) src(%dma_wait3A_156 : memref<400000x128xf32, #tpu.memory_space<hbm>>) dst(%arg23 : memref<80x128xf32, #tpu.memory_space<vmem>>)
        %dma_start3A_157 = arith.constant 0 : i32
        %dma_start3A_158 = arith.constant 0 : i32
        %dma_start3A_159 = tpu.memref_slice %arg26[%dma_start3A_157, %dma_start3A_158] : memref<12544x128xf32, #tpu.memory_space<vmem_shared>> -> memref<12544x128xf32, #tpu.memory_space<vmem_shared>>
        tpu.enqueue_indirect_dma source(%arg23 : memref<80x128xf32, #tpu.memory_space<vmem>>) target(%dma_start3A_159 : memref<12544x128xf32, #tpu.memory_space<vmem_shared>>) offsets(%arg22 : memref<80xi32, #tpu.memory_space<vmem>>) semaphore(%arg36 : memref<!tpu.dma_semaphore, #tpu.memory_space<semaphore_mem>>) {add = true}
        %dma_wait3A_160 = arith.constant 0 : i32
        %dma_wait3A_161 = arith.constant 0 : i32
        %dma_wait3A_162 = tpu.memref_slice %arg26[%dma_wait3A_160, %dma_wait3A_161] : memref<12544x128xf32, #tpu.memory_space<vmem_shared>> -> memref<12544x128xf32, #tpu.memory_space<vmem_shared>>
        tpu.wait_indirect_dma semaphore(%arg31 : memref<!tpu.dma_semaphore, #tpu.memory_space<semaphore_mem>>) src(%arg18 : memref<80x128xf32, #tpu.memory_space<vmem>>) dst(%dma_wait3A_162 : memref<12544x128xf32, #tpu.memory_space<vmem_shared>>)
        %dma_wait3A_163 = arith.constant 0 : i32
        %dma_wait3A_164 = arith.constant 0 : i32
        %dma_wait3A_165 = tpu.memref_slice %arg26[%dma_wait3A_163, %dma_wait3A_164] : memref<12544x128xf32, #tpu.memory_space<vmem_shared>> -> memref<12544x128xf32, #tpu.memory_space<vmem_shared>>
        tpu.wait_indirect_dma semaphore(%arg36 : memref<!tpu.dma_semaphore, #tpu.memory_space<semaphore_mem>>) src(%arg23 : memref<80x128xf32, #tpu.memory_space<vmem>>) dst(%dma_wait3A_165 : memref<12544x128xf32, #tpu.memory_space<vmem_shared>>)
        %scan3A_166 = arith.constant 0 : i32
        scf.yield %scan3A_166 : i32
      }
      %scan3A_24 = arith.constant 312 : i32
      %mul3A_25 = arith.constant 50000 : i32
      %mul3A_26 = arith.muli %arg1, %mul3A_25 : i32
      %add3A = arith.constant 49920 : i32
      %add3A_27 = arith.addi %mul3A_26, %add3A : i32
      "tpu.region"() ({
        %run_scoped3A = tpu.sem_alloc : memref<!tpu.dma_semaphore, #tpu.memory_space<semaphore_mem>>
        %dma_start3A_97 = tpu.memref_slice %arg3[%add3A_27] : memref<800000xi32, #tpu.memory_space<hbm>> -> memref<80xi32, #tpu.memory_space<hbm>>
        %dma_start3A_98 = tpu.memref_slice %arg3[%add3A_27] : memref<800000xi32, #tpu.memory_space<hbm>> -> memref<80xi32, #tpu.memory_space<hbm>>
        tpu.enqueue_dma source(%dma_start3A_98 : memref<80xi32, #tpu.memory_space<hbm>>) target(%arg14 : memref<80xi32, #tpu.memory_space<vmem>>) target_semaphore(%run_scoped3A : memref<!tpu.dma_semaphore, #tpu.memory_space<semaphore_mem>>)
        %dma_wait3A_99 = tpu.memref_slice %arg3[%add3A_27] : memref<800000xi32, #tpu.memory_space<hbm>> -> memref<80xi32, #tpu.memory_space<hbm>>
        %dma_wait3A_100 = tpu.memref_slice %arg3[%add3A_27] : memref<800000xi32, #tpu.memory_space<hbm>> -> memref<80xi32, #tpu.memory_space<hbm>>
        tpu.wait_dma2 semaphore(%run_scoped3A : memref<!tpu.dma_semaphore, #tpu.memory_space<semaphore_mem>>) src(%dma_wait3A_100 : memref<80xi32, #tpu.memory_space<hbm>>) dst(%arg14 : memref<80xi32, #tpu.memory_space<vmem>>)
        tpu.yield
      }) : () -> ()
      "tpu.region"() ({
        %run_scoped3A = tpu.sem_alloc : memref<!tpu.dma_semaphore, #tpu.memory_space<semaphore_mem>>
        %dma_start3A_97 = tpu.memref_slice %arg4[%add3A_27] : memref<800000xi32, #tpu.memory_space<hbm>> -> memref<80xi32, #tpu.memory_space<hbm>>
        %dma_start3A_98 = tpu.memref_slice %arg4[%add3A_27] : memref<800000xi32, #tpu.memory_space<hbm>> -> memref<80xi32, #tpu.memory_space<hbm>>
        tpu.enqueue_dma source(%dma_start3A_98 : memref<80xi32, #tpu.memory_space<hbm>>) target(%arg15 : memref<80xi32, #tpu.memory_space<vmem>>) target_semaphore(%run_scoped3A : memref<!tpu.dma_semaphore, #tpu.memory_space<semaphore_mem>>)
        %dma_wait3A_99 = tpu.memref_slice %arg4[%add3A_27] : memref<800000xi32, #tpu.memory_space<hbm>> -> memref<80xi32, #tpu.memory_space<hbm>>
        %dma_wait3A_100 = tpu.memref_slice %arg4[%add3A_27] : memref<800000xi32, #tpu.memory_space<hbm>> -> memref<80xi32, #tpu.memory_space<hbm>>
        tpu.wait_dma2 semaphore(%run_scoped3A : memref<!tpu.dma_semaphore, #tpu.memory_space<semaphore_mem>>) src(%dma_wait3A_100 : memref<80xi32, #tpu.memory_space<hbm>>) dst(%arg15 : memref<80xi32, #tpu.memory_space<vmem>>)
        tpu.yield
      }) : () -> ()
      %scan3A_28 = arith.constant 0 : i32
      %scan3A_29 = arith.constant 0 : i32
      %scan3A_30 = arith.constant 5 : i32
      %scan3A_31 = arith.addi %scan3A_29, %scan3A_30 : i32
      %scan3A_32 = arith.constant 1 : i32
      %scan3A_33 = scf.for %scan3A_97 = %scan3A_29 to %scan3A_31 step %scan3A_32 iter_args(%scan3A_98 = %scan3A_28) -> (i32)  : i32 {
        %mul3A_99 = arith.constant 16 : i32
        %mul3A_100 = arith.muli %scan3A_97, %mul3A_99 : i32
        %get3A = arith.index_cast %mul3A_100 : i32 to index
        %get3A_101 = tpu.vector_load %arg14[%get3A] {strides = array<i32>} : memref<80xi32, #tpu.memory_space<vmem>>, vector<16xi32>,
        %get3A_102 = vector.shape_cast %get3A_101 : vector<16xi32> to vector<16xi32>
        %mul3A_103 = arith.constant 16 : i32
        %mul3A_104 = arith.muli %scan3A_97, %mul3A_103 : i32
        %get3A_105 = arith.index_cast %mul3A_104 : i32 to index
        %get3A_106 = tpu.vector_load %arg15[%get3A_105] {strides = array<i32>} : memref<80xi32, #tpu.memory_space<vmem>>, vector<16xi32>,
        %get3A_107 = vector.shape_cast %get3A_106 : vector<16xi32> to vector<16xi32>
        %add3A_108 = vector.broadcast %mul3A_0 : i32 to vector<16xi32>
        %add3A_109 = arith.addi %get3A_102, %add3A_108 : vector<16xi32>
        %and3A = arith.constant 3 : i32
        %and3A_110 = vector.broadcast %and3A : i32 to vector<16xi32>
        %and3A_111 = arith.andi %get3A_107, %and3A_110 : vector<16xi32>
        %mul3A_112 = arith.constant 100000 : i32
        %mul3A_113 = vector.broadcast %mul3A_112 : i32 to vector<16xi32>
        %mul3A_114 = arith.muli %and3A_111, %mul3A_113 : vector<16xi32>
        %add3A_115 = arith.addi %add3A_109, %mul3A_114 : vector<16xi32>
        %mul3A_116 = arith.constant 16 : i32
        %mul3A_117 = arith.muli %scan3A_97, %mul3A_116 : i32
        %swap3A = arith.index_cast %mul3A_117 : i32 to index
        %swap3A_118 = tpu.vector_load %arg16[%swap3A] {strides = array<i32>} : memref<80xi32, #tpu.memory_space<vmem>>, vector<16xi32>,
        %swap3A_119 = vector.shape_cast %swap3A_118 : vector<16xi32> to vector<16xi32>
        %swap3A_120 = vector.shape_cast %add3A_115 : vector<16xi32> to vector<16xi32>
        tpu.vector_store %arg16[%swap3A], %swap3A_120 {strides = array<i32>} : memref<80xi32, #tpu.memory_space<vmem>>, vector<16xi32>,
        %shift_right_logical3A = arith.constant 2 : i32
        %shift_right_logical3A_121 = vector.broadcast %shift_right_logical3A : i32 to vector<16xi32>
        %shift_right_logical3A_122 = arith.shrui %get3A_107, %shift_right_logical3A_121 : vector<16xi32>
        %mul3A_123 = arith.constant 16 : i32
        %mul3A_124 = arith.muli %scan3A_97, %mul3A_123 : i32
        %swap3A_125 = arith.index_cast %mul3A_124 : i32 to index
        %swap3A_126 = tpu.vector_load %arg17[%swap3A_125] {strides = array<i32>} : memref<80xi32, #tpu.memory_space<vmem>>, vector<16xi32>,
        %swap3A_127 = vector.shape_cast %swap3A_126 : vector<16xi32> to vector<16xi32>
        %swap3A_128 = vector.shape_cast %shift_right_logical3A_122 : vector<16xi32> to vector<16xi32>
        tpu.vector_store %arg17[%swap3A_125], %swap3A_128 {strides = array<i32>} : memref<80xi32, #tpu.memory_space<vmem>>, vector<16xi32>,
        %scan3A_129 = arith.constant 0 : i32
        scf.yield %scan3A_129 : i32
      }
      %scan3A_34 = arith.constant 5 : i32
      %dma_start3A = arith.constant 0 : i32
      %dma_start3A_35 = arith.constant 0 : i32
      %dma_start3A_36 = tpu.memref_slice %arg2[%dma_start3A, %dma_start3A_35] : memref<400000x128xf32, #tpu.memory_space<hbm>> -> memref<400000x128xf32, #tpu.memory_space<hbm>>
      tpu.enqueue_indirect_dma source(%dma_start3A_36 : memref<400000x128xf32, #tpu.memory_space<hbm>>) target(%arg18 : memref<80x128xf32, #tpu.memory_space<vmem>>) offsets(%arg16 : memref<80xi32, #tpu.memory_space<vmem>>) semaphore(%arg30 : memref<!tpu.dma_semaphore, #tpu.memory_space<semaphore_mem>>)
      %dma_wait3A = arith.constant 0 : i32
      %dma_wait3A_37 = arith.constant 0 : i32
      %dma_wait3A_38 = tpu.memref_slice %arg2[%dma_wait3A, %dma_wait3A_37] : memref<400000x128xf32, #tpu.memory_space<hbm>> -> memref<400000x128xf32, #tpu.memory_space<hbm>>
      tpu.wait_indirect_dma semaphore(%arg30 : memref<!tpu.dma_semaphore, #tpu.memory_space<semaphore_mem>>) src(%dma_wait3A_38 : memref<400000x128xf32, #tpu.memory_space<hbm>>) dst(%arg18 : memref<80x128xf32, #tpu.memory_space<vmem>>)
      "tpu.region"() ({
        %run_scoped3A = tpu.sem_alloc : memref<!tpu.dma_semaphore, #tpu.memory_space<semaphore_mem>>
        %dma_start3A_97 = arith.constant 0 : i32
        %dma_start3A_98 = arith.constant 0 : i32
        %dma_start3A_99 = tpu.memref_slice %arg26[%dma_start3A_97, %dma_start3A_98] : memref<12544x128xf32, #tpu.memory_space<vmem_shared>> -> memref<12544x128xf32, #tpu.memory_space<vmem_shared>>
        tpu.enqueue_indirect_dma source(%arg18 : memref<80x128xf32, #tpu.memory_space<vmem>>) target(%dma_start3A_99 : memref<12544x128xf32, #tpu.memory_space<vmem_shared>>) offsets(%arg17 : memref<80xi32, #tpu.memory_space<vmem>>) semaphore(%run_scoped3A : memref<!tpu.dma_semaphore, #tpu.memory_space<semaphore_mem>>) {add = true}
        %dma_wait3A_100 = arith.constant 0 : i32
        %dma_wait3A_101 = arith.constant 0 : i32
        %dma_wait3A_102 = tpu.memref_slice %arg26[%dma_wait3A_100, %dma_wait3A_101] : memref<12544x128xf32, #tpu.memory_space<vmem_shared>> -> memref<12544x128xf32, #tpu.memory_space<vmem_shared>>
        tpu.wait_indirect_dma semaphore(%run_scoped3A : memref<!tpu.dma_semaphore, #tpu.memory_space<semaphore_mem>>) src(%arg18 : memref<80x128xf32, #tpu.memory_space<vmem>>) dst(%dma_wait3A_102 : memref<12544x128xf32, #tpu.memory_space<vmem_shared>>)
        tpu.yield
      }) : () -> ()
      %barrier3A_39 = arith.constant 0 : index
      tpu.barrier barrier_id(%barrier3A_39)
      "tpu.region"() ({
        %run_scoped3A = tpu.sem_alloc : memref<!tpu.dma_semaphore, #tpu.memory_space<semaphore_mem>>
        %dma_start3A_97 = arith.constant 0 : i32
        %dma_start3A_98 = tpu.memref_slice %arg9[%mul3A_2, %dma_start3A_97] : memref<12544x128xf32, #tpu.memory_space<hbm>> -> memref<784x128xf32, #tpu.memory_space<hbm>>
        %dma_start3A_99 = arith.constant 0 : i32
        %dma_start3A_100 = tpu.memref_slice %arg26[%mul3A_2, %dma_start3A_99] : memref<12544x128xf32, #tpu.memory_space<vmem_shared>> -> memref<784x128xf32, #tpu.memory_space<vmem_shared>>
        tpu.enqueue_dma source(%dma_start3A_100 : memref<784x128xf32, #tpu.memory_space<vmem_shared>>) target(%dma_start3A_98 : memref<784x128xf32, #tpu.memory_space<hbm>>) target_semaphore(%run_scoped3A : memref<!tpu.dma_semaphore, #tpu.memory_space<semaphore_mem>>)
        %dma_wait3A_101 = arith.constant 0 : i32
        %dma_wait3A_102 = tpu.memref_slice %arg9[%mul3A_2, %dma_wait3A_101] : memref<12544x128xf32, #tpu.memory_space<hbm>> -> memref<784x128xf32, #tpu.memory_space<hbm>>
        %dma_wait3A_103 = arith.constant 0 : i32
        %dma_wait3A_104 = tpu.memref_slice %arg26[%mul3A_2, %dma_wait3A_103] : memref<12544x128xf32, #tpu.memory_space<vmem_shared>> -> memref<784x128xf32, #tpu.memory_space<vmem_shared>>
        tpu.wait_dma2 semaphore(%run_scoped3A : memref<!tpu.dma_semaphore, #tpu.memory_space<semaphore_mem>>) src(%dma_wait3A_104 : memref<784x128xf32, #tpu.memory_space<vmem_shared>>) dst(%dma_wait3A_102 : memref<784x128xf32, #tpu.memory_space<hbm>>)
        tpu.yield
      }) : () -> ()
      "tpu.region"() ({
        %run_scoped3A = tpu.sem_alloc : memref<!tpu.dma_semaphore, #tpu.memory_space<semaphore_mem>>
        %dma_start3A_97 = arith.constant 0 : i32
        %dma_start3A_98 = tpu.memref_slice %arg26[%mul3A_2, %dma_start3A_97] : memref<12544x128xf32, #tpu.memory_space<vmem_shared>> -> memref<784x128xf32, #tpu.memory_space<vmem_shared>>
        tpu.enqueue_dma source(%arg7 : memref<784x128xf32, #tpu.memory_space<hbm>>) target(%dma_start3A_98 : memref<784x128xf32, #tpu.memory_space<vmem_shared>>) target_semaphore(%run_scoped3A : memref<!tpu.dma_semaphore, #tpu.memory_space<semaphore_mem>>)
        %dma_wait3A_99 = arith.constant 0 : i32
        %dma_wait3A_100 = tpu.memref_slice %arg26[%mul3A_2, %dma_wait3A_99] : memref<12544x128xf32, #tpu.memory_space<vmem_shared>> -> memref<784x128xf32, #tpu.memory_space<vmem_shared>>
        tpu.wait_dma2 semaphore(%run_scoped3A : memref<!tpu.dma_semaphore, #tpu.memory_space<semaphore_mem>>) src(%arg7 : memref<784x128xf32, #tpu.memory_space<hbm>>) dst(%dma_wait3A_100 : memref<784x128xf32, #tpu.memory_space<vmem_shared>>)
        tpu.yield
      }) : () -> ()
      %scan3A_40 = arith.constant 0 : i32
      %scan3A_41 = arith.constant 0 : i32
      %scan3A_42 = arith.constant 49 : i32
      %scan3A_43 = arith.addi %scan3A_41, %scan3A_42 : i32
      %scan3A_44 = arith.constant 1 : i32
      %scan3A_45 = scf.for %scan3A_97 = %scan3A_41 to %scan3A_43 step %scan3A_44 iter_args(%scan3A_98 = %scan3A_40) -> (i32)  : i32 {
        %broadcast_in_dim3A = arith.constant 0.000000e+00 : f32
        %broadcast_in_dim3A_99 = vector.broadcast %broadcast_in_dim3A : f32 to vector<16xf32>
        %mul3A_100 = arith.constant 16 : i32
        %mul3A_101 = arith.muli %scan3A_97, %mul3A_100 : i32
        %swap3A = arith.index_cast %mul3A_101 : i32 to index
        %swap3A_102 = tpu.vector_load %arg25[%swap3A] {strides = array<i32>} : memref<784xf32, #tpu.memory_space<vmem>>, vector<16xf32>,
        %swap3A_103 = vector.shape_cast %swap3A_102 : vector<16xf32> to vector<16xf32>
        %swap3A_104 = vector.shape_cast %broadcast_in_dim3A_99 : vector<16xf32> to vector<16xf32>
        tpu.vector_store %arg25[%swap3A], %swap3A_104 {strides = array<i32>} : memref<784xf32, #tpu.memory_space<vmem>>, vector<16xf32>,
        %scan3A_105 = arith.constant 0 : i32
        scf.yield %scan3A_105 : i32
      }
      %scan3A_46 = arith.constant 49 : i32
      %add3A_47 = arith.constant 0 : i32
      %add3A_48 = arith.addi %mul3A_4, %add3A_47 : i32
      "tpu.region"() ({
        %run_scoped3A = tpu.sem_alloc : memref<!tpu.dma_semaphore, #tpu.memory_space<semaphore_mem>>
        %dma_start3A_97 = tpu.memref_slice %arg27[%add3A_48] : memref<50176xf32, #tpu.memory_space<vmem_shared>> -> memref<784xf32, #tpu.memory_space<vmem_shared>>
        %dma_start3A_98 = tpu.memref_slice %arg27[%add3A_48] : memref<50176xf32, #tpu.memory_space<vmem_shared>> -> memref<784xf32, #tpu.memory_space<vmem_shared>>
        tpu.enqueue_dma source(%arg25 : memref<784xf32, #tpu.memory_space<vmem>>) target(%dma_start3A_98 : memref<784xf32, #tpu.memory_space<vmem_shared>>) target_semaphore(%run_scoped3A : memref<!tpu.dma_semaphore, #tpu.memory_space<semaphore_mem>>)
        %dma_wait3A_99 = tpu.memref_slice %arg27[%add3A_48] : memref<50176xf32, #tpu.memory_space<vmem_shared>> -> memref<784xf32, #tpu.memory_space<vmem_shared>>
        %dma_wait3A_100 = tpu.memref_slice %arg27[%add3A_48] : memref<50176xf32, #tpu.memory_space<vmem_shared>> -> memref<784xf32, #tpu.memory_space<vmem_shared>>
        tpu.wait_dma2 semaphore(%run_scoped3A : memref<!tpu.dma_semaphore, #tpu.memory_space<semaphore_mem>>) src(%arg25 : memref<784xf32, #tpu.memory_space<vmem>>) dst(%dma_wait3A_100 : memref<784xf32, #tpu.memory_space<vmem_shared>>)
        tpu.yield
      }) : () -> ()
      %add3A_49 = arith.constant 784 : i32
      %add3A_50 = arith.addi %mul3A_4, %add3A_49 : i32
      "tpu.region"() ({
        %run_scoped3A = tpu.sem_alloc : memref<!tpu.dma_semaphore, #tpu.memory_space<semaphore_mem>>
        %dma_start3A_97 = tpu.memref_slice %arg27[%add3A_50] : memref<50176xf32, #tpu.memory_space<vmem_shared>> -> memref<784xf32, #tpu.memory_space<vmem_shared>>
        %dma_start3A_98 = tpu.memref_slice %arg27[%add3A_50] : memref<50176xf32, #tpu.memory_space<vmem_shared>> -> memref<784xf32, #tpu.memory_space<vmem_shared>>
        tpu.enqueue_dma source(%arg25 : memref<784xf32, #tpu.memory_space<vmem>>) target(%dma_start3A_98 : memref<784xf32, #tpu.memory_space<vmem_shared>>) target_semaphore(%run_scoped3A : memref<!tpu.dma_semaphore, #tpu.memory_space<semaphore_mem>>)
        %dma_wait3A_99 = tpu.memref_slice %arg27[%add3A_50] : memref<50176xf32, #tpu.memory_space<vmem_shared>> -> memref<784xf32, #tpu.memory_space<vmem_shared>>
        %dma_wait3A_100 = tpu.memref_slice %arg27[%add3A_50] : memref<50176xf32, #tpu.memory_space<vmem_shared>> -> memref<784xf32, #tpu.memory_space<vmem_shared>>
        tpu.wait_dma2 semaphore(%run_scoped3A : memref<!tpu.dma_semaphore, #tpu.memory_space<semaphore_mem>>) src(%arg25 : memref<784xf32, #tpu.memory_space<vmem>>) dst(%dma_wait3A_100 : memref<784xf32, #tpu.memory_space<vmem_shared>>)
        tpu.yield
      }) : () -> ()
      %add3A_51 = arith.constant 1568 : i32
      %add3A_52 = arith.addi %mul3A_4, %add3A_51 : i32
      "tpu.region"() ({
        %run_scoped3A = tpu.sem_alloc : memref<!tpu.dma_semaphore, #tpu.memory_space<semaphore_mem>>
        %dma_start3A_97 = tpu.memref_slice %arg27[%add3A_52] : memref<50176xf32, #tpu.memory_space<vmem_shared>> -> memref<784xf32, #tpu.memory_space<vmem_shared>>
        %dma_start3A_98 = tpu.memref_slice %arg27[%add3A_52] : memref<50176xf32, #tpu.memory_space<vmem_shared>> -> memref<784xf32, #tpu.memory_space<vmem_shared>>
        tpu.enqueue_dma source(%arg25 : memref<784xf32, #tpu.memory_space<vmem>>) target(%dma_start3A_98 : memref<784xf32, #tpu.memory_space<vmem_shared>>) target_semaphore(%run_scoped3A : memref<!tpu.dma_semaphore, #tpu.memory_space<semaphore_mem>>)
        %dma_wait3A_99 = tpu.memref_slice %arg27[%add3A_52] : memref<50176xf32, #tpu.memory_space<vmem_shared>> -> memref<784xf32, #tpu.memory_space<vmem_shared>>
        %dma_wait3A_100 = tpu.memref_slice %arg27[%add3A_52] : memref<50176xf32, #tpu.memory_space<vmem_shared>> -> memref<784xf32, #tpu.memory_space<vmem_shared>>
        tpu.wait_dma2 semaphore(%run_scoped3A : memref<!tpu.dma_semaphore, #tpu.memory_space<semaphore_mem>>) src(%arg25 : memref<784xf32, #tpu.memory_space<vmem>>) dst(%dma_wait3A_100 : memref<784xf32, #tpu.memory_space<vmem_shared>>)
        tpu.yield
      }) : () -> ()
      %add3A_53 = arith.constant 2352 : i32
      %add3A_54 = arith.addi %mul3A_4, %add3A_53 : i32
      "tpu.region"() ({
        %run_scoped3A = tpu.sem_alloc : memref<!tpu.dma_semaphore, #tpu.memory_space<semaphore_mem>>
        %dma_start3A_97 = tpu.memref_slice %arg27[%add3A_54] : memref<50176xf32, #tpu.memory_space<vmem_shared>> -> memref<784xf32, #tpu.memory_space<vmem_shared>>
        %dma_start3A_98 = tpu.memref_slice %arg27[%add3A_54] : memref<50176xf32, #tpu.memory_space<vmem_shared>> -> memref<784xf32, #tpu.memory_space<vmem_shared>>
        tpu.enqueue_dma source(%arg25 : memref<784xf32, #tpu.memory_space<vmem>>) target(%dma_start3A_98 : memref<784xf32, #tpu.memory_space<vmem_shared>>) target_semaphore(%run_scoped3A : memref<!tpu.dma_semaphore, #tpu.memory_space<semaphore_mem>>)
        %dma_wait3A_99 = tpu.memref_slice %arg27[%add3A_54] : memref<50176xf32, #tpu.memory_space<vmem_shared>> -> memref<784xf32, #tpu.memory_space<vmem_shared>>
        %dma_wait3A_100 = tpu.memref_slice %arg27[%add3A_54] : memref<50176xf32, #tpu.memory_space<vmem_shared>> -> memref<784xf32, #tpu.memory_space<vmem_shared>>
        tpu.wait_dma2 semaphore(%run_scoped3A : memref<!tpu.dma_semaphore, #tpu.memory_space<semaphore_mem>>) src(%arg25 : memref<784xf32, #tpu.memory_space<vmem>>) dst(%dma_wait3A_100 : memref<784xf32, #tpu.memory_space<vmem_shared>>)
        tpu.yield
      }) : () -> ()
      %barrier3A_55 = arith.constant 0 : index
      tpu.barrier barrier_id(%barrier3A_55)
      %scan3A_56 = arith.constant 0 : i32
      %scan3A_57 = arith.constant 0 : i32
      %scan3A_58 = arith.constant 312 : i32
      %scan3A_59 = arith.addi %scan3A_57, %scan3A_58 : i32
      %scan3A_60 = arith.constant 1 : i32
      %scan3A_61 = scf.for %scan3A_97 = %scan3A_57 to %scan3A_59 step %scan3A_60 iter_args(%scan3A_98 = %scan3A_56) -> (i32)  : i32 {
        %mul3A_99 = arith.constant 50000 : i32
        %mul3A_100 = arith.muli %arg1, %mul3A_99 : i32
        %mul3A_101 = arith.constant 160 : i32
        %mul3A_102 = arith.muli %scan3A_97, %mul3A_101 : i32
        %add3A_103 = arith.addi %mul3A_100, %mul3A_102 : i32
        %add3A_104 = arith.constant 0 : i32
        %add3A_105 = arith.addi %add3A_103, %add3A_104 : i32
        %dma_start3A_106 = tpu.memref_slice %arg5[%add3A_105] : memref<800000xi32, #tpu.memory_space<hbm>> -> memref<80xi32, #tpu.memory_space<hbm>>
        %dma_start3A_107 = tpu.memref_slice %arg5[%add3A_105] : memref<800000xi32, #tpu.memory_space<hbm>> -> memref<80xi32, #tpu.memory_space<hbm>>
        tpu.enqueue_dma source(%dma_start3A_107 : memref<80xi32, #tpu.memory_space<hbm>>) target(%arg14 : memref<80xi32, #tpu.memory_space<vmem>>) target_semaphore(%arg28 : memref<!tpu.dma_semaphore, #tpu.memory_space<semaphore_mem>>)
        %add3A_108 = arith.constant 0 : i32
        %add3A_109 = arith.addi %add3A_103, %add3A_108 : i32
        %dma_start3A_110 = tpu.memref_slice %arg6[%add3A_109] : memref<800000xi32, #tpu.memory_space<hbm>> -> memref<80xi32, #tpu.memory_space<hbm>>
        %dma_start3A_111 = tpu.memref_slice %arg6[%add3A_109] : memref<800000xi32, #tpu.memory_space<hbm>> -> memref<80xi32, #tpu.memory_space<hbm>>
        tpu.enqueue_dma source(%dma_start3A_111 : memref<80xi32, #tpu.memory_space<hbm>>) target(%arg15 : memref<80xi32, #tpu.memory_space<vmem>>) target_semaphore(%arg29 : memref<!tpu.dma_semaphore, #tpu.memory_space<semaphore_mem>>)
        %add3A_112 = arith.constant 80 : i32
        %add3A_113 = arith.addi %add3A_103, %add3A_112 : i32
        %dma_start3A_114 = tpu.memref_slice %arg5[%add3A_113] : memref<800000xi32, #tpu.memory_space<hbm>> -> memref<80xi32, #tpu.memory_space<hbm>>
        %dma_start3A_115 = tpu.memref_slice %arg5[%add3A_113] : memref<800000xi32, #tpu.memory_space<hbm>> -> memref<80xi32, #tpu.memory_space<hbm>>
        tpu.enqueue_dma source(%dma_start3A_115 : memref<80xi32, #tpu.memory_space<hbm>>) target(%arg19 : memref<80xi32, #tpu.memory_space<vmem>>) target_semaphore(%arg33 : memref<!tpu.dma_semaphore, #tpu.memory_space<semaphore_mem>>)
        %add3A_116 = arith.constant 80 : i32
        %add3A_117 = arith.addi %add3A_103, %add3A_116 : i32
        %dma_start3A_118 = tpu.memref_slice %arg6[%add3A_117] : memref<800000xi32, #tpu.memory_space<hbm>> -> memref<80xi32, #tpu.memory_space<hbm>>
        %dma_start3A_119 = tpu.memref_slice %arg6[%add3A_117] : memref<800000xi32, #tpu.memory_space<hbm>> -> memref<80xi32, #tpu.memory_space<hbm>>
        tpu.enqueue_dma source(%dma_start3A_119 : memref<80xi32, #tpu.memory_space<hbm>>) target(%arg20 : memref<80xi32, #tpu.memory_space<vmem>>) target_semaphore(%arg34 : memref<!tpu.dma_semaphore, #tpu.memory_space<semaphore_mem>>)
        %dma_wait3A_120 = tpu.memref_slice %arg5[%add3A_105] : memref<800000xi32, #tpu.memory_space<hbm>> -> memref<80xi32, #tpu.memory_space<hbm>>
        %dma_wait3A_121 = tpu.memref_slice %arg5[%add3A_105] : memref<800000xi32, #tpu.memory_space<hbm>> -> memref<80xi32, #tpu.memory_space<hbm>>
        tpu.wait_dma2 semaphore(%arg28 : memref<!tpu.dma_semaphore, #tpu.memory_space<semaphore_mem>>) src(%dma_wait3A_121 : memref<80xi32, #tpu.memory_space<hbm>>) dst(%arg14 : memref<80xi32, #tpu.memory_space<vmem>>)
        %dma_wait3A_122 = tpu.memref_slice %arg6[%add3A_109] : memref<800000xi32, #tpu.memory_space<hbm>> -> memref<80xi32, #tpu.memory_space<hbm>>
        %dma_wait3A_123 = tpu.memref_slice %arg6[%add3A_109] : memref<800000xi32, #tpu.memory_space<hbm>> -> memref<80xi32, #tpu.memory_space<hbm>>
        tpu.wait_dma2 semaphore(%arg29 : memref<!tpu.dma_semaphore, #tpu.memory_space<semaphore_mem>>) src(%dma_wait3A_123 : memref<80xi32, #tpu.memory_space<hbm>>) dst(%arg15 : memref<80xi32, #tpu.memory_space<vmem>>)
        %scan3A_124 = arith.constant 0 : i32
        %scan3A_125 = arith.constant 0 : i32
        %scan3A_126 = arith.constant 5 : i32
        %scan3A_127 = arith.addi %scan3A_125, %scan3A_126 : i32
        %scan3A_128 = arith.constant 1 : i32
        %scan3A_129 = scf.for %scan3A_175 = %scan3A_125 to %scan3A_127 step %scan3A_128 iter_args(%scan3A_176 = %scan3A_124) -> (i32)  : i32 {
          %mul3A_177 = arith.constant 16 : i32
          %mul3A_178 = arith.muli %scan3A_175, %mul3A_177 : i32
          %get3A = arith.index_cast %mul3A_178 : i32 to index
          %get3A_179 = tpu.vector_load %arg14[%get3A] {strides = array<i32>} : memref<80xi32, #tpu.memory_space<vmem>>, vector<16xi32>,
          %get3A_180 = vector.shape_cast %get3A_179 : vector<16xi32> to vector<16xi32>
          %mul3A_181 = arith.constant 16 : i32
          %mul3A_182 = arith.muli %scan3A_175, %mul3A_181 : i32
          %get3A_183 = arith.index_cast %mul3A_182 : i32 to index
          %get3A_184 = tpu.vector_load %arg15[%get3A_183] {strides = array<i32>} : memref<80xi32, #tpu.memory_space<vmem>>, vector<16xi32>,
          %get3A_185 = vector.shape_cast %get3A_184 : vector<16xi32> to vector<16xi32>
          %add3A_186 = vector.broadcast %mul3A_0 : i32 to vector<16xi32>
          %add3A_187 = arith.addi %get3A_180, %add3A_186 : vector<16xi32>
          %and3A = arith.constant 3 : i32
          %and3A_188 = vector.broadcast %and3A : i32 to vector<16xi32>
          %and3A_189 = arith.andi %get3A_185, %and3A_188 : vector<16xi32>
          %mul3A_190 = arith.constant 100000 : i32
          %mul3A_191 = vector.broadcast %mul3A_190 : i32 to vector<16xi32>
          %mul3A_192 = arith.muli %and3A_189, %mul3A_191 : vector<16xi32>
          %add3A_193 = arith.addi %add3A_187, %mul3A_192 : vector<16xi32>
          %mul3A_194 = arith.constant 16 : i32
          %mul3A_195 = arith.muli %scan3A_175, %mul3A_194 : i32
          %swap3A = arith.index_cast %mul3A_195 : i32 to index
          %swap3A_196 = tpu.vector_load %arg16[%swap3A] {strides = array<i32>} : memref<80xi32, #tpu.memory_space<vmem>>, vector<16xi32>,
          %swap3A_197 = vector.shape_cast %swap3A_196 : vector<16xi32> to vector<16xi32>
          %swap3A_198 = vector.shape_cast %add3A_193 : vector<16xi32> to vector<16xi32>
          tpu.vector_store %arg16[%swap3A], %swap3A_198 {strides = array<i32>} : memref<80xi32, #tpu.memory_space<vmem>>, vector<16xi32>,
          %shift_right_logical3A = arith.constant 2 : i32
          %shift_right_logical3A_199 = vector.broadcast %shift_right_logical3A : i32 to vector<16xi32>
          %shift_right_logical3A_200 = arith.shrui %get3A_185, %shift_right_logical3A_199 : vector<16xi32>
          %mul3A_201 = arith.constant 16 : i32
          %mul3A_202 = arith.muli %scan3A_175, %mul3A_201 : i32
          %swap3A_203 = arith.index_cast %mul3A_202 : i32 to index
          %swap3A_204 = tpu.vector_load %arg17[%swap3A_203] {strides = array<i32>} : memref<80xi32, #tpu.memory_space<vmem>>, vector<16xi32>,
          %swap3A_205 = vector.shape_cast %swap3A_204 : vector<16xi32> to vector<16xi32>
          %swap3A_206 = vector.shape_cast %shift_right_logical3A_200 : vector<16xi32> to vector<16xi32>
          tpu.vector_store %arg17[%swap3A_203], %swap3A_206 {strides = array<i32>} : memref<80xi32, #tpu.memory_space<vmem>>, vector<16xi32>,
          %scan3A_207 = arith.constant 0 : i32
          scf.yield %scan3A_207 : i32
        }
        %scan3A_130 = arith.constant 5 : i32
        %dma_start3A_131 = arith.constant 0 : i32
        %dma_start3A_132 = arith.constant 0 : i32
        %dma_start3A_133 = tpu.memref_slice %arg2[%dma_start3A_131, %dma_start3A_132] : memref<400000x128xf32, #tpu.memory_space<hbm>> -> memref<400000x128xf32, #tpu.memory_space<hbm>>
        tpu.enqueue_indirect_dma source(%dma_start3A_133 : memref<400000x128xf32, #tpu.memory_space<hbm>>) target(%arg18 : memref<80x128xf32, #tpu.memory_space<vmem>>) offsets(%arg16 : memref<80xi32, #tpu.memory_space<vmem>>) semaphore(%arg30 : memref<!tpu.dma_semaphore, #tpu.memory_space<semaphore_mem>>)
        %dma_wait3A_134 = tpu.memref_slice %arg5[%add3A_113] : memref<800000xi32, #tpu.memory_space<hbm>> -> memref<80xi32, #tpu.memory_space<hbm>>
        %dma_wait3A_135 = tpu.memref_slice %arg5[%add3A_113] : memref<800000xi32, #tpu.memory_space<hbm>> -> memref<80xi32, #tpu.memory_space<hbm>>
        tpu.wait_dma2 semaphore(%arg33 : memref<!tpu.dma_semaphore, #tpu.memory_space<semaphore_mem>>) src(%dma_wait3A_135 : memref<80xi32, #tpu.memory_space<hbm>>) dst(%arg19 : memref<80xi32, #tpu.memory_space<vmem>>)
        %dma_wait3A_136 = tpu.memref_slice %arg6[%add3A_117] : memref<800000xi32, #tpu.memory_space<hbm>> -> memref<80xi32, #tpu.memory_space<hbm>>
        %dma_wait3A_137 = tpu.memref_slice %arg6[%add3A_117] : memref<800000xi32, #tpu.memory_space<hbm>> -> memref<80xi32, #tpu.memory_space<hbm>>
        tpu.wait_dma2 semaphore(%arg34 : memref<!tpu.dma_semaphore, #tpu.memory_space<semaphore_mem>>) src(%dma_wait3A_137 : memref<80xi32, #tpu.memory_space<hbm>>) dst(%arg20 : memref<80xi32, #tpu.memory_space<vmem>>)
        %scan3A_138 = arith.constant 0 : i32
        %scan3A_139 = arith.constant 0 : i32
        %scan3A_140 = arith.constant 5 : i32
        %scan3A_141 = arith.addi %scan3A_139, %scan3A_140 : i32
        %scan3A_142 = arith.constant 1 : i32
        %scan3A_143 = scf.for %scan3A_175 = %scan3A_139 to %scan3A_141 step %scan3A_142 iter_args(%scan3A_176 = %scan3A_138) -> (i32)  : i32 {
          %mul3A_177 = arith.constant 16 : i32
          %mul3A_178 = arith.muli %scan3A_175, %mul3A_177 : i32
          %get3A = arith.index_cast %mul3A_178 : i32 to index
          %get3A_179 = tpu.vector_load %arg19[%get3A] {strides = array<i32>} : memref<80xi32, #tpu.memory_space<vmem>>, vector<16xi32>,
          %get3A_180 = vector.shape_cast %get3A_179 : vector<16xi32> to vector<16xi32>
          %mul3A_181 = arith.constant 16 : i32
          %mul3A_182 = arith.muli %scan3A_175, %mul3A_181 : i32
          %get3A_183 = arith.index_cast %mul3A_182 : i32 to index
          %get3A_184 = tpu.vector_load %arg20[%get3A_183] {strides = array<i32>} : memref<80xi32, #tpu.memory_space<vmem>>, vector<16xi32>,
          %get3A_185 = vector.shape_cast %get3A_184 : vector<16xi32> to vector<16xi32>
          %add3A_186 = vector.broadcast %mul3A_0 : i32 to vector<16xi32>
          %add3A_187 = arith.addi %get3A_180, %add3A_186 : vector<16xi32>
          %and3A = arith.constant 3 : i32
          %and3A_188 = vector.broadcast %and3A : i32 to vector<16xi32>
          %and3A_189 = arith.andi %get3A_185, %and3A_188 : vector<16xi32>
          %mul3A_190 = arith.constant 100000 : i32
          %mul3A_191 = vector.broadcast %mul3A_190 : i32 to vector<16xi32>
          %mul3A_192 = arith.muli %and3A_189, %mul3A_191 : vector<16xi32>
          %add3A_193 = arith.addi %add3A_187, %mul3A_192 : vector<16xi32>
          %mul3A_194 = arith.constant 16 : i32
          %mul3A_195 = arith.muli %scan3A_175, %mul3A_194 : i32
          %swap3A = arith.index_cast %mul3A_195 : i32 to index
          %swap3A_196 = tpu.vector_load %arg21[%swap3A] {strides = array<i32>} : memref<80xi32, #tpu.memory_space<vmem>>, vector<16xi32>,
          %swap3A_197 = vector.shape_cast %swap3A_196 : vector<16xi32> to vector<16xi32>
          %swap3A_198 = vector.shape_cast %add3A_193 : vector<16xi32> to vector<16xi32>
          tpu.vector_store %arg21[%swap3A], %swap3A_198 {strides = array<i32>} : memref<80xi32, #tpu.memory_space<vmem>>, vector<16xi32>,
          %shift_right_logical3A = arith.constant 2 : i32
          %shift_right_logical3A_199 = vector.broadcast %shift_right_logical3A : i32 to vector<16xi32>
          %shift_right_logical3A_200 = arith.shrui %get3A_185, %shift_right_logical3A_199 : vector<16xi32>
          %mul3A_201 = arith.constant 16 : i32
          %mul3A_202 = arith.muli %scan3A_175, %mul3A_201 : i32
          %swap3A_203 = arith.index_cast %mul3A_202 : i32 to index
          %swap3A_204 = tpu.vector_load %arg22[%swap3A_203] {strides = array<i32>} : memref<80xi32, #tpu.memory_space<vmem>>, vector<16xi32>,
          %swap3A_205 = vector.shape_cast %swap3A_204 : vector<16xi32> to vector<16xi32>
          %swap3A_206 = vector.shape_cast %shift_right_logical3A_200 : vector<16xi32> to vector<16xi32>
          tpu.vector_store %arg22[%swap3A_203], %swap3A_206 {strides = array<i32>} : memref<80xi32, #tpu.memory_space<vmem>>, vector<16xi32>,
          %scan3A_207 = arith.constant 0 : i32
          scf.yield %scan3A_207 : i32
        }
        %scan3A_144 = arith.constant 5 : i32
        %dma_start3A_145 = arith.constant 0 : i32
        %dma_start3A_146 = arith.constant 0 : i32
        %dma_start3A_147 = tpu.memref_slice %arg2[%dma_start3A_145, %dma_start3A_146] : memref<400000x128xf32, #tpu.memory_space<hbm>> -> memref<400000x128xf32, #tpu.memory_space<hbm>>
        tpu.enqueue_indirect_dma source(%dma_start3A_147 : memref<400000x128xf32, #tpu.memory_space<hbm>>) target(%arg23 : memref<80x128xf32, #tpu.memory_space<vmem>>) offsets(%arg21 : memref<80xi32, #tpu.memory_space<vmem>>) semaphore(%arg35 : memref<!tpu.dma_semaphore, #tpu.memory_space<semaphore_mem>>)
        %dma_wait3A_148 = arith.constant 0 : i32
        %dma_wait3A_149 = arith.constant 0 : i32
        %dma_wait3A_150 = tpu.memref_slice %arg2[%dma_wait3A_148, %dma_wait3A_149] : memref<400000x128xf32, #tpu.memory_space<hbm>> -> memref<400000x128xf32, #tpu.memory_space<hbm>>
        tpu.wait_indirect_dma semaphore(%arg30 : memref<!tpu.dma_semaphore, #tpu.memory_space<semaphore_mem>>) src(%dma_wait3A_150 : memref<400000x128xf32, #tpu.memory_space<hbm>>) dst(%arg18 : memref<80x128xf32, #tpu.memory_space<vmem>>)
        %dma_start3A_151 = arith.constant 0 : i32
        %dma_start3A_152 = arith.constant 0 : i32
        %dma_start3A_153 = tpu.memref_slice %arg26[%dma_start3A_151, %dma_start3A_152] : memref<12544x128xf32, #tpu.memory_space<vmem_shared>> -> memref<12544x128xf32, #tpu.memory_space<vmem_shared>>
        tpu.enqueue_indirect_dma source(%arg18 : memref<80x128xf32, #tpu.memory_space<vmem>>) target(%dma_start3A_153 : memref<12544x128xf32, #tpu.memory_space<vmem_shared>>) offsets(%arg17 : memref<80xi32, #tpu.memory_space<vmem>>) semaphore(%arg31 : memref<!tpu.dma_semaphore, #tpu.memory_space<semaphore_mem>>) {add = true}
        %dma_start3A_154 = arith.constant 0 : i32
        %dma_start3A_155 = tpu.memref_slice %arg27[%dma_start3A_154] : memref<50176xf32, #tpu.memory_space<vmem_shared>> -> memref<50176xf32, #tpu.memory_space<vmem_shared>>
        tpu.enqueue_indirect_dma source(%arg24 : memref<80xf32, #tpu.memory_space<vmem>>) target(%dma_start3A_155 : memref<50176xf32, #tpu.memory_space<vmem_shared>>) offsets(%arg15 : memref<80xi32, #tpu.memory_space<vmem>>) semaphore(%arg32 : memref<!tpu.dma_semaphore, #tpu.memory_space<semaphore_mem>>) {add = true}
        %dma_wait3A_156 = arith.constant 0 : i32
        %dma_wait3A_157 = arith.constant 0 : i32
        %dma_wait3A_158 = tpu.memref_slice %arg2[%dma_wait3A_156, %dma_wait3A_157] : memref<400000x128xf32, #tpu.memory_space<hbm>> -> memref<400000x128xf32, #tpu.memory_space<hbm>>
        tpu.wait_indirect_dma semaphore(%arg35 : memref<!tpu.dma_semaphore, #tpu.memory_space<semaphore_mem>>) src(%dma_wait3A_158 : memref<400000x128xf32, #tpu.memory_space<hbm>>) dst(%arg23 : memref<80x128xf32, #tpu.memory_space<vmem>>)
        %dma_start3A_159 = arith.constant 0 : i32
        %dma_start3A_160 = arith.constant 0 : i32
        %dma_start3A_161 = tpu.memref_slice %arg26[%dma_start3A_159, %dma_start3A_160] : memref<12544x128xf32, #tpu.memory_space<vmem_shared>> -> memref<12544x128xf32, #tpu.memory_space<vmem_shared>>
        tpu.enqueue_indirect_dma source(%arg23 : memref<80x128xf32, #tpu.memory_space<vmem>>) target(%dma_start3A_161 : memref<12544x128xf32, #tpu.memory_space<vmem_shared>>) offsets(%arg22 : memref<80xi32, #tpu.memory_space<vmem>>) semaphore(%arg36 : memref<!tpu.dma_semaphore, #tpu.memory_space<semaphore_mem>>) {add = true}
        %dma_start3A_162 = arith.constant 0 : i32
        %dma_start3A_163 = tpu.memref_slice %arg27[%dma_start3A_162] : memref<50176xf32, #tpu.memory_space<vmem_shared>> -> memref<50176xf32, #tpu.memory_space<vmem_shared>>
        tpu.enqueue_indirect_dma source(%arg24 : memref<80xf32, #tpu.memory_space<vmem>>) target(%dma_start3A_163 : memref<50176xf32, #tpu.memory_space<vmem_shared>>) offsets(%arg20 : memref<80xi32, #tpu.memory_space<vmem>>) semaphore(%arg37 : memref<!tpu.dma_semaphore, #tpu.memory_space<semaphore_mem>>) {add = true}
        %dma_wait3A_164 = arith.constant 0 : i32
        %dma_wait3A_165 = arith.constant 0 : i32
        %dma_wait3A_166 = tpu.memref_slice %arg26[%dma_wait3A_164, %dma_wait3A_165] : memref<12544x128xf32, #tpu.memory_space<vmem_shared>> -> memref<12544x128xf32, #tpu.memory_space<vmem_shared>>
        tpu.wait_indirect_dma semaphore(%arg31 : memref<!tpu.dma_semaphore, #tpu.memory_space<semaphore_mem>>) src(%arg18 : memref<80x128xf32, #tpu.memory_space<vmem>>) dst(%dma_wait3A_166 : memref<12544x128xf32, #tpu.memory_space<vmem_shared>>)
        %dma_wait3A_167 = arith.constant 0 : i32
        %dma_wait3A_168 = tpu.memref_slice %arg27[%dma_wait3A_167] : memref<50176xf32, #tpu.memory_space<vmem_shared>> -> memref<50176xf32, #tpu.memory_space<vmem_shared>>
        tpu.wait_indirect_dma semaphore(%arg32 : memref<!tpu.dma_semaphore, #tpu.memory_space<semaphore_mem>>) src(%arg24 : memref<80xf32, #tpu.memory_space<vmem>>) dst(%dma_wait3A_168 : memref<50176xf32, #tpu.memory_space<vmem_shared>>)
        %dma_wait3A_169 = arith.constant 0 : i32
        %dma_wait3A_170 = arith.constant 0 : i32
        %dma_wait3A_171 = tpu.memref_slice %arg26[%dma_wait3A_169, %dma_wait3A_170] : memref<12544x128xf32, #tpu.memory_space<vmem_shared>> -> memref<12544x128xf32, #tpu.memory_space<vmem_shared>>
        tpu.wait_indirect_dma semaphore(%arg36 : memref<!tpu.dma_semaphore, #tpu.memory_space<semaphore_mem>>) src(%arg23 : memref<80x128xf32, #tpu.memory_space<vmem>>) dst(%dma_wait3A_171 : memref<12544x128xf32, #tpu.memory_space<vmem_shared>>)
        %dma_wait3A_172 = arith.constant 0 : i32
        %dma_wait3A_173 = tpu.memref_slice %arg27[%dma_wait3A_172] : memref<50176xf32, #tpu.memory_space<vmem_shared>> -> memref<50176xf32, #tpu.memory_space<vmem_shared>>
        tpu.wait_indirect_dma semaphore(%arg37 : memref<!tpu.dma_semaphore, #tpu.memory_space<semaphore_mem>>) src(%arg24 : memref<80xf32, #tpu.memory_space<vmem>>) dst(%dma_wait3A_173 : memref<50176xf32, #tpu.memory_space<vmem_shared>>)
        %scan3A_174 = arith.constant 0 : i32
        scf.yield %scan3A_174 : i32
      }
      %scan3A_62 = arith.constant 312 : i32
      %mul3A_63 = arith.constant 50000 : i32
      %mul3A_64 = arith.muli %arg1, %mul3A_63 : i32
      %add3A_65 = arith.constant 49920 : i32
      %add3A_66 = arith.addi %mul3A_64, %add3A_65 : i32
      "tpu.region"() ({
        %run_scoped3A = tpu.sem_alloc : memref<!tpu.dma_semaphore, #tpu.memory_space<semaphore_mem>>
        %dma_start3A_97 = tpu.memref_slice %arg5[%add3A_66] : memref<800000xi32, #tpu.memory_space<hbm>> -> memref<80xi32, #tpu.memory_space<hbm>>
        %dma_start3A_98 = tpu.memref_slice %arg5[%add3A_66] : memref<800000xi32, #tpu.memory_space<hbm>> -> memref<80xi32, #tpu.memory_space<hbm>>
        tpu.enqueue_dma source(%dma_start3A_98 : memref<80xi32, #tpu.memory_space<hbm>>) target(%arg14 : memref<80xi32, #tpu.memory_space<vmem>>) target_semaphore(%run_scoped3A : memref<!tpu.dma_semaphore, #tpu.memory_space<semaphore_mem>>)
        %dma_wait3A_99 = tpu.memref_slice %arg5[%add3A_66] : memref<800000xi32, #tpu.memory_space<hbm>> -> memref<80xi32, #tpu.memory_space<hbm>>
        %dma_wait3A_100 = tpu.memref_slice %arg5[%add3A_66] : memref<800000xi32, #tpu.memory_space<hbm>> -> memref<80xi32, #tpu.memory_space<hbm>>
        tpu.wait_dma2 semaphore(%run_scoped3A : memref<!tpu.dma_semaphore, #tpu.memory_space<semaphore_mem>>) src(%dma_wait3A_100 : memref<80xi32, #tpu.memory_space<hbm>>) dst(%arg14 : memref<80xi32, #tpu.memory_space<vmem>>)
        tpu.yield
      }) : () -> ()
      "tpu.region"() ({
        %run_scoped3A = tpu.sem_alloc : memref<!tpu.dma_semaphore, #tpu.memory_space<semaphore_mem>>
        %dma_start3A_97 = tpu.memref_slice %arg6[%add3A_66] : memref<800000xi32, #tpu.memory_space<hbm>> -> memref<80xi32, #tpu.memory_space<hbm>>
        %dma_start3A_98 = tpu.memref_slice %arg6[%add3A_66] : memref<800000xi32, #tpu.memory_space<hbm>> -> memref<80xi32, #tpu.memory_space<hbm>>
        tpu.enqueue_dma source(%dma_start3A_98 : memref<80xi32, #tpu.memory_space<hbm>>) target(%arg15 : memref<80xi32, #tpu.memory_space<vmem>>) target_semaphore(%run_scoped3A : memref<!tpu.dma_semaphore, #tpu.memory_space<semaphore_mem>>)
        %dma_wait3A_99 = tpu.memref_slice %arg6[%add3A_66] : memref<800000xi32, #tpu.memory_space<hbm>> -> memref<80xi32, #tpu.memory_space<hbm>>
        %dma_wait3A_100 = tpu.memref_slice %arg6[%add3A_66] : memref<800000xi32, #tpu.memory_space<hbm>> -> memref<80xi32, #tpu.memory_space<hbm>>
        tpu.wait_dma2 semaphore(%run_scoped3A : memref<!tpu.dma_semaphore, #tpu.memory_space<semaphore_mem>>) src(%dma_wait3A_100 : memref<80xi32, #tpu.memory_space<hbm>>) dst(%arg15 : memref<80xi32, #tpu.memory_space<vmem>>)
        tpu.yield
      }) : () -> ()
      %scan3A_67 = arith.constant 0 : i32
      %scan3A_68 = arith.constant 0 : i32
      %scan3A_69 = arith.constant 5 : i32
      %scan3A_70 = arith.addi %scan3A_68, %scan3A_69 : i32
      %scan3A_71 = arith.constant 1 : i32
      %scan3A_72 = scf.for %scan3A_97 = %scan3A_68 to %scan3A_70 step %scan3A_71 iter_args(%scan3A_98 = %scan3A_67) -> (i32)  : i32 {
        %mul3A_99 = arith.constant 16 : i32
        %mul3A_100 = arith.muli %scan3A_97, %mul3A_99 : i32
        %get3A = arith.index_cast %mul3A_100 : i32 to index
        %get3A_101 = tpu.vector_load %arg14[%get3A] {strides = array<i32>} : memref<80xi32, #tpu.memory_space<vmem>>, vector<16xi32>,
        %get3A_102 = vector.shape_cast %get3A_101 : vector<16xi32> to vector<16xi32>
        %mul3A_103 = arith.constant 16 : i32
        %mul3A_104 = arith.muli %scan3A_97, %mul3A_103 : i32
        %get3A_105 = arith.index_cast %mul3A_104 : i32 to index
        %get3A_106 = tpu.vector_load %arg15[%get3A_105] {strides = array<i32>} : memref<80xi32, #tpu.memory_space<vmem>>, vector<16xi32>,
        %get3A_107 = vector.shape_cast %get3A_106 : vector<16xi32> to vector<16xi32>
        %add3A_108 = vector.broadcast %mul3A_0 : i32 to vector<16xi32>
        %add3A_109 = arith.addi %get3A_102, %add3A_108 : vector<16xi32>
        %and3A = arith.constant 3 : i32
        %and3A_110 = vector.broadcast %and3A : i32 to vector<16xi32>
        %and3A_111 = arith.andi %get3A_107, %and3A_110 : vector<16xi32>
        %mul3A_112 = arith.constant 100000 : i32
        %mul3A_113 = vector.broadcast %mul3A_112 : i32 to vector<16xi32>
        %mul3A_114 = arith.muli %and3A_111, %mul3A_113 : vector<16xi32>
        %add3A_115 = arith.addi %add3A_109, %mul3A_114 : vector<16xi32>
        %mul3A_116 = arith.constant 16 : i32
        %mul3A_117 = arith.muli %scan3A_97, %mul3A_116 : i32
        %swap3A = arith.index_cast %mul3A_117 : i32 to index
        %swap3A_118 = tpu.vector_load %arg16[%swap3A] {strides = array<i32>} : memref<80xi32, #tpu.memory_space<vmem>>, vector<16xi32>,
        %swap3A_119 = vector.shape_cast %swap3A_118 : vector<16xi32> to vector<16xi32>
        %swap3A_120 = vector.shape_cast %add3A_115 : vector<16xi32> to vector<16xi32>
        tpu.vector_store %arg16[%swap3A], %swap3A_120 {strides = array<i32>} : memref<80xi32, #tpu.memory_space<vmem>>, vector<16xi32>,
        %shift_right_logical3A = arith.constant 2 : i32
        %shift_right_logical3A_121 = vector.broadcast %shift_right_logical3A : i32 to vector<16xi32>
        %shift_right_logical3A_122 = arith.shrui %get3A_107, %shift_right_logical3A_121 : vector<16xi32>
        %mul3A_123 = arith.constant 16 : i32
        %mul3A_124 = arith.muli %scan3A_97, %mul3A_123 : i32
        %swap3A_125 = arith.index_cast %mul3A_124 : i32 to index
        %swap3A_126 = tpu.vector_load %arg17[%swap3A_125] {strides = array<i32>} : memref<80xi32, #tpu.memory_space<vmem>>, vector<16xi32>,
        %swap3A_127 = vector.shape_cast %swap3A_126 : vector<16xi32> to vector<16xi32>
        %swap3A_128 = vector.shape_cast %shift_right_logical3A_122 : vector<16xi32> to vector<16xi32>
        tpu.vector_store %arg17[%swap3A_125], %swap3A_128 {strides = array<i32>} : memref<80xi32, #tpu.memory_space<vmem>>, vector<16xi32>,
        %scan3A_129 = arith.constant 0 : i32
        scf.yield %scan3A_129 : i32
      }
      %scan3A_73 = arith.constant 5 : i32
      %dma_start3A_74 = arith.constant 0 : i32
      %dma_start3A_75 = arith.constant 0 : i32
      %dma_start3A_76 = tpu.memref_slice %arg2[%dma_start3A_74, %dma_start3A_75] : memref<400000x128xf32, #tpu.memory_space<hbm>> -> memref<400000x128xf32, #tpu.memory_space<hbm>>
      tpu.enqueue_indirect_dma source(%dma_start3A_76 : memref<400000x128xf32, #tpu.memory_space<hbm>>) target(%arg18 : memref<80x128xf32, #tpu.memory_space<vmem>>) offsets(%arg16 : memref<80xi32, #tpu.memory_space<vmem>>) semaphore(%arg30 : memref<!tpu.dma_semaphore, #tpu.memory_space<semaphore_mem>>)
      %dma_wait3A_77 = arith.constant 0 : i32
      %dma_wait3A_78 = arith.constant 0 : i32
      %dma_wait3A_79 = tpu.memref_slice %arg2[%dma_wait3A_77, %dma_wait3A_78] : memref<400000x128xf32, #tpu.memory_space<hbm>> -> memref<400000x128xf32, #tpu.memory_space<hbm>>
      tpu.wait_indirect_dma semaphore(%arg30 : memref<!tpu.dma_semaphore, #tpu.memory_space<semaphore_mem>>) src(%dma_wait3A_79 : memref<400000x128xf32, #tpu.memory_space<hbm>>) dst(%arg18 : memref<80x128xf32, #tpu.memory_space<vmem>>)
      "tpu.region"() ({
        %run_scoped3A = tpu.sem_alloc : memref<!tpu.dma_semaphore, #tpu.memory_space<semaphore_mem>>
        %dma_start3A_97 = arith.constant 0 : i32
        %dma_start3A_98 = arith.constant 0 : i32
        %dma_start3A_99 = tpu.memref_slice %arg26[%dma_start3A_97, %dma_start3A_98] : memref<12544x128xf32, #tpu.memory_space<vmem_shared>> -> memref<12544x128xf32, #tpu.memory_space<vmem_shared>>
        tpu.enqueue_indirect_dma source(%arg18 : memref<80x128xf32, #tpu.memory_space<vmem>>) target(%dma_start3A_99 : memref<12544x128xf32, #tpu.memory_space<vmem_shared>>) offsets(%arg17 : memref<80xi32, #tpu.memory_space<vmem>>) semaphore(%run_scoped3A : memref<!tpu.dma_semaphore, #tpu.memory_space<semaphore_mem>>) {add = true}
        %dma_wait3A_100 = arith.constant 0 : i32
        %dma_wait3A_101 = arith.constant 0 : i32
        %dma_wait3A_102 = tpu.memref_slice %arg26[%dma_wait3A_100, %dma_wait3A_101] : memref<12544x128xf32, #tpu.memory_space<vmem_shared>> -> memref<12544x128xf32, #tpu.memory_space<vmem_shared>>
        tpu.wait_indirect_dma semaphore(%run_scoped3A : memref<!tpu.dma_semaphore, #tpu.memory_space<semaphore_mem>>) src(%arg18 : memref<80x128xf32, #tpu.memory_space<vmem>>) dst(%dma_wait3A_102 : memref<12544x128xf32, #tpu.memory_space<vmem_shared>>)
        tpu.yield
      }) : () -> ()
      "tpu.region"() ({
        %run_scoped3A = tpu.sem_alloc : memref<!tpu.dma_semaphore, #tpu.memory_space<semaphore_mem>>
        %dma_start3A_97 = arith.constant 0 : i32
        %dma_start3A_98 = tpu.memref_slice %arg27[%dma_start3A_97] : memref<50176xf32, #tpu.memory_space<vmem_shared>> -> memref<50176xf32, #tpu.memory_space<vmem_shared>>
        tpu.enqueue_indirect_dma source(%arg24 : memref<80xf32, #tpu.memory_space<vmem>>) target(%dma_start3A_98 : memref<50176xf32, #tpu.memory_space<vmem_shared>>) offsets(%arg15 : memref<80xi32, #tpu.memory_space<vmem>>) semaphore(%run_scoped3A : memref<!tpu.dma_semaphore, #tpu.memory_space<semaphore_mem>>) {add = true}
        %dma_wait3A_99 = arith.constant 0 : i32
        %dma_wait3A_100 = tpu.memref_slice %arg27[%dma_wait3A_99] : memref<50176xf32, #tpu.memory_space<vmem_shared>> -> memref<50176xf32, #tpu.memory_space<vmem_shared>>
        tpu.wait_indirect_dma semaphore(%run_scoped3A : memref<!tpu.dma_semaphore, #tpu.memory_space<semaphore_mem>>) src(%arg24 : memref<80xf32, #tpu.memory_space<vmem>>) dst(%dma_wait3A_100 : memref<50176xf32, #tpu.memory_space<vmem_shared>>)
        tpu.yield
      }) : () -> ()
      %barrier3A_80 = arith.constant 0 : index
      tpu.barrier barrier_id(%barrier3A_80)
      "tpu.region"() ({
        %run_scoped3A = tpu.sem_alloc : memref<!tpu.dma_semaphore, #tpu.memory_space<semaphore_mem>>
        %dma_start3A_97 = arith.constant 0 : i32
        %dma_start3A_98 = tpu.memref_slice %arg11[%mul3A_2, %dma_start3A_97] : memref<12544x128xf32, #tpu.memory_space<hbm>> -> memref<784x128xf32, #tpu.memory_space<hbm>>
        %dma_start3A_99 = arith.constant 0 : i32
        %dma_start3A_100 = tpu.memref_slice %arg26[%mul3A_2, %dma_start3A_99] : memref<12544x128xf32, #tpu.memory_space<vmem_shared>> -> memref<784x128xf32, #tpu.memory_space<vmem_shared>>
        tpu.enqueue_dma source(%dma_start3A_100 : memref<784x128xf32, #tpu.memory_space<vmem_shared>>) target(%dma_start3A_98 : memref<784x128xf32, #tpu.memory_space<hbm>>) target_semaphore(%run_scoped3A : memref<!tpu.dma_semaphore, #tpu.memory_space<semaphore_mem>>)
        %dma_wait3A_101 = arith.constant 0 : i32
        %dma_wait3A_102 = tpu.memref_slice %arg11[%mul3A_2, %dma_wait3A_101] : memref<12544x128xf32, #tpu.memory_space<hbm>> -> memref<784x128xf32, #tpu.memory_space<hbm>>
        %dma_wait3A_103 = arith.constant 0 : i32
        %dma_wait3A_104 = tpu.memref_slice %arg26[%mul3A_2, %dma_wait3A_103] : memref<12544x128xf32, #tpu.memory_space<vmem_shared>> -> memref<784x128xf32, #tpu.memory_space<vmem_shared>>
        tpu.wait_dma2 semaphore(%run_scoped3A : memref<!tpu.dma_semaphore, #tpu.memory_space<semaphore_mem>>) src(%dma_wait3A_104 : memref<784x128xf32, #tpu.memory_space<vmem_shared>>) dst(%dma_wait3A_102 : memref<784x128xf32, #tpu.memory_space<hbm>>)
        tpu.yield
      }) : () -> ()
      %add3A_81 = arith.constant 0 : i32
      %add3A_82 = arith.addi %mul3A_4, %add3A_81 : i32
      "tpu.region"() ({
        %run_scoped3A = tpu.sem_alloc : memref<!tpu.dma_semaphore, #tpu.memory_space<semaphore_mem>>
        %dma_start3A_97 = tpu.memref_slice %arg27[%add3A_82] : memref<50176xf32, #tpu.memory_space<vmem_shared>> -> memref<784xf32, #tpu.memory_space<vmem_shared>>
        %dma_start3A_98 = tpu.memref_slice %arg27[%add3A_82] : memref<50176xf32, #tpu.memory_space<vmem_shared>> -> memref<784xf32, #tpu.memory_space<vmem_shared>>
        tpu.enqueue_dma source(%dma_start3A_98 : memref<784xf32, #tpu.memory_space<vmem_shared>>) target(%arg25 : memref<784xf32, #tpu.memory_space<vmem>>) target_semaphore(%run_scoped3A : memref<!tpu.dma_semaphore, #tpu.memory_space<semaphore_mem>>)
        %dma_wait3A_99 = tpu.memref_slice %arg27[%add3A_82] : memref<50176xf32, #tpu.memory_space<vmem_shared>> -> memref<784xf32, #tpu.memory_space<vmem_shared>>
        %dma_wait3A_100 = tpu.memref_slice %arg27[%add3A_82] : memref<50176xf32, #tpu.memory_space<vmem_shared>> -> memref<784xf32, #tpu.memory_space<vmem_shared>>
        tpu.wait_dma2 semaphore(%run_scoped3A : memref<!tpu.dma_semaphore, #tpu.memory_space<semaphore_mem>>) src(%dma_wait3A_100 : memref<784xf32, #tpu.memory_space<vmem_shared>>) dst(%arg25 : memref<784xf32, #tpu.memory_space<vmem>>)
        tpu.yield
      }) : () -> ()
      %add3A_83 = arith.constant 0 : i32
      %add3A_84 = arith.addi %mul3A_4, %add3A_83 : i32
      "tpu.region"() ({
        %run_scoped3A = tpu.sem_alloc : memref<!tpu.dma_semaphore, #tpu.memory_space<semaphore_mem>>
        %dma_start3A_97 = tpu.memref_slice %arg13[%add3A_84] : memref<50176xf32, #tpu.memory_space<hbm>> -> memref<784xf32, #tpu.memory_space<hbm>>
        %dma_start3A_98 = tpu.memref_slice %arg13[%add3A_84] : memref<50176xf32, #tpu.memory_space<hbm>> -> memref<784xf32, #tpu.memory_space<hbm>>
        tpu.enqueue_dma source(%arg25 : memref<784xf32, #tpu.memory_space<vmem>>) target(%dma_start3A_98 : memref<784xf32, #tpu.memory_space<hbm>>) target_semaphore(%run_scoped3A : memref<!tpu.dma_semaphore, #tpu.memory_space<semaphore_mem>>)
        %dma_wait3A_99 = tpu.memref_slice %arg13[%add3A_84] : memref<50176xf32, #tpu.memory_space<hbm>> -> memref<784xf32, #tpu.memory_space<hbm>>
        %dma_wait3A_100 = tpu.memref_slice %arg13[%add3A_84] : memref<50176xf32, #tpu.memory_space<hbm>> -> memref<784xf32, #tpu.memory_space<hbm>>
        tpu.wait_dma2 semaphore(%run_scoped3A : memref<!tpu.dma_semaphore, #tpu.memory_space<semaphore_mem>>) src(%arg25 : memref<784xf32, #tpu.memory_space<vmem>>) dst(%dma_wait3A_100 : memref<784xf32, #tpu.memory_space<hbm>>)
        tpu.yield
      }) : () -> ()
      %add3A_85 = arith.constant 784 : i32
      %add3A_86 = arith.addi %mul3A_4, %add3A_85 : i32
      "tpu.region"() ({
        %run_scoped3A = tpu.sem_alloc : memref<!tpu.dma_semaphore, #tpu.memory_space<semaphore_mem>>
        %dma_start3A_97 = tpu.memref_slice %arg27[%add3A_86] : memref<50176xf32, #tpu.memory_space<vmem_shared>> -> memref<784xf32, #tpu.memory_space<vmem_shared>>
        %dma_start3A_98 = tpu.memref_slice %arg27[%add3A_86] : memref<50176xf32, #tpu.memory_space<vmem_shared>> -> memref<784xf32, #tpu.memory_space<vmem_shared>>
        tpu.enqueue_dma source(%dma_start3A_98 : memref<784xf32, #tpu.memory_space<vmem_shared>>) target(%arg25 : memref<784xf32, #tpu.memory_space<vmem>>) target_semaphore(%run_scoped3A : memref<!tpu.dma_semaphore, #tpu.memory_space<semaphore_mem>>)
        %dma_wait3A_99 = tpu.memref_slice %arg27[%add3A_86] : memref<50176xf32, #tpu.memory_space<vmem_shared>> -> memref<784xf32, #tpu.memory_space<vmem_shared>>
        %dma_wait3A_100 = tpu.memref_slice %arg27[%add3A_86] : memref<50176xf32, #tpu.memory_space<vmem_shared>> -> memref<784xf32, #tpu.memory_space<vmem_shared>>
        tpu.wait_dma2 semaphore(%run_scoped3A : memref<!tpu.dma_semaphore, #tpu.memory_space<semaphore_mem>>) src(%dma_wait3A_100 : memref<784xf32, #tpu.memory_space<vmem_shared>>) dst(%arg25 : memref<784xf32, #tpu.memory_space<vmem>>)
        tpu.yield
      }) : () -> ()
      %add3A_87 = arith.constant 784 : i32
      %add3A_88 = arith.addi %mul3A_4, %add3A_87 : i32
      "tpu.region"() ({
        %run_scoped3A = tpu.sem_alloc : memref<!tpu.dma_semaphore, #tpu.memory_space<semaphore_mem>>
        %dma_start3A_97 = tpu.memref_slice %arg13[%add3A_88] : memref<50176xf32, #tpu.memory_space<hbm>> -> memref<784xf32, #tpu.memory_space<hbm>>
        %dma_start3A_98 = tpu.memref_slice %arg13[%add3A_88] : memref<50176xf32, #tpu.memory_space<hbm>> -> memref<784xf32, #tpu.memory_space<hbm>>
        tpu.enqueue_dma source(%arg25 : memref<784xf32, #tpu.memory_space<vmem>>) target(%dma_start3A_98 : memref<784xf32, #tpu.memory_space<hbm>>) target_semaphore(%run_scoped3A : memref<!tpu.dma_semaphore, #tpu.memory_space<semaphore_mem>>)
        %dma_wait3A_99 = tpu.memref_slice %arg13[%add3A_88] : memref<50176xf32, #tpu.memory_space<hbm>> -> memref<784xf32, #tpu.memory_space<hbm>>
        %dma_wait3A_100 = tpu.memref_slice %arg13[%add3A_88] : memref<50176xf32, #tpu.memory_space<hbm>> -> memref<784xf32, #tpu.memory_space<hbm>>
        tpu.wait_dma2 semaphore(%run_scoped3A : memref<!tpu.dma_semaphore, #tpu.memory_space<semaphore_mem>>) src(%arg25 : memref<784xf32, #tpu.memory_space<vmem>>) dst(%dma_wait3A_100 : memref<784xf32, #tpu.memory_space<hbm>>)
        tpu.yield
      }) : () -> ()
      %add3A_89 = arith.constant 1568 : i32
      %add3A_90 = arith.addi %mul3A_4, %add3A_89 : i32
      "tpu.region"() ({
        %run_scoped3A = tpu.sem_alloc : memref<!tpu.dma_semaphore, #tpu.memory_space<semaphore_mem>>
        %dma_start3A_97 = tpu.memref_slice %arg27[%add3A_90] : memref<50176xf32, #tpu.memory_space<vmem_shared>> -> memref<784xf32, #tpu.memory_space<vmem_shared>>
        %dma_start3A_98 = tpu.memref_slice %arg27[%add3A_90] : memref<50176xf32, #tpu.memory_space<vmem_shared>> -> memref<784xf32, #tpu.memory_space<vmem_shared>>
        tpu.enqueue_dma source(%dma_start3A_98 : memref<784xf32, #tpu.memory_space<vmem_shared>>) target(%arg25 : memref<784xf32, #tpu.memory_space<vmem>>) target_semaphore(%run_scoped3A : memref<!tpu.dma_semaphore, #tpu.memory_space<semaphore_mem>>)
        %dma_wait3A_99 = tpu.memref_slice %arg27[%add3A_90] : memref<50176xf32, #tpu.memory_space<vmem_shared>> -> memref<784xf32, #tpu.memory_space<vmem_shared>>
        %dma_wait3A_100 = tpu.memref_slice %arg27[%add3A_90] : memref<50176xf32, #tpu.memory_space<vmem_shared>> -> memref<784xf32, #tpu.memory_space<vmem_shared>>
        tpu.wait_dma2 semaphore(%run_scoped3A : memref<!tpu.dma_semaphore, #tpu.memory_space<semaphore_mem>>) src(%dma_wait3A_100 : memref<784xf32, #tpu.memory_space<vmem_shared>>) dst(%arg25 : memref<784xf32, #tpu.memory_space<vmem>>)
        tpu.yield
      }) : () -> ()
      %add3A_91 = arith.constant 1568 : i32
      %add3A_92 = arith.addi %mul3A_4, %add3A_91 : i32
      "tpu.region"() ({
        %run_scoped3A = tpu.sem_alloc : memref<!tpu.dma_semaphore, #tpu.memory_space<semaphore_mem>>
        %dma_start3A_97 = tpu.memref_slice %arg13[%add3A_92] : memref<50176xf32, #tpu.memory_space<hbm>> -> memref<784xf32, #tpu.memory_space<hbm>>
        %dma_start3A_98 = tpu.memref_slice %arg13[%add3A_92] : memref<50176xf32, #tpu.memory_space<hbm>> -> memref<784xf32, #tpu.memory_space<hbm>>
        tpu.enqueue_dma source(%arg25 : memref<784xf32, #tpu.memory_space<vmem>>) target(%dma_start3A_98 : memref<784xf32, #tpu.memory_space<hbm>>) target_semaphore(%run_scoped3A : memref<!tpu.dma_semaphore, #tpu.memory_space<semaphore_mem>>)
        %dma_wait3A_99 = tpu.memref_slice %arg13[%add3A_92] : memref<50176xf32, #tpu.memory_space<hbm>> -> memref<784xf32, #tpu.memory_space<hbm>>
        %dma_wait3A_100 = tpu.memref_slice %arg13[%add3A_92] : memref<50176xf32, #tpu.memory_space<hbm>> -> memref<784xf32, #tpu.memory_space<hbm>>
        tpu.wait_dma2 semaphore(%run_scoped3A : memref<!tpu.dma_semaphore, #tpu.memory_space<semaphore_mem>>) src(%arg25 : memref<784xf32, #tpu.memory_space<vmem>>) dst(%dma_wait3A_100 : memref<784xf32, #tpu.memory_space<hbm>>)
        tpu.yield
      }) : () -> ()
      %add3A_93 = arith.constant 2352 : i32
      %add3A_94 = arith.addi %mul3A_4, %add3A_93 : i32
      "tpu.region"() ({
        %run_scoped3A = tpu.sem_alloc : memref<!tpu.dma_semaphore, #tpu.memory_space<semaphore_mem>>
        %dma_start3A_97 = tpu.memref_slice %arg27[%add3A_94] : memref<50176xf32, #tpu.memory_space<vmem_shared>> -> memref<784xf32, #tpu.memory_space<vmem_shared>>
        %dma_start3A_98 = tpu.memref_slice %arg27[%add3A_94] : memref<50176xf32, #tpu.memory_space<vmem_shared>> -> memref<784xf32, #tpu.memory_space<vmem_shared>>
        tpu.enqueue_dma source(%dma_start3A_98 : memref<784xf32, #tpu.memory_space<vmem_shared>>) target(%arg25 : memref<784xf32, #tpu.memory_space<vmem>>) target_semaphore(%run_scoped3A : memref<!tpu.dma_semaphore, #tpu.memory_space<semaphore_mem>>)
        %dma_wait3A_99 = tpu.memref_slice %arg27[%add3A_94] : memref<50176xf32, #tpu.memory_space<vmem_shared>> -> memref<784xf32, #tpu.memory_space<vmem_shared>>
        %dma_wait3A_100 = tpu.memref_slice %arg27[%add3A_94] : memref<50176xf32, #tpu.memory_space<vmem_shared>> -> memref<784xf32, #tpu.memory_space<vmem_shared>>
        tpu.wait_dma2 semaphore(%run_scoped3A : memref<!tpu.dma_semaphore, #tpu.memory_space<semaphore_mem>>) src(%dma_wait3A_100 : memref<784xf32, #tpu.memory_space<vmem_shared>>) dst(%arg25 : memref<784xf32, #tpu.memory_space<vmem>>)
        tpu.yield
      }) : () -> ()
      %add3A_95 = arith.constant 2352 : i32
      %add3A_96 = arith.addi %mul3A_4, %add3A_95 : i32
      "tpu.region"() ({
        %run_scoped3A = tpu.sem_alloc : memref<!tpu.dma_semaphore, #tpu.memory_space<semaphore_mem>>
        %dma_start3A_97 = tpu.memref_slice %arg13[%add3A_96] : memref<50176xf32, #tpu.memory_space<hbm>> -> memref<784xf32, #tpu.memory_space<hbm>>
        %dma_start3A_98 = tpu.memref_slice %arg13[%add3A_96] : memref<50176xf32, #tpu.memory_space<hbm>> -> memref<784xf32, #tpu.memory_space<hbm>>
        tpu.enqueue_dma source(%arg25 : memref<784xf32, #tpu.memory_space<vmem>>) target(%dma_start3A_98 : memref<784xf32, #tpu.memory_space<hbm>>) target_semaphore(%run_scoped3A : memref<!tpu.dma_semaphore, #tpu.memory_space<semaphore_mem>>)
        %dma_wait3A_99 = tpu.memref_slice %arg13[%add3A_96] : memref<50176xf32, #tpu.memory_space<hbm>> -> memref<784xf32, #tpu.memory_space<hbm>>
        %dma_wait3A_100 = tpu.memref_slice %arg13[%add3A_96] : memref<50176xf32, #tpu.memory_space<hbm>> -> memref<784xf32, #tpu.memory_space<hbm>>
        tpu.wait_dma2 semaphore(%run_scoped3A : memref<!tpu.dma_semaphore, #tpu.memory_space<semaphore_mem>>) src(%arg25 : memref<784xf32, #tpu.memory_space<vmem>>) dst(%dma_wait3A_100 : memref<784xf32, #tpu.memory_space<hbm>>)
        tpu.yield
      }) : () -> ()
    } else {
    }
    return
  }
}

#map = affine_map<(d0, d1) -> (0, 0)>
#map1 = affine_map<(d0, d1) -> (0)>
module attributes {stable_mosaic.version = 14 : i64} {
  func.func @_gather_body(%arg0: i32, %arg1: i32, %arg2: memref<50000x128xf32, #tpu.memory_space<hbm>>, %arg3: memref<8192xi32, #tpu.memory_space<hbm>>, %arg4: memref<8192x128xf32, #tpu.memory_space<hbm>>, %arg5: memref<256xi32, #tpu.memory_space<vmem>>, %arg6: memref<256x128xf32, #tpu.memory_space<vmem>>, %arg7: memref<!tpu.dma_semaphore, #tpu.memory_space<semaphore_mem>>) attributes {dimension_semantics = [#tpu.dimension_semantics<core_parallel>, #tpu.dimension_semantics<subcore_parallel>], iteration_bounds = array<i64: 2, 16>, scalar_prefetch = 0 : i64, scratch_operands = 3 : i64, tpu.core_type = #tpu.core_type<sc_vector_subcore>, window_params = [{transform_indices = #map}, {transform_indices = #map1}, {transform_indices = #map}]} {
    %mul3A = arith.constant 2 : i32
    %mul3A_0 = arith.muli %arg1, %mul3A : i32
    %add3A = arith.addi %mul3A_0, %arg0 : i32
    %mul3A_1 = arith.constant 256 : i32
    %mul3A_2 = arith.muli %add3A, %mul3A_1 : i32
    "tpu.region"() ({
      %run_scoped3A = tpu.sem_alloc : memref<!tpu.dma_semaphore, #tpu.memory_space<semaphore_mem>>
      %dma_start3A_7 = tpu.memref_slice %arg3[%mul3A_2] : memref<8192xi32, #tpu.memory_space<hbm>> -> memref<256xi32, #tpu.memory_space<hbm>>
      %dma_start3A_8 = tpu.memref_slice %arg3[%mul3A_2] : memref<8192xi32, #tpu.memory_space<hbm>> -> memref<256xi32, #tpu.memory_space<hbm>>
      tpu.enqueue_dma source(%dma_start3A_8 : memref<256xi32, #tpu.memory_space<hbm>>) target(%arg5 : memref<256xi32, #tpu.memory_space<vmem>>) target_semaphore(%run_scoped3A : memref<!tpu.dma_semaphore, #tpu.memory_space<semaphore_mem>>)
      %dma_wait3A_9 = tpu.memref_slice %arg3[%mul3A_2] : memref<8192xi32, #tpu.memory_space<hbm>> -> memref<256xi32, #tpu.memory_space<hbm>>
      %dma_wait3A_10 = tpu.memref_slice %arg3[%mul3A_2] : memref<8192xi32, #tpu.memory_space<hbm>> -> memref<256xi32, #tpu.memory_space<hbm>>
      tpu.wait_dma2 semaphore(%run_scoped3A : memref<!tpu.dma_semaphore, #tpu.memory_space<semaphore_mem>>) src(%dma_wait3A_10 : memref<256xi32, #tpu.memory_space<hbm>>) dst(%arg5 : memref<256xi32, #tpu.memory_space<vmem>>)
      tpu.yield
    }) : () -> ()
    %dma_start3A = arith.constant 0 : i32
    %dma_start3A_3 = arith.constant 0 : i32
    %dma_start3A_4 = tpu.memref_slice %arg2[%dma_start3A, %dma_start3A_3] : memref<50000x128xf32, #tpu.memory_space<hbm>> -> memref<50000x128xf32, #tpu.memory_space<hbm>>
    tpu.enqueue_indirect_dma source(%dma_start3A_4 : memref<50000x128xf32, #tpu.memory_space<hbm>>) target(%arg6 : memref<256x128xf32, #tpu.memory_space<vmem>>) offsets(%arg5 : memref<256xi32, #tpu.memory_space<vmem>>) semaphore(%arg7 : memref<!tpu.dma_semaphore, #tpu.memory_space<semaphore_mem>>)
    %dma_wait3A = arith.constant 0 : i32
    %dma_wait3A_5 = arith.constant 0 : i32
    %dma_wait3A_6 = tpu.memref_slice %arg2[%dma_wait3A, %dma_wait3A_5] : memref<50000x128xf32, #tpu.memory_space<hbm>> -> memref<50000x128xf32, #tpu.memory_space<hbm>>
    tpu.wait_indirect_dma semaphore(%arg7 : memref<!tpu.dma_semaphore, #tpu.memory_space<semaphore_mem>>) src(%dma_wait3A_6 : memref<50000x128xf32, #tpu.memory_space<hbm>>) dst(%arg6 : memref<256x128xf32, #tpu.memory_space<vmem>>)
    "tpu.region"() ({
      %run_scoped3A = tpu.sem_alloc : memref<!tpu.dma_semaphore, #tpu.memory_space<semaphore_mem>>
      %dma_start3A_7 = arith.constant 0 : i32
      %dma_start3A_8 = tpu.memref_slice %arg4[%mul3A_2, %dma_start3A_7] : memref<8192x128xf32, #tpu.memory_space<hbm>> -> memref<256x128xf32, #tpu.memory_space<hbm>>
      %dma_start3A_9 = arith.constant 0 : i32
      %dma_start3A_10 = tpu.memref_slice %arg4[%mul3A_2, %dma_start3A_9] : memref<8192x128xf32, #tpu.memory_space<hbm>> -> memref<256x128xf32, #tpu.memory_space<hbm>>
      tpu.enqueue_dma source(%arg6 : memref<256x128xf32, #tpu.memory_space<vmem>>) target(%dma_start3A_10 : memref<256x128xf32, #tpu.memory_space<hbm>>) target_semaphore(%run_scoped3A : memref<!tpu.dma_semaphore, #tpu.memory_space<semaphore_mem>>)
      %dma_wait3A_11 = arith.constant 0 : i32
      %dma_wait3A_12 = tpu.memref_slice %arg4[%mul3A_2, %dma_wait3A_11] : memref<8192x128xf32, #tpu.memory_space<hbm>> -> memref<256x128xf32, #tpu.memory_space<hbm>>
      %dma_wait3A_13 = arith.constant 0 : i32
      %dma_wait3A_14 = tpu.memref_slice %arg4[%mul3A_2, %dma_wait3A_13] : memref<8192x128xf32, #tpu.memory_space<hbm>> -> memref<256x128xf32, #tpu.memory_space<hbm>>
      tpu.wait_dma2 semaphore(%run_scoped3A : memref<!tpu.dma_semaphore, #tpu.memory_space<semaphore_mem>>) src(%arg6 : memref<256x128xf32, #tpu.memory_space<vmem>>) dst(%dma_wait3A_14 : memref<256x128xf32, #tpu.memory_space<hbm>>)
      tpu.yield
    }) : () -> ()
    return
  }
}

module attributes {stable_mosaic.version = 14 : i64} {
  func.func @_table_body(%arg0: i32, %arg1: i32, %arg2: i32, %arg3: memref<1000x128xf32, #tpu.memory_space<vmem>>, %arg4: memref<1000x1xi32, #tpu.memory_space<vmem>>, %arg5: memref<1000x1xi32, #tpu.memory_space<vmem>>, %arg6: memref<1x128x32xf32, #tpu.memory_space<vmem>>, %arg7: memref<1x1x32xf32, #tpu.memory_space<vmem>>, %arg8: memref<1x128x32xf32, #tpu.memory_space<vmem>>, %arg9: memref<1x1x32xf32, #tpu.memory_space<vmem>>, %arg10: memref<1000x128xf32, #tpu.memory_space<vmem>>) attributes {dimension_semantics = [#tpu.dimension_semantics<arbitrary>, #tpu.dimension_semantics<arbitrary>, #tpu.dimension_semantics<arbitrary>], iteration_bounds = array<i64: 4, 2, 50>, scalar_prefetch = 0 : i64, scratch_operands = 0 : i64, tpu.core_type = #tpu.core_type<tc>, window_params = [{transform_indices = @transform_0, window_bounds = array<i64: 1000, 128>}, {transform_indices = @transform_1, window_bounds = array<i64: 1000, 1>}, {transform_indices = @transform_2, window_bounds = array<i64: 1000, 1>}, {transform_indices = @transform_3, window_bounds = array<i64: 1, 128, 32>}, {transform_indices = @transform_4, window_bounds = array<i64: 1, 1, 32>}, {transform_indices = @transform_5, window_bounds = array<i64: 1, 128, 32>}, {transform_indices = @transform_6, window_bounds = array<i64: 1, 1, 32>}, {transform_indices = @transform_7, window_bounds = array<i64: 1000, 128>}]} {
    %get3A = arith.constant 0 : index
    %get3A_0 = arith.constant 0 : index
    %get3A_1 = vector.load %arg3[%get3A, %get3A_0] : memref<1000x128xf32, #tpu.memory_space<vmem>>, vector<1000x128xf32>
    %get3A_2 = arith.constant 0 : index
    %get3A_3 = arith.constant 0 : index
    %get3A_4 = arith.constant 0 : index
    %get3A_5 = vector.load %arg6[%get3A_2, %get3A_3, %get3A_4] : memref<1x128x32xf32, #tpu.memory_space<vmem>>, vector<1x128x32xf32>
    %squeeze3A = vector.shape_cast %get3A_5 : vector<1x128x32xf32> to vector<128x32xf32>
    %dot_general3A = arith.constant dense<0.000000e+00> : vector<1000x32xf32>
    %dot_general3A_6 = tpu.matmul %get3A_1, %squeeze3A, %dot_general3A {dimension_numbers = #tpu.dot_dimension_numbers<[1], [0], [0], [1], [0, 0, 1, 1], [], []>, transpose_lhs_hint = false} : vector<1000x128xf32>, vector<128x32xf32>, vector<1000x32xf32> -> vector<1000x32xf32>
    %get3A_7 = arith.constant 0 : index
    %get3A_8 = arith.constant 0 : index
    %get3A_9 = arith.constant 0 : index
    %get3A_10 = vector.load %arg7[%get3A_7, %get3A_8, %get3A_9] : memref<1x1x32xf32, #tpu.memory_space<vmem>>, vector<1x1x32xf32>
    %squeeze3A_11 = vector.shape_cast %get3A_10 : vector<1x1x32xf32> to vector<1x32xf32>
    %add3A = vector.broadcast %squeeze3A_11 : vector<1x32xf32> to vector<1000x32xf32>
    %add3A_12 = arith.addf %dot_general3A_6, %add3A : vector<1000x32xf32>
    %iota3A = tpu.iota {dimensions = array<i32: 1>} : vector<1000x64xi32>
    %get3A_13 = arith.constant 0 : index
    %get3A_14 = arith.constant 0 : index
    %get3A_15 = vector.load %arg4[%get3A_13, %get3A_14] : memref<1000x1xi32, #tpu.memory_space<vmem>>, vector<1000x1xi32>
    %eq3A = vector.broadcast %get3A_15 : vector<1000x1xi32> to vector<1000x64xi32>
    %eq3A_16 = arith.cmpi eq, %eq3A, %iota3A : vector<1000x64xi32>
    %convert_element_type3A = arith.extui %eq3A_16 : vector<1000x64xi1> to vector<1000x64xi32>
    %convert_element_type3A_17 = arith.sitofp %convert_element_type3A : vector<1000x64xi32> to vector<1000x64xf32>
    %get3A_18 = arith.constant 0 : index
    %get3A_19 = arith.constant 0 : index
    %get3A_20 = vector.load %arg5[%get3A_18, %get3A_19] : memref<1000x1xi32, #tpu.memory_space<vmem>>, vector<1000x1xi32>
    %eq3A_21 = vector.broadcast %get3A_20 : vector<1000x1xi32> to vector<1000x64xi32>
    %eq3A_22 = arith.cmpi eq, %eq3A_21, %iota3A : vector<1000x64xi32>
    %convert_element_type3A_23 = arith.extui %eq3A_22 : vector<1000x64xi1> to vector<1000x64xi32>
    %convert_element_type3A_24 = arith.sitofp %convert_element_type3A_23 : vector<1000x64xi32> to vector<1000x64xf32>
    %get3A_25 = arith.constant 0 : index
    %get3A_26 = arith.constant 0 : index
    %get3A_27 = arith.constant 0 : index
    %get3A_28 = vector.load %arg8[%get3A_25, %get3A_26, %get3A_27] : memref<1x128x32xf32, #tpu.memory_space<vmem>>, vector<1x128x32xf32>
    %squeeze3A_29 = vector.shape_cast %get3A_28 : vector<1x128x32xf32> to vector<128x32xf32>
    %slice3A = vector.extract_strided_slice %squeeze3A_29 {offsets = [0, 0], sizes = [64, 32], strides = [1, 1]} : vector<128x32xf32> to vector<64x32xf32>
    %dot_general3A_30 = arith.constant dense<0.000000e+00> : vector<1000x32xf32>
    %dot_general3A_31 = tpu.matmul %convert_element_type3A_17, %slice3A, %dot_general3A_30 {dimension_numbers = #tpu.dot_dimension_numbers<[1], [0], [0], [1], [0, 0, 1, 1], [], []>, transpose_lhs_hint = false} : vector<1000x64xf32>, vector<64x32xf32>, vector<1000x32xf32> -> vector<1000x32xf32>
    %get3A_32 = arith.constant 0 : index
    %get3A_33 = arith.constant 0 : index
    %get3A_34 = arith.constant 0 : index
    %get3A_35 = vector.load %arg8[%get3A_32, %get3A_33, %get3A_34] : memref<1x128x32xf32, #tpu.memory_space<vmem>>, vector<1x128x32xf32>
    %squeeze3A_36 = vector.shape_cast %get3A_35 : vector<1x128x32xf32> to vector<128x32xf32>
    %slice3A_37 = vector.extract_strided_slice %squeeze3A_36 {offsets = [64, 0], sizes = [64, 32], strides = [1, 1]} : vector<128x32xf32> to vector<64x32xf32>
    %dot_general3A_38 = arith.constant dense<0.000000e+00> : vector<1000x32xf32>
    %dot_general3A_39 = tpu.matmul %convert_element_type3A_24, %slice3A_37, %dot_general3A_38 {dimension_numbers = #tpu.dot_dimension_numbers<[1], [0], [0], [1], [0, 0, 1, 1], [], []>, transpose_lhs_hint = false} : vector<1000x64xf32>, vector<64x32xf32>, vector<1000x32xf32> -> vector<1000x32xf32>
    %add3A_40 = arith.addf %dot_general3A_31, %dot_general3A_39 : vector<1000x32xf32>
    %get3A_41 = arith.constant 0 : index
    %get3A_42 = arith.constant 0 : index
    %get3A_43 = arith.constant 0 : index
    %get3A_44 = vector.load %arg9[%get3A_41, %get3A_42, %get3A_43] : memref<1x1x32xf32, #tpu.memory_space<vmem>>, vector<1x1x32xf32>
    %squeeze3A_45 = vector.shape_cast %get3A_44 : vector<1x1x32xf32> to vector<1x32xf32>
    %add3A_46 = vector.broadcast %squeeze3A_45 : vector<1x32xf32> to vector<1000x32xf32>
    %add3A_47 = arith.addf %add3A_40, %add3A_46 : vector<1000x32xf32>
    %eq3A_48 = arith.constant 0 : i32
    %eq3A_49 = arith.cmpi eq, %arg1, %eq3A_48 : i32
    %gt3A = arith.constant 0.000000e+00 : f32
    %gt3A_50 = vector.broadcast %gt3A : f32 to vector<1000x32xf32>
    %gt3A_51 = arith.cmpf ogt, %add3A_12, %gt3A_50 : vector<1000x32xf32>
    %mul3A = arith.constant 0.699999988 : f32
    %mul3A_52 = vector.broadcast %mul3A : f32 to vector<1000x32xf32>
    %mul3A_53 = arith.mulf %mul3A_52, %add3A_12 : vector<1000x32xf32>
    %select_n3A = arith.select %gt3A_51, %add3A_12, %mul3A_53 : vector<1000x32xi1>, vector<1000x32xf32>
    %gt3A_54 = arith.constant 0.000000e+00 : f32
    %gt3A_55 = vector.broadcast %gt3A_54 : f32 to vector<1000x32xf32>
    %gt3A_56 = arith.cmpf ogt, %add3A_47, %gt3A_55 : vector<1000x32xf32>
    %mul3A_57 = arith.constant 0.699999988 : f32
    %mul3A_58 = vector.broadcast %mul3A_57 : f32 to vector<1000x32xf32>
    %mul3A_59 = arith.mulf %mul3A_58, %add3A_47 : vector<1000x32xf32>
    %select_n3A_60 = arith.select %gt3A_56, %add3A_47, %mul3A_59 : vector<1000x32xi1>, vector<1000x32xf32>
    %select_n3A_61 = arith.select %eq3A_49, %select_n3A, %select_n3A_60 : vector<1000x32xf32>
    %broadcast_in_dim3A = arith.constant 0.000000e+00 : f32
    %broadcast_in_dim3A_62 = vector.broadcast %broadcast_in_dim3A : f32 to vector<1000x128xf32>
    %swap3A = arith.constant 0 : index
    %swap3A_63 = arith.constant 0 : index
    %swap3A_64 = vector.load %arg10[%swap3A, %swap3A_63] : memref<1000x128xf32, #tpu.memory_space<vmem>>, vector<1000x128xf32>
    tpu.vector_store %arg10[%swap3A, %swap3A_63], %broadcast_in_dim3A_62 {strides = array<i32>} : memref<1000x128xf32, #tpu.memory_space<vmem>>, vector<1000x128xf32>,
    %eq3A_65 = arith.constant 0 : i32
    %eq3A_66 = arith.cmpi eq, %arg0, %eq3A_65 : i32
    %convert_element_type3A_67 = arith.extui %eq3A_66 : i1 to i32
    %cond3A = arith.constant 0 : i32
    %cond3A_68 = arith.cmpi ne, %convert_element_type3A_67, %cond3A : i32
    scf.if %cond3A_68 {
      %swap3A_84 = arith.constant 0 : index
      %swap3A_85 = arith.constant 0 : index
      %swap3A_86 = vector.load %arg10[%swap3A_84, %swap3A_85] : memref<1000x128xf32, #tpu.memory_space<vmem>>, vector<1000x32xf32>
      tpu.vector_store %arg10[%swap3A_84, %swap3A_85], %select_n3A_61 {strides = array<i32>} : memref<1000x128xf32, #tpu.memory_space<vmem>>, vector<1000x32xf32>,
    } else {
    }
    %eq3A_69 = arith.constant 1 : i32
    %eq3A_70 = arith.cmpi eq, %arg0, %eq3A_69 : i32
    %convert_element_type3A_71 = arith.extui %eq3A_70 : i1 to i32
    %cond3A_72 = arith.constant 0 : i32
    %cond3A_73 = arith.cmpi ne, %convert_element_type3A_71, %cond3A_72 : i32
    scf.if %cond3A_73 {
      %swap3A_84 = arith.constant 0 : index
      %swap3A_85 = arith.constant 32 : index
      %swap3A_86 = vector.load %arg10[%swap3A_84, %swap3A_85] : memref<1000x128xf32, #tpu.memory_space<vmem>>, vector<1000x32xf32>
      tpu.vector_store %arg10[%swap3A_84, %swap3A_85], %select_n3A_61 {strides = array<i32>} : memref<1000x128xf32, #tpu.memory_space<vmem>>, vector<1000x32xf32>,
    } else {
    }
    %eq3A_74 = arith.constant 2 : i32
    %eq3A_75 = arith.cmpi eq, %arg0, %eq3A_74 : i32
    %convert_element_type3A_76 = arith.extui %eq3A_75 : i1 to i32
    %cond3A_77 = arith.constant 0 : i32
    %cond3A_78 = arith.cmpi ne, %convert_element_type3A_76, %cond3A_77 : i32
    scf.if %cond3A_78 {
      %swap3A_84 = arith.constant 0 : index
      %swap3A_85 = arith.constant 64 : index
      %swap3A_86 = vector.load %arg10[%swap3A_84, %swap3A_85] : memref<1000x128xf32, #tpu.memory_space<vmem>>, vector<1000x32xf32>
      tpu.vector_store %arg10[%swap3A_84, %swap3A_85], %select_n3A_61 {strides = array<i32>} : memref<1000x128xf32, #tpu.memory_space<vmem>>, vector<1000x32xf32>,
    } else {
    }
    %eq3A_79 = arith.constant 3 : i32
    %eq3A_80 = arith.cmpi eq, %arg0, %eq3A_79 : i32
    %convert_element_type3A_81 = arith.extui %eq3A_80 : i1 to i32
    %cond3A_82 = arith.constant 0 : i32
    %cond3A_83 = arith.cmpi ne, %convert_element_type3A_81, %cond3A_82 : i32
    scf.if %cond3A_83 {
      %swap3A_84 = arith.constant 0 : index
      %swap3A_85 = arith.constant 96 : index
      %swap3A_86 = vector.load %arg10[%swap3A_84, %swap3A_85] : memref<1000x128xf32, #tpu.memory_space<vmem>>, vector<1000x32xf32>
      tpu.vector_store %arg10[%swap3A_84, %swap3A_85], %select_n3A_61 {strides = array<i32>} : memref<1000x128xf32, #tpu.memory_space<vmem>>, vector<1000x32xf32>,
    } else {
    }
    return
  }
  func.func @transform_0(%arg0: i32, %arg1: i32, %arg2: i32) -> (i32, i32) {
    %c0_i32 = arith.constant 0 : i32
    %c0_i32_0 = arith.constant 0 : i32
    return %arg2, %c0_i32 : i32, i32
  }
  func.func @transform_1(%arg0: i32, %arg1: i32, %arg2: i32) -> (i32, i32) {
    %c0_i32 = arith.constant 0 : i32
    %c0_i32_0 = arith.constant 0 : i32
    return %arg2, %c0_i32 : i32, i32
  }
  func.func @transform_2(%arg0: i32, %arg1: i32, %arg2: i32) -> (i32, i32) {
    %c0_i32 = arith.constant 0 : i32
    %c0_i32_0 = arith.constant 0 : i32
    return %arg2, %c0_i32 : i32, i32
  }
  func.func @transform_3(%arg0: i32, %arg1: i32, %arg2: i32) -> (i32, i32, i32) {
    %jit3A = arith.constant 25 : i32
    %div3A = arith.divsi %arg2, %jit3A : i32
    %sign3A = arith.constant 0 : i32
    %sign3A_0 = arith.cmpi sgt, %arg2, %sign3A : i32
    %sign3A_1 = arith.extui %sign3A_0 : i1 to i32
    %sign3A_2 = arith.constant 0 : i32
    %sign3A_3 = arith.cmpi slt, %arg2, %sign3A_2 : i32
    %sign3A_4 = arith.extui %sign3A_3 : i1 to i32
    %sign3A_5 = arith.subi %sign3A_1, %sign3A_4 : i32
    %sign3A_6 = arith.constant 0 : i32
    %sign3A_7 = arith.cmpi sgt, %jit3A, %sign3A_6 : i32
    %sign3A_8 = arith.extui %sign3A_7 : i1 to i32
    %sign3A_9 = arith.constant 0 : i32
    %sign3A_10 = arith.cmpi slt, %jit3A, %sign3A_9 : i32
    %sign3A_11 = arith.extui %sign3A_10 : i1 to i32
    %sign3A_12 = arith.subi %sign3A_8, %sign3A_11 : i32
    %ne3A = arith.cmpi ne, %sign3A_5, %sign3A_12 : i32
    %rem3A = arith.remsi %arg2, %jit3A : i32
    %ne3A_13 = arith.constant 0 : i32
    %ne3A_14 = arith.cmpi ne, %rem3A, %ne3A_13 : i32
    %and3A = arith.andi %ne3A, %ne3A_14 : i1
    %sub3A = arith.constant 1 : i32
    %sub3A_15 = arith.subi %div3A, %sub3A : i32
    %select_n3A = arith.select %and3A, %sub3A_15, %div3A : i32
    %c0_i32 = arith.constant 0 : i32
    %c0_i32_16 = arith.constant 0 : i32
    %c0_i32_17 = arith.constant 0 : i32
    return %select_n3A, %c0_i32, %c0_i32_16 : i32, i32, i32
  }
  func.func @transform_4(%arg0: i32, %arg1: i32, %arg2: i32) -> (i32, i32, i32) {
    %jit3A = arith.constant 25 : i32
    %div3A = arith.divsi %arg2, %jit3A : i32
    %sign3A = arith.constant 0 : i32
    %sign3A_0 = arith.cmpi sgt, %arg2, %sign3A : i32
    %sign3A_1 = arith.extui %sign3A_0 : i1 to i32
    %sign3A_2 = arith.constant 0 : i32
    %sign3A_3 = arith.cmpi slt, %arg2, %sign3A_2 : i32
    %sign3A_4 = arith.extui %sign3A_3 : i1 to i32
    %sign3A_5 = arith.subi %sign3A_1, %sign3A_4 : i32
    %sign3A_6 = arith.constant 0 : i32
    %sign3A_7 = arith.cmpi sgt, %jit3A, %sign3A_6 : i32
    %sign3A_8 = arith.extui %sign3A_7 : i1 to i32
    %sign3A_9 = arith.constant 0 : i32
    %sign3A_10 = arith.cmpi slt, %jit3A, %sign3A_9 : i32
    %sign3A_11 = arith.extui %sign3A_10 : i1 to i32
    %sign3A_12 = arith.subi %sign3A_8, %sign3A_11 : i32
    %ne3A = arith.cmpi ne, %sign3A_5, %sign3A_12 : i32
    %rem3A = arith.remsi %arg2, %jit3A : i32
    %ne3A_13 = arith.constant 0 : i32
    %ne3A_14 = arith.cmpi ne, %rem3A, %ne3A_13 : i32
    %and3A = arith.andi %ne3A, %ne3A_14 : i1
    %sub3A = arith.constant 1 : i32
    %sub3A_15 = arith.subi %div3A, %sub3A : i32
    %select_n3A = arith.select %and3A, %sub3A_15, %div3A : i32
    %c0_i32 = arith.constant 0 : i32
    %c0_i32_16 = arith.constant 0 : i32
    %c0_i32_17 = arith.constant 0 : i32
    return %select_n3A, %c0_i32, %c0_i32_16 : i32, i32, i32
  }
  func.func @transform_5(%arg0: i32, %arg1: i32, %arg2: i32) -> (i32, i32, i32) {
    %jit3A = arith.constant 25 : i32
    %div3A = arith.divsi %arg2, %jit3A : i32
    %sign3A = arith.constant 0 : i32
    %sign3A_0 = arith.cmpi sgt, %arg2, %sign3A : i32
    %sign3A_1 = arith.extui %sign3A_0 : i1 to i32
    %sign3A_2 = arith.constant 0 : i32
    %sign3A_3 = arith.cmpi slt, %arg2, %sign3A_2 : i32
    %sign3A_4 = arith.extui %sign3A_3 : i1 to i32
    %sign3A_5 = arith.subi %sign3A_1, %sign3A_4 : i32
    %sign3A_6 = arith.constant 0 : i32
    %sign3A_7 = arith.cmpi sgt, %jit3A, %sign3A_6 : i32
    %sign3A_8 = arith.extui %sign3A_7 : i1 to i32
    %sign3A_9 = arith.constant 0 : i32
    %sign3A_10 = arith.cmpi slt, %jit3A, %sign3A_9 : i32
    %sign3A_11 = arith.extui %sign3A_10 : i1 to i32
    %sign3A_12 = arith.subi %sign3A_8, %sign3A_11 : i32
    %ne3A = arith.cmpi ne, %sign3A_5, %sign3A_12 : i32
    %rem3A = arith.remsi %arg2, %jit3A : i32
    %ne3A_13 = arith.constant 0 : i32
    %ne3A_14 = arith.cmpi ne, %rem3A, %ne3A_13 : i32
    %and3A = arith.andi %ne3A, %ne3A_14 : i1
    %sub3A = arith.constant 1 : i32
    %sub3A_15 = arith.subi %div3A, %sub3A : i32
    %select_n3A = arith.select %and3A, %sub3A_15, %div3A : i32
    %c0_i32 = arith.constant 0 : i32
    %c0_i32_16 = arith.constant 0 : i32
    %c0_i32_17 = arith.constant 0 : i32
    return %select_n3A, %c0_i32, %c0_i32_16 : i32, i32, i32
  }
  func.func @transform_6(%arg0: i32, %arg1: i32, %arg2: i32) -> (i32, i32, i32) {
    %jit3A = arith.constant 25 : i32
    %div3A = arith.divsi %arg2, %jit3A : i32
    %sign3A = arith.constant 0 : i32
    %sign3A_0 = arith.cmpi sgt, %arg2, %sign3A : i32
    %sign3A_1 = arith.extui %sign3A_0 : i1 to i32
    %sign3A_2 = arith.constant 0 : i32
    %sign3A_3 = arith.cmpi slt, %arg2, %sign3A_2 : i32
    %sign3A_4 = arith.extui %sign3A_3 : i1 to i32
    %sign3A_5 = arith.subi %sign3A_1, %sign3A_4 : i32
    %sign3A_6 = arith.constant 0 : i32
    %sign3A_7 = arith.cmpi sgt, %jit3A, %sign3A_6 : i32
    %sign3A_8 = arith.extui %sign3A_7 : i1 to i32
    %sign3A_9 = arith.constant 0 : i32
    %sign3A_10 = arith.cmpi slt, %jit3A, %sign3A_9 : i32
    %sign3A_11 = arith.extui %sign3A_10 : i1 to i32
    %sign3A_12 = arith.subi %sign3A_8, %sign3A_11 : i32
    %ne3A = arith.cmpi ne, %sign3A_5, %sign3A_12 : i32
    %rem3A = arith.remsi %arg2, %jit3A : i32
    %ne3A_13 = arith.constant 0 : i32
    %ne3A_14 = arith.cmpi ne, %rem3A, %ne3A_13 : i32
    %and3A = arith.andi %ne3A, %ne3A_14 : i1
    %sub3A = arith.constant 1 : i32
    %sub3A_15 = arith.subi %div3A, %sub3A : i32
    %select_n3A = arith.select %and3A, %sub3A_15, %div3A : i32
    %c0_i32 = arith.constant 0 : i32
    %c0_i32_16 = arith.constant 0 : i32
    %c0_i32_17 = arith.constant 0 : i32
    return %select_n3A, %c0_i32, %c0_i32_16 : i32, i32, i32
  }
  func.func @transform_7(%arg0: i32, %arg1: i32, %arg2: i32) -> (i32, i32) {
    %mul3A = arith.constant 2 : i32
    %mul3A_0 = arith.muli %arg0, %mul3A : i32
    %mul3A_1 = arith.constant 50 : i32
    %mul3A_2 = arith.muli %mul3A_0, %mul3A_1 : i32
    %mul3A_3 = arith.constant 50 : i32
    %mul3A_4 = arith.muli %arg1, %mul3A_3 : i32
    %add3A = arith.addi %mul3A_2, %mul3A_4 : i32
    %add3A_5 = arith.addi %add3A, %arg2 : i32
    %c0_i32 = arith.constant 0 : i32
    %c0_i32_6 = arith.constant 0 : i32
    return %add3A_5, %c0_i32 : i32, i32
  }
}

module attributes {stable_mosaic.version = 14 : i64} {
  func.func @_attn_body(%arg0: i32, %arg1: memref<1000x32xf32, #tpu.memory_space<vmem>>, %arg2: memref<1000x32xf32, #tpu.memory_space<vmem>>, %arg3: memref<1000x32xf32, #tpu.memory_space<vmem>>, %arg4: memref<1000x32xf32, #tpu.memory_space<vmem>>, %arg5: memref<1000x1xf32, #tpu.memory_space<vmem>>, %arg6: memref<1000x1xf32, #tpu.memory_space<vmem>>, %arg7: memref<64x64xf32, #tpu.memory_space<vmem>>, %arg8: memref<1x64xf32, #tpu.memory_space<vmem>>, %arg9: memref<64x1xf32, #tpu.memory_space<vmem>>, %arg10: memref<1000x128xf32, #tpu.memory_space<vmem>>, %arg11: memref<1x1xf32, #tpu.memory_space<vmem>>, %arg12: memref<1x1xf32, #tpu.memory_space<vmem>>) attributes {dimension_semantics = [#tpu.dimension_semantics<arbitrary>], iteration_bounds = array<i64: 50>, scalar_prefetch = 0 : i64, scratch_operands = 0 : i64, tpu.core_type = #tpu.core_type<tc>, window_params = [{transform_indices = @transform_0, window_bounds = array<i64: 1000, 32>}, {transform_indices = @transform_1, window_bounds = array<i64: 1000, 32>}, {transform_indices = @transform_2, window_bounds = array<i64: 1000, 32>}, {transform_indices = @transform_3, window_bounds = array<i64: 1000, 32>}, {transform_indices = @transform_4, window_bounds = array<i64: 1000, 1>}, {transform_indices = @transform_5, window_bounds = array<i64: 1000, 1>}, {pipeline_mode = #tpu.pipeline_mode<synchronous>, transform_indices = @transform_6, window_bounds = array<i64: 64, 64>}, {pipeline_mode = #tpu.pipeline_mode<synchronous>, transform_indices = @transform_7, window_bounds = array<i64: 1, 64>}, {pipeline_mode = #tpu.pipeline_mode<synchronous>, transform_indices = @transform_8, window_bounds = array<i64: 64, 1>}, {transform_indices = @transform_9, window_bounds = array<i64: 1000, 128>}, {pipeline_mode = #tpu.pipeline_mode<synchronous>, transform_indices = @transform_10, window_bounds = array<i64: 1, 1>}, {pipeline_mode = #tpu.pipeline_mode<synchronous>, transform_indices = @transform_11, window_bounds = array<i64: 1, 1>}]} {
    %get3A = arith.constant 0 : index
    %get3A_0 = arith.constant 0 : index
    %get3A_1 = vector.load %arg5[%get3A, %get3A_0] : memref<1000x1xf32, #tpu.memory_space<vmem>>, vector<1000x1xf32>
    %max3A = arith.constant 1.000000e+00 : f32
    %max3A_2 = vector.broadcast %max3A : f32 to vector<1000x1xf32>
    %max3A_3 = arith.maximumf %get3A_1, %max3A_2 : vector<1000x1xf32>
    %div3A = arith.constant 1.000000e+00 : f32
    %div3A_4 = vector.broadcast %div3A : f32 to vector<1000x1xf32>
    %div3A_5 = arith.divf %div3A_4, %max3A_3 : vector<1000x1xf32>
    %get3A_6 = arith.constant 0 : index
    %get3A_7 = arith.constant 0 : index
    %get3A_8 = vector.load %arg6[%get3A_6, %get3A_7] : memref<1000x1xf32, #tpu.memory_space<vmem>>, vector<1000x1xf32>
    %max3A_9 = arith.constant 1.000000e+00 : f32
    %max3A_10 = vector.broadcast %max3A_9 : f32 to vector<1000x1xf32>
    %max3A_11 = arith.maximumf %get3A_8, %max3A_10 : vector<1000x1xf32>
    %div3A_12 = arith.constant 1.000000e+00 : f32
    %div3A_13 = vector.broadcast %div3A_12 : f32 to vector<1000x1xf32>
    %div3A_14 = arith.divf %div3A_13, %max3A_11 : vector<1000x1xf32>
    %get3A_15 = arith.constant 0 : index
    %get3A_16 = arith.constant 0 : index
    %get3A_17 = vector.load %arg1[%get3A_15, %get3A_16] : memref<1000x32xf32, #tpu.memory_space<vmem>>, vector<1000x32xf32>
    %get3A_18 = arith.constant 0 : index
    %get3A_19 = arith.constant 0 : index
    %get3A_20 = vector.load %arg2[%get3A_18, %get3A_19] : memref<1000x32xf32, #tpu.memory_space<vmem>>, vector<1000x32xf32>
    %concatenate3A = tpu.concatenate %get3A_17, %get3A_20 in 1 : vector<1000x32xf32>, vector<1000x32xf32> -> vector<1000x64xf32>
    %mul3A = vector.broadcast %div3A_5 : vector<1000x1xf32> to vector<1000x64xf32>
    %mul3A_21 = arith.mulf %concatenate3A, %mul3A : vector<1000x64xf32>
    %get3A_22 = arith.constant 0 : index
    %get3A_23 = arith.constant 0 : index
    %get3A_24 = vector.load %arg3[%get3A_22, %get3A_23] : memref<1000x32xf32, #tpu.memory_space<vmem>>, vector<1000x32xf32>
    %get3A_25 = arith.constant 0 : index
    %get3A_26 = arith.constant 0 : index
    %get3A_27 = vector.load %arg4[%get3A_25, %get3A_26] : memref<1000x32xf32, #tpu.memory_space<vmem>>, vector<1000x32xf32>
    %concatenate3A_28 = tpu.concatenate %get3A_24, %get3A_27 in 1 : vector<1000x32xf32>, vector<1000x32xf32> -> vector<1000x64xf32>
    %mul3A_29 = vector.broadcast %div3A_14 : vector<1000x1xf32> to vector<1000x64xf32>
    %mul3A_30 = arith.mulf %concatenate3A_28, %mul3A_29 : vector<1000x64xf32>
    %concatenate3A_31 = tpu.concatenate %mul3A_21, %mul3A_30 in 1 : vector<1000x64xf32>, vector<1000x64xf32> -> vector<1000x128xf32>
    %swap3A = arith.constant 0 : index
    %swap3A_32 = arith.constant 0 : index
    %swap3A_33 = vector.load %arg10[%swap3A, %swap3A_32] : memref<1000x128xf32, #tpu.memory_space<vmem>>, vector<1000x128xf32>
    tpu.vector_store %arg10[%swap3A, %swap3A_32], %concatenate3A_31 {strides = array<i32>} : memref<1000x128xf32, #tpu.memory_space<vmem>>, vector<1000x128xf32>,
    %get3A_34 = arith.constant 0 : index
    %get3A_35 = arith.constant 0 : index
    %get3A_36 = vector.load %arg7[%get3A_34, %get3A_35] : memref<64x64xf32, #tpu.memory_space<vmem>>, vector<64x64xf32>
    %dot_general3A = arith.constant dense<0.000000e+00> : vector<1000x64xf32>
    %dot_general3A_37 = tpu.matmul %mul3A_21, %get3A_36, %dot_general3A {dimension_numbers = #tpu.dot_dimension_numbers<[1], [0], [0], [1], [0, 0, 1, 1], [], []>, transpose_lhs_hint = false} : vector<1000x64xf32>, vector<64x64xf32>, vector<1000x64xf32> -> vector<1000x64xf32>
    %get3A_38 = arith.constant 0 : index
    %get3A_39 = arith.constant 0 : index
    %get3A_40 = vector.load %arg8[%get3A_38, %get3A_39] : memref<1x64xf32, #tpu.memory_space<vmem>>, vector<1x64xf32>
    %add3A = vector.broadcast %get3A_40 : vector<1x64xf32> to vector<1000x64xf32>
    %add3A_41 = arith.addf %dot_general3A_37, %add3A : vector<1000x64xf32>
    %tanh3A = math.tanh %add3A_41 : vector<1000x64xf32>
    %get3A_42 = arith.constant 0 : index
    %get3A_43 = arith.constant 0 : index
    %get3A_44 = vector.load %arg7[%get3A_42, %get3A_43] : memref<64x64xf32, #tpu.memory_space<vmem>>, vector<64x64xf32>
    %dot_general3A_45 = arith.constant dense<0.000000e+00> : vector<1000x64xf32>
    %dot_general3A_46 = tpu.matmul %mul3A_30, %get3A_44, %dot_general3A_45 {dimension_numbers = #tpu.dot_dimension_numbers<[1], [0], [0], [1], [0, 0, 1, 1], [], []>, transpose_lhs_hint = false} : vector<1000x64xf32>, vector<64x64xf32>, vector<1000x64xf32> -> vector<1000x64xf32>
    %get3A_47 = arith.constant 0 : index
    %get3A_48 = arith.constant 0 : index
    %get3A_49 = vector.load %arg8[%get3A_47, %get3A_48] : memref<1x64xf32, #tpu.memory_space<vmem>>, vector<1x64xf32>
    %add3A_50 = vector.broadcast %get3A_49 : vector<1x64xf32> to vector<1000x64xf32>
    %add3A_51 = arith.addf %dot_general3A_46, %add3A_50 : vector<1000x64xf32>
    %tanh3A_52 = math.tanh %add3A_51 : vector<1000x64xf32>
    %get3A_53 = arith.constant 0 : index
    %get3A_54 = arith.constant 0 : index
    %get3A_55 = vector.load %arg9[%get3A_53, %get3A_54] : memref<64x1xf32, #tpu.memory_space<vmem>>, vector<64x1xf32>
    %dot_general3A_56 = arith.constant dense<0.000000e+00> : vector<1000x1xf32>
    %dot_general3A_57 = tpu.matmul %tanh3A, %get3A_55, %dot_general3A_56 {dimension_numbers = #tpu.dot_dimension_numbers<[1], [0], [0], [1], [0, 0, 1, 1], [], []>, transpose_lhs_hint = false} : vector<1000x64xf32>, vector<64x1xf32>, vector<1000x1xf32> -> vector<1000x1xf32>
    %reduce_sum3A = vector.shape_cast %dot_general3A_57 : vector<1000x1xf32> to vector<1x1000x1xf32>
    %reduce_sum3A_58 = arith.constant dense<0.000000e+00> : vector<1xf32>
    %reduce_sum3A_59 = vector.multi_reduction <add>, %reduce_sum3A, %reduce_sum3A_58 [1, 2] : vector<1x1000x1xf32> to vector<1xf32>
    %reduce_sum3A_60 = vector.shape_cast %reduce_sum3A_59 : vector<1xf32> to vector<1x1x1xf32>
    %reduce_sum3A_61 = vector.extract %reduce_sum3A_60[0, 0, 0] : f32 from vector<1x1x1xf32>
    %get3A_62 = arith.constant 0 : index
    %get3A_63 = arith.constant 0 : index
    %get3A_64 = vector.load %arg9[%get3A_62, %get3A_63] : memref<64x1xf32, #tpu.memory_space<vmem>>, vector<64x1xf32>
    %dot_general3A_65 = arith.constant dense<0.000000e+00> : vector<1000x1xf32>
    %dot_general3A_66 = tpu.matmul %tanh3A_52, %get3A_64, %dot_general3A_65 {dimension_numbers = #tpu.dot_dimension_numbers<[1], [0], [0], [1], [0, 0, 1, 1], [], []>, transpose_lhs_hint = false} : vector<1000x64xf32>, vector<64x1xf32>, vector<1000x1xf32> -> vector<1000x1xf32>
    %reduce_sum3A_67 = vector.shape_cast %dot_general3A_66 : vector<1000x1xf32> to vector<1x1000x1xf32>
    %reduce_sum3A_68 = arith.constant dense<0.000000e+00> : vector<1xf32>
    %reduce_sum3A_69 = vector.multi_reduction <add>, %reduce_sum3A_67, %reduce_sum3A_68 [1, 2] : vector<1x1000x1xf32> to vector<1xf32>
    %reduce_sum3A_70 = vector.shape_cast %reduce_sum3A_69 : vector<1xf32> to vector<1x1x1xf32>
    %reduce_sum3A_71 = vector.extract %reduce_sum3A_70[0, 0, 0] : f32 from vector<1x1x1xf32>
    %eq3A = arith.constant 0 : i32
    %eq3A_72 = arith.cmpi eq, %arg0, %eq3A : i32
    %convert_element_type3A = arith.extui %eq3A_72 : i1 to i32
    %cond3A = arith.constant 0 : i32
    %cond3A_73 = arith.cmpi ne, %convert_element_type3A, %cond3A : i32
    scf.if %cond3A_73 {
      %broadcast_in_dim3A = arith.constant 0.000000e+00 : f32
      %broadcast_in_dim3A_90 = vector.broadcast %broadcast_in_dim3A : f32 to vector<1x1xf32>
      %swap3A_91 = arith.constant 0 : index
      %swap3A_92 = arith.constant 0 : index
      %swap3A_93 = vector.load %arg11[%swap3A_91, %swap3A_92] : memref<1x1xf32, #tpu.memory_space<vmem>>, vector<1x1xf32>
      tpu.vector_store %arg11[%swap3A_91, %swap3A_92], %broadcast_in_dim3A_90 {strides = array<i32>} : memref<1x1xf32, #tpu.memory_space<vmem>>, vector<1x1xf32>,
      %broadcast_in_dim3A_94 = arith.constant 0.000000e+00 : f32
      %broadcast_in_dim3A_95 = vector.broadcast %broadcast_in_dim3A_94 : f32 to vector<1x1xf32>
      %swap3A_96 = arith.constant 0 : index
      %swap3A_97 = arith.constant 0 : index
      %swap3A_98 = vector.load %arg12[%swap3A_96, %swap3A_97] : memref<1x1xf32, #tpu.memory_space<vmem>>, vector<1x1xf32>
      tpu.vector_store %arg12[%swap3A_96, %swap3A_97], %broadcast_in_dim3A_95 {strides = array<i32>} : memref<1x1xf32, #tpu.memory_space<vmem>>, vector<1x1xf32>,
    } else {
    }
    %get3A_74 = arith.constant 0 : index
    %get3A_75 = arith.constant 0 : index
    %get3A_76 = vector.load %arg11[%get3A_74, %get3A_75] : memref<1x1xf32, #tpu.memory_space<vmem>>, vector<1x1xf32>
    %add3A_77 = vector.broadcast %reduce_sum3A_61 : f32 to vector<1x1xf32>
    %add3A_78 = arith.addf %get3A_76, %add3A_77 : vector<1x1xf32>
    %swap3A_79 = arith.constant 0 : index
    %swap3A_80 = arith.constant 0 : index
    %swap3A_81 = vector.load %arg11[%swap3A_79, %swap3A_80] : memref<1x1xf32, #tpu.memory_space<vmem>>, vector<1x1xf32>
    tpu.vector_store %arg11[%swap3A_79, %swap3A_80], %add3A_78 {strides = array<i32>} : memref<1x1xf32, #tpu.memory_space<vmem>>, vector<1x1xf32>,
    %get3A_82 = arith.constant 0 : index
    %get3A_83 = arith.constant 0 : index
    %get3A_84 = vector.load %arg12[%get3A_82, %get3A_83] : memref<1x1xf32, #tpu.memory_space<vmem>>, vector<1x1xf32>
    %add3A_85 = vector.broadcast %reduce_sum3A_71 : f32 to vector<1x1xf32>
    %add3A_86 = arith.addf %get3A_84, %add3A_85 : vector<1x1xf32>
    %swap3A_87 = arith.constant 0 : index
    %swap3A_88 = arith.constant 0 : index
    %swap3A_89 = vector.load %arg12[%swap3A_87, %swap3A_88] : memref<1x1xf32, #tpu.memory_space<vmem>>, vector<1x1xf32>
    tpu.vector_store %arg12[%swap3A_87, %swap3A_88], %add3A_86 {strides = array<i32>} : memref<1x1xf32, #tpu.memory_space<vmem>>, vector<1x1xf32>,
    return
  }
  func.func @transform_0(%arg0: i32) -> (i32, i32) {
    %c0_i32 = arith.constant 0 : i32
    %c0_i32_0 = arith.constant 0 : i32
    return %arg0, %c0_i32 : i32, i32
  }
  func.func @transform_1(%arg0: i32) -> (i32, i32) {
    %c0_i32 = arith.constant 0 : i32
    %c0_i32_0 = arith.constant 0 : i32
    return %arg0, %c0_i32 : i32, i32
  }
  func.func @transform_2(%arg0: i32) -> (i32, i32) {
    %c0_i32 = arith.constant 0 : i32
    %c0_i32_0 = arith.constant 0 : i32
    return %arg0, %c0_i32 : i32, i32
  }
  func.func @transform_3(%arg0: i32) -> (i32, i32) {
    %c0_i32 = arith.constant 0 : i32
    %c0_i32_0 = arith.constant 0 : i32
    return %arg0, %c0_i32 : i32, i32
  }
  func.func @transform_4(%arg0: i32) -> (i32, i32) {
    %c0_i32 = arith.constant 0 : i32
    %c0_i32_0 = arith.constant 0 : i32
    return %arg0, %c0_i32 : i32, i32
  }
  func.func @transform_5(%arg0: i32) -> (i32, i32) {
    %c0_i32 = arith.constant 0 : i32
    %c0_i32_0 = arith.constant 0 : i32
    return %arg0, %c0_i32 : i32, i32
  }
  func.func @transform_6(%arg0: i32) -> (i32, i32) {
    %c0_i32 = arith.constant 0 : i32
    %c0_i32_0 = arith.constant 0 : i32
    %c0_i32_1 = arith.constant 0 : i32
    return %c0_i32, %c0_i32_0 : i32, i32
  }
  func.func @transform_7(%arg0: i32) -> (i32, i32) {
    %c0_i32 = arith.constant 0 : i32
    %c0_i32_0 = arith.constant 0 : i32
    %c0_i32_1 = arith.constant 0 : i32
    return %c0_i32, %c0_i32_0 : i32, i32
  }
  func.func @transform_8(%arg0: i32) -> (i32, i32) {
    %c0_i32 = arith.constant 0 : i32
    %c0_i32_0 = arith.constant 0 : i32
    %c0_i32_1 = arith.constant 0 : i32
    return %c0_i32, %c0_i32_0 : i32, i32
  }
  func.func @transform_9(%arg0: i32) -> (i32, i32) {
    %c0_i32 = arith.constant 0 : i32
    %c0_i32_0 = arith.constant 0 : i32
    return %arg0, %c0_i32 : i32, i32
  }
  func.func @transform_10(%arg0: i32) -> (i32, i32) {
    %c0_i32 = arith.constant 0 : i32
    %c0_i32_0 = arith.constant 0 : i32
    %c0_i32_1 = arith.constant 0 : i32
    return %c0_i32, %c0_i32_0 : i32, i32
  }
  func.func @transform_11(%arg0: i32) -> (i32, i32) {
    %c0_i32 = arith.constant 0 : i32
    %c0_i32_0 = arith.constant 0 : i32
    %c0_i32_1 = arith.constant 0 : i32
    return %c0_i32, %c0_i32_0 : i32, i32
  }
}

module attributes {stable_mosaic.version = 14 : i64} {
  func.func @_final_body(%arg0: i32, %arg1: memref<2048x128xf32, #tpu.memory_space<vmem>>, %arg2: memref<1x1xf32, #tpu.memory_space<vmem>>, %arg3: memref<1x1xf32, #tpu.memory_space<vmem>>, %arg4: memref<64x64xf32, #tpu.memory_space<vmem>>, %arg5: memref<1x64xf32, #tpu.memory_space<vmem>>, %arg6: memref<2048x64xf32, #tpu.memory_space<vmem>>, %arg7: memref<2048x64xf32, #tpu.memory_space<vmem>>) attributes {dimension_semantics = [#tpu.dimension_semantics<arbitrary>], iteration_bounds = array<i64: 4>, scalar_prefetch = 0 : i64, scratch_operands = 0 : i64, tpu.core_type = #tpu.core_type<tc>, window_params = [{transform_indices = @transform_0, window_bounds = array<i64: 2048, 128>}, {pipeline_mode = #tpu.pipeline_mode<synchronous>, transform_indices = @transform_1, window_bounds = array<i64: 1, 1>}, {pipeline_mode = #tpu.pipeline_mode<synchronous>, transform_indices = @transform_2, window_bounds = array<i64: 1, 1>}, {pipeline_mode = #tpu.pipeline_mode<synchronous>, transform_indices = @transform_3, window_bounds = array<i64: 64, 64>}, {pipeline_mode = #tpu.pipeline_mode<synchronous>, transform_indices = @transform_4, window_bounds = array<i64: 1, 64>}, {transform_indices = @transform_5, window_bounds = array<i64: 2048, 64>}, {transform_indices = @transform_6, window_bounds = array<i64: 2048, 64>}]} {
    %get3A = arith.constant 0 : index
    %get3A_0 = arith.constant 0 : index
    %get3A_1 = vector.load %arg2[%get3A, %get3A_0] : memref<1x1xf32, #tpu.memory_space<vmem>>, vector<1x1xf32>
    %get3A_2 = vector.extract %get3A_1[0, 0] : f32 from vector<1x1xf32>
    %div3A = arith.constant 5.000000e+04 : f32
    %div3A_3 = arith.divf %get3A_2, %div3A : f32
    %get3A_4 = arith.constant 0 : index
    %get3A_5 = arith.constant 0 : index
    %get3A_6 = vector.load %arg3[%get3A_4, %get3A_5] : memref<1x1xf32, #tpu.memory_space<vmem>>, vector<1x1xf32>
    %get3A_7 = vector.extract %get3A_6[0, 0] : f32 from vector<1x1xf32>
    %div3A_8 = arith.constant 5.000000e+04 : f32
    %div3A_9 = arith.divf %get3A_7, %div3A_8 : f32
    %max3A = arith.maximumf %div3A_3, %div3A_9 : f32
    %sub3A = arith.subf %div3A_3, %max3A : f32
    %exp3A = math.exp %sub3A : f32
    %sub3A_10 = arith.subf %div3A_9, %max3A : f32
    %exp3A_11 = math.exp %sub3A_10 : f32
    %add3A = arith.addf %exp3A, %exp3A_11 : f32
    %div3A_12 = arith.divf %exp3A, %add3A : f32
    %add3A_13 = arith.addf %exp3A, %exp3A_11 : f32
    %div3A_14 = arith.divf %exp3A_11, %add3A_13 : f32
    %get3A_15 = arith.constant 0 : index
    %get3A_16 = arith.constant 0 : index
    %get3A_17 = vector.load %arg1[%get3A_15, %get3A_16] : memref<2048x128xf32, #tpu.memory_space<vmem>>, vector<2048x128xf32>
    %slice3A = vector.extract_strided_slice %get3A_17 {offsets = [0, 0], sizes = [2048, 64], strides = [1, 1]} : vector<2048x128xf32> to vector<2048x64xf32>
    %mul3A = vector.broadcast %div3A_12 : f32 to vector<2048x64xf32>
    %mul3A_18 = arith.mulf %mul3A, %slice3A : vector<2048x64xf32>
    %get3A_19 = arith.constant 0 : index
    %get3A_20 = arith.constant 0 : index
    %get3A_21 = vector.load %arg1[%get3A_19, %get3A_20] : memref<2048x128xf32, #tpu.memory_space<vmem>>, vector<2048x128xf32>
    %slice3A_22 = vector.extract_strided_slice %get3A_21 {offsets = [0, 64], sizes = [2048, 64], strides = [1, 1]} : vector<2048x128xf32> to vector<2048x64xf32>
    %mul3A_23 = vector.broadcast %div3A_14 : f32 to vector<2048x64xf32>
    %mul3A_24 = arith.mulf %mul3A_23, %slice3A_22 : vector<2048x64xf32>
    %add3A_25 = arith.addf %mul3A_18, %mul3A_24 : vector<2048x64xf32>
    %swap3A = arith.constant 0 : index
    %swap3A_26 = arith.constant 0 : index
    %swap3A_27 = vector.load %arg7[%swap3A, %swap3A_26] : memref<2048x64xf32, #tpu.memory_space<vmem>>, vector<2048x64xf32>
    tpu.vector_store %arg7[%swap3A, %swap3A_26], %add3A_25 {strides = array<i32>} : memref<2048x64xf32, #tpu.memory_space<vmem>>, vector<2048x64xf32>,
    %get3A_28 = arith.constant 0 : index
    %get3A_29 = arith.constant 0 : index
    %get3A_30 = vector.load %arg4[%get3A_28, %get3A_29] : memref<64x64xf32, #tpu.memory_space<vmem>>, vector<64x64xf32>
    %dot_general3A = arith.constant dense<0.000000e+00> : vector<2048x64xf32>
    %dot_general3A_31 = tpu.matmul %add3A_25, %get3A_30, %dot_general3A {dimension_numbers = #tpu.dot_dimension_numbers<[1], [0], [0], [1], [0, 0, 1, 1], [], []>, transpose_lhs_hint = false} : vector<2048x64xf32>, vector<64x64xf32>, vector<2048x64xf32> -> vector<2048x64xf32>
    %get3A_32 = arith.constant 0 : index
    %get3A_33 = arith.constant 0 : index
    %get3A_34 = vector.load %arg5[%get3A_32, %get3A_33] : memref<1x64xf32, #tpu.memory_space<vmem>>, vector<1x64xf32>
    %add3A_35 = vector.broadcast %get3A_34 : vector<1x64xf32> to vector<2048x64xf32>
    %add3A_36 = arith.addf %dot_general3A_31, %add3A_35 : vector<2048x64xf32>
    %swap3A_37 = arith.constant 0 : index
    %swap3A_38 = arith.constant 0 : index
    %swap3A_39 = vector.load %arg6[%swap3A_37, %swap3A_38] : memref<2048x64xf32, #tpu.memory_space<vmem>>, vector<2048x64xf32>
    tpu.vector_store %arg6[%swap3A_37, %swap3A_38], %add3A_36 {strides = array<i32>} : memref<2048x64xf32, #tpu.memory_space<vmem>>, vector<2048x64xf32>,
    return
  }
  func.func @transform_0(%arg0: i32) -> (i32, i32) {
    %c0_i32 = arith.constant 0 : i32
    %c0_i32_0 = arith.constant 0 : i32
    return %arg0, %c0_i32 : i32, i32
  }
  func.func @transform_1(%arg0: i32) -> (i32, i32) {
    %c0_i32 = arith.constant 0 : i32
    %c0_i32_0 = arith.constant 0 : i32
    %c0_i32_1 = arith.constant 0 : i32
    return %c0_i32, %c0_i32_0 : i32, i32
  }
  func.func @transform_2(%arg0: i32) -> (i32, i32) {
    %c0_i32 = arith.constant 0 : i32
    %c0_i32_0 = arith.constant 0 : i32
    %c0_i32_1 = arith.constant 0 : i32
    return %c0_i32, %c0_i32_0 : i32, i32
  }
  func.func @transform_3(%arg0: i32) -> (i32, i32) {
    %c0_i32 = arith.constant 0 : i32
    %c0_i32_0 = arith.constant 0 : i32
    %c0_i32_1 = arith.constant 0 : i32
    return %c0_i32, %c0_i32_0 : i32, i32
  }
  func.func @transform_4(%arg0: i32) -> (i32, i32) {
    %c0_i32 = arith.constant 0 : i32
    %c0_i32_0 = arith.constant 0 : i32
    %c0_i32_1 = arith.constant 0 : i32
    return %c0_i32, %c0_i32_0 : i32, i32
  }
  func.func @transform_5(%arg0: i32) -> (i32, i32) {
    %c0_i32 = arith.constant 0 : i32
    %c0_i32_0 = arith.constant 0 : i32
    return %arg0, %c0_i32 : i32, i32
  }
  func.func @transform_6(%arg0: i32) -> (i32, i32) {
    %c0_i32 = arith.constant 0 : i32
    %c0_i32_0 = arith.constant 0 : i32
    return %arg0, %c0_i32 : i32, i32
  }
}

</mosaic_0001>

<sc_bundles>
// kernel: kernel.10.cloned.1.call-start
scs
__scs_entry_jumppad:
0x0: {  	(pc) =	sbr.rel $0x88, $3  }
0x1: {  	(tag) =	ssettag $0x0;
	lr =	simm.s32 $0x1  }
0x2: {  	[smem:$0x3F8D] =	sst lr;
	_ =	strace $0xD0000000  }
0x3: {  	_ = 	snop  }
0x4: {  	_ = 	snop  }
0x5: {  	_ = 	snop  }
0x6: {  	_ = 	snop  }
0x7: {  	_ = 	snop  }
__scs_overlays_trampoline_lowered:
0x8: {  	[smem:$0x3F9C] =	sst s0  }
0x9: {  	[smem:$0x3F9D] =	sst s1  }
0xa: {  	[smem:$0x3F9E] =	sst s2  }
0xb: {  	[smem:$0x3F9F] =	sst s3  }
0xc: {  	[smem:$0x3FA0] =	sst s4  }
0xd: {  	[smem:$0x3FA1] =	sst s5  }
0xe: {  	[smem:$0x3FA2] =	sst s6  }
0xf: {  	[smem:$0x3FA3] =	sst s7  }
0x10: {  	[smem:$0x3FA4] =	sst s8  }
0x11: {  	[smem:$0x3FA5] =	sst s9;
	s0 =	simm.s32 @!p0 $0x0  }
0x12: {  	s1 =	sld [smem:$0x3F8B];
	s0 =	simm.s32 @p0 $0x1  }
0x13: {  	[smem:$0x3FA6] =	sst s0;
	s0 =	simm.s32 @!p1 $0x0  }
0x14: {  	s2 =	sld [smem:$0x3F8A];
	s0 =	simm.s32 @p1 $0x1  }
0x15: {  	[smem:$0x3FA7] =	sst s0;
	s0 =	simm.s32 @!p2 $0x0  }
0x16: {  	s3 =	sld [smem:$0x3FDB];
	s0 =	simm.s32 @p2 $0x1  }
0x17: {  	s4 =	simm.s32 $0x1BF5;
	[smem:$0x3FA9] =	sst s0  }
0x18: {  	s0 =	sld [smem:$0x3F8C];
	_ =	swait.ge [sflag:s4], $0x0  }
0x19: {  	s7 =	sld [smem:$0x3F8D]  }
0x1a: {  	s8 =	sadd.s32 $0xFFFFE003, lr  }
0x1b: {  	s9 =	sadd.s32 $0xFFFFFEF7, lr;
	s5 =	simm.s32 $0xFFFFFFFF;
	p2 =	slt.u32 s8, $0xFFFFF086  }
0x1c: {  	p1 =	slt.u32 s9, $0xF7A;
	s5 =	simm.s32 @!p2 $0x0  }
0x1d: {  	s5 =	simm.s32 @p1 $0x1;
	p0 =	seq.s32 s7, s2  }
0x1e: {  	s7 =	smul.u32 @!p0 $0xF7A, s2;
	p2 =	seq.s32 @!p0 s5, $0x0  }
0x1f: {  	s9 =	smul.u32 $0xF7A, s1;
	s8 =	simm.s32 @!p0 $0x1BF5;
	p2 =	por !p2, p0  }
0x20: {  	[sflag:s8] =	ssyncset.s32 @!p0 $0xFFFFF086;
	s6 =	sadd.s32 @!p0 s3, s7;
	s7 =	simm.s32 @!p0 $0x108  }
0x21: {  	s3 =	sadd.s32 s3, s9;
	s6 =	sadd.s32 @!p0 $0x88, s6;
	s7 =	simm.s32 @p2 $0x1082  }
0x22: {  	[simem:s7], [sflag:s8] =	dma.local @!p0 [hbm:s6], $0xF7A  }
0x23: {  	s9 =	sor.u32 $0xD0000000, s2;
	s6 =	simm.s32 $0x108;
	_ =	swait.ge @!p0 [sflag:s8], $0x0  }
0x24: {  	s3 =	sadd.s32 $0x88, s3;
	s6 =	simm.s32 @!p1 $0x1082;
	[sflag:s4] =	ssyncset.s32 $0xFFFFF086  }
0x25: {  	[simem:s6], [sflag:s4] =	dma.local [hbm:s3], $0xF7A  }
0x26: {  	[smem:$0x3F8D] =	sst s1;
	(tag) =	ssettag s2;
	_ =	strace s9  }
0x27: {  	s1 =	sld [smem:$0x3F9D]  }
0x28: {  	s2 =	sld [smem:$0x3F9E]  }
0x29: {  	s4 =	sld [smem:$0x3FA0]  }
0x2a: {  	p0 =	seq.s32 s5, $0x0;
	s5 =	sld [smem:$0x3FA1]  }
0x2b: {  	s6 =	sld [smem:$0x3FA2]  }
0x2c: {  	s7 =	sld [smem:$0x3FA3]  }
0x2d: {  	s3 =	simm.s32 $0x108;
	s8 =	sld [smem:$0x3FA4]  }
0x2e: {  	s3 =	simm.s32 @!p0 $0x1082;
	s9 =	sld [smem:$0x3FA5]  }
0x2f: {  	lr =	sadd.s32 s0, s3;
	s0 =	sld [smem:$0x3F9C]  }
0x30: {  	s3 =	sld [smem:$0x3F9F]  }
0x31: {  	[smem:$0x3FA8] =	sst s10  }
0x32: {  	s10 =	sld [smem:$0x3FA6];
	_ =	sdelay $0x3  }
0x33: {  	p0 =	seq.s32 s10, $0x1;
	s10 =	sld [smem:$0x3FA8];
	_ =	sdelay $0x3  }
0x34: {  	[smem:$0x3FA8] =	sst s10  }
0x35: {  	s10 =	sld [smem:$0x3FA7];
	_ =	sdelay $0x3  }
0x36: {  	p1 =	seq.s32 s10, $0x1;
	s10 =	sld [smem:$0x3FA8];
	_ =	sdelay $0x3  }
0x37: {  	[smem:$0x3FA8] =	sst s10  }
0x38: {  	s10 =	sld [smem:$0x3FA9]  }
0x39: {  	_ = 	snop;
	(pc) =	sbr.ind lr, $3  }
0x3a: {  	_ = 	snop  }
0x3b: {  	_ = 	snop  }
0x3c: {  	p2 =	seq.s32 s10, $0x1;
	s10 =	sld [smem:$0x3FA8]  }
0x3d: {  	_ =	shalt  }
0x3e: {  	_ =	shalt  }
0x3f: {  	_ =	shalt  }
0x40: {  	_ =	shalt  }
0x41: {  	_ =	shalt  }
0x42: {  	_ =	shalt  }
0x43: {  	_ =	shalt  }
0x44: {  	_ =	shalt  }
0x45: {  	_ =	shalt  }
0x46: {  	_ =	shalt  }
0x47: {  	_ =	shalt  }
0x48: {  	_ =	shalt  }
0x49: {  	_ =	shalt  }
0x4a: {  	_ =	shalt  }
0x4b: {  	_ =	shalt  }
0x4c: {  	_ =	shalt  }
0x4d: {  	_ =	shalt  }
0x4e: {  	_ =	shalt  }
0x4f: {  	_ =	shalt  }
0x50: {  	_ =	shalt  }
0x51: {  	_ =	shalt  }
0x52: {  	_ =	shalt  }
0x53: {  	_ =	shalt  }
0x54: {  	_ =	shalt  }
0x55: {  	_ =	shalt  }
0x56: {  	_ =	shalt  }
0x57: {  	_ =	shalt  }
0x58: {  	_ =	shalt  }
0x59: {  	_ =	shalt  }
0x5a: {  	_ =	shalt  }
0x5b: {  	_ =	shalt  }
0x5c: {  	_ =	shalt  }
0x5d: {  	_ =	shalt  }
0x5e: {  	_ =	shalt  }
0x5f: {  	_ =	shalt  }
0x60: {  	_ =	shalt  }
0x61: {  	_ =	shalt  }
0x62: {  	_ =	shalt  }
0x63: {  	_ =	shalt  }
0x64: {  	_ =	shalt  }
0x65: {  	_ =	shalt  }
0x66: {  	_ =	shalt  }
0x67: {  	_ =	shalt  }
0x68: {  	_ =	shalt  }
0x69: {  	_ =	shalt  }
0x6a: {  	_ =	shalt  }
0x6b: {  	_ =	shalt  }
0x6c: {  	_ =	shalt  }
0x6d: {  	_ =	shalt  }
0x6e: {  	_ =	shalt  }
0x6f: {  	_ =	shalt  }
0x70: {  	_ =	shalt  }
0x71: {  	_ =	shalt  }
0x72: {  	_ =	shalt  }
0x73: {  	_ =	shalt  }
0x74: {  	_ =	shalt  }
0x75: {  	_ =	shalt  }
0x76: {  	_ =	shalt  }
0x77: {  	_ =	shalt  }
0x78: {  	_ =	shalt  }
0x79: {  	_ =	shalt  }
0x7a: {  	_ =	shalt  }
0x7b: {  	_ =	shalt  }
0x7c: {  	_ =	shalt  }
0x7d: {  	_ =	shalt  }
0x7e: {  	_ =	shalt  }
0x7f: {  	_ =	shalt  }
0x80: {  	_ =	shalt  }
0x81: {  	_ =	shalt  }
0x82: {  	_ =	shalt  }
0x83: {  	_ =	shalt  }
0x84: {  	_ =	shalt  }
0x85: {  	_ =	shalt  }
0x86: {  	_ =	shalt  }
0x87: {  	_ =	shalt  }
.Lfunc_end0:
.L_simem_size_0:
called_computation.1_lowered:
.L_overlay_start_0:
0x88: {  	s2 =	sld [smem:$0x3FD9]  }
0x89: {  	s3 =	sld [smem:$0x3FFE];
	_ =	sdelay $0x1  }
0x8a: {  	s1 =	srdreg.scid  }
0x8b: {  	s0 =	sand.u32 $0x1, s1  }
0x8c: {  	s17 =	sshll.u32 s0, $0xA;
	s2 =	sadd.s32 s3, s2  }
0x8d: {  	s2 =	sadd.s32 s2, s17  }
0x8e: {  	[smem:$0x3FB4] =	sst s2  }
0x8f: {  	_ = 	snop  }
0x90: {  	s2 =	sld [smem:$0x3FB6];
	(tm) =	ssettm $0x1  }
0x91: {  	s18 =	sld [smem:$0x3FFB];
	_ =	sdelay $0x3  }
0x92: {  	_ =	strace s18  }
0x93: {  	s3 =	sld [smem:$0x3FFC];
	_ =	sdelay $0x3  }
0x94: {  	_ =	strace s3  }
0x95: {  	s3 =	sld [smem:$0x3FFD];
	_ =	sdelay $0x3  }
0x96: {  	_ =	strace s3  }
0x97: {  	_ =	strace $0x8FFFFFFF  }
0x98: {  	s19 =	sld [smem:$0x3FDB];
	_ =	sdelay $0x1  }
0x99: {  	s4 =	simm.s32 $_scs_section_size  }
0x9a: {  	s5 =	simm.s32 $_size__tile_overlayer_lowered;
	s6 =	simm.s32 $_tile_overlayer_lowered  }
0x9b: {  	s22 =	simm.s32 $0x1BFF;
	s21 =	sshll.u32 s6, $0x1;
	s3 =	sadd.s32 s4, s19  }
0x9c: {  	s7 =	simm.s32 $0x0;
	s20 =	sshll.u32 s5, $0x1;
	s5 =	sadd.s32 s21, s3  }
0x9d: {  	[timem:s7], [sflag:s22] =	dma.local [hbm:s5], s20  }
0x9e: {  	_ =	swait.ge [sflag:s22], s20  }
0x9f: {  	s4 =	ssub.s32 $0x0, s20;
	[sflag:s22] =	ssyncset.done $0x0  }
0xa0: {  	[sflag:s22] =	ssyncadd.s32 s4;
	_ =	sdelay $0x1  }
0xa1: {  	s23 =	simm.s32 $0x1B8B  }
0xa2: {  	_ =	swait.ge [sflag:s23], $0x1  }
0xa3: {  	[sflag:s23] =	ssyncset.done $0x0  }
0xa4: {  	s25 =	simm.s32 $0x1B8E;
	s24 =	sld [smem:$0x3FFE];
	[sflag:s23] =	ssyncadd.s32 $0xFFFFFFFF  }
0xa5: {  	s26 =	simm.s32 $execute0_lowered;
	[smem:$0x3FD2] =	sst s25  }
0xa6: {  	s5 =	sshll.u32 s26, $0x1;
	_ =	strace $0x80000049;
	[dreg:$0x1] =	wrdreg $0xFFFFFFFF  }
0xa7: {  	s28 =	simm.s32 $_size_execute0_lowered;
	s3 =	sadd.s32 s3, s5;
	[dreg:$0x0] =	wrdreg $0x0  }
0xa8: {  	s5 =	sshll.u32 s28, $0x1;
	[dreg:$0x2] =	wrdreg s3  }
0xa9: {  	[dreg:$0x3] =	wrdreg s5  }
0xaa: {  	[dreg:$0x4] =	wrdreg $0xC0  }
0xab: {  	_ =	task [dreg:s7], $0x5FFFF  }
0xac: {  	[dreg:$0x1] =	wrdreg $0xFFFFFFFF  }
0xad: {  	[dreg:$0x0] =	wrdreg $0x60  }
0xae: {  	[dreg:$0x2] =	wrdreg s24  }
0xaf: {  	[dreg:$0x3] =	wrdreg s2  }
0xb0: {  	[dreg:$0x4] =	wrdreg $0x9  }
0xb1: {  	_ =	task.clear_ibuf [dreg:s7], $0x5FFFF;
	_ =	strace $0x90000049  }
0xb2: {  	s29 =	simm.s32 $0x9;
	_ =	strace $0x8000004B  }
0xb3: {  	_ =	swait.ge [sflag:s29], $0x1  }
0xb4: {  	[sflag:s29] =	ssyncadd.s32 $0xFFFFFFFF  }
0xb5: {  	_ =	strace $0x9000004B  }
0xb6: {  	_ =	sfence  }
0xb7: {  	s30 =	sld [smem:$0x0];
	_ =	sdelay $0x2  }
0xb8: {  	s31 =	sshll.u32 s1, $0xD;
	s1 =	sshrl.u32 s1, $0x2  }
0xb9: {  	s3 =	sand.u32 $0x4000, s31;
	s1 =	sadd.s32 s1, s30  }
0xba: {  	s0 =	sor.u32 s3, s0;
	s1 =	sshll.u32 s1, $0x11  }
0xbb: {  	s0 =	sor.u32 s1, s0  }
0xbc: {  	s0 =	sadd.s32 $0x8F2B, s0  }
0xbd: {  	[sflag:s0] =	ssyncadd.remote.s32 $0x1  }
0xbe: {  	_ =	sfence.sel $0xFFFF  }
0xbf: {  	[dreg:$0x0] =	wrdreg $0xFFFFFFFF;
	(pc) =	sbr.abs _section_cstart, $3  }
0xc0: {  	[dreg:$0x1] =	wrdreg $0xFFFFFFFF  }
0xc1: {  	_ =	task.clear_ibuf [dreg:s7], $0x2FFFF;
	_ =	strace $0x9FFFFFFF  }
0xc2: {  	(tm) =	ssettm $0x7FFFFFFF  }
0xc3: {  	_ =	shalt  }
tec
execute0_lowered:
.L_overlay_start_1:
0x0: {  	(tag) =	ssettag $0x1  }
0x1: {  	s1 =	srdreg.scid  }
0x2: {  	s8 =	rddreg [dreg:$0x0];
	s0 =	stileid.u32  }
0x3: {  	s3 =	rddreg [dreg:$0x1];
	s2 =	simm.s32 $0x0;
	s6 =	sand.u32 $0x1, s1  }
0x4: {  	s4 =	sshll.u32 s0, $0x9;
	s1 =	rddreg [dreg:$0x2];
	s5 =	sshll.u32 s6, $0x8  }
0x5: {  	s7 =	simm.s32 $0x1;
	[smem:$0x7FF] =	sst s2;
	s9 =	sor.u32 s5, s4  }
0x6: {  	_ =	strace $0x8000004A;
	s10 =	ssub.s32 $0x2, s6;
	s4 =	sshrl.u32 s9, $0x3  }
0x7: {  	s6 =	simm.s32 $0x100;
	s4 =	sadd.s32 s3, s4;
	s3 =	simm.s32 $0x2  }
0x8: {  	[tilespmem:s2], [sflag:$0x2] =	stream.linear.gather [hbm4b:s4+s2], $0x100, $0x38;
	[tilespmem:$0x8100] =	vst v63  }
0x9: {  	s5 =	sadd.s32 $0x49C800, s8;
	s11 =	sshrl.u32 s10, $0x1;
	_ =	swait.ge [sflag:s3], $0x100  }
0xa: {  	s9 =	sshll.u32 s9, $0x4;
	s31 =	ssub.s32 s10, s11;
	[sflag:s3] =	ssyncset.done $0x0  }
0xb: {  	s8 =	sadd.s32 s9, s8;
	s9 =	smax.u32 s31, $0x1;
	[sflag:s3] =	ssyncadd.s32 $0xFFFFFF00  }
0xc: {  	[tilespmem:s6], [sflag:$0x1] =	stream.indirect.gather [hbm4b:s5+s6], $0x80, s2, s6, $0xb8;
	[tilespmem:$0x8100] =	vst v63  }
0xd: {  	p0 =	sne.s32 s9, $0x1;
	_ =	swait.ge [sflag:s7], $0x8000  }
.Ltmp0:
0xe: {  	[sflag:s7] =	ssyncset.done $0x0;
	(pc) =	sbr.rel @!p0 .LBB2_2-.Ltmp0, $4  }
0xf: {  	s8 =	sadd.s32 $0x6000, s8;
	[sflag:s7] =	ssyncadd.s32 $0xFFFF8000  }
0x10: {  	[hbm4b:s8+s2] =	stream.linear.scatter [tilespmem:s6], [sflag:$0x2], $0x8000, $0x38;
	[tilespmem:$0x8100] =	vst v63  }
0x11: {  	_ =	swait.ge [sflag:s3], $0x8000  }
0x12: {  	s9 =	sadd.s32 $0xFFFFFFFF, s9;
	[sflag:s3] =	ssyncset.done $0x0  }
.LBB2_1:
0x13: {  	p0 =	sne.s32 s9, $0x1;
	s9 =	sadd.s32 $0xFFFFFFFF, s9;
	[sflag:s3] =	ssyncadd.s32 $0xFFFF8000  }
0x14: {  	[tilespmem:s2], [sflag:$0x2] =	stream.linear.gather [hbm4b:s4+s2], $0x100, $0x38;
	[tilespmem:$0x8100] =	vst v63  }
0x15: {  	_ =	swait.ge [sflag:s3], $0x100  }
0x16: {  	[sflag:s3] =	ssyncset.done $0x0  }
0x17: {  	[sflag:s3] =	ssyncadd.s32 $0xFFFFFF00  }
0x18: {  	[tilespmem:s6], [sflag:$0x1] =	stream.indirect.gather [hbm4b:s5+s6], $0x80, s2, s6, $0xb8;
	[tilespmem:$0x8100] =	vst v63  }
0x19: {  	_ =	swait.ge [sflag:s7], $0x8000  }
.Ltmp1:
0x1a: {  	[sflag:s7] =	ssyncset.done $0x0;
	(pc) =	sbr.rel @p0 .LBB2_1-.Ltmp1, $4  }
0x1b: {  	[sflag:s7] =	ssyncadd.s32 $0xFFFF8000  }
0x1c: {  	[hbm4b:s8+s2] =	stream.linear.scatter [tilespmem:s6], [sflag:$0x2], $0x8000, $0x38;
	[tilespmem:$0x8100] =	vst v63  }
0x1d: {  	_ =	swait.ge [sflag:s3], $0x8000  }
0x1e: {  	[sflag:s3] =	ssyncset.done $0x0  }
.LBB2_2:
0x1f: {  	[sflag:s3] =	ssyncadd.s32 $0xFFFF8000  }
0x20: {  	_ =	sfence.sel $0x180000  }
0x21: {  	[bflag:$0x0] =	sbarrier.arrive $0xFFFF  }
0x22: {  	p0 =	sne.s32 s0, $0x0;
	_ =	strace $0x9000004A  }
0x23: {  	s0 =	sadd.s32 @!p0 $0x100000, s1;
	[bflag:$0x2] =	sbarrier.arrive $0xFFFF  }
0x24: {  	[sflag:s0] =	ssyncadd.tile.s32 @!p0 $0x1;
	_ =	shalt  }
.Lfunc_end2:
_tile_overlayer_lowered:
.L_overlay_start_2:
0x25: {  	(tag) =	ssettag $0x2  }
0x26: {  	s0 =	rddreg [dreg:$0x0];
	s2 =	stileid.u32  }
0x27: {  	s1 =	rddreg [dreg:$0x1];
	p0 =	sne.s32 s2, $0x0  }
0x28: {  	s3 =	rddreg [dreg:$0x2];
	[bflag:$0x3] =	sbarrier.arrive $0xFFFF;
	s2 =	simm.s32 @!p0 $0x1C02  }
0x29: {  	[timem:s3], [sflag:s2] =	dma.local @!p0 [hbm:s0], s1  }
0x2a: {  	s0 =	simm.s32 @!p0 $0x2  }
0x2b: {  	_ =	swait.ge @!p0 [sflag:s0], s1  }
0x2c: {  	s1 =	ssub.s32 @!p0 $0x0, s1;
	[sflag:s0] =	ssyncset.done @!p0 $0x0  }
0x2d: {  	[sflag:s0] =	ssyncadd.s32 @!p0 s1  }
0x2e: {  	[bflag:$0x3] =	sbarrier.arrive $0xFFFF  }
0x2f: {  	_ =	shalt  }

// kernel: kernel.7.cloned.1.call-start
scs
__scs_entry_jumppad:
0x0: {  	(pc) =	sbr.rel $0x88, $3  }
0x1: {  	(tag) =	ssettag $0x0;
	lr =	simm.s32 $0x1  }
0x2: {  	[smem:$0x3F8D] =	sst lr;
	_ =	strace $0xD0000000  }
0x3: {  	_ = 	snop  }
0x4: {  	_ = 	snop  }
0x5: {  	_ = 	snop  }
0x6: {  	_ = 	snop  }
0x7: {  	_ = 	snop  }
__scs_overlays_trampoline_lowered:
0x8: {  	[smem:$0x3F9C] =	sst s0  }
0x9: {  	[smem:$0x3F9D] =	sst s1  }
0xa: {  	[smem:$0x3F9E] =	sst s2  }
0xb: {  	[smem:$0x3F9F] =	sst s3  }
0xc: {  	[smem:$0x3FA0] =	sst s4  }
0xd: {  	[smem:$0x3FA1] =	sst s5  }
0xe: {  	[smem:$0x3FA2] =	sst s6  }
0xf: {  	[smem:$0x3FA3] =	sst s7  }
0x10: {  	[smem:$0x3FA4] =	sst s8  }
0x11: {  	[smem:$0x3FA5] =	sst s9;
	s0 =	simm.s32 @!p0 $0x0  }
0x12: {  	s1 =	sld [smem:$0x3F8B];
	s0 =	simm.s32 @p0 $0x1  }
0x13: {  	[smem:$0x3FA6] =	sst s0;
	s0 =	simm.s32 @!p1 $0x0  }
0x14: {  	s2 =	sld [smem:$0x3F8A];
	s0 =	simm.s32 @p1 $0x1  }
0x15: {  	[smem:$0x3FA7] =	sst s0;
	s0 =	simm.s32 @!p2 $0x0  }
0x16: {  	s3 =	sld [smem:$0x3FDB];
	s0 =	simm.s32 @p2 $0x1  }
0x17: {  	s4 =	simm.s32 $0x1BF5;
	[smem:$0x3FA9] =	sst s0  }
0x18: {  	s0 =	sld [smem:$0x3F8C];
	_ =	swait.ge [sflag:s4], $0x0  }
0x19: {  	s7 =	sld [smem:$0x3F8D]  }
0x1a: {  	s8 =	sadd.s32 $0xFFFFE003, lr  }
0x1b: {  	s9 =	sadd.s32 $0xFFFFFEF7, lr;
	s5 =	simm.s32 $0xFFFFFFFF;
	p2 =	slt.u32 s8, $0xFFFFF086  }
0x1c: {  	p1 =	slt.u32 s9, $0xF7A;
	s5 =	simm.s32 @!p2 $0x0  }
0x1d: {  	s5 =	simm.s32 @p1 $0x1;
	p0 =	seq.s32 s7, s2  }
0x1e: {  	s7 =	smul.u32 @!p0 $0xF7A, s2;
	p2 =	seq.s32 @!p0 s5, $0x0  }
0x1f: {  	s9 =	smul.u32 $0xF7A, s1;
	s8 =	simm.s32 @!p0 $0x1BF5;
	p2 =	por !p2, p0  }
0x20: {  	[sflag:s8] =	ssyncset.s32 @!p0 $0xFFFFF086;
	s6 =	sadd.s32 @!p0 s3, s7;
	s7 =	simm.s32 @!p0 $0x108  }
0x21: {  	s3 =	sadd.s32 s3, s9;
	s6 =	sadd.s32 @!p0 $0x88, s6;
	s7 =	simm.s32 @p2 $0x1082  }
0x22: {  	[simem:s7], [sflag:s8] =	dma.local @!p0 [hbm:s6], $0xF7A  }
0x23: {  	s9 =	sor.u32 $0xD0000000, s2;
	s6 =	simm.s32 $0x108;
	_ =	swait.ge @!p0 [sflag:s8], $0x0  }
0x24: {  	s3 =	sadd.s32 $0x88, s3;
	s6 =	simm.s32 @!p1 $0x1082;
	[sflag:s4] =	ssyncset.s32 $0xFFFFF086  }
0x25: {  	[simem:s6], [sflag:s4] =	dma.local [hbm:s3], $0xF7A  }
0x26: {  	[smem:$0x3F8D] =	sst s1;
	(tag) =	ssettag s2;
	_ =	strace s9  }
0x27: {  	s1 =	sld [smem:$0x3F9D]  }
0x28: {  	s2 =	sld [smem:$0x3F9E]  }
0x29: {  	s4 =	sld [smem:$0x3FA0]  }
0x2a: {  	p0 =	seq.s32 s5, $0x0;
	s5 =	sld [smem:$0x3FA1]  }
0x2b: {  	s6 =	sld [smem:$0x3FA2]  }
0x2c: {  	s7 =	sld [smem:$0x3FA3]  }
0x2d: {  	s3 =	simm.s32 $0x108;
	s8 =	sld [smem:$0x3FA4]  }
0x2e: {  	s3 =	simm.s32 @!p0 $0x1082;
	s9 =	sld [smem:$0x3FA5]  }
0x2f: {  	lr =	sadd.s32 s0, s3;
	s0 =	sld [smem:$0x3F9C]  }
0x30: {  	s3 =	sld [smem:$0x3F9F]  }
0x31: {  	[smem:$0x3FA8] =	sst s10  }
0x32: {  	s10 =	sld [smem:$0x3FA6];
	_ =	sdelay $0x3  }
0x33: {  	p0 =	seq.s32 s10, $0x1;
	s10 =	sld [smem:$0x3FA8];
	_ =	sdelay $0x3  }
0x34: {  	[smem:$0x3FA8] =	sst s10  }
0x35: {  	s10 =	sld [smem:$0x3FA7];
	_ =	sdelay $0x3  }
0x36: {  	p1 =	seq.s32 s10, $0x1;
	s10 =	sld [smem:$0x3FA8];
	_ =	sdelay $0x3  }
0x37: {  	[smem:$0x3FA8] =	sst s10  }
0x38: {  	s10 =	sld [smem:$0x3FA9]  }
0x39: {  	_ = 	snop;
	(pc) =	sbr.ind lr, $3  }
0x3a: {  	_ = 	snop  }
0x3b: {  	_ = 	snop  }
0x3c: {  	p2 =	seq.s32 s10, $0x1;
	s10 =	sld [smem:$0x3FA8]  }
0x3d: {  	_ =	shalt  }
0x3e: {  	_ =	shalt  }
0x3f: {  	_ =	shalt  }
0x40: {  	_ =	shalt  }
0x41: {  	_ =	shalt  }
0x42: {  	_ =	shalt  }
0x43: {  	_ =	shalt  }
0x44: {  	_ =	shalt  }
0x45: {  	_ =	shalt  }
0x46: {  	_ =	shalt  }
0x47: {  	_ =	shalt  }
0x48: {  	_ =	shalt  }
0x49: {  	_ =	shalt  }
0x4a: {  	_ =	shalt  }
0x4b: {  	_ =	shalt  }
0x4c: {  	_ =	shalt  }
0x4d: {  	_ =	shalt  }
0x4e: {  	_ =	shalt  }
0x4f: {  	_ =	shalt  }
0x50: {  	_ =	shalt  }
0x51: {  	_ =	shalt  }
0x52: {  	_ =	shalt  }
0x53: {  	_ =	shalt  }
0x54: {  	_ =	shalt  }
0x55: {  	_ =	shalt  }
0x56: {  	_ =	shalt  }
0x57: {  	_ =	shalt  }
0x58: {  	_ =	shalt  }
0x59: {  	_ =	shalt  }
0x5a: {  	_ =	shalt  }
0x5b: {  	_ =	shalt  }
0x5c: {  	_ =	shalt  }
0x5d: {  	_ =	shalt  }
0x5e: {  	_ =	shalt  }
0x5f: {  	_ =	shalt  }
0x60: {  	_ =	shalt  }
0x61: {  	_ =	shalt  }
0x62: {  	_ =	shalt  }
0x63: {  	_ =	shalt  }
0x64: {  	_ =	shalt  }
0x65: {  	_ =	shalt  }
0x66: {  	_ =	shalt  }
0x67: {  	_ =	shalt  }
0x68: {  	_ =	shalt  }
0x69: {  	_ =	shalt  }
0x6a: {  	_ =	shalt  }
0x6b: {  	_ =	shalt  }
0x6c: {  	_ =	shalt  }
0x6d: {  	_ =	shalt  }
0x6e: {  	_ =	shalt  }
0x6f: {  	_ =	shalt  }
0x70: {  	_ =	shalt  }
0x71: {  	_ =	shalt  }
0x72: {  	_ =	shalt  }
0x73: {  	_ =	shalt  }
0x74: {  	_ =	shalt  }
0x75: {  	_ =	shalt  }
0x76: {  	_ =	shalt  }
0x77: {  	_ =	shalt  }
0x78: {  	_ =	shalt  }
0x79: {  	_ =	shalt  }
0x7a: {  	_ =	shalt  }
0x7b: {  	_ =	shalt  }
0x7c: {  	_ =	shalt  }
0x7d: {  	_ =	shalt  }
0x7e: {  	_ =	shalt  }
0x7f: {  	_ =	shalt  }
0x80: {  	_ =	shalt  }
0x81: {  	_ =	shalt  }
0x82: {  	_ =	shalt  }
0x83: {  	_ =	shalt  }
0x84: {  	_ =	shalt  }
0x85: {  	_ =	shalt  }
0x86: {  	_ =	shalt  }
0x87: {  	_ =	shalt  }
.Lfunc_end0:
.L_simem_size_0:
called_computation_lowered:
.L_overlay_start_0:
0x88: {  	s2 =	sld [smem:$0x3FD9]  }
0x89: {  	s3 =	sld [smem:$0x3FFE];
	_ =	sdelay $0x1  }
0x8a: {  	s1 =	srdreg.scid  }
0x8b: {  	s0 =	sand.u32 $0x1, s1  }
0x8c: {  	s14 =	sshll.u32 s0, $0xA;
	s2 =	sadd.s32 s3, s2  }
0x8d: {  	s2 =	sadd.s32 s2, s14  }
0x8e: {  	[smem:$0x3FB4] =	sst s2  }
0x8f: {  	_ = 	snop  }
0x90: {  	s2 =	sld [smem:$0x3FD0];
	_ =	sdelay $0x2  }
0x91: {  	s15 =	simm.s32 $0xA;
	s4 =	simm.s32 $0x10  }
0x92: {  	[smem:s4], [sflag:s15] =	dma.local [hbm:s2], $0x1  }
0x93: {  	_ =	swait.eq [sflag:s15], $0x1  }
0x94: {  	[sflag:s15] =	ssyncset.done $0x0  }
0x95: {  	s16 =	sld [smem:$0x10];
	[sflag:s15] =	ssyncadd.s32 $0xFFFFFFFF  }
0x96: {  	s17 =	sld [smem:$0x11];
	(tm) =	ssettm $0x1  }
0x97: {  	s18 =	sld [smem:$0x3FFB];
	_ =	sdelay $0x3  }
0x98: {  	_ =	strace s18  }
0x99: {  	s4 =	sld [smem:$0x3FFC];
	_ =	sdelay $0x3  }
0x9a: {  	_ =	strace s4  }
0x9b: {  	s4 =	sld [smem:$0x3FFD];
	_ =	sdelay $0x3  }
0x9c: {  	_ =	strace s4  }
0x9d: {  	_ =	strace $0x8FFFFFFF  }
0x9e: {  	s19 =	sld [smem:$0x3FDB];
	_ =	sdelay $0x1  }
0x9f: {  	s5 =	simm.s32 $_scs_section_size  }
0xa0: {  	s6 =	simm.s32 $_size__tile_overlayer_lowered;
	s7 =	simm.s32 $_tile_overlayer_lowered  }
0xa1: {  	s22 =	simm.s32 $0x1BFF;
	s21 =	sshll.u32 s7, $0x1;
	s4 =	sadd.s32 s5, s19  }
0xa2: {  	s8 =	simm.s32 $0x0;
	s20 =	sshll.u32 s6, $0x1;
	s6 =	sadd.s32 s21, s4  }
0xa3: {  	[timem:s8], [sflag:s22] =	dma.local [hbm:s6], s20  }
0xa4: {  	_ =	swait.ge [sflag:s22], s20  }
0xa5: {  	s5 =	ssub.s32 $0x0, s20;
	[sflag:s22] =	ssyncset.done $0x0  }
0xa6: {  	[sflag:s22] =	ssyncadd.s32 s5;
	_ =	sdelay $0x1  }
0xa7: {  	s23 =	simm.s32 $0x1B8B  }
0xa8: {  	_ =	swait.ge [sflag:s23], $0x1  }
0xa9: {  	[sflag:s23] =	ssyncset.done $0x0  }
0xaa: {  	s25 =	simm.s32 $0x1B8E;
	s24 =	sld [smem:$0x3FFE];
	[sflag:s23] =	ssyncadd.s32 $0xFFFFFFFF  }
0xab: {  	s26 =	simm.s32 $execute0_lowered;
	[smem:$0x3FD2] =	sst s25  }
0xac: {  	s6 =	sshll.u32 s26, $0x1;
	_ =	strace $0x80000046;
	[dreg:$0x1] =	wrdreg $0xFFFFFFFF  }
0xad: {  	s28 =	simm.s32 $_size_execute0_lowered;
	s4 =	sadd.s32 s4, s6;
	[dreg:$0x0] =	wrdreg $0x0  }
0xae: {  	s6 =	sshll.u32 s28, $0x1;
	[dreg:$0x2] =	wrdreg s4  }
0xaf: {  	[dreg:$0x3] =	wrdreg s6  }
0xb0: {  	[dreg:$0x4] =	wrdreg $0xC0  }
0xb1: {  	_ =	task [dreg:s8], $0x5FFFF  }
0xb2: {  	[dreg:$0x1] =	wrdreg $0xFFFFFFFF  }
0xb3: {  	[dreg:$0x0] =	wrdreg $0x60  }
0xb4: {  	[dreg:$0x2] =	wrdreg s24  }
0xb5: {  	[dreg:$0x3] =	wrdreg s17  }
0xb6: {  	[dreg:$0x4] =	wrdreg s16  }
0xb7: {  	[dreg:$0x5] =	wrdreg $0x58000  }
0xb8: {  	[dreg:$0x6] =	wrdreg $0x1E0000  }
0xb9: {  	[dreg:$0x7] =	wrdreg $0x9  }
0xba: {  	_ =	task.clear_ibuf [dreg:s8], $0x8FFFF;
	_ =	strace $0x90000046  }
0xbb: {  	s29 =	simm.s32 $0x9;
	_ =	strace $0x80000048  }
0xbc: {  	_ =	swait.ge [sflag:s29], $0x1  }
0xbd: {  	[sflag:s29] =	ssyncadd.s32 $0xFFFFFFFF  }
0xbe: {  	_ =	strace $0x90000048  }
0xbf: {  	_ =	sfence  }
0xc0: {  	s30 =	sld [smem:$0x0];
	_ =	sdelay $0x2  }
0xc1: {  	s31 =	sshll.u32 s1, $0xD;
	s1 =	sshrl.u32 s1, $0x2  }
0xc2: {  	s3 =	sand.u32 $0x4000, s31;
	s1 =	sadd.s32 s1, s30  }
0xc3: {  	s0 =	sor.u32 s3, s0;
	s1 =	sshll.u32 s1, $0x11  }
0xc4: {  	s0 =	sor.u32 s1, s0  }
0xc5: {  	s0 =	sadd.s32 $0x8F2B, s0  }
0xc6: {  	[sflag:s0] =	ssyncadd.remote.s32 $0x1  }
0xc7: {  	_ =	sfence.sel $0xFFFF  }
0xc8: {  	[dreg:$0x0] =	wrdreg $0xFFFFFFFF;
	(pc) =	sbr.abs _section_cstart, $3  }
0xc9: {  	[dreg:$0x1] =	wrdreg $0xFFFFFFFF  }
0xca: {  	_ =	task.clear_ibuf [dreg:s8], $0x2FFFF;
	_ =	strace $0x9FFFFFFF  }
0xcb: {  	(tm) =	ssettm $0x7FFFFFFF  }
tec
execute0_lowered:
.L_overlay_start_1:
0x0: {  	(tag) =	ssettag $0x1  }
0x1: {  	s0 =	rddreg [dreg:$0x0]  }
0x2: {  	s2 =	rddreg [dreg:$0x2];
	s1 =	simm.s32 $0x0;
	s23 =	stileid.u32  }
0x3: {  	s4 =	srdreg.scid;
	s29 =	simm.s32 $0x100;
	s6 =	smul.u32 $0xC40, s23  }
0x4: {  	[smem:$0x7FF] =	sst s1;
	s3 =	sadd.s32 $0x281200, s0;
	s9 =	smul.u32 $0xC350, s23  }
0x5: {  	s5 =	sadd.s32 $0x299A00, s0;
	s4 =	sand.u32 $0x1, s4;
	s11 =	sadd.s32 $0xCA000, s0  }
0x6: {  	s8 =	ssub.s32 $0x2, s4;
	s9 =	sshrl.u32 s9, $0x3;
	s22 =	sshrl.u32 s6, $0x3  }
0x7: {  	s12 =	sshrl.u32 s8, $0x1;
	s9 =	sadd.s32 $0x1860, s9;
	s16 =	sadd.s32 s2, s22  }
0x8: {  	s13 =	sadd.s32 $0x620, s6;
	s15 =	sadd.s32 s3, s9;
	[dreg:$0x8] =	wrdreg s16  }
0x9: {  	s17 =	sshrl.u32 s13, $0x3;
	s21 =	sadd.s32 s5, s9;
	[dreg:$0x6] =	wrdreg s15  }
0xa: {  	s8 =	ssub.s32 s8, s12;
	s25 =	sadd.s32 s2, s17;
	[dreg:$0x7] =	wrdreg s21  }
0xb: {  	s12 =	sadd.s32 $0x310, s6;
	s20 =	sadd.s32 s11, s17;
	[dreg:$0xa] =	wrdreg s25  }
0xc: {  	s14 =	sadd.s32 $0x930, s6;
	s24 =	sshrl.u32 s12, $0x3;
	[dreg:$0xe] =	wrdreg s20  }
0xd: {  	s26 =	sshrl.u32 s14, $0x3;
	s18 =	sadd.s32 s2, s24;
	s20 =	rddreg [dreg:$0x4]  }
0xe: {  	s30 =	simm.s32 $0x200;
	s2 =	sadd.s32 s2, s26;
	[dreg:$0x9] =	wrdreg s18  }
0xf: {  	s31 =	simm.s32 $0x6;
	s15 =	sadd.s32 s11, s22;
	[dreg:$0xb] =	wrdreg s2  }
0x10: {  	s7 =	sadd.s32 $0x268A00, s0;
	s19 =	sadd.s32 s11, s24;
	[dreg:$0xc] =	wrdreg s15  }
0x11: {  	s10 =	sadd.s32 $0x250200, s0;
	s21 =	sadd.s32 s11, s26;
	[dreg:$0xd] =	wrdreg s19  }
0x12: {  	p0 =	seq.s32 s4, $0x1;
	s24 =	sadd.s32 s7, s9;
	[dreg:$0xf] =	wrdreg s21  }
0x13: {  	s4 =	smul.u32 $0xC350, s4;
	s9 =	sadd.s32 s10, s9;
	[dreg:$0x10] =	wrdreg s24  }
0x14: {  	s28 =	simm.s32 $0x5;
	s22 =	smul.u32 $0x186A, s23;
	[dreg:$0x11] =	wrdreg s9  }
0x15: {  	v0 =	vmov s4;
	s4 =	simm.s32 $0xA;
	s26 =	smul.u32 $0x3100, s23;
	s18 =	rddreg [dreg:$0x3]  }
0x16: {  	s9 =	smul.u32 $0x62000, s23;
	s11 =	sadd.s32 s6, s20;
	s12 =	sadd.s32 s12, s20  }
0x17: {  	s13 =	sadd.s32 s13, s20;
	s14 =	sadd.s32 s14, s20;
	s24 =	sshll.u32 s23, $0x6  }
0x18: {  	s6 =	simm.s32 $0x80;
	s2 =	simm.s32 $0x2C00;
	s25 =	sadd.s32 s22, s10  }
0x19: {  	s23 =	simm.s32 $0x2B80;
	s5 =	sadd.s32 s22, s5;
	[dreg:$0x14] =	wrdreg s25  }
0x1a: {  	s17 =	sadd.s32 s22, s3;
	_ =	strace $0x80000047;
	[dreg:$0x16] =	wrdreg s11  }
0x1b: {  	s21 =	sadd.s32 s22, s7;
	s3 =	sadd.s32 s26, s0;
	[dreg:$0x17] =	wrdreg s12  }
0x1c: {  	s22 =	sadd.s32 $0x2B2200, s0;
	s26 =	smax.u32 s8, $0x1;
	[dreg:$0x18] =	wrdreg s13  }
0x1d: {  	s7 =	simm.s32 $0x2A00;
	s15 =	sadd.s32 $0x6000, s3;
	[dreg:$0x19] =	wrdreg s14  }
0x1e: {  	s8 =	simm.s32 $0x2A80;
	s16 =	sadd.s32 $0x68000, s3;
	[dreg:$0x1a] =	wrdreg s15  }
0x1f: {  	s10 =	sshrl.u32 s9, $0x2;
	s19 =	sadd.s32 $0x37000, s3;
	[dreg:$0x1b] =	wrdreg s16  }
0x20: {  	s25 =	sadd.s32 $0x99000, s3;
	s9 =	simm.s32 $0x1;
	[dreg:$0x1c] =	wrdreg s19  }
0x21: {  	s3 =	simm.s32 $0x3;
	s0 =	sadd.s32 s10, s18;
	[dreg:$0x1d] =	wrdreg s25  }
0x22: {  	[dreg:$0x1e] =	wrdreg s26;
	s25 =	simm.s32 $0xB;
	s10 =	simm.s32 $0x2  }
.Ltmp0:
0x23: {  	s11 =	simm.s32 $0x50;
	s16 =	simm.s32 $0x7;
	(pc) =	sbr.rel .LBB2_1-.Ltmp0, $4  }
0x24: {  	s14 =	simm.s32 $0x2B00;
	s12 =	simm.s32 $0x180;
	[dreg:$0x12] =	wrdreg s5  }
0x25: {  	s13 =	simm.s32 $0x8;
	s26 =	simm.s32 $0x5400;
	[dreg:$0x13] =	wrdreg s17  }
0x26: {  	s15 =	simm.s32 $0x0;
	[dreg:$0x15] =	wrdreg s0;
	s0 =	sor.u32 $0x1C0B, s24  }
0x27: {  	v1 =	vimm.f32 $1.000000000e+00;
	v2 =	vimm.f32 $0.0e+00;
	s24 =	simm.s32 $0x9;
	[dreg:$0x1f] =	wrdreg s0;
	s0 =	simm.s32 $0x4  }
.LBB2_11:
0x28: {  	v7 =	vld [tilespmem:$0x2AC0]  }
0x29: {  	v8 =	vld [tilespmem:$0x2A40]  }
0x2a: {  	v9 =	vld [tilespmem:$0x2A80];
	v10 =	vand.u32 $0x3, v6  }
0x2b: {  	v26 =	vshrl.u32 v6, $0x2;
	v12 =	vand.u32 $0x3, v4;
	v29 =	vld [tilespmem:$0x2AB0];
	v10 =	vmul.u32 $0x186A0, v10  }
0x2c: {  	v27 =	vshrl.u32 v4, $0x2;
	v5 =	vadd.s32 v0, v5;
	[tilespmem:$0x2B90] =	vst v26;
	v28 =	vmul.u32 $0x186A0, v12  }
0x2d: {  	v11 =	vld [tilespmem:$0x2A00];
	v3 =	vadd.s32 v0, v3;
	[tilespmem:$0x2BA0] =	vst v27;
	v30 =	vadd.s32 v10, v5  }
0x2e: {  	v32 =	vld [tilespmem:$0x2A30];
	v3 =	vadd.s32 v28, v3;
	[tilespmem:$0x2B10] =	vst v30  }
0x2f: {  	[tilespmem:$0x2B20] =	vst v3;
	v31 =	vand.u32 $0x3, v7;
	v34 =	vand.u32 $0x3, v9;
	v35 =	vshrl.u32 v7, $0x2  }
0x30: {  	v3 =	vadd.s32 v0, v8;
	v38 =	vshrl.u32 v29, $0x2;
	v33 =	vmul.u32 $0x186A0, v31;
	[tilespmem:$0x2BC0] =	vst v35  }
0x31: {  	v37 =	vand.u32 $0x3, v29;
	v40 =	vshrl.u32 v9, $0x2;
	v5 =	vmul.u32 $0x186A0, v34;
	[tilespmem:$0x2BB0] =	vst v38  }
0x32: {  	v36 =	vadd.s32 v0, v11;
	v39 =	vmul.u32 $0x186A0, v37;
	[tilespmem:$0x2B80] =	vst v40;
	v3 =	vadd.s32 v33, v3  }
0x33: {  	v41 =	vadd.s32 v0, v32;
	[tilespmem:$0x2B40] =	vst v3;
	v3 =	vadd.s32 v5, v36  }
0x34: {  	[tilespmem:$0x2B00] =	vst v3;
	v3 =	vadd.s32 v39, v41  }
0x35: {  	[tilespmem:$0x2B30] =	vst v3  }
0x36: {  	[tilespmem:s2], [sflag:$0x8] =	stream.indirect.gather [hbm4b:s22+s11], $0x80, s14, s11, $0xb8;
	[tilespmem:$0x1EC40] =	vst v63  }
0x37: {  	_ =	swait.ge [sflag:s3], $0x2800  }
0x38: {  	[sflag:s3] =	ssyncset.done $0x0  }
0x39: {  	[sflag:s3] =	ssyncadd.s32 $0xFFFFD800  }
0x3a: {  	[spmem:s18] =	stream.indirect.scatter.add.f32 [tilespmem:s30], [sflag:$0x4], $0x80, s12, s11, $0xb8;
	[tilespmem:$0x1EC40] =	vst v63  }
0x3b: {  	_ = 	snop  }
0x3c: {  	[spmem:s20] =	stream.indirect.scatter.add.f32 [tilespmem:s26], [sflag:$0x5], $0x1, s6, s11, $0xb8;
	[tilespmem:$0x1EC40] =	vst v63  }
0x3d: {  	_ =	swait.ge [sflag:s13], $0x2800  }
0x3e: {  	[sflag:s13] =	ssyncset.done $0x0  }
0x3f: {  	[sflag:s13] =	ssyncadd.s32 $0xFFFFD800  }
0x40: {  	[spmem:s18] =	stream.indirect.scatter.add.f32 [tilespmem:s2], [sflag:$0x9], $0x80, s23, s11, $0xb8;
	[tilespmem:$0x1EC40] =	vst v63  }
0x41: {  	_ = 	snop  }
0x42: {  	[spmem:s20] =	stream.indirect.scatter.add.f32 [tilespmem:s26], [sflag:$0xA], $0x1, s8, s11, $0xb8;
	[tilespmem:$0x1EC40] =	vst v63  }
0x43: {  	_ =	swait.ge [sflag:s0], $0x2800  }
0x44: {  	[sflag:s0] =	ssyncset.done $0x0  }
0x45: {  	[sflag:s0] =	ssyncadd.s32 $0xFFFFD800  }
0x46: {  	_ =	swait.ge [sflag:s28], $0x50  }
0x47: {  	[sflag:s28] =	ssyncset.done $0x0  }
0x48: {  	[sflag:s28] =	ssyncadd.s32 $0xFFFFFFB0  }
0x49: {  	_ =	swait.ge [sflag:s24], $0x2800  }
0x4a: {  	[sflag:s24] =	ssyncset.done $0x0  }
0x4b: {  	[sflag:s24] =	ssyncadd.s32 $0xFFFFD800  }
0x4c: {  	_ =	swait.ge [sflag:s4], $0x50  }
0x4d: {  	[sflag:s4] =	ssyncset.done $0x0  }
0x4e: {  	s25 =	simm.s32 $0xB;
	s5 =	rddreg [dreg:$0x10];
	[sflag:s4] =	ssyncadd.s32 $0xFFFFFFB0  }
0x4f: {  	[tilespmem:s1], [sflag:$0xB] =	stream.linear.gather [hbm4b:s5+s1], $0x50, $0x38;
	[tilespmem:$0x1EC40] =	vst v63  }
0x50: {  	_ =	swait.ge [sflag:s25], $0x50  }
0x51: {  	[sflag:s25] =	ssyncset.done $0x0  }
0x52: {  	s17 =	rddreg [dreg:$0x11];
	[sflag:s25] =	ssyncadd.s32 $0xFFFFFFB0  }
0x53: {  	[tilespmem:s6], [sflag:$0xB] =	stream.linear.gather [hbm4b:s17+s1], $0x50, $0x38;
	[tilespmem:$0x1EC40] =	vst v63  }
0x54: {  	_ =	swait.ge [sflag:s25], $0x50  }
0x55: {  	[sflag:s25] =	ssyncset.done $0x0  }
0x56: {  	[sflag:s25] =	ssyncadd.s32 $0xFFFFFFB0  }
0x57: {  	v3 =	vld [tilespmem:$0x80]  }
0x58: {  	v42 =	vld [tilespmem:$0x0]  }
0x59: {  	v43 =	vld [tilespmem:$0x90]  }
0x5a: {  	v44 =	vld [tilespmem:$0x10]  }
0x5b: {  	v45 =	vld [tilespmem:$0xA0]  }
0x5c: {  	v47 =	vld [tilespmem:$0x20]  }
0x5d: {  	v48 =	vld [tilespmem:$0xB0];
	v46 =	vand.u32 $0x3, v3  }
0x5e: {  	v50 =	vld [tilespmem:$0x30];
	v49 =	vand.u32 $0x3, v43;
	v8 =	vmul.u32 $0x186A0, v46  }
0x5f: {  	v52 =	vld [tilespmem:$0xC0];
	v4 =	vadd.s32 v0, v42;
	v3 =	vshrl.u32 v3, $0x2;
	v51 =	vmul.u32 $0x186A0, v49  }
0x60: {  	v53 =	vadd.s32 v0, v44;
	v54 =	vand.u32 $0x3, v45;
	[tilespmem:$0x180] =	vst v3;
	v4 =	vadd.s32 v8, v4  }
0x61: {  	v56 =	vld [tilespmem:$0x40];
	v55 =	vmul.u32 $0x186A0, v54;
	v3 =	vadd.s32 v51, v53;
	[tilespmem:$0x100] =	vst v4  }
0x62: {  	v57 =	vadd.s32 v0, v47;
	v58 =	vand.u32 $0x3, v48;
	[tilespmem:$0x110] =	vst v3;
	v3 =	vshrl.u32 v43, $0x2  }
0x63: {  	v59 =	vmul.u32 $0x186A0, v58;
	[tilespmem:$0x190] =	vst v3;
	v3 =	vadd.s32 v55, v57  }
0x64: {  	v60 =	vadd.s32 v0, v50;
	v61 =	vand.u32 $0x3, v52;
	[tilespmem:$0x120] =	vst v3;
	v3 =	vshrl.u32 v45, $0x2  }
0x65: {  	v62 =	vmul.u32 $0x186A0, v61;
	[tilespmem:$0x1A0] =	vst v3;
	v3 =	vadd.s32 v59, v60  }
0x66: {  	v63 =	vadd.s32 v0, v56;
	[tilespmem:$0x130] =	vst v3;
	v3 =	vshrl.u32 v48, $0x2  }
0x67: {  	[tilespmem:$0x1B0] =	vst v3;
	v3 =	vadd.s32 v62, v63  }
0x68: {  	[tilespmem:$0x140] =	vst v3;
	v3 =	vshrl.u32 v52, $0x2  }
0x69: {  	[tilespmem:$0x1C0] =	vst v3  }
0x6a: {  	[tilespmem:s30], [sflag:$0x3] =	stream.indirect.gather [hbm4b:s22+s11], $0x80, s29, s11, $0xb8;
	[tilespmem:$0x1EC40] =	vst v63  }
0x6b: {  	_ =	swait.ge [sflag:s3], $0x2800  }
0x6c: {  	[sflag:s3] =	ssyncset.done $0x0  }
0x6d: {  	[sflag:s3] =	ssyncadd.s32 $0xFFFFD800  }
0x6e: {  	[spmem:s18] =	stream.indirect.scatter.add.f32 [tilespmem:s30], [sflag:$0xB], $0x80, s12, s11, $0xb8;
	[tilespmem:$0x1EC40] =	vst v63  }
0x6f: {  	_ =	swait.ge [sflag:s25], $0x2800  }
0x70: {  	[sflag:s25] =	ssyncset.done $0x0  }
0x71: {  	[sflag:s25] =	ssyncadd.s32 $0xFFFFD800  }
0x72: {  	[spmem:s20] =	stream.indirect.scatter.add.f32 [tilespmem:s26], [sflag:$0xB], $0x1, s6, s11, $0xb8;
	[tilespmem:$0x1EC40] =	vst v63  }
0x73: {  	_ =	swait.ge [sflag:s25], $0x50  }
0x74: {  	[sflag:s25] =	ssyncset.done $0x0  }
0x75: {  	[sflag:s25] =	ssyncadd.s32 $0xFFFFFFB0  }
0x76: {  	[bflag:$0x0] =	sbarrier.arrive $0xFFFF  }
0x77: {  	s17 =	sld [smem:$0x7FD]  }
0x78: {  	s19 =	rddreg [dreg:$0x1d]  }
0x79: {  	s15 =	rddreg [dreg:$0x1f]  }
0x7a: {  	[hbm:s19], [sflag:s15] =	dma.local [spmem:s17], $0x3100  }
0x7b: {  	_ =	swait.ge [sflag:s25], $0x3100  }
0x7c: {  	[sflag:s25] =	ssyncset.done $0x0  }
0x7d: {  	s15 =	simm.s32 $0x5480;
	s17 =	rddreg [dreg:$0x16];
	[sflag:s25] =	ssyncadd.s32 $0xFFFFCF00  }
0x7e: {  	[tilespmem:s15], [sflag:$0xB] =	stream.linear.gather [spmem:s17], $0x310, $0x38;
	[tilespmem:$0x1EC40] =	vst v63  }
0x7f: {  	_ =	swait.ge [sflag:s25], $0x310  }
0x80: {  	[sflag:s25] =	ssyncset.done $0x0  }
0x81: {  	s19 =	rddreg [dreg:$0xc];
	[sflag:s25] =	ssyncadd.s32 $0xFFFFFCF0  }
0x82: {  	[hbm4b:s19+s1] =	stream.linear.scatter [tilespmem:s15], [sflag:$0xB], $0x310, $0x38;
	[tilespmem:$0x1EC40] =	vst v63  }
0x83: {  	_ =	swait.ge [sflag:s25], $0x310  }
0x84: {  	[sflag:s25] =	ssyncset.done $0x0  }
0x85: {  	s17 =	rddreg [dreg:$0x17];
	[sflag:s25] =	ssyncadd.s32 $0xFFFFFCF0  }
0x86: {  	[tilespmem:s15], [sflag:$0xB] =	stream.linear.gather [spmem:s17], $0x310, $0x38;
	[tilespmem:$0x1EC40] =	vst v63  }
0x87: {  	_ =	swait.ge [sflag:s25], $0x310  }
0x88: {  	[sflag:s25] =	ssyncset.done $0x0  }
0x89: {  	s19 =	rddreg [dreg:$0xd];
	[sflag:s25] =	ssyncadd.s32 $0xFFFFFCF0  }
0x8a: {  	[hbm4b:s19+s1] =	stream.linear.scatter [tilespmem:s15], [sflag:$0xB], $0x310, $0x38;
	[tilespmem:$0x1EC40] =	vst v63  }
0x8b: {  	_ =	swait.ge [sflag:s25], $0x310  }
0x8c: {  	[sflag:s25] =	ssyncset.done $0x0  }
0x8d: {  	s17 =	rddreg [dreg:$0x18];
	[sflag:s25] =	ssyncadd.s32 $0xFFFFFCF0  }
0x8e: {  	[tilespmem:s15], [sflag:$0xB] =	stream.linear.gather [spmem:s17], $0x310, $0x38;
	[tilespmem:$0x1EC40] =	vst v63  }
0x8f: {  	_ =	swait.ge [sflag:s25], $0x310  }
0x90: {  	[sflag:s25] =	ssyncset.done $0x0  }
0x91: {  	s19 =	rddreg [dreg:$0xe];
	[sflag:s25] =	ssyncadd.s32 $0xFFFFFCF0  }
0x92: {  	[hbm4b:s19+s1] =	stream.linear.scatter [tilespmem:s15], [sflag:$0xB], $0x310, $0x38;
	[tilespmem:$0x1EC40] =	vst v63  }
0x93: {  	_ =	swait.ge [sflag:s25], $0x310  }
0x94: {  	[sflag:s25] =	ssyncset.done $0x0  }
0x95: {  	s17 =	rddreg [dreg:$0x19];
	[sflag:s25] =	ssyncadd.s32 $0xFFFFFCF0  }
0x96: {  	[tilespmem:s15], [sflag:$0xB] =	stream.linear.gather [spmem:s17], $0x310, $0x38;
	[tilespmem:$0x1EC40] =	vst v63  }
0x97: {  	_ =	swait.ge [sflag:s25], $0x310  }
0x98: {  	[sflag:s25] =	ssyncset.done $0x0  }
0x99: {  	s19 =	rddreg [dreg:$0xf];
	[sflag:s25] =	ssyncadd.s32 $0xFFFFFCF0  }
0x9a: {  	[hbm4b:s19+s1] =	stream.linear.scatter [tilespmem:s15], [sflag:$0xB], $0x310, $0x38;
	[tilespmem:$0x1EC40] =	vst v63  }
0x9b: {  	_ =	swait.ge [sflag:s25], $0x310  }
0x9c: {  	[sflag:s25] =	ssyncset.done $0x0;
	s17 =	rddreg [dreg:$0x13]  }
0x9d: {  	s15 =	sld [smem:$0x7FC];
	[sflag:s25] =	ssyncadd.s32 $0xFFFFFCF0  }
.LBB2_12:
0x9e: {  	_ =	sdelay $0x1  }
0x9f: {  	s5 =	rddreg [dreg:$0x1e];
	s15 =	sadd.s32 $0x1, s15  }
0xa0: {  	p1 =	sne.s32 s15, s5  }
.Ltmp1:
0xa1: {  	_ = 	snop;
	(pc) =	sbr.rel @!p1 .LBB2_13-.Ltmp1, $1  }
0xa2: {  	_ =	sdelay $0x3  }
.LBB2_1:
0xa3: {  	[smem:$0x7FC] =	sst s15;
	[tilespmem:$0x5400] =	vst v1  }
0xa4: {  	[tilespmem:$0x5410] =	vst v1;
	s5 =	rddreg [dreg:$0x15]  }
0xa5: {  	[tilespmem:$0x5420] =	vst v1;
	s15 =	rddreg [dreg:$0x1f]  }
0xa6: {  	[tilespmem:$0x5430] =	vst v1;
	s19 =	sshrl.u32 s5, $0x3;
	s5 =	rddreg [dreg:$0x1]  }
.Ltmp2:
0xa7: {  	[tilespmem:$0x5440] =	vst v1;
	[smem:$0x7FD] =	sst s19;
	(pc) =	sbr.rel @!p0 .LBB2_2-.Ltmp2, $4  }
0xa8: {  	[spmem:s19], [sflag:s15] =	dma.local [hbm:s5], $0x3100  }
0xa9: {  	_ =	swait.ge [sflag:s25], $0x3100  }
0xaa: {  	[sflag:s25] =	ssyncset.done $0x0  }
0xab: {  	[sflag:s25] =	ssyncadd.s32 $0xFFFFCF00  }
0xac: {  	[bflag:$0x0] =	sbarrier.arrive $0xFFFF;
	s5 =	sadd.s32 $0x0, s17  }
0xad: {  	[tilespmem:s1], [sflag:$0x1] =	stream.linear.gather [hbm4b:s5+s1], $0x50, $0x38;
	[tilespmem:$0x1EC40] =	vst v63  }
0xae: {  	s19 =	smov.u32 s17;
	s17 =	rddreg [dreg:$0x12]  }
0xaf: {  	s15 =	sadd.s32 $0x0, s17  }
0xb0: {  	[tilespmem:s6], [sflag:$0x2] =	stream.linear.gather [hbm4b:s15+s1], $0x50, $0x38;
	[tilespmem:$0x1EC40] =	vst v63  }
0xb1: {  	s5 =	sadd.s32 $0xA, s5  }
0xb2: {  	[tilespmem:s7], [sflag:$0x6] =	stream.linear.gather [hbm4b:s5+s1], $0x50, $0x38;
	[tilespmem:$0x1EC40] =	vst v63  }
0xb3: {  	s25 =	sadd.s32 $0xA, s15  }
0xb4: {  	[tilespmem:s8], [sflag:$0x7] =	stream.linear.gather [hbm4b:s25+s1], $0x50, $0x38;
	[tilespmem:$0x1EC40] =	vst v63  }
0xb5: {  	_ =	swait.ge [sflag:s9], $0x50  }
0xb6: {  	[sflag:s9] =	ssyncset.done $0x0  }
0xb7: {  	[sflag:s9] =	ssyncadd.s32 $0xFFFFFFB0  }
0xb8: {  	_ =	swait.ge [sflag:s10], $0x50  }
0xb9: {  	[sflag:s10] =	ssyncset.done $0x0  }
0xba: {  	[sflag:s10] =	ssyncadd.s32 $0xFFFFFFB0  }
0xbb: {  	v4 =	vld [tilespmem:$0xC0]  }
0xbc: {  	v5 =	vld [tilespmem:$0x40]  }
0xbd: {  	v6 =	vld [tilespmem:$0x80]  }
0xbe: {  	v8 =	vld [tilespmem:$0xB0]  }
0xbf: {  	v7 =	vld [tilespmem:$0x90]  }
0xc0: {  	v3 =	vld [tilespmem:$0x10]  }
0xc1: {  	v10 =	vld [tilespmem:$0xA0]  }
0xc2: {  	v9 =	vand.u32 $0x3, v4;
	v4 =	vshrl.u32 v4, $0x2  }
0xc3: {  	v11 =	vld [tilespmem:$0x0];
	v61 =	vshrl.u32 v8, $0x2;
	v9 =	vmul.u32 $0x186A0, v9;
	[tilespmem:$0x1C0] =	vst v4  }
0xc4: {  	v13 =	vld [tilespmem:$0x20];
	v5 =	vadd.s32 v0, v5;
	v12 =	vand.u32 $0x3, v7;
	v4 =	vshrl.u32 v6, $0x2;
	[tilespmem:$0x1B0] =	vst v61  }
0xc5: {  	v3 =	vadd.s32 v0, v3;
	v7 =	vshrl.u32 v7, $0x2;
	[tilespmem:$0x180] =	vst v4;
	v4 =	vadd.s32 v9, v5;
	v5 =	vld [tilespmem:$0x30]  }
0xc6: {  	v6 =	vand.u32 $0x3, v6;
	[tilespmem:$0x190] =	vst v7;
	v7 =	vshrl.u32 v10, $0x2;
	v9 =	vmul.u32 $0x186A0, v12  }
0xc7: {  	v6 =	vmul.u32 $0x186A0, v6;
	[tilespmem:$0x140] =	vst v4;
	v4 =	vand.u32 $0x3, v8;
	v8 =	vand.u32 $0x3, v10  }
0xc8: {  	[tilespmem:$0x1A0] =	vst v7;
	v3 =	vadd.s32 v9, v3;
	v9 =	vadd.s32 v0, v11;
	v8 =	vmul.u32 $0x186A0, v8  }
0xc9: {  	v7 =	vadd.s32 v0, v13;
	v4 =	vmul.u32 $0x186A0, v4;
	v6 =	vadd.s32 v6, v9;
	[tilespmem:$0x110] =	vst v3  }
0xca: {  	[tilespmem:$0x100] =	vst v6;
	v3 =	vadd.s32 v0, v5;
	v5 =	vadd.s32 v8, v7  }
0xcb: {  	v3 =	vadd.s32 v4, v3;
	[tilespmem:$0x120] =	vst v5  }
0xcc: {  	[tilespmem:$0x130] =	vst v3  }
0xcd: {  	[tilespmem:s30], [sflag:$0x3] =	stream.indirect.gather [hbm4b:s22+s11], $0x80, s29, s11, $0xb8;
	[tilespmem:$0x1EC40] =	vst v63  }
0xce: {  	_ =	swait.ge [sflag:s31], $0x50  }
0xcf: {  	[sflag:s31] =	ssyncset.done $0x0  }
0xd0: {  	[sflag:s31] =	ssyncadd.s32 $0xFFFFFFB0  }
0xd1: {  	_ =	swait.ge [sflag:s16], $0x50  }
0xd2: {  	[sflag:s16] =	ssyncset.done $0x0  }
0xd3: {  	[sflag:s16] =	ssyncadd.s32 $0xFFFFFFB0  }
0xd4: {  	v5 =	vld [tilespmem:$0x2A40]  }
0xd5: {  	v7 =	vld [tilespmem:$0x2AC0]  }
0xd6: {  	v8 =	vld [tilespmem:$0x2A90]  }
0xd7: {  	v4 =	vld [tilespmem:$0x2A30]  }
0xd8: {  	v6 =	vld [tilespmem:$0x2A10];
	_ =	sdelay $0x1  }
0xd9: {  	v9 =	vld [tilespmem:$0x2AA0];
	v10 =	vadd.s32 v0, v5  }
0xda: {  	v11 =	vld [tilespmem:$0x2AB0];
	v62 =	vand.u32 $0x3, v7;
	v5 =	vshrl.u32 v7, $0x2;
	v7 =	vand.u32 $0x3, v8  }
0xdb: {  	v3 =	vld [tilespmem:$0x2A80];
	v7 =	vmul.u32 $0x186A0, v7  }
0xdc: {  	v6 =	vadd.s32 v0, v6;
	v8 =	vshrl.u32 v8, $0x2;
	[tilespmem:$0x2BC0] =	vst v5;
	v5 =	vadd.s32 v0, v4;
	v4 =	vld [tilespmem:$0x2A00]  }
0xdd: {  	v12 =	vmul.u32 $0x186A0, v62;
	[tilespmem:$0x2B90] =	vst v8;
	v8 =	vadd.s32 v7, v6;
	v6 =	vld [tilespmem:$0x2A20]  }
0xde: {  	v63 =	vand.u32 $0x3, v9;
	v9 =	vshrl.u32 v9, $0x2  }
0xdf: {  	v14 =	vand.u32 $0x3, v11;
	v11 =	vshrl.u32 v11, $0x2;
	[tilespmem:$0x2BA0] =	vst v9;
	v12 =	vadd.s32 v12, v10  }
0xe0: {  	s25 =	simm.s32 $0x14;
	v9 =	vmul.u32 $0x186A0, v14;
	v7 =	vmul.u32 $0x186A0, v63;
	v10 =	vand.u32 $0x3, v3;
	[tilespmem:$0x2B40] =	vst v12  }
.LBB2_8:
0xe1: {  	p1 =	sne.s32 s25, $0x184C;
	v10 =	vmul.u32 $0x186A0, v10;
	v3 =	vshrl.u32 v3, $0x2;
	[tilespmem:$0x2BB0] =	vst v11;
	s5 =	smov.u32 s25;
	s25 =	sadd.s32 $0x14, s25  }
0xe2: {  	v4 =	vadd.s32 v0, v4;
	v6 =	vadd.s32 v0, v6;
	[tilespmem:$0x2B10] =	vst v8;
	v5 =	vadd.s32 v9, v5  }
0xe3: {  	v4 =	vadd.s32 v10, v4;
	[tilespmem:$0x2B80] =	vst v3;
	v3 =	vadd.s32 v7, v6  }
0xe4: {  	[tilespmem:$0x2B30] =	vst v5  }
0xe5: {  	[tilespmem:$0x2B00] =	vst v4  }
0xe6: {  	[tilespmem:$0x2B20] =	vst v3  }
0xe7: {  	[tilespmem:s2], [sflag:$0x8] =	stream.indirect.gather [hbm4b:s22+s11], $0x80, s14, s11, $0xb8;
	[tilespmem:$0x1EC40] =	vst v63  }
0xe8: {  	_ =	swait.ge [sflag:s3], $0x2800  }
0xe9: {  	[sflag:s3] =	ssyncset.done $0x0  }
0xea: {  	[sflag:s3] =	ssyncadd.s32 $0xFFFFD800  }
0xeb: {  	[spmem:s18] =	stream.indirect.scatter.add.f32 [tilespmem:s30], [sflag:$0x4], $0x80, s12, s11, $0xb8;
	[tilespmem:$0x1EC40] =	vst v63  }
0xec: {  	_ =	swait.ge [sflag:s13], $0x2800  }
0xed: {  	[sflag:s13] =	ssyncset.done $0x0  }
0xee: {  	[sflag:s13] =	ssyncadd.s32 $0xFFFFD800  }
0xef: {  	[spmem:s18] =	stream.indirect.scatter.add.f32 [tilespmem:s2], [sflag:$0x9], $0x80, s23, s11, $0xb8;
	[tilespmem:$0x1EC40] =	vst v63  }
0xf0: {  	_ =	swait.ge [sflag:s0], $0x2800  }
0xf1: {  	[sflag:s0] =	ssyncset.done $0x0  }
0xf2: {  	[sflag:s0] =	ssyncadd.s32 $0xFFFFD800  }
0xf3: {  	_ =	swait.ge [sflag:s24], $0x2800  }
0xf4: {  	[sflag:s24] =	ssyncset.done $0x0  }
0xf5: {  	s15 =	sadd.s32 s5, s19;
	[sflag:s24] =	ssyncadd.s32 $0xFFFFD800  }
0xf6: {  	[tilespmem:s1], [sflag:$0x1] =	stream.linear.gather [hbm4b:s15+s1], $0x50, $0x38;
	[tilespmem:$0x1EC40] =	vst v63  }
0xf7: {  	s5 =	sadd.s32 s5, s17  }
0xf8: {  	[tilespmem:s6], [sflag:$0x2] =	stream.linear.gather [hbm4b:s5+s1], $0x50, $0x38;
	[tilespmem:$0x1EC40] =	vst v63  }
0xf9: {  	s15 =	sadd.s32 $0xA, s15  }
0xfa: {  	[tilespmem:s7], [sflag:$0x6] =	stream.linear.gather [hbm4b:s15+s1], $0x50, $0x38;
	[tilespmem:$0x1EC40] =	vst v63  }
0xfb: {  	s5 =	sadd.s32 $0xA, s5  }
0xfc: {  	[tilespmem:s8], [sflag:$0x7] =	stream.linear.gather [hbm4b:s5+s1], $0x50, $0x38;
	[tilespmem:$0x1EC40] =	vst v63  }
0xfd: {  	_ =	swait.ge [sflag:s9], $0x50  }
0xfe: {  	[sflag:s9] =	ssyncset.done $0x0  }
0xff: {  	[sflag:s9] =	ssyncadd.s32 $0xFFFFFFB0  }
0x100: {  	_ =	swait.ge [sflag:s10], $0x50  }
0x101: {  	[sflag:s10] =	ssyncset.done $0x0  }
0x102: {  	[sflag:s10] =	ssyncadd.s32 $0xFFFFFFB0  }
0x103: {  	v3 =	vld [tilespmem:$0x10]  }
0x104: {  	v4 =	vld [tilespmem:$0x40]  }
0x105: {  	v5 =	vld [tilespmem:$0xC0]  }
0x106: {  	v6 =	vld [tilespmem:$0x90]  }
0x107: {  	v7 =	vld [tilespmem:$0xB0]  }
0x108: {  	v8 =	vld [tilespmem:$0x80]  }
0x109: {  	v9 =	vld [tilespmem:$0x30]  }
0x10a: {  	v10 =	vld [tilespmem:$0x0];
	v11 =	vand.u32 $0x3, v5;
	v5 =	vshrl.u32 v5, $0x2  }
0x10b: {  	v4 =	vadd.s32 v0, v4;
	v12 =	vand.u32 $0x3, v6;
	v13 =	vld [tilespmem:$0xA0];
	v11 =	vmul.u32 $0x186A0, v11;
	[tilespmem:$0x1C0] =	vst v5  }
0x10c: {  	v3 =	vadd.s32 v0, v3;
	v5 =	vmul.u32 $0x186A0, v12;
	v12 =	vld [tilespmem:$0x20];
	v14 =	vand.u32 $0x3, v7  }
0x10d: {  	v15 =	vand.u32 $0x3, v8;
	v8 =	vshrl.u32 v8, $0x2;
	v14 =	vmul.u32 $0x186A0, v14  }
0x10e: {  	v4 =	vadd.s32 v11, v4;
	v15 =	vmul.u32 $0x186A0, v15;
	[tilespmem:$0x180] =	vst v8;
	v3 =	vadd.s32 v5, v3  }
0x10f: {  	v7 =	vshrl.u32 v7, $0x2;
	v8 =	vadd.s32 v0, v9;
	v5 =	vadd.s32 v0, v10;
	[tilespmem:$0x140] =	vst v4  }
0x110: {  	v4 =	vadd.s32 v15, v5;
	v5 =	vshrl.u32 v6, $0x2;
	v6 =	vand.u32 $0x3, v13;
	[tilespmem:$0x1B0] =	vst v7  }
0x111: {  	v7 =	vadd.s32 v14, v8;
	[tilespmem:$0x190] =	vst v5;
	v5 =	vmul.u32 $0x186A0, v6;
	v6 =	vshrl.u32 v13, $0x2  }
0x112: {  	v8 =	vadd.s32 v0, v12;
	[tilespmem:$0x1A0] =	vst v6  }
0x113: {  	[tilespmem:$0x110] =	vst v3;
	v3 =	vadd.s32 v5, v8  }
0x114: {  	[tilespmem:$0x100] =	vst v4  }
0x115: {  	[tilespmem:$0x120] =	vst v3  }
0x116: {  	[tilespmem:$0x130] =	vst v7  }
0x117: {  	[tilespmem:s30], [sflag:$0x3] =	stream.indirect.gather [hbm4b:s22+s11], $0x80, s29, s11, $0xb8;
	[tilespmem:$0x1EC40] =	vst v63  }
0x118: {  	_ =	swait.ge [sflag:s31], $0x50  }
0x119: {  	[sflag:s31] =	ssyncset.done $0x0  }
0x11a: {  	[sflag:s31] =	ssyncadd.s32 $0xFFFFFFB0  }
0x11b: {  	_ =	swait.ge [sflag:s16], $0x50  }
0x11c: {  	[sflag:s16] =	ssyncset.done $0x0  }
0x11d: {  	[sflag:s16] =	ssyncadd.s32 $0xFFFFFFB0  }
0x11e: {  	v5 =	vld [tilespmem:$0x2A30]  }
0x11f: {  	v6 =	vld [tilespmem:$0x2A40]  }
0x120: {  	v7 =	vld [tilespmem:$0x2A10]  }
0x121: {  	v8 =	vld [tilespmem:$0x2AC0]  }
0x122: {  	v9 =	vld [tilespmem:$0x2A90]  }
0x123: {  	v11 =	vld [tilespmem:$0x2AB0]  }
0x124: {  	v10 =	vld [tilespmem:$0x2AA0]  }
0x125: {  	v3 =	vld [tilespmem:$0x2A80]  }
0x126: {  	v12 =	vadd.s32 v0, v6;
	v4 =	vld [tilespmem:$0x2A00];
	v13 =	vand.u32 $0x3, v8;
	v8 =	vshrl.u32 v8, $0x2  }
.Ltmp3:
0x127: {  	v7 =	vadd.s32 v0, v7;
	v14 =	vand.u32 $0x3, v9;
	v9 =	vshrl.u32 v9, $0x2;
	v6 =	vld [tilespmem:$0x2A20];
	[tilespmem:$0x2BC0] =	vst v8;
	(pc) =	sbr.rel @p1 .LBB2_8-.Ltmp3, $4  }
0x128: {  	v5 =	vadd.s32 v0, v5;
	v8 =	vmul.u32 $0x186A0, v14;
	[tilespmem:$0x2B90] =	vst v9;
	v9 =	vmul.u32 $0x186A0, v13  }
0x129: {  	v14 =	vand.u32 $0x3, v11;
	v13 =	vand.u32 $0x3, v10;
	v10 =	vshrl.u32 v10, $0x2  }
0x12a: {  	v8 =	vadd.s32 v8, v7;
	v7 =	vmul.u32 $0x186A0, v13;
	[tilespmem:$0x2BA0] =	vst v10;
	v12 =	vadd.s32 v9, v12  }
0x12b: {  	v11 =	vshrl.u32 v11, $0x2;
	v10 =	vand.u32 $0x3, v3;
	v9 =	vmul.u32 $0x186A0, v14;
	[tilespmem:$0x2B40] =	vst v12  }
0x12c: {  	[tilespmem:$0x2BB0] =	vst v11  }
0x12d: {  	v10 =	vmul.u32 $0x186A0, v10;
	v3 =	vshrl.u32 v3, $0x2;
	[tilespmem:$0x2B10] =	vst v8  }
0x12e: {  	v4 =	vadd.s32 v0, v4;
	v5 =	vadd.s32 v9, v5;
	[tilespmem:$0x2B80] =	vst v3  }
0x12f: {  	v3 =	vadd.s32 v0, v6;
	v4 =	vadd.s32 v10, v4;
	[tilespmem:$0x2B30] =	vst v5  }
0x130: {  	v3 =	vadd.s32 v7, v3;
	[tilespmem:$0x2B00] =	vst v4  }
0x131: {  	[tilespmem:$0x2B20] =	vst v3  }
0x132: {  	[tilespmem:s2], [sflag:$0x8] =	stream.indirect.gather [hbm4b:s22+s11], $0x80, s14, s11, $0xb8;
	[tilespmem:$0x1EC40] =	vst v63  }
0x133: {  	_ =	swait.ge [sflag:s3], $0x2800  }
0x134: {  	[sflag:s3] =	ssyncset.done $0x0  }
0x135: {  	[sflag:s3] =	ssyncadd.s32 $0xFFFFD800  }
0x136: {  	[spmem:s18] =	stream.indirect.scatter.add.f32 [tilespmem:s30], [sflag:$0x4], $0x80, s12, s11, $0xb8;
	[tilespmem:$0x1EC40] =	vst v63  }
0x137: {  	_ =	swait.ge [sflag:s13], $0x2800  }
0x138: {  	[sflag:s13] =	ssyncset.done $0x0  }
0x139: {  	[sflag:s13] =	ssyncadd.s32 $0xFFFFD800  }
0x13a: {  	[spmem:s18] =	stream.indirect.scatter.add.f32 [tilespmem:s2], [sflag:$0x9], $0x80, s23, s11, $0xb8;
	[tilespmem:$0x1EC40] =	vst v63  }
0x13b: {  	_ =	swait.ge [sflag:s0], $0x2800  }
0x13c: {  	[sflag:s0] =	ssyncset.done $0x0  }
0x13d: {  	[sflag:s0] =	ssyncadd.s32 $0xFFFFD800  }
0x13e: {  	_ =	swait.ge [sflag:s24], $0x2800  }
0x13f: {  	s5 =	simm.s32 $0x0;
	[sflag:s24] =	ssyncset.done $0x0  }
0x140: {  	s17 =	simm.s32 $0xB;
	s15 =	rddreg [dreg:$0x6];
	[sflag:s24] =	ssyncadd.s32 $0xFFFFD800  }
0x141: {  	[tilespmem:s5], [sflag:$0xB] =	stream.linear.gather [hbm4b:s15+s5], $0x50, $0x38;
	[tilespmem:$0x1EC40] =	vst v63  }
0x142: {  	_ =	swait.ge [sflag:s17], $0x50  }
0x143: {  	[sflag:s17] =	ssyncset.done $0x0  }
0x144: {  	s19 =	rddreg [dreg:$0x7];
	[sflag:s17] =	ssyncadd.s32 $0xFFFFFFB0  }
0x145: {  	[tilespmem:s6], [sflag:$0xB] =	stream.linear.gather [hbm4b:s19+s5], $0x50, $0x38;
	[tilespmem:$0x1EC40] =	vst v63  }
0x146: {  	_ =	swait.ge [sflag:s17], $0x50  }
0x147: {  	[sflag:s17] =	ssyncset.done $0x0  }
0x148: {  	[sflag:s17] =	ssyncadd.s32 $0xFFFFFFB0  }
0x149: {  	v3 =	vld [tilespmem:$0x80]  }
0x14a: {  	v4 =	vld [tilespmem:$0x0]  }
0x14b: {  	v5 =	vld [tilespmem:$0x90]  }
0x14c: {  	v6 =	vld [tilespmem:$0x10]  }
0x14d: {  	v7 =	vld [tilespmem:$0xA0]  }
0x14e: {  	v54 =	vld [tilespmem:$0x20];
	v8 =	vand.u32 $0x3, v3  }
0x14f: {  	v55 =	vld [tilespmem:$0xB0];
	v8 =	vmul.u32 $0x186A0, v8  }
0x150: {  	v12 =	vld [tilespmem:$0x30];
	v4 =	vadd.s32 v0, v4;
	v56 =	vand.u32 $0x3, v5  }
0x151: {  	v57 =	vld [tilespmem:$0xC0];
	v4 =	vadd.s32 v8, v4;
	v8 =	vmul.u32 $0x186A0, v56  }
0x152: {  	v3 =	vshrl.u32 v3, $0x2;
	[tilespmem:$0x100] =	vst v4;
	v4 =	vadd.s32 v0, v6;
	v6 =	vand.u32 $0x3, v7  }
0x153: {  	[tilespmem:$0x180] =	vst v3;
	v3 =	vadd.s32 v8, v4;
	v4 =	vmul.u32 $0x186A0, v6;
	v6 =	vld [tilespmem:$0x40]  }
0x154: {  	v8 =	vand.u32 $0x3, v55;
	[tilespmem:$0x110] =	vst v3;
	v3 =	vshrl.u32 v5, $0x2;
	v5 =	vadd.s32 v0, v54  }
0x155: {  	[tilespmem:$0x190] =	vst v3;
	v3 =	vadd.s32 v4, v5;
	v4 =	vmul.u32 $0x186A0, v8  }
0x156: {  	v5 =	vadd.s32 v0, v12;
	[tilespmem:$0x120] =	vst v3;
	v3 =	vshrl.u32 v7, $0x2;
	v7 =	vand.u32 $0x3, v57  }
0x157: {  	[tilespmem:$0x1A0] =	vst v3;
	v3 =	vadd.s32 v4, v5;
	v4 =	vmul.u32 $0x186A0, v7  }
0x158: {  	[tilespmem:$0x130] =	vst v3;
	v3 =	vshrl.u32 v55, $0x2;
	v5 =	vadd.s32 v0, v6  }
0x159: {  	[tilespmem:$0x1B0] =	vst v3;
	v3 =	vadd.s32 v4, v5  }
0x15a: {  	[tilespmem:$0x140] =	vst v3;
	v3 =	vshrl.u32 v57, $0x2  }
0x15b: {  	[tilespmem:$0x1C0] =	vst v3  }
0x15c: {  	[tilespmem:s30], [sflag:$0x3] =	stream.indirect.gather [hbm4b:s22+s11], $0x80, s29, s11, $0xb8;
	[tilespmem:$0x1EC40] =	vst v63  }
0x15d: {  	_ =	swait.ge [sflag:s3], $0x2800  }
0x15e: {  	[sflag:s3] =	ssyncset.done $0x0  }
0x15f: {  	[sflag:s3] =	ssyncadd.s32 $0xFFFFD800  }
0x160: {  	[spmem:s18] =	stream.indirect.scatter.add.f32 [tilespmem:s30], [sflag:$0xB], $0x80, s12, s11, $0xb8;
	[tilespmem:$0x1EC40] =	vst v63  }
0x161: {  	_ =	swait.ge [sflag:s17], $0x2800  }
0x162: {  	[sflag:s17] =	ssyncset.done $0x0  }
0x163: {  	[sflag:s17] =	ssyncadd.s32 $0xFFFFD800  }
0x164: {  	[bflag:$0x0] =	sbarrier.arrive $0xFFFF  }
0x165: {  	s19 =	sld [smem:$0x7FD]  }
0x166: {  	s25 =	rddreg [dreg:$0x1c]  }
0x167: {  	s15 =	rddreg [dreg:$0x1f]  }
0x168: {  	[hbm:s25], [sflag:s15] =	dma.local [spmem:s19], $0x3100  }
0x169: {  	_ =	swait.ge [sflag:s17], $0x3100  }
0x16a: {  	[sflag:s17] =	ssyncset.done $0x0  }
0x16b: {  	[sflag:s17] =	ssyncadd.s32 $0xFFFFCF00  }
0x16c: {  	s25 =	rddreg [dreg:$0x1]  }
0x16d: {  	[spmem:s19], [sflag:s15] =	dma.local [hbm:s25], $0x3100  }
0x16e: {  	_ =	swait.ge [sflag:s17], $0x3100  }
0x16f: {  	[sflag:s17] =	ssyncset.done $0x0  }
0x170: {  	[sflag:s17] =	ssyncadd.s32 $0xFFFFCF00  }
0x171: {  	[tilespmem:$0x5480] =	vst v2  }
0x172: {  	[tilespmem:$0x5490] =	vst v2  }
0x173: {  	[tilespmem:$0x54A0] =	vst v2  }
0x174: {  	[tilespmem:$0x54B0] =	vst v2  }
0x175: {  	[tilespmem:$0x54C0] =	vst v2  }
0x176: {  	[tilespmem:$0x54D0] =	vst v2  }
0x177: {  	[tilespmem:$0x54E0] =	vst v2  }
0x178: {  	[tilespmem:$0x54F0] =	vst v2  }
0x179: {  	[tilespmem:$0x5500] =	vst v2  }
0x17a: {  	[tilespmem:$0x5510] =	vst v2  }
0x17b: {  	[tilespmem:$0x5520] =	vst v2  }
0x17c: {  	[tilespmem:$0x5530] =	vst v2  }
0x17d: {  	[tilespmem:$0x5540] =	vst v2  }
0x17e: {  	[tilespmem:$0x5550] =	vst v2  }
0x17f: {  	[tilespmem:$0x5560] =	vst v2  }
0x180: {  	[tilespmem:$0x5570] =	vst v2  }
0x181: {  	[tilespmem:$0x5580] =	vst v2  }
0x182: {  	[tilespmem:$0x5590] =	vst v2  }
0x183: {  	[tilespmem:$0x55A0] =	vst v2  }
0x184: {  	[tilespmem:$0x55B0] =	vst v2  }
0x185: {  	[tilespmem:$0x55C0] =	vst v2  }
0x186: {  	[tilespmem:$0x55D0] =	vst v2  }
0x187: {  	[tilespmem:$0x55E0] =	vst v2  }
0x188: {  	[tilespmem:$0x55F0] =	vst v2  }
0x189: {  	[tilespmem:$0x5600] =	vst v2  }
0x18a: {  	[tilespmem:$0x5610] =	vst v2  }
0x18b: {  	[tilespmem:$0x5620] =	vst v2  }
0x18c: {  	[tilespmem:$0x5630] =	vst v2  }
0x18d: {  	[tilespmem:$0x5640] =	vst v2  }
0x18e: {  	[tilespmem:$0x5650] =	vst v2  }
0x18f: {  	[tilespmem:$0x5660] =	vst v2  }
0x190: {  	[tilespmem:$0x5670] =	vst v2  }
0x191: {  	[tilespmem:$0x5680] =	vst v2  }
0x192: {  	[tilespmem:$0x5690] =	vst v2  }
0x193: {  	[tilespmem:$0x56A0] =	vst v2  }
0x194: {  	[tilespmem:$0x56B0] =	vst v2  }
0x195: {  	[tilespmem:$0x56C0] =	vst v2  }
0x196: {  	[tilespmem:$0x56D0] =	vst v2  }
0x197: {  	[tilespmem:$0x56E0] =	vst v2  }
0x198: {  	[tilespmem:$0x56F0] =	vst v2  }
0x199: {  	[tilespmem:$0x5700] =	vst v2  }
0x19a: {  	[tilespmem:$0x5710] =	vst v2  }
0x19b: {  	[tilespmem:$0x5720] =	vst v2  }
0x19c: {  	[tilespmem:$0x5730] =	vst v2  }
0x19d: {  	[tilespmem:$0x5740] =	vst v2  }
0x19e: {  	[tilespmem:$0x5750] =	vst v2  }
0x19f: {  	[tilespmem:$0x5760] =	vst v2  }
0x1a0: {  	[tilespmem:$0x5770] =	vst v2  }
0x1a1: {  	s15 =	simm.s32 $0x5480;
	s19 =	rddreg [dreg:$0x16];
	[tilespmem:$0x5780] =	vst v2  }
0x1a2: {  	[spmem:s19] =	stream.linear.scatter [tilespmem:s15], [sflag:$0xB], $0x310, $0x38;
	[tilespmem:$0x1EC40] =	vst v63  }
0x1a3: {  	_ =	swait.ge [sflag:s17], $0x310  }
0x1a4: {  	[sflag:s17] =	ssyncset.done $0x0  }
0x1a5: {  	s25 =	rddreg [dreg:$0x17];
	[sflag:s17] =	ssyncadd.s32 $0xFFFFFCF0  }
0x1a6: {  	[spmem:s25] =	stream.linear.scatter [tilespmem:s15], [sflag:$0xB], $0x310, $0x38;
	[tilespmem:$0x1EC40] =	vst v63  }
0x1a7: {  	_ =	swait.ge [sflag:s17], $0x310  }
0x1a8: {  	[sflag:s17] =	ssyncset.done $0x0  }
0x1a9: {  	s19 =	rddreg [dreg:$0x18];
	[sflag:s17] =	ssyncadd.s32 $0xFFFFFCF0  }
0x1aa: {  	[spmem:s19] =	stream.linear.scatter [tilespmem:s15], [sflag:$0xB], $0x310, $0x38;
	[tilespmem:$0x1EC40] =	vst v63  }
0x1ab: {  	_ =	swait.ge [sflag:s17], $0x310  }
0x1ac: {  	[sflag:s17] =	ssyncset.done $0x0  }
0x1ad: {  	s25 =	rddreg [dreg:$0x19];
	[sflag:s17] =	ssyncadd.s32 $0xFFFFFCF0  }
0x1ae: {  	[spmem:s25] =	stream.linear.scatter [tilespmem:s15], [sflag:$0xB], $0x310, $0x38;
	[tilespmem:$0x1EC40] =	vst v63  }
0x1af: {  	_ =	swait.ge [sflag:s17], $0x310  }
0x1b0: {  	[sflag:s17] =	ssyncset.done $0x0  }
0x1b1: {  	[sflag:s17] =	ssyncadd.s32 $0xFFFFFCF0  }
0x1b2: {  	s15 =	sadd.s32 $0x0, s21;
	[bflag:$0x0] =	sbarrier.arrive $0xFFFF  }
0x1b3: {  	[tilespmem:s1], [sflag:$0x1] =	stream.linear.gather [hbm4b:s15+s1], $0x50, $0x38;
	[tilespmem:$0x1EC40] =	vst v63  }
0x1b4: {  	s17 =	rddreg [dreg:$0x14]  }
0x1b5: {  	s19 =	sadd.s32 $0x0, s17  }
0x1b6: {  	[tilespmem:s6], [sflag:$0x2] =	stream.linear.gather [hbm4b:s19+s1], $0x50, $0x38;
	[tilespmem:$0x1EC40] =	vst v63  }
0x1b7: {  	s5 =	sadd.s32 $0xA, s15  }
0x1b8: {  	[tilespmem:s7], [sflag:$0x6] =	stream.linear.gather [hbm4b:s5+s1], $0x50, $0x38;
	[tilespmem:$0x1EC40] =	vst v63  }
0x1b9: {  	s25 =	sadd.s32 $0xA, s19  }
0x1ba: {  	[tilespmem:s8], [sflag:$0x7] =	stream.linear.gather [hbm4b:s25+s1], $0x50, $0x38;
	[tilespmem:$0x1EC40] =	vst v63  }
0x1bb: {  	_ =	swait.ge [sflag:s9], $0x50  }
0x1bc: {  	[sflag:s9] =	ssyncset.done $0x0  }
0x1bd: {  	[sflag:s9] =	ssyncadd.s32 $0xFFFFFFB0  }
0x1be: {  	_ =	swait.ge [sflag:s10], $0x50  }
0x1bf: {  	[sflag:s10] =	ssyncset.done $0x0  }
0x1c0: {  	[sflag:s10] =	ssyncadd.s32 $0xFFFFFFB0  }
0x1c1: {  	v3 =	vld [tilespmem:$0x30]  }
0x1c2: {  	v4 =	vld [tilespmem:$0xA0]  }
0x1c3: {  	v6 =	vld [tilespmem:$0xB0]  }
0x1c4: {  	v8 =	vld [tilespmem:$0x80]  }
0x1c5: {  	v5 =	vld [tilespmem:$0xC0]  }
0x1c6: {  	v7 =	vld [tilespmem:$0x90]  }
0x1c7: {  	v59 =	vld [tilespmem:$0x40]  }
0x1c8: {  	v58 =	vld [tilespmem:$0x10];
	v60 =	vand.u32 $0x3, v4;
	v4 =	vshrl.u32 v4, $0x2  }
0x1c9: {  	v13 =	vand.u32 $0x3, v6;
	v15 =	vshrl.u32 v8, $0x2;
	[tilespmem:$0x1A0] =	vst v4  }
0x1ca: {  	v61 =	vld [tilespmem:$0x20];
	v3 =	vadd.s32 v0, v3;
	v4 =	vand.u32 $0x3, v5;
	v5 =	vshrl.u32 v5, $0x2;
	[tilespmem:$0x180] =	vst v15  }
0x1cb: {  	v14 =	vld [tilespmem:$0x0];
	v6 =	vshrl.u32 v6, $0x2;
	v13 =	vmul.u32 $0x186A0, v13;
	[tilespmem:$0x1C0] =	vst v5;
	v5 =	vand.u32 $0x3, v7  }
0x1cc: {  	v62 =	vadd.s32 v0, v59;
	[tilespmem:$0x1B0] =	vst v6;
	v7 =	vshrl.u32 v7, $0x2;
	v5 =	vmul.u32 $0x186A0, v5  }
0x1cd: {  	v4 =	vmul.u32 $0x186A0, v4;
	[tilespmem:$0x190] =	vst v7;
	v7 =	vadd.s32 v0, v58;
	v3 =	vadd.s32 v13, v3  }
0x1ce: {  	v63 =	vmul.u32 $0x186A0, v60;
	[tilespmem:$0x130] =	vst v3;
	v5 =	vadd.s32 v5, v7;
	v7 =	vand.u32 $0x3, v8  }
0x1cf: {  	v3 =	vadd.s32 v0, v61;
	v4 =	vadd.s32 v4, v62;
	[tilespmem:$0x110] =	vst v5;
	v5 =	vmul.u32 $0x186A0, v7  }
0x1d0: {  	v3 =	vadd.s32 v63, v3;
	[tilespmem:$0x140] =	vst v4;
	v4 =	vadd.s32 v0, v14  }
0x1d1: {  	[tilespmem:$0x120] =	vst v3;
	v3 =	vadd.s32 v5, v4  }
0x1d2: {  	[tilespmem:$0x100] =	vst v3  }
0x1d3: {  	[tilespmem:s30], [sflag:$0x3] =	stream.indirect.gather [hbm4b:s22+s11], $0x80, s29, s11, $0xb8;
	[tilespmem:$0x1EC40] =	vst v63  }
0x1d4: {  	_ =	swait.ge [sflag:s31], $0x50  }
0x1d5: {  	[sflag:s31] =	ssyncset.done $0x0  }
0x1d6: {  	[sflag:s31] =	ssyncadd.s32 $0xFFFFFFB0  }
0x1d7: {  	_ =	swait.ge [sflag:s16], $0x50  }
0x1d8: {  	[sflag:s16] =	ssyncset.done $0x0  }
0x1d9: {  	[sflag:s16] =	ssyncadd.s32 $0xFFFFFFB0  }
0x1da: {  	v3 =	vld [tilespmem:$0x2A20]  }
0x1db: {  	v6 =	vld [tilespmem:$0x2A90]  }
0x1dc: {  	v4 =	vld [tilespmem:$0x2AA0]  }
0x1dd: {  	s25 =	simm.s32 $0x14;
	v5 =	vld [tilespmem:$0x2A10]  }
.LBB2_10:
0x1de: {  	p1 =	sne.s32 s25, $0x184C;
	v7 =	vld [tilespmem:$0x2AC0];
	s5 =	smov.u32 s25;
	s25 =	sadd.s32 $0x14, s25  }
0x1df: {  	v8 =	vld [tilespmem:$0x2A40]  }
0x1e0: {  	v10 =	vand.u32 $0x3, v6;
	v6 =	vshrl.u32 v6, $0x2;
	v9 =	vld [tilespmem:$0x2A80]  }
0x1e1: {  	v10 =	vmul.u32 $0x186A0, v10;
	v11 =	vld [tilespmem:$0x2A00];
	[tilespmem:$0x2B90] =	vst v6;
	v6 =	vand.u32 $0x3, v4;
	v4 =	vshrl.u32 v4, $0x2  }
0x1e2: {  	v5 =	vadd.s32 v0, v5;
	v6 =	vmul.u32 $0x186A0, v6;
	[tilespmem:$0x2BA0] =	vst v4;
	v4 =	vld [tilespmem:$0x2AB0]  }
0x1e3: {  	v3 =	vadd.s32 v0, v3;
	v5 =	vadd.s32 v10, v5;
	v10 =	vld [tilespmem:$0x2A30];
	v12 =	vand.u32 $0x3, v7  }
0x1e4: {  	[tilespmem:$0x2B10] =	vst v5;
	v3 =	vadd.s32 v6, v3;
	v5 =	vmul.u32 $0x186A0, v12  }
0x1e5: {  	v7 =	vshrl.u32 v7, $0x2;
	v6 =	vand.u32 $0x3, v9;
	[tilespmem:$0x2B20] =	vst v3;
	v3 =	vadd.s32 v0, v8  }
0x1e6: {  	v8 =	vshrl.u32 v9, $0x2;
	v6 =	vmul.u32 $0x186A0, v6;
	v3 =	vadd.s32 v5, v3;
	[tilespmem:$0x2BC0] =	vst v7  }
0x1e7: {  	v5 =	vadd.s32 v0, v11;
	v7 =	vand.u32 $0x3, v4;
	v4 =	vshrl.u32 v4, $0x2;
	[tilespmem:$0x2B40] =	vst v3  }
0x1e8: {  	v3 =	vadd.s32 v6, v5;
	v5 =	vadd.s32 v0, v10;
	v6 =	vmul.u32 $0x186A0, v7;
	[tilespmem:$0x2BB0] =	vst v4  }
0x1e9: {  	[tilespmem:$0x2B00] =	vst v3  }
0x1ea: {  	[tilespmem:$0x2B80] =	vst v8;
	v3 =	vadd.s32 v6, v5  }
0x1eb: {  	[tilespmem:$0x2B30] =	vst v3  }
0x1ec: {  	[tilespmem:s2], [sflag:$0x8] =	stream.indirect.gather [hbm4b:s22+s11], $0x80, s14, s11, $0xb8;
	[tilespmem:$0x1EC40] =	vst v63  }
0x1ed: {  	_ =	swait.ge [sflag:s3], $0x2800  }
0x1ee: {  	[sflag:s3] =	ssyncset.done $0x0  }
0x1ef: {  	[sflag:s3] =	ssyncadd.s32 $0xFFFFD800  }
0x1f0: {  	[spmem:s18] =	stream.indirect.scatter.add.f32 [tilespmem:s30], [sflag:$0x4], $0x80, s12, s11, $0xb8;
	[tilespmem:$0x1EC40] =	vst v63  }
0x1f1: {  	_ = 	snop  }
0x1f2: {  	[spmem:s20] =	stream.indirect.scatter.add.f32 [tilespmem:s26], [sflag:$0x5], $0x1, s6, s11, $0xb8;
	[tilespmem:$0x1EC40] =	vst v63  }
0x1f3: {  	_ =	swait.ge [sflag:s13], $0x2800  }
0x1f4: {  	[sflag:s13] =	ssyncset.done $0x0  }
0x1f5: {  	[sflag:s13] =	ssyncadd.s32 $0xFFFFD800  }
0x1f6: {  	[spmem:s18] =	stream.indirect.scatter.add.f32 [tilespmem:s2], [sflag:$0x9], $0x80, s23, s11, $0xb8;
	[tilespmem:$0x1EC40] =	vst v63  }
0x1f7: {  	_ = 	snop  }
0x1f8: {  	[spmem:s20] =	stream.indirect.scatter.add.f32 [tilespmem:s26], [sflag:$0xA], $0x1, s8, s11, $0xb8;
	[tilespmem:$0x1EC40] =	vst v63  }
0x1f9: {  	_ =	swait.ge [sflag:s0], $0x2800  }
0x1fa: {  	[sflag:s0] =	ssyncset.done $0x0  }
0x1fb: {  	[sflag:s0] =	ssyncadd.s32 $0xFFFFD800  }
0x1fc: {  	_ =	swait.ge [sflag:s28], $0x50  }
0x1fd: {  	[sflag:s28] =	ssyncset.done $0x0  }
0x1fe: {  	[sflag:s28] =	ssyncadd.s32 $0xFFFFFFB0  }
0x1ff: {  	_ =	swait.ge [sflag:s24], $0x2800  }
0x200: {  	[sflag:s24] =	ssyncset.done $0x0  }
0x201: {  	[sflag:s24] =	ssyncadd.s32 $0xFFFFD800  }
0x202: {  	_ =	swait.ge [sflag:s4], $0x50  }
0x203: {  	[sflag:s4] =	ssyncset.done $0x0  }
0x204: {  	s15 =	sadd.s32 s5, s21;
	[sflag:s4] =	ssyncadd.s32 $0xFFFFFFB0  }
0x205: {  	[tilespmem:s1], [sflag:$0x1] =	stream.linear.gather [hbm4b:s15+s1], $0x50, $0x38;
	[tilespmem:$0x1EC40] =	vst v63  }
0x206: {  	s5 =	sadd.s32 s5, s17  }
0x207: {  	[tilespmem:s6], [sflag:$0x2] =	stream.linear.gather [hbm4b:s5+s1], $0x50, $0x38;
	[tilespmem:$0x1EC40] =	vst v63  }
0x208: {  	s15 =	sadd.s32 $0xA, s15  }
0x209: {  	[tilespmem:s7], [sflag:$0x6] =	stream.linear.gather [hbm4b:s15+s1], $0x50, $0x38;
	[tilespmem:$0x1EC40] =	vst v63  }
0x20a: {  	s5 =	sadd.s32 $0xA, s5  }
0x20b: {  	[tilespmem:s8], [sflag:$0x7] =	stream.linear.gather [hbm4b:s5+s1], $0x50, $0x38;
	[tilespmem:$0x1EC40] =	vst v63  }
0x20c: {  	_ =	swait.ge [sflag:s9], $0x50  }
0x20d: {  	[sflag:s9] =	ssyncset.done $0x0  }
0x20e: {  	[sflag:s9] =	ssyncadd.s32 $0xFFFFFFB0  }
0x20f: {  	_ =	swait.ge [sflag:s10], $0x50  }
0x210: {  	[sflag:s10] =	ssyncset.done $0x0  }
0x211: {  	[sflag:s10] =	ssyncadd.s32 $0xFFFFFFB0  }
0x212: {  	v3 =	vld [tilespmem:$0x30]  }
0x213: {  	v4 =	vld [tilespmem:$0x40]  }
0x214: {  	v5 =	vld [tilespmem:$0x20]  }
0x215: {  	v6 =	vld [tilespmem:$0xA0]  }
0x216: {  	v7 =	vld [tilespmem:$0xC0]  }
0x217: {  	v8 =	vld [tilespmem:$0xB0]  }
0x218: {  	v9 =	vld [tilespmem:$0x90]  }
0x219: {  	v10 =	vld [tilespmem:$0x80];
	v5 =	vadd.s32 v0, v5  }
0x21a: {  	v4 =	vadd.s32 v0, v4;
	v11 =	vld [tilespmem:$0x10];
	v12 =	vand.u32 $0x3, v6;
	v6 =	vshrl.u32 v6, $0x2  }
0x21b: {  	v13 =	vld [tilespmem:$0x0];
	v12 =	vmul.u32 $0x186A0, v12;
	[tilespmem:$0x1A0] =	vst v6;
	v6 =	vand.u32 $0x3, v7;
	v7 =	vshrl.u32 v7, $0x2  }
0x21c: {  	v3 =	vadd.s32 v0, v3;
	v14 =	vand.u32 $0x3, v8;
	v6 =	vmul.u32 $0x186A0, v6;
	[tilespmem:$0x1C0] =	vst v7  }
0x21d: {  	v7 =	vand.u32 $0x3, v9;
	v9 =	vshrl.u32 v9, $0x2;
	v14 =	vmul.u32 $0x186A0, v14  }
0x21e: {  	v15 =	vand.u32 $0x3, v10;
	v10 =	vshrl.u32 v10, $0x2;
	v7 =	vmul.u32 $0x186A0, v7;
	[tilespmem:$0x190] =	vst v9  }
0x21f: {  	v9 =	vmul.u32 $0x186A0, v15;
	[tilespmem:$0x180] =	vst v10;
	v10 =	vadd.s32 v0, v11;
	v3 =	vadd.s32 v14, v3  }
0x220: {  	v11 =	vadd.s32 v0, v13;
	v7 =	vadd.s32 v7, v10;
	[tilespmem:$0x130] =	vst v3;
	v3 =	vadd.s32 v6, v4  }
0x221: {  	v5 =	vadd.s32 v12, v5;
	v6 =	vshrl.u32 v8, $0x2;
	v4 =	vadd.s32 v9, v11;
	[tilespmem:$0x110] =	vst v7  }
0x222: {  	[tilespmem:$0x140] =	vst v3  }
0x223: {  	[tilespmem:$0x120] =	vst v5  }
0x224: {  	[tilespmem:$0x1B0] =	vst v6;
	_ =	sdelay $0x1  }
0x225: {  	[tilespmem:$0x100] =	vst v4  }
0x226: {  	[tilespmem:s30], [sflag:$0x3] =	stream.indirect.gather [hbm4b:s22+s11], $0x80, s29, s11, $0xb8;
	[tilespmem:$0x1EC40] =	vst v63  }
0x227: {  	_ =	swait.ge [sflag:s31], $0x50  }
0x228: {  	[sflag:s31] =	ssyncset.done $0x0  }
0x229: {  	[sflag:s31] =	ssyncadd.s32 $0xFFFFFFB0  }
0x22a: {  	_ =	swait.ge [sflag:s16], $0x50  }
0x22b: {  	[sflag:s16] =	ssyncset.done $0x0  }
.Ltmp4:
0x22c: {  	[sflag:s16] =	ssyncadd.s32 $0xFFFFFFB0;
	(pc) =	sbr.rel @p1 .LBB2_10-.Ltmp4, $4  }
0x22d: {  	v3 =	vld [tilespmem:$0x2A20]  }
0x22e: {  	v6 =	vld [tilespmem:$0x2A90]  }
0x22f: {  	v4 =	vld [tilespmem:$0x2AA0]  }
0x230: {  	v5 =	vld [tilespmem:$0x2A10]  }
.Ltmp5:
0x231: {  	_ = 	snop;
	(pc) =	sbr.rel .LBB2_11-.Ltmp5, $1  }
0x232: {  	_ =	sdelay $0x3  }
.LBB2_2:
0x233: {  	[tilespmem:$0x5480] =	vst v2  }
0x234: {  	[tilespmem:$0x5490] =	vst v2  }
0x235: {  	[tilespmem:$0x54A0] =	vst v2  }
0x236: {  	[tilespmem:$0x54B0] =	vst v2  }
0x237: {  	[tilespmem:$0x54C0] =	vst v2  }
0x238: {  	[tilespmem:$0x54D0] =	vst v2  }
0x239: {  	[tilespmem:$0x54E0] =	vst v2  }
0x23a: {  	[tilespmem:$0x54F0] =	vst v2  }
0x23b: {  	[tilespmem:$0x5500] =	vst v2  }
0x23c: {  	[tilespmem:$0x5510] =	vst v2  }
0x23d: {  	[tilespmem:$0x5520] =	vst v2  }
0x23e: {  	[tilespmem:$0x5530] =	vst v2  }
0x23f: {  	[tilespmem:$0x5540] =	vst v2  }
0x240: {  	[tilespmem:$0x5550] =	vst v2  }
0x241: {  	[tilespmem:$0x5560] =	vst v2  }
0x242: {  	[tilespmem:$0x5570] =	vst v2  }
0x243: {  	[tilespmem:$0x5580] =	vst v2  }
0x244: {  	[tilespmem:$0x5590] =	vst v2  }
0x245: {  	[tilespmem:$0x55A0] =	vst v2  }
0x246: {  	[tilespmem:$0x55B0] =	vst v2  }
0x247: {  	[tilespmem:$0x55C0] =	vst v2  }
0x248: {  	[tilespmem:$0x55D0] =	vst v2  }
0x249: {  	[tilespmem:$0x55E0] =	vst v2  }
0x24a: {  	[tilespmem:$0x55F0] =	vst v2  }
0x24b: {  	[tilespmem:$0x5600] =	vst v2  }
0x24c: {  	[tilespmem:$0x5610] =	vst v2  }
0x24d: {  	[tilespmem:$0x5620] =	vst v2  }
0x24e: {  	[tilespmem:$0x5630] =	vst v2  }
0x24f: {  	[tilespmem:$0x5640] =	vst v2  }
0x250: {  	[tilespmem:$0x5650] =	vst v2  }
0x251: {  	[tilespmem:$0x5660] =	vst v2  }
0x252: {  	[tilespmem:$0x5670] =	vst v2  }
0x253: {  	[tilespmem:$0x5680] =	vst v2  }
0x254: {  	[tilespmem:$0x5690] =	vst v2  }
0x255: {  	[tilespmem:$0x56A0] =	vst v2  }
0x256: {  	[tilespmem:$0x56B0] =	vst v2  }
0x257: {  	[tilespmem:$0x56C0] =	vst v2  }
0x258: {  	[tilespmem:$0x56D0] =	vst v2  }
0x259: {  	[tilespmem:$0x56E0] =	vst v2  }
0x25a: {  	[tilespmem:$0x56F0] =	vst v2  }
0x25b: {  	[tilespmem:$0x5700] =	vst v2  }
0x25c: {  	[tilespmem:$0x5710] =	vst v2  }
0x25d: {  	[tilespmem:$0x5720] =	vst v2  }
0x25e: {  	[tilespmem:$0x5730] =	vst v2  }
0x25f: {  	[tilespmem:$0x5740] =	vst v2  }
0x260: {  	[tilespmem:$0x5750] =	vst v2  }
0x261: {  	[tilespmem:$0x5760] =	vst v2  }
0x262: {  	[tilespmem:$0x5770] =	vst v2  }
0x263: {  	[tilespmem:$0x5780] =	vst v2;
	s5 =	rddreg [dreg:$0x16];
	s15 =	simm.s32 $0x5480  }
0x264: {  	[spmem:s5] =	stream.linear.scatter [tilespmem:s15], [sflag:$0xB], $0x310, $0x38;
	[tilespmem:$0x1EC40] =	vst v63  }
0x265: {  	_ =	swait.ge [sflag:s25], $0x310  }
0x266: {  	[sflag:s25] =	ssyncset.done $0x0  }
0x267: {  	s19 =	rddreg [dreg:$0x17];
	[sflag:s25] =	ssyncadd.s32 $0xFFFFFCF0  }
0x268: {  	[spmem:s19] =	stream.linear.scatter [tilespmem:s15], [sflag:$0xB], $0x310, $0x38;
	[tilespmem:$0x1EC40] =	vst v63  }
0x269: {  	_ =	swait.ge [sflag:s25], $0x310  }
0x26a: {  	[sflag:s25] =	ssyncset.done $0x0  }
0x26b: {  	s19 =	rddreg [dreg:$0x18];
	[sflag:s25] =	ssyncadd.s32 $0xFFFFFCF0  }
0x26c: {  	[spmem:s19] =	stream.linear.scatter [tilespmem:s15], [sflag:$0xB], $0x310, $0x38;
	[tilespmem:$0x1EC40] =	vst v63  }
0x26d: {  	_ =	swait.ge [sflag:s25], $0x310  }
0x26e: {  	[sflag:s25] =	ssyncset.done $0x0  }
0x26f: {  	s19 =	rddreg [dreg:$0x19];
	[sflag:s25] =	ssyncadd.s32 $0xFFFFFCF0  }
0x270: {  	[spmem:s19] =	stream.linear.scatter [tilespmem:s15], [sflag:$0xB], $0x310, $0x38;
	[tilespmem:$0x1EC40] =	vst v63  }
0x271: {  	_ =	swait.ge [sflag:s25], $0x310  }
0x272: {  	[sflag:s25] =	ssyncset.done $0x0  }
0x273: {  	[sflag:s25] =	ssyncadd.s32 $0xFFFFFCF0  }
0x274: {  	s25 =	sadd.s32 $0x0, s17;
	[bflag:$0x0] =	sbarrier.arrive $0xFFFF  }
0x275: {  	[tilespmem:s1], [sflag:$0x1] =	stream.linear.gather [hbm4b:s25+s1], $0x50, $0x38;
	[tilespmem:$0x1EC40] =	vst v63  }
0x276: {  	s19 =	smov.u32 s17;
	s17 =	rddreg [dreg:$0x12]  }
0x277: {  	s15 =	sadd.s32 $0x0, s17  }
0x278: {  	[tilespmem:s6], [sflag:$0x2] =	stream.linear.gather [hbm4b:s15+s1], $0x50, $0x38;
	[tilespmem:$0x1EC40] =	vst v63  }
0x279: {  	s5 =	sadd.s32 $0xA, s25  }
0x27a: {  	[tilespmem:s7], [sflag:$0x6] =	stream.linear.gather [hbm4b:s5+s1], $0x50, $0x38;
	[tilespmem:$0x1EC40] =	vst v63  }
0x27b: {  	s25 =	sadd.s32 $0xA, s15  }
0x27c: {  	[tilespmem:s8], [sflag:$0x7] =	stream.linear.gather [hbm4b:s25+s1], $0x50, $0x38;
	[tilespmem:$0x1EC40] =	vst v63  }
0x27d: {  	_ =	swait.ge [sflag:s9], $0x50  }
0x27e: {  	[sflag:s9] =	ssyncset.done $0x0  }
0x27f: {  	[sflag:s9] =	ssyncadd.s32 $0xFFFFFFB0  }
0x280: {  	_ =	swait.ge [sflag:s10], $0x50  }
0x281: {  	[sflag:s10] =	ssyncset.done $0x0  }
0x282: {  	[sflag:s10] =	ssyncadd.s32 $0xFFFFFFB0  }
0x283: {  	v3 =	vld [tilespmem:$0xC0]  }
0x284: {  	v4 =	vld [tilespmem:$0xB0]  }
0x285: {  	v5 =	vld [tilespmem:$0x90]  }
0x286: {  	v6 =	vld [tilespmem:$0x80]  }
0x287: {  	v7 =	vld [tilespmem:$0xA0]  }
0x288: {  	v8 =	vld [tilespmem:$0x30];
	v9 =	vshrl.u32 v3, $0x2  }
0x289: {  	v10 =	vld [tilespmem:$0x40];
	v11 =	vshrl.u32 v4, $0x2;
	[tilespmem:$0x1C0] =	vst v9  }
0x28a: {  	v43 =	vld [tilespmem:$0x10];
	v4 =	vand.u32 $0x3, v4;
	v12 =	vshrl.u32 v5, $0x2;
	[tilespmem:$0x1B0] =	vst v11  }
0x28b: {  	v44 =	vld [tilespmem:$0x20];
	v3 =	vand.u32 $0x3, v3;
	v13 =	vshrl.u32 v6, $0x2;
	v4 =	vmul.u32 $0x186A0, v4;
	[tilespmem:$0x190] =	vst v12  }
0x28c: {  	v45 =	vld [tilespmem:$0x0];
	v5 =	vand.u32 $0x3, v5;
	v46 =	vshrl.u32 v7, $0x2;
	v3 =	vmul.u32 $0x186A0, v3;
	[tilespmem:$0x180] =	vst v13  }
0x28d: {  	v7 =	vand.u32 $0x3, v7;
	v5 =	vmul.u32 $0x186A0, v5;
	[tilespmem:$0x1A0] =	vst v46;
	v4 =	vadd.s32 v8, v4  }
0x28e: {  	v6 =	vand.u32 $0x3, v6;
	v7 =	vmul.u32 $0x186A0, v7;
	v3 =	vadd.s32 v10, v3;
	[tilespmem:$0x130] =	vst v4  }
0x28f: {  	v47 =	vmul.u32 $0x186A0, v6;
	v5 =	vadd.s32 v43, v5;
	[tilespmem:$0x140] =	vst v3  }
0x290: {  	v3 =	vadd.s32 v44, v7;
	[tilespmem:$0x110] =	vst v5  }
0x291: {  	v4 =	vadd.s32 v45, v47;
	[tilespmem:$0x120] =	vst v3  }
0x292: {  	[tilespmem:$0x100] =	vst v4  }
0x293: {  	[tilespmem:s30], [sflag:$0x3] =	stream.indirect.gather [hbm4b:s22+s11], $0x80, s29, s11, $0xb8;
	[tilespmem:$0x1EC40] =	vst v63  }
0x294: {  	_ =	swait.ge [sflag:s31], $0x50  }
0x295: {  	[sflag:s31] =	ssyncset.done $0x0  }
0x296: {  	[sflag:s31] =	ssyncadd.s32 $0xFFFFFFB0  }
0x297: {  	_ =	swait.ge [sflag:s16], $0x50  }
0x298: {  	[sflag:s16] =	ssyncset.done $0x0  }
0x299: {  	[sflag:s16] =	ssyncadd.s32 $0xFFFFFFB0  }
0x29a: {  	v3 =	vld [tilespmem:$0x2A80]  }
0x29b: {  	v51 =	vld [tilespmem:$0x2AA0]  }
0x29c: {  	v50 =	vld [tilespmem:$0x2AC0]  }
0x29d: {  	v49 =	vld [tilespmem:$0x2A90]  }
0x29e: {  	v53 =	vld [tilespmem:$0x2AB0]  }
0x29f: {  	v48 =	vld [tilespmem:$0x2A00];
	v52 =	vand.u32 $0x3, v3;
	v3 =	vshrl.u32 v3, $0x2  }
0x2a0: {  	v54 =	vld [tilespmem:$0x2A10];
	v57 =	vshrl.u32 v51, $0x2;
	[tilespmem:$0x2B80] =	vst v3  }
0x2a1: {  	v55 =	vld [tilespmem:$0x2A40];
	v6 =	vshrl.u32 v50, $0x2;
	[tilespmem:$0x2BA0] =	vst v57  }
0x2a2: {  	v56 =	vld [tilespmem:$0x2A30];
	v5 =	vand.u32 $0x3, v49;
	v8 =	vmul.u32 $0x186A0, v52;
	v3 =	vshrl.u32 v49, $0x2;
	[tilespmem:$0x2BC0] =	vst v6  }
0x2a3: {  	v58 =	vld [tilespmem:$0x2A20];
	v59 =	vand.u32 $0x3, v50;
	v62 =	vshrl.u32 v53, $0x2;
	[tilespmem:$0x2B90] =	vst v3;
	v3 =	vmul.u32 $0x186A0, v5  }
0x2a4: {  	v60 =	vand.u32 $0x3, v53;
	v12 =	vmul.u32 $0x186A0, v59;
	[tilespmem:$0x2BB0] =	vst v62;
	v4 =	vadd.s32 v48, v8  }
0x2a5: {  	v61 =	vand.u32 $0x3, v51;
	[tilespmem:$0x2B00] =	vst v4;
	v3 =	vadd.s32 v54, v3;
	v4 =	vmul.u32 $0x186A0, v60  }
0x2a6: {  	v63 =	vadd.s32 v55, v12;
	[tilespmem:$0x2B10] =	vst v3;
	v3 =	vmul.u32 $0x186A0, v61  }
0x2a7: {  	[tilespmem:$0x2B40] =	vst v63;
	v4 =	vadd.s32 v56, v4  }
0x2a8: {  	v3 =	vadd.s32 v58, v3;
	[tilespmem:$0x2B30] =	vst v4  }
0x2a9: {  	[tilespmem:$0x2B20] =	vst v3  }
0x2aa: {  	[tilespmem:s2], [sflag:$0x8] =	stream.indirect.gather [hbm4b:s22+s11], $0x80, s14, s11, $0xb8;
	[tilespmem:$0x1EC40] =	vst v63  }
0x2ab: {  	_ =	swait.ge [sflag:s3], $0x2800  }
0x2ac: {  	[sflag:s3] =	ssyncset.done $0x0  }
0x2ad: {  	[sflag:s3] =	ssyncadd.s32 $0xFFFFD800  }
0x2ae: {  	[spmem:s18] =	stream.indirect.scatter.add.f32 [tilespmem:s30], [sflag:$0x4], $0x80, s12, s11, $0xb8;
	[tilespmem:$0x1EC40] =	vst v63  }
0x2af: {  	_ = 	snop  }
0x2b0: {  	[spmem:s20] =	stream.indirect.scatter.add.f32 [tilespmem:s26], [sflag:$0x5], $0x1, s6, s11, $0xb8;
	[tilespmem:$0x1EC40] =	vst v63  }
0x2b1: {  	s25 =	simm.s32 $0x14;
	_ =	swait.ge [sflag:s13], $0x2800  }
.LBB2_3:
0x2b2: {  	p1 =	sne.s32 s25, $0x184C  }
0x2b3: {  	[sflag:s13] =	ssyncset.done $0x0;
	s5 =	smov.u32 s25;
	s25 =	sadd.s32 $0x14, s25  }
0x2b4: {  	[sflag:s13] =	ssyncadd.s32 $0xFFFFD800  }
0x2b5: {  	[spmem:s18] =	stream.indirect.scatter.add.f32 [tilespmem:s2], [sflag:$0x9], $0x80, s23, s11, $0xb8;
	[tilespmem:$0x1EC40] =	vst v63  }
0x2b6: {  	_ = 	snop  }
0x2b7: {  	[spmem:s20] =	stream.indirect.scatter.add.f32 [tilespmem:s26], [sflag:$0xA], $0x1, s8, s11, $0xb8;
	[tilespmem:$0x1EC40] =	vst v63  }
0x2b8: {  	_ =	swait.ge [sflag:s0], $0x2800  }
0x2b9: {  	[sflag:s0] =	ssyncset.done $0x0  }
0x2ba: {  	[sflag:s0] =	ssyncadd.s32 $0xFFFFD800  }
0x2bb: {  	_ =	swait.ge [sflag:s28], $0x50  }
0x2bc: {  	[sflag:s28] =	ssyncset.done $0x0  }
0x2bd: {  	[sflag:s28] =	ssyncadd.s32 $0xFFFFFFB0  }
0x2be: {  	_ =	swait.ge [sflag:s24], $0x2800  }
0x2bf: {  	[sflag:s24] =	ssyncset.done $0x0  }
0x2c0: {  	[sflag:s24] =	ssyncadd.s32 $0xFFFFD800  }
0x2c1: {  	_ =	swait.ge [sflag:s4], $0x50  }
0x2c2: {  	[sflag:s4] =	ssyncset.done $0x0  }
0x2c3: {  	s15 =	sadd.s32 s5, s19;
	[sflag:s4] =	ssyncadd.s32 $0xFFFFFFB0  }
0x2c4: {  	[tilespmem:s1], [sflag:$0x1] =	stream.linear.gather [hbm4b:s15+s1], $0x50, $0x38;
	[tilespmem:$0x1EC40] =	vst v63  }
0x2c5: {  	s5 =	sadd.s32 s5, s17  }
0x2c6: {  	[tilespmem:s6], [sflag:$0x2] =	stream.linear.gather [hbm4b:s5+s1], $0x50, $0x38;
	[tilespmem:$0x1EC40] =	vst v63  }
0x2c7: {  	s15 =	sadd.s32 $0xA, s15  }
0x2c8: {  	[tilespmem:s7], [sflag:$0x6] =	stream.linear.gather [hbm4b:s15+s1], $0x50, $0x38;
	[tilespmem:$0x1EC40] =	vst v63  }
0x2c9: {  	s5 =	sadd.s32 $0xA, s5  }
0x2ca: {  	[tilespmem:s8], [sflag:$0x7] =	stream.linear.gather [hbm4b:s5+s1], $0x50, $0x38;
	[tilespmem:$0x1EC40] =	vst v63  }
0x2cb: {  	_ =	swait.ge [sflag:s9], $0x50  }
0x2cc: {  	[sflag:s9] =	ssyncset.done $0x0  }
0x2cd: {  	[sflag:s9] =	ssyncadd.s32 $0xFFFFFFB0  }
0x2ce: {  	_ =	swait.ge [sflag:s10], $0x50  }
0x2cf: {  	[sflag:s10] =	ssyncset.done $0x0  }
0x2d0: {  	[sflag:s10] =	ssyncadd.s32 $0xFFFFFFB0  }
0x2d1: {  	v3 =	vld [tilespmem:$0x30]  }
0x2d2: {  	v4 =	vld [tilespmem:$0x40]  }
0x2d3: {  	v5 =	vld [tilespmem:$0xC0]  }
0x2d4: {  	v6 =	vld [tilespmem:$0xB0]  }
0x2d5: {  	v7 =	vld [tilespmem:$0x90]  }
0x2d6: {  	v8 =	vld [tilespmem:$0x80]  }
0x2d7: {  	v9 =	vld [tilespmem:$0xA0]  }
0x2d8: {  	v10 =	vld [tilespmem:$0x10];
	v11 =	vand.u32 $0x3, v5;
	v5 =	vshrl.u32 v5, $0x2  }
0x2d9: {  	v12 =	vld [tilespmem:$0x0];
	v13 =	vand.u32 $0x3, v6;
	v6 =	vshrl.u32 v6, $0x2;
	v11 =	vmul.u32 $0x186A0, v11;
	[tilespmem:$0x1C0] =	vst v5  }
0x2da: {  	v5 =	vand.u32 $0x3, v7;
	v7 =	vshrl.u32 v7, $0x2;
	v14 =	vld [tilespmem:$0x20];
	v13 =	vmul.u32 $0x186A0, v13;
	[tilespmem:$0x1B0] =	vst v6  }
0x2db: {  	v6 =	vand.u32 $0x3, v8;
	v8 =	vshrl.u32 v8, $0x2;
	v5 =	vmul.u32 $0x186A0, v5;
	[tilespmem:$0x190] =	vst v7  }
0x2dc: {  	v6 =	vmul.u32 $0x186A0, v6;
	[tilespmem:$0x180] =	vst v8;
	v7 =	vand.u32 $0x3, v9;
	v8 =	vshrl.u32 v9, $0x2  }
0x2dd: {  	v3 =	vadd.s32 v3, v13;
	v5 =	vadd.s32 v10, v5;
	v7 =	vmul.u32 $0x186A0, v7;
	[tilespmem:$0x1A0] =	vst v8  }
0x2de: {  	v6 =	vadd.s32 v12, v6;
	[tilespmem:$0x130] =	vst v3;
	v3 =	vadd.s32 v4, v11  }
0x2df: {  	v4 =	vadd.s32 v14, v7;
	[tilespmem:$0x140] =	vst v3  }
0x2e0: {  	[tilespmem:$0x110] =	vst v5  }
0x2e1: {  	[tilespmem:$0x120] =	vst v4  }
0x2e2: {  	[tilespmem:$0x100] =	vst v6  }
0x2e3: {  	[tilespmem:s30], [sflag:$0x3] =	stream.indirect.gather [hbm4b:s22+s11], $0x80, s29, s11, $0xb8;
	[tilespmem:$0x1EC40] =	vst v63  }
0x2e4: {  	_ =	swait.ge [sflag:s31], $0x50  }
0x2e5: {  	[sflag:s31] =	ssyncset.done $0x0  }
0x2e6: {  	[sflag:s31] =	ssyncadd.s32 $0xFFFFFFB0  }
0x2e7: {  	_ =	swait.ge [sflag:s16], $0x50  }
0x2e8: {  	[sflag:s16] =	ssyncset.done $0x0  }
0x2e9: {  	[sflag:s16] =	ssyncadd.s32 $0xFFFFFFB0  }
0x2ea: {  	v3 =	vld [tilespmem:$0x2A00]  }
0x2eb: {  	v4 =	vld [tilespmem:$0x2A80]  }
0x2ec: {  	v5 =	vld [tilespmem:$0x2A40]  }
0x2ed: {  	v6 =	vld [tilespmem:$0x2A90]  }
0x2ee: {  	v7 =	vld [tilespmem:$0x2AC0]  }
0x2ef: {  	v8 =	vld [tilespmem:$0x2AA0]  }
0x2f0: {  	v9 =	vand.u32 $0x3, v4;
	v4 =	vshrl.u32 v4, $0x2;
	v10 =	vld [tilespmem:$0x2AB0]  }
0x2f1: {  	v9 =	vmul.u32 $0x186A0, v9;
	[tilespmem:$0x2B80] =	vst v4;
	v4 =	vld [tilespmem:$0x2A10]  }
0x2f2: {  	v11 =	vand.u32 $0x3, v6;
	v6 =	vshrl.u32 v6, $0x2;
	v12 =	vld [tilespmem:$0x2A20]  }
0x2f3: {  	v3 =	vadd.s32 v3, v9;
	v9 =	vmul.u32 $0x186A0, v11;
	[tilespmem:$0x2B90] =	vst v6;
	v6 =	vld [tilespmem:$0x2A30];
	v11 =	vand.u32 $0x3, v7  }
0x2f4: {  	v7 =	vshrl.u32 v7, $0x2;
	[tilespmem:$0x2B00] =	vst v3;
	v3 =	vand.u32 $0x3, v8;
	v8 =	vshrl.u32 v8, $0x2  }
0x2f5: {  	v11 =	vmul.u32 $0x186A0, v11;
	v3 =	vmul.u32 $0x186A0, v3;
	[tilespmem:$0x2BA0] =	vst v8;
	v8 =	vand.u32 $0x3, v10  }
0x2f6: {  	v4 =	vadd.s32 v4, v9;
	v8 =	vmul.u32 $0x186A0, v8;
	v9 =	vshrl.u32 v10, $0x2;
	[tilespmem:$0x2BC0] =	vst v7  }
0x2f7: {  	[tilespmem:$0x2B10] =	vst v4;
	v3 =	vadd.s32 v12, v3;
	v4 =	vadd.s32 v5, v11  }
0x2f8: {  	v5 =	vadd.s32 v6, v8;
	[tilespmem:$0x2BB0] =	vst v9  }
0x2f9: {  	[tilespmem:$0x2B40] =	vst v4  }
0x2fa: {  	[tilespmem:$0x2B30] =	vst v5  }
0x2fb: {  	[tilespmem:$0x2B20] =	vst v3  }
0x2fc: {  	[tilespmem:s2], [sflag:$0x8] =	stream.indirect.gather [hbm4b:s22+s11], $0x80, s14, s11, $0xb8;
	[tilespmem:$0x1EC40] =	vst v63  }
0x2fd: {  	_ =	swait.ge [sflag:s3], $0x2800  }
0x2fe: {  	[sflag:s3] =	ssyncset.done $0x0  }
.Ltmp6:
0x2ff: {  	[sflag:s3] =	ssyncadd.s32 $0xFFFFD800;
	(pc) =	sbr.rel @p1 .LBB2_3-.Ltmp6, $4  }
0x300: {  	[spmem:s18] =	stream.indirect.scatter.add.f32 [tilespmem:s30], [sflag:$0x4], $0x80, s12, s11, $0xb8;
	[tilespmem:$0x1EC40] =	vst v63  }
0x301: {  	_ = 	snop  }
0x302: {  	[spmem:s20] =	stream.indirect.scatter.add.f32 [tilespmem:s26], [sflag:$0x5], $0x1, s6, s11, $0xb8;
	[tilespmem:$0x1EC40] =	vst v63  }
0x303: {  	_ =	swait.ge [sflag:s13], $0x2800  }
0x304: {  	[sflag:s13] =	ssyncset.done $0x0  }
0x305: {  	[sflag:s13] =	ssyncadd.s32 $0xFFFFD800  }
0x306: {  	[spmem:s18] =	stream.indirect.scatter.add.f32 [tilespmem:s2], [sflag:$0x9], $0x80, s23, s11, $0xb8;
	[tilespmem:$0x1EC40] =	vst v63  }
0x307: {  	_ = 	snop  }
0x308: {  	[spmem:s20] =	stream.indirect.scatter.add.f32 [tilespmem:s26], [sflag:$0xA], $0x1, s8, s11, $0xb8;
	[tilespmem:$0x1EC40] =	vst v63  }
0x309: {  	_ =	swait.ge [sflag:s0], $0x2800  }
0x30a: {  	[sflag:s0] =	ssyncset.done $0x0  }
0x30b: {  	[sflag:s0] =	ssyncadd.s32 $0xFFFFD800  }
0x30c: {  	_ =	swait.ge [sflag:s28], $0x50  }
0x30d: {  	[sflag:s28] =	ssyncset.done $0x0  }
0x30e: {  	[sflag:s28] =	ssyncadd.s32 $0xFFFFFFB0  }
0x30f: {  	_ =	swait.ge [sflag:s24], $0x2800  }
0x310: {  	[sflag:s24] =	ssyncset.done $0x0  }
0x311: {  	[sflag:s24] =	ssyncadd.s32 $0xFFFFD800  }
0x312: {  	_ =	swait.ge [sflag:s4], $0x50  }
0x313: {  	s5 =	simm.s32 $0x0;
	[sflag:s4] =	ssyncset.done $0x0  }
0x314: {  	s19 =	simm.s32 $0xB;
	s15 =	rddreg [dreg:$0x6];
	[sflag:s4] =	ssyncadd.s32 $0xFFFFFFB0  }
0x315: {  	[tilespmem:s5], [sflag:$0xB] =	stream.linear.gather [hbm4b:s15+s5], $0x50, $0x38;
	[tilespmem:$0x1EC40] =	vst v63  }
0x316: {  	_ =	swait.ge [sflag:s19], $0x50  }
0x317: {  	[sflag:s19] =	ssyncset.done $0x0  }
0x318: {  	s25 =	rddreg [dreg:$0x7];
	[sflag:s19] =	ssyncadd.s32 $0xFFFFFFB0  }
0x319: {  	[tilespmem:s6], [sflag:$0xB] =	stream.linear.gather [hbm4b:s25+s5], $0x50, $0x38;
	[tilespmem:$0x1EC40] =	vst v63  }
0x31a: {  	_ =	swait.ge [sflag:s19], $0x50  }
0x31b: {  	[sflag:s19] =	ssyncset.done $0x0  }
0x31c: {  	[sflag:s19] =	ssyncadd.s32 $0xFFFFFFB0  }
0x31d: {  	v3 =	vld [tilespmem:$0x80];
	_ =	sdelay $0x1  }
0x31e: {  	v4 =	vld [tilespmem:$0x90]  }
0x31f: {  	v5 =	vld [tilespmem:$0x0]  }
0x320: {  	v6 =	vld [tilespmem:$0xA0]  }
0x321: {  	v8 =	vld [tilespmem:$0x10];
	v7 =	vand.u32 $0x3, v3  }
0x322: {  	v9 =	vld [tilespmem:$0xB0];
	v7 =	vmul.u32 $0x186A0, v7  }
0x323: {  	v11 =	vld [tilespmem:$0x20];
	v10 =	vand.u32 $0x3, v4  }
0x324: {  	v46 =	vld [tilespmem:$0xC0];
	v5 =	vadd.s32 v5, v7;
	v7 =	vmul.u32 $0x186A0, v10  }
0x325: {  	v12 =	vld [tilespmem:$0x30];
	v3 =	vshrl.u32 v3, $0x2;
	[tilespmem:$0x100] =	vst v5;
	v5 =	vand.u32 $0x3, v6  }
0x326: {  	[tilespmem:$0x180] =	vst v3;
	v3 =	vadd.s32 v8, v7;
	v5 =	vmul.u32 $0x186A0, v5  }
0x327: {  	v7 =	vld [tilespmem:$0x40];
	[tilespmem:$0x110] =	vst v3;
	v3 =	vshrl.u32 v4, $0x2;
	v4 =	vand.u32 $0x3, v9  }
0x328: {  	[tilespmem:$0x190] =	vst v3;
	v3 =	vadd.s32 v11, v5;
	v4 =	vmul.u32 $0x186A0, v4  }
0x329: {  	v5 =	vand.u32 $0x3, v46;
	[tilespmem:$0x120] =	vst v3;
	v3 =	vshrl.u32 v6, $0x2  }
0x32a: {  	[tilespmem:$0x1A0] =	vst v3;
	v3 =	vadd.s32 v12, v4;
	v4 =	vmul.u32 $0x186A0, v5  }
0x32b: {  	[tilespmem:$0x130] =	vst v3;
	v3 =	vshrl.u32 v9, $0x2  }
0x32c: {  	[tilespmem:$0x1B0] =	vst v3;
	v3 =	vadd.s32 v7, v4  }
0x32d: {  	[tilespmem:$0x140] =	vst v3;
	v3 =	vshrl.u32 v46, $0x2  }
0x32e: {  	[tilespmem:$0x1C0] =	vst v3  }
0x32f: {  	[tilespmem:s30], [sflag:$0x3] =	stream.indirect.gather [hbm4b:s22+s11], $0x80, s29, s11, $0xb8;
	[tilespmem:$0x1EC40] =	vst v63  }
0x330: {  	_ =	swait.ge [sflag:s3], $0x2800  }
0x331: {  	[sflag:s3] =	ssyncset.done $0x0  }
0x332: {  	[sflag:s3] =	ssyncadd.s32 $0xFFFFD800  }
0x333: {  	[spmem:s18] =	stream.indirect.scatter.add.f32 [tilespmem:s30], [sflag:$0xB], $0x80, s12, s11, $0xb8;
	[tilespmem:$0x1EC40] =	vst v63  }
0x334: {  	_ =	swait.ge [sflag:s19], $0x2800  }
0x335: {  	[sflag:s19] =	ssyncset.done $0x0  }
0x336: {  	[sflag:s19] =	ssyncadd.s32 $0xFFFFD800  }
0x337: {  	[spmem:s20] =	stream.indirect.scatter.add.f32 [tilespmem:s26], [sflag:$0xB], $0x1, s6, s11, $0xb8;
	[tilespmem:$0x1EC40] =	vst v63  }
0x338: {  	_ =	swait.ge [sflag:s19], $0x50  }
0x339: {  	[sflag:s19] =	ssyncset.done $0x0  }
0x33a: {  	[sflag:s19] =	ssyncadd.s32 $0xFFFFFFB0  }
0x33b: {  	[bflag:$0x0] =	sbarrier.arrive $0xFFFF  }
0x33c: {  	s25 =	sld [smem:$0x7FD]  }
0x33d: {  	s15 =	rddreg [dreg:$0x1a]  }
0x33e: {  	s17 =	rddreg [dreg:$0x1f]  }
0x33f: {  	[hbm:s15], [sflag:s17] =	dma.local [spmem:s25], $0x3100  }
0x340: {  	_ =	swait.ge [sflag:s19], $0x3100  }
0x341: {  	[sflag:s19] =	ssyncset.done $0x0  }
0x342: {  	s25 =	simm.s32 $0x5480;
	s15 =	rddreg [dreg:$0x16];
	[sflag:s19] =	ssyncadd.s32 $0xFFFFCF00  }
0x343: {  	[tilespmem:s25], [sflag:$0xB] =	stream.linear.gather [spmem:s15], $0x310, $0x38;
	[tilespmem:$0x1EC40] =	vst v63  }
0x344: {  	_ =	swait.ge [sflag:s19], $0x310  }
0x345: {  	[sflag:s19] =	ssyncset.done $0x0  }
0x346: {  	s15 =	rddreg [dreg:$0x8];
	[sflag:s19] =	ssyncadd.s32 $0xFFFFFCF0  }
0x347: {  	[hbm4b:s15+s5] =	stream.linear.scatter [tilespmem:s25], [sflag:$0xB], $0x310, $0x38;
	[tilespmem:$0x1EC40] =	vst v63  }
0x348: {  	_ =	swait.ge [sflag:s19], $0x310  }
0x349: {  	[sflag:s19] =	ssyncset.done $0x0  }
0x34a: {  	s15 =	rddreg [dreg:$0x17];
	[sflag:s19] =	ssyncadd.s32 $0xFFFFFCF0  }
0x34b: {  	[tilespmem:s25], [sflag:$0xB] =	stream.linear.gather [spmem:s15], $0x310, $0x38;
	[tilespmem:$0x1EC40] =	vst v63  }
0x34c: {  	_ =	swait.ge [sflag:s19], $0x310  }
0x34d: {  	[sflag:s19] =	ssyncset.done $0x0  }
0x34e: {  	s15 =	rddreg [dreg:$0x9];
	[sflag:s19] =	ssyncadd.s32 $0xFFFFFCF0  }
0x34f: {  	[hbm4b:s15+s5] =	stream.linear.scatter [tilespmem:s25], [sflag:$0xB], $0x310, $0x38;
	[tilespmem:$0x1EC40] =	vst v63  }
0x350: {  	_ =	swait.ge [sflag:s19], $0x310  }
0x351: {  	[sflag:s19] =	ssyncset.done $0x0  }
0x352: {  	s15 =	rddreg [dreg:$0x18];
	[sflag:s19] =	ssyncadd.s32 $0xFFFFFCF0  }
0x353: {  	[tilespmem:s25], [sflag:$0xB] =	stream.linear.gather [spmem:s15], $0x310, $0x38;
	[tilespmem:$0x1EC40] =	vst v63  }
0x354: {  	_ =	swait.ge [sflag:s19], $0x310  }
0x355: {  	[sflag:s19] =	ssyncset.done $0x0  }
0x356: {  	s15 =	rddreg [dreg:$0xa];
	[sflag:s19] =	ssyncadd.s32 $0xFFFFFCF0  }
0x357: {  	[hbm4b:s15+s5] =	stream.linear.scatter [tilespmem:s25], [sflag:$0xB], $0x310, $0x38;
	[tilespmem:$0x1EC40] =	vst v63  }
0x358: {  	_ =	swait.ge [sflag:s19], $0x310  }
0x359: {  	[sflag:s19] =	ssyncset.done $0x0  }
0x35a: {  	s15 =	rddreg [dreg:$0x19];
	[sflag:s19] =	ssyncadd.s32 $0xFFFFFCF0  }
0x35b: {  	[tilespmem:s25], [sflag:$0xB] =	stream.linear.gather [spmem:s15], $0x310, $0x38;
	[tilespmem:$0x1EC40] =	vst v63  }
0x35c: {  	_ =	swait.ge [sflag:s19], $0x310  }
0x35d: {  	[sflag:s19] =	ssyncset.done $0x0  }
0x35e: {  	s15 =	rddreg [dreg:$0xb];
	[sflag:s19] =	ssyncadd.s32 $0xFFFFFCF0  }
0x35f: {  	[hbm4b:s15+s5] =	stream.linear.scatter [tilespmem:s25], [sflag:$0xB], $0x310, $0x38;
	[tilespmem:$0x1EC40] =	vst v63  }
0x360: {  	_ =	swait.ge [sflag:s19], $0x310  }
0x361: {  	[sflag:s19] =	ssyncset.done $0x0;
	s25 =	sld [smem:$0x7FD]  }
0x362: {  	[sflag:s19] =	ssyncadd.s32 $0xFFFFFCF0  }
0x363: {  	s15 =	rddreg [dreg:$0x1]  }
0x364: {  	[spmem:s25], [sflag:s17] =	dma.local [hbm:s15], $0x3100  }
0x365: {  	_ =	swait.ge [sflag:s19], $0x3100  }
0x366: {  	[sflag:s19] =	ssyncset.done $0x0  }
0x367: {  	[sflag:s19] =	ssyncadd.s32 $0xFFFFCF00  }
0x368: {  	s15 =	sadd.s32 $0x0, s21;
	[bflag:$0x0] =	sbarrier.arrive $0xFFFF  }
0x369: {  	[tilespmem:s1], [sflag:$0x1] =	stream.linear.gather [hbm4b:s15+s1], $0x50, $0x38;
	[tilespmem:$0x1EC40] =	vst v63  }
0x36a: {  	s17 =	rddreg [dreg:$0x14]  }
0x36b: {  	s19 =	sadd.s32 $0x0, s17  }
0x36c: {  	[tilespmem:s6], [sflag:$0x2] =	stream.linear.gather [hbm4b:s19+s1], $0x50, $0x38;
	[tilespmem:$0x1EC40] =	vst v63  }
0x36d: {  	s5 =	sadd.s32 $0xA, s15  }
0x36e: {  	[tilespmem:s7], [sflag:$0x6] =	stream.linear.gather [hbm4b:s5+s1], $0x50, $0x38;
	[tilespmem:$0x1EC40] =	vst v63  }
0x36f: {  	s25 =	sadd.s32 $0xA, s19  }
0x370: {  	[tilespmem:s8], [sflag:$0x7] =	stream.linear.gather [hbm4b:s25+s1], $0x50, $0x38;
	[tilespmem:$0x1EC40] =	vst v63  }
0x371: {  	_ =	swait.ge [sflag:s9], $0x50  }
0x372: {  	[sflag:s9] =	ssyncset.done $0x0  }
0x373: {  	[sflag:s9] =	ssyncadd.s32 $0xFFFFFFB0  }
0x374: {  	_ =	swait.ge [sflag:s10], $0x50  }
0x375: {  	[sflag:s10] =	ssyncset.done $0x0  }
0x376: {  	[sflag:s10] =	ssyncadd.s32 $0xFFFFFFB0  }
0x377: {  	v3 =	vld [tilespmem:$0xC0]  }
0x378: {  	v4 =	vld [tilespmem:$0xB0]  }
0x379: {  	v5 =	vld [tilespmem:$0x90]  }
0x37a: {  	v6 =	vld [tilespmem:$0x80]  }
0x37b: {  	v7 =	vld [tilespmem:$0xA0]  }
0x37c: {  	v47 =	vld [tilespmem:$0x40];
	v48 =	vshrl.u32 v3, $0x2  }
0x37d: {  	v49 =	vld [tilespmem:$0x30];
	v50 =	vshrl.u32 v4, $0x2;
	[tilespmem:$0x1C0] =	vst v48  }
0x37e: {  	v51 =	vld [tilespmem:$0x10];
	v3 =	vand.u32 $0x3, v3;
	v52 =	vshrl.u32 v5, $0x2;
	[tilespmem:$0x1B0] =	vst v50  }
0x37f: {  	v53 =	vld [tilespmem:$0x20];
	v4 =	vand.u32 $0x3, v4;
	v13 =	vshrl.u32 v6, $0x2;
	v3 =	vmul.u32 $0x186A0, v3;
	[tilespmem:$0x190] =	vst v52  }
0x380: {  	v54 =	vld [tilespmem:$0x0];
	v5 =	vand.u32 $0x3, v5;
	v55 =	vshrl.u32 v7, $0x2;
	v4 =	vmul.u32 $0x186A0, v4;
	[tilespmem:$0x180] =	vst v13  }
0x381: {  	v7 =	vand.u32 $0x3, v7;
	v5 =	vmul.u32 $0x186A0, v5;
	[tilespmem:$0x1A0] =	vst v55;
	v3 =	vadd.s32 v47, v3  }
0x382: {  	v6 =	vand.u32 $0x3, v6;
	v7 =	vmul.u32 $0x186A0, v7;
	v4 =	vadd.s32 v49, v4;
	[tilespmem:$0x140] =	vst v3  }
0x383: {  	v5 =	vadd.s32 v51, v5;
	v3 =	vmul.u32 $0x186A0, v6;
	[tilespmem:$0x130] =	vst v4  }
0x384: {  	v4 =	vadd.s32 v53, v7;
	[tilespmem:$0x110] =	vst v5  }
0x385: {  	[tilespmem:$0x120] =	vst v4;
	v3 =	vadd.s32 v54, v3  }
0x386: {  	[tilespmem:$0x100] =	vst v3  }
0x387: {  	[tilespmem:s30], [sflag:$0x3] =	stream.indirect.gather [hbm4b:s22+s11], $0x80, s29, s11, $0xb8;
	[tilespmem:$0x1EC40] =	vst v63  }
0x388: {  	_ =	swait.ge [sflag:s31], $0x50  }
0x389: {  	[sflag:s31] =	ssyncset.done $0x0  }
0x38a: {  	[sflag:s31] =	ssyncadd.s32 $0xFFFFFFB0  }
0x38b: {  	_ =	swait.ge [sflag:s16], $0x50  }
0x38c: {  	[sflag:s16] =	ssyncset.done $0x0  }
0x38d: {  	[sflag:s16] =	ssyncadd.s32 $0xFFFFFFB0  }
0x38e: {  	v3 =	vld [tilespmem:$0x2A20]  }
0x38f: {  	v4 =	vld [tilespmem:$0x2AC0]  }
0x390: {  	v5 =	vld [tilespmem:$0x2A90]  }
0x391: {  	v57 =	vld [tilespmem:$0x2A80]  }
0x392: {  	v6 =	vld [tilespmem:$0x2AA0]  }
0x393: {  	v7 =	vld [tilespmem:$0x2AB0]  }
0x394: {  	v56 =	vld [tilespmem:$0x2A10];
	v58 =	vshrl.u32 v4, $0x2  }
0x395: {  	v61 =	vld [tilespmem:$0x2A40];
	v59 =	vand.u32 $0x3, v5;
	v5 =	vshrl.u32 v5, $0x2;
	[tilespmem:$0x2BC0] =	vst v58  }
0x396: {  	v60 =	vld [tilespmem:$0x2A30];
	v4 =	vand.u32 $0x3, v4;
	v9 =	vshrl.u32 v57, $0x2;
	[tilespmem:$0x2B90] =	vst v5  }
0x397: {  	v62 =	vld [tilespmem:$0x2A00];
	v11 =	vmul.u32 $0x186A0, v59;
	v5 =	vshrl.u32 v6, $0x2;
	v4 =	vmul.u32 $0x186A0, v4;
	[tilespmem:$0x2B80] =	vst v9  }
0x398: {  	v6 =	vand.u32 $0x3, v6;
	[tilespmem:$0x2BA0] =	vst v5;
	v5 =	vand.u32 $0x3, v7;
	v7 =	vshrl.u32 v7, $0x2  }
0x399: {  	v8 =	vadd.s32 v56, v11;
	v5 =	vmul.u32 $0x186A0, v5;
	[tilespmem:$0x2BB0] =	vst v7;
	v7 =	vand.u32 $0x3, v57  }
0x39a: {  	v6 =	vmul.u32 $0x186A0, v6;
	v63 =	vadd.s32 v61, v4;
	[tilespmem:$0x2B10] =	vst v8;
	v7 =	vmul.u32 $0x186A0, v7  }
0x39b: {  	[tilespmem:$0x2B40] =	vst v63;
	v5 =	vadd.s32 v60, v5  }
0x39c: {  	s25 =	simm.s32 $0x14;
	v3 =	vadd.s32 v3, v6;
	[tilespmem:$0x2B30] =	vst v5;
	v4 =	vadd.s32 v62, v7  }
.LBB2_5:
0x39d: {  	p1 =	sne.s32 s25, $0x184C;
	[tilespmem:$0x2B00] =	vst v4;
	s5 =	smov.u32 s25;
	s25 =	sadd.s32 $0x14, s25  }
0x39e: {  	[tilespmem:$0x2B20] =	vst v3  }
0x39f: {  	[tilespmem:s2], [sflag:$0x8] =	stream.indirect.gather [hbm4b:s22+s11], $0x80, s14, s11, $0xb8;
	[tilespmem:$0x1EC40] =	vst v63  }
0x3a0: {  	_ =	swait.ge [sflag:s3], $0x2800  }
0x3a1: {  	[sflag:s3] =	ssyncset.done $0x0  }
0x3a2: {  	[sflag:s3] =	ssyncadd.s32 $0xFFFFD800  }
0x3a3: {  	[spmem:s18] =	stream.indirect.scatter.add.f32 [tilespmem:s30], [sflag:$0x4], $0x80, s12, s11, $0xb8;
	[tilespmem:$0x1EC40] =	vst v63  }
0x3a4: {  	_ =	swait.ge [sflag:s13], $0x2800  }
0x3a5: {  	[sflag:s13] =	ssyncset.done $0x0  }
0x3a6: {  	[sflag:s13] =	ssyncadd.s32 $0xFFFFD800  }
0x3a7: {  	[spmem:s18] =	stream.indirect.scatter.add.f32 [tilespmem:s2], [sflag:$0x9], $0x80, s23, s11, $0xb8;
	[tilespmem:$0x1EC40] =	vst v63  }
0x3a8: {  	_ =	swait.ge [sflag:s0], $0x2800  }
0x3a9: {  	[sflag:s0] =	ssyncset.done $0x0  }
0x3aa: {  	[sflag:s0] =	ssyncadd.s32 $0xFFFFD800  }
0x3ab: {  	_ =	swait.ge [sflag:s24], $0x2800  }
0x3ac: {  	[sflag:s24] =	ssyncset.done $0x0  }
0x3ad: {  	s15 =	sadd.s32 s5, s21;
	[sflag:s24] =	ssyncadd.s32 $0xFFFFD800  }
0x3ae: {  	[tilespmem:s1], [sflag:$0x1] =	stream.linear.gather [hbm4b:s15+s1], $0x50, $0x38;
	[tilespmem:$0x1EC40] =	vst v63  }
0x3af: {  	s5 =	sadd.s32 s5, s17  }
0x3b0: {  	[tilespmem:s6], [sflag:$0x2] =	stream.linear.gather [hbm4b:s5+s1], $0x50, $0x38;
	[tilespmem:$0x1EC40] =	vst v63  }
0x3b1: {  	s15 =	sadd.s32 $0xA, s15  }
0x3b2: {  	[tilespmem:s7], [sflag:$0x6] =	stream.linear.gather [hbm4b:s15+s1], $0x50, $0x38;
	[tilespmem:$0x1EC40] =	vst v63  }
0x3b3: {  	s5 =	sadd.s32 $0xA, s5  }
0x3b4: {  	[tilespmem:s8], [sflag:$0x7] =	stream.linear.gather [hbm4b:s5+s1], $0x50, $0x38;
	[tilespmem:$0x1EC40] =	vst v63  }
0x3b5: {  	_ =	swait.ge [sflag:s9], $0x50  }
0x3b6: {  	[sflag:s9] =	ssyncset.done $0x0  }
0x3b7: {  	[sflag:s9] =	ssyncadd.s32 $0xFFFFFFB0  }
0x3b8: {  	_ =	swait.ge [sflag:s10], $0x50  }
0x3b9: {  	[sflag:s10] =	ssyncset.done $0x0  }
0x3ba: {  	[sflag:s10] =	ssyncadd.s32 $0xFFFFFFB0  }
0x3bb: {  	v3 =	vld [tilespmem:$0x30]  }
0x3bc: {  	v4 =	vld [tilespmem:$0x40]  }
0x3bd: {  	v5 =	vld [tilespmem:$0xC0]  }
0x3be: {  	v6 =	vld [tilespmem:$0xB0]  }
0x3bf: {  	v7 =	vld [tilespmem:$0x90]  }
0x3c0: {  	v8 =	vld [tilespmem:$0x80]  }
0x3c1: {  	v9 =	vld [tilespmem:$0xA0]  }
0x3c2: {  	v10 =	vld [tilespmem:$0x20];
	v11 =	vand.u32 $0x3, v5;
	v5 =	vshrl.u32 v5, $0x2  }
0x3c3: {  	v12 =	vld [tilespmem:$0x0];
	v13 =	vand.u32 $0x3, v6;
	v6 =	vshrl.u32 v6, $0x2;
	v11 =	vmul.u32 $0x186A0, v11;
	[tilespmem:$0x1C0] =	vst v5  }
0x3c4: {  	v5 =	vld [tilespmem:$0x10];
	v14 =	vand.u32 $0x3, v7;
	v7 =	vshrl.u32 v7, $0x2;
	v13 =	vmul.u32 $0x186A0, v13;
	[tilespmem:$0x1B0] =	vst v6  }
0x3c5: {  	v6 =	vand.u32 $0x3, v8;
	v8 =	vshrl.u32 v8, $0x2;
	v14 =	vmul.u32 $0x186A0, v14;
	[tilespmem:$0x190] =	vst v7  }
0x3c6: {  	v6 =	vmul.u32 $0x186A0, v6;
	[tilespmem:$0x180] =	vst v8;
	v7 =	vand.u32 $0x3, v9;
	v8 =	vshrl.u32 v9, $0x2  }
0x3c7: {  	v4 =	vadd.s32 v4, v11;
	v3 =	vadd.s32 v3, v13;
	v7 =	vmul.u32 $0x186A0, v7;
	[tilespmem:$0x1A0] =	vst v8  }
0x3c8: {  	v6 =	vadd.s32 v12, v6;
	[tilespmem:$0x140] =	vst v4  }
0x3c9: {  	v4 =	vadd.s32 v5, v14;
	v5 =	vadd.s32 v10, v7;
	[tilespmem:$0x130] =	vst v3  }
0x3ca: {  	[tilespmem:$0x110] =	vst v4  }
0x3cb: {  	[tilespmem:$0x120] =	vst v5  }
0x3cc: {  	[tilespmem:$0x100] =	vst v6  }
0x3cd: {  	[tilespmem:s30], [sflag:$0x3] =	stream.indirect.gather [hbm4b:s22+s11], $0x80, s29, s11, $0xb8;
	[tilespmem:$0x1EC40] =	vst v63  }
0x3ce: {  	_ =	swait.ge [sflag:s31], $0x50  }
0x3cf: {  	[sflag:s31] =	ssyncset.done $0x0  }
0x3d0: {  	[sflag:s31] =	ssyncadd.s32 $0xFFFFFFB0  }
0x3d1: {  	_ =	swait.ge [sflag:s16], $0x50  }
0x3d2: {  	[sflag:s16] =	ssyncset.done $0x0  }
0x3d3: {  	[sflag:s16] =	ssyncadd.s32 $0xFFFFFFB0  }
0x3d4: {  	v3 =	vld [tilespmem:$0x2A20]  }
0x3d5: {  	v4 =	vld [tilespmem:$0x2A10]  }
0x3d6: {  	v5 =	vld [tilespmem:$0x2AC0]  }
0x3d7: {  	v6 =	vld [tilespmem:$0x2A90]  }
0x3d8: {  	v7 =	vld [tilespmem:$0x2AA0]  }
0x3d9: {  	v8 =	vld [tilespmem:$0x2AB0]  }
0x3da: {  	v9 =	vld [tilespmem:$0x2A80]  }
0x3db: {  	v10 =	vld [tilespmem:$0x2A40];
	v11 =	vand.u32 $0x3, v5;
	v5 =	vshrl.u32 v5, $0x2  }
0x3dc: {  	v12 =	vand.u32 $0x3, v6;
	v6 =	vshrl.u32 v6, $0x2;
	v13 =	vld [tilespmem:$0x2A30];
	v11 =	vmul.u32 $0x186A0, v11;
	[tilespmem:$0x2BC0] =	vst v5  }
0x3dd: {  	v5 =	vld [tilespmem:$0x2A00];
	v12 =	vmul.u32 $0x186A0, v12;
	[tilespmem:$0x2B90] =	vst v6;
	v6 =	vand.u32 $0x3, v7;
	v7 =	vshrl.u32 v7, $0x2  }
0x3de: {  	v6 =	vmul.u32 $0x186A0, v6;
	[tilespmem:$0x2BA0] =	vst v7;
	v7 =	vand.u32 $0x3, v8;
	v8 =	vshrl.u32 v8, $0x2  }
.Ltmp7:
0x3df: {  	v14 =	vand.u32 $0x3, v9;
	v4 =	vadd.s32 v4, v12;
	v7 =	vmul.u32 $0x186A0, v7;
	[tilespmem:$0x2BB0] =	vst v8;
	(pc) =	sbr.rel @p1 .LBB2_5-.Ltmp7, $4  }
0x3e0: {  	v9 =	vshrl.u32 v9, $0x2;
	v8 =	vmul.u32 $0x186A0, v14;
	[tilespmem:$0x2B10] =	vst v4;
	v3 =	vadd.s32 v3, v6  }
0x3e1: {  	[tilespmem:$0x2B80] =	vst v9;
	v6 =	vadd.s32 v13, v7;
	v7 =	vadd.s32 v10, v11  }
0x3e2: {  	v4 =	vadd.s32 v5, v8;
	[tilespmem:$0x2B30] =	vst v6  }
0x3e3: {  	[tilespmem:$0x2B40] =	vst v7  }
0x3e4: {  	[tilespmem:$0x2B00] =	vst v4  }
0x3e5: {  	[tilespmem:$0x2B20] =	vst v3  }
0x3e6: {  	[tilespmem:s2], [sflag:$0x8] =	stream.indirect.gather [hbm4b:s22+s11], $0x80, s14, s11, $0xb8;
	[tilespmem:$0x1EC40] =	vst v63  }
0x3e7: {  	_ =	swait.ge [sflag:s3], $0x2800  }
0x3e8: {  	[sflag:s3] =	ssyncset.done $0x0  }
0x3e9: {  	[sflag:s3] =	ssyncadd.s32 $0xFFFFD800  }
0x3ea: {  	[spmem:s18] =	stream.indirect.scatter.add.f32 [tilespmem:s30], [sflag:$0x4], $0x80, s12, s11, $0xb8;
	[tilespmem:$0x1EC40] =	vst v63  }
0x3eb: {  	_ =	swait.ge [sflag:s13], $0x2800  }
0x3ec: {  	[sflag:s13] =	ssyncset.done $0x0  }
0x3ed: {  	[sflag:s13] =	ssyncadd.s32 $0xFFFFD800  }
0x3ee: {  	[spmem:s18] =	stream.indirect.scatter.add.f32 [tilespmem:s2], [sflag:$0x9], $0x80, s23, s11, $0xb8;
	[tilespmem:$0x1EC40] =	vst v63  }
0x3ef: {  	_ =	swait.ge [sflag:s0], $0x2800  }
0x3f0: {  	[sflag:s0] =	ssyncset.done $0x0  }
0x3f1: {  	[sflag:s0] =	ssyncadd.s32 $0xFFFFD800  }
0x3f2: {  	_ =	swait.ge [sflag:s24], $0x2800  }
0x3f3: {  	[sflag:s24] =	ssyncset.done $0x0  }
0x3f4: {  	s25 =	simm.s32 $0xB;
	s5 =	rddreg [dreg:$0x10];
	[sflag:s24] =	ssyncadd.s32 $0xFFFFD800  }
0x3f5: {  	[tilespmem:s1], [sflag:$0xB] =	stream.linear.gather [hbm4b:s5+s1], $0x50, $0x38;
	[tilespmem:$0x1EC40] =	vst v63  }
0x3f6: {  	_ =	swait.ge [sflag:s25], $0x50  }
0x3f7: {  	[sflag:s25] =	ssyncset.done $0x0  }
0x3f8: {  	s17 =	rddreg [dreg:$0x11];
	[sflag:s25] =	ssyncadd.s32 $0xFFFFFFB0  }
0x3f9: {  	[tilespmem:s6], [sflag:$0xB] =	stream.linear.gather [hbm4b:s17+s1], $0x50, $0x38;
	[tilespmem:$0x1EC40] =	vst v63  }
0x3fa: {  	_ =	swait.ge [sflag:s25], $0x50  }
0x3fb: {  	[sflag:s25] =	ssyncset.done $0x0  }
0x3fc: {  	[sflag:s25] =	ssyncadd.s32 $0xFFFFFFB0  }
0x3fd: {  	v3 =	vld [tilespmem:$0x80]  }
0x3fe: {  	v56 =	vld [tilespmem:$0x90]  }
0x3ff: {  	v5 =	vld [tilespmem:$0x0]  }
0x400: {  	v6 =	vld [tilespmem:$0xA0]  }
0x401: {  	v8 =	vld [tilespmem:$0x10]  }
0x402: {  	v9 =	vld [tilespmem:$0xB0];
	v7 =	vand.u32 $0x3, v3  }
0x403: {  	v11 =	vld [tilespmem:$0x20];
	v10 =	vand.u32 $0x3, v56;
	v7 =	vmul.u32 $0x186A0, v7  }
0x404: {  	v58 =	vld [tilespmem:$0xC0];
	v3 =	vshrl.u32 v3, $0x2;
	v57 =	vmul.u32 $0x186A0, v10  }
0x405: {  	v12 =	vld [tilespmem:$0x30];
	v59 =	vand.u32 $0x3, v6;
	[tilespmem:$0x180] =	vst v3;
	v5 =	vadd.s32 v5, v7  }
0x406: {  	v3 =	vadd.s32 v8, v57;
	[tilespmem:$0x100] =	vst v5;
	v5 =	vmul.u32 $0x186A0, v59  }
0x407: {  	v61 =	vld [tilespmem:$0x40];
	v60 =	vand.u32 $0x3, v9;
	[tilespmem:$0x110] =	vst v3;
	v3 =	vshrl.u32 v56, $0x2  }
0x408: {  	v4 =	vmul.u32 $0x186A0, v60;
	[tilespmem:$0x190] =	vst v3;
	v3 =	vadd.s32 v11, v5  }
0x409: {  	v62 =	vand.u32 $0x3, v58;
	[tilespmem:$0x120] =	vst v3;
	v3 =	vshrl.u32 v6, $0x2  }
0x40a: {  	v63 =	vmul.u32 $0x186A0, v62;
	[tilespmem:$0x1A0] =	vst v3;
	v3 =	vadd.s32 v12, v4  }
0x40b: {  	[tilespmem:$0x130] =	vst v3;
	v3 =	vshrl.u32 v9, $0x2  }
0x40c: {  	[tilespmem:$0x1B0] =	vst v3;
	v3 =	vadd.s32 v61, v63  }
0x40d: {  	[tilespmem:$0x140] =	vst v3;
	v3 =	vshrl.u32 v58, $0x2  }
0x40e: {  	[tilespmem:$0x1C0] =	vst v3  }
0x40f: {  	[tilespmem:s30], [sflag:$0x3] =	stream.indirect.gather [hbm4b:s22+s11], $0x80, s29, s11, $0xb8;
	[tilespmem:$0x1EC40] =	vst v63  }
0x410: {  	_ =	swait.ge [sflag:s3], $0x2800  }
0x411: {  	[sflag:s3] =	ssyncset.done $0x0  }
0x412: {  	[sflag:s3] =	ssyncadd.s32 $0xFFFFD800  }
0x413: {  	[spmem:s18] =	stream.indirect.scatter.add.f32 [tilespmem:s30], [sflag:$0xB], $0x80, s12, s11, $0xb8;
	[tilespmem:$0x1EC40] =	vst v63  }
0x414: {  	_ =	swait.ge [sflag:s25], $0x2800  }
0x415: {  	[sflag:s25] =	ssyncset.done $0x0  }
0x416: {  	[sflag:s25] =	ssyncadd.s32 $0xFFFFD800  }
0x417: {  	[bflag:$0x0] =	sbarrier.arrive $0xFFFF  }
0x418: {  	s17 =	sld [smem:$0x7FD]  }
0x419: {  	s19 =	rddreg [dreg:$0x1b]  }
.Ltmp8:
0x41a: {  	s15 =	rddreg [dreg:$0x1f];
	(pc) =	sbr.rel .LBB2_12-.Ltmp8, $4  }
0x41b: {  	[hbm:s19], [sflag:s15] =	dma.local [spmem:s17], $0x3100  }
0x41c: {  	_ =	swait.ge [sflag:s25], $0x3100  }
0x41d: {  	[sflag:s25] =	ssyncset.done $0x0;
	s17 =	rddreg [dreg:$0x13]  }
0x41e: {  	s15 =	sld [smem:$0x7FC];
	[sflag:s25] =	ssyncadd.s32 $0xFFFFCF00  }
.LBB2_13:
0x41f: {  	_ =	sfence.sel $0x180000  }
0x420: {  	[bflag:$0x0] =	sbarrier.arrive $0xFFFF  }
0x421: {  	_ =	strace $0x90000047  }
0x422: {  	s0 =	stileid.u32;
	[bflag:$0x2] =	sbarrier.arrive $0xFFFF  }
0x423: {  	p0 =	sne.s32 s0, $0x0;
	s0 =	rddreg [dreg:$0x5]  }
0x424: {  	s0 =	sadd.s32 @!p0 $0x100000, s0  }
0x425: {  	[sflag:s0] =	ssyncadd.tile.s32 @!p0 $0x1;
	_ =	shalt  }
.Lfunc_end2:
_tile_overlayer_lowered:
.L_overlay_start_2:
0x426: {  	(tag) =	ssettag $0x2  }
0x427: {  	s0 =	rddreg [dreg:$0x0];
	s2 =	stileid.u32  }
0x428: {  	s1 =	rddreg [dreg:$0x1];
	p0 =	sne.s32 s2, $0x0  }
0x429: {  	s3 =	rddreg [dreg:$0x2];
	[bflag:$0x3] =	sbarrier.arrive $0xFFFF;
	s2 =	simm.s32 @!p0 $0x1C0B  }
0x42a: {  	[timem:s3], [sflag:s2] =	dma.local @!p0 [hbm:s0], s1  }
0x42b: {  	s0 =	simm.s32 @!p0 $0xB  }
0x42c: {  	_ =	swait.ge @!p0 [sflag:s0], s1  }
0x42d: {  	s1 =	ssub.s32 @!p0 $0x0, s1;
	[sflag:s0] =	ssyncset.done @!p0 $0x0  }
0x42e: {  	[sflag:s0] =	ssyncadd.s32 @!p0 s1  }
0x42f: {  	[bflag:$0x3] =	sbarrier.arrive $0xFFFF  }
0x430: {  	_ =	shalt  }

</sc_bundles>
